<compile_context>
chip_gen: v7x
topology: tpu7x:2x2x1
jax: 0.10.2.dev20260603
libtpu: 0.0.44.dev20260713+nightly
codegen_flags: <defaults>
</compile_context>

<pallas_src>
import functools

import jax
import jax.numpy as jnp
from jax import lax
from jax.experimental import pallas as pl
from jax.experimental.pallas import tpu as pltpu
from jax.experimental.pallas import tpu_sc as plsc

_NUM_BUCKETS = 32
_SCALE = 0.125
_LANES = 128
_SC_CORES = 2
_SC_SUBCORES = 16


def _make_stair_sc(seq, heads, nb, rb, width):
    rows = nb * heads * 8
    workers = _SC_CORES * _SC_SUBCORES
    assert rows % workers == 0 and width % 16 == 0
    rows_per_worker = rows // workers
    emb_n = heads * _NUM_BUCKETS
    mesh = plsc.VectorSubcoreMesh(core_axis_name="c", subcore_axis_name="s")

    @functools.partial(
        pl.kernel,
        mesh=mesh,
        out_type=jax.ShapeDtypeStruct((nb, heads, 8, width), jnp.float32),
        scratch_types=[
            pltpu.VMEM((emb_n,), jnp.float32),
            pltpu.VMEM((width,), jnp.float32),
        ],
    )
    def stair(emb_hbm, s_hbm, embbuf, rowbuf):
        wid = lax.axis_index("s") * _SC_CORES + lax.axis_index("c")
        pltpu.sync_copy(emb_hbm, embbuf)
        for i in range(emb_n // 16):
            sl = pl.ds(i * 16, 16)
            embbuf[sl] = embbuf[sl] * _SCALE
        gdn = lax.GatherDimensionNumbers(
            offset_dims=(), collapsed_slice_dims=(0,), start_index_map=(0,)
        )
        for r in range(rows_per_worker):
            row = wid * rows_per_worker + r
            t = row // (heads * 8)
            hh = (row // 8) % heads
            sr = row % 8
            krow = (nb - 1 - t) * rb - sr - (seq - 1)
            hbase = hh * _NUM_BUCKETS
            emb_lo = embbuf[pl.ds(hbase, 16)]
            emb_hi = embbuf[pl.ds(hbase + 16, 16)]

            def body(xv, _, krow=krow, emb_lo=emb_lo, emb_hi=emb_hi):
                x = xv * 16 + lax.broadcasted_iota(jnp.int32, (16,), 0)
                n = -(x + krow)
                neg = n < 0
                n = jnp.abs(n)
                large = jnp.int32(8)
                for thr in (12, 16, 23, 32, 46, 64, 91):
                    large = large + jnp.where(n >= thr, 1, 0)
                sub = jnp.where(n < 8, n, large)
                lo = lax.gather(
                    emb_lo, sub[:, None], gdn, (1,),
                    mode=lax.GatherScatterMode.PROMISE_IN_BOUNDS,
                )
                hi = lax.gather(
                    emb_hi, sub[:, None], gdn, (1,),
                    mode=lax.GatherScatterMode.PROMISE_IN_BOUNDS,
                )
                rowbuf[pl.ds(xv * 16, 16)] = jnp.where(neg, hi, lo)
                return 0

            lax.fori_loop(0, width // 16, body, 0)
            pltpu.sync_copy(rowbuf, s_hbm.at[t, hh, sr])

    return stair


def _add_kernel(seq, rb, qk_ref, s_ref, out_ref):
    for rg in range(rb // 8):
        off = (rb - 1) - 8 * rg
        bias = s_ref[0, 0, :, off : off + seq]
        out_ref[0, 0, 8 * rg : 8 * rg + 8, :] = (
            qk_ref[0, 0, 8 * rg : 8 * rg + 8, :] + bias
        )


def kernel(qk_dots, rel_emb):
    batch, heads, seq_i, seq = qk_dots.shape
    assert seq_i == seq and seq % _LANES == 0
    rb = min(seq, 1024)
    nb = seq // rb
    width = rb + seq

    emb_flat = jnp.transpose(rel_emb.astype(jnp.float32)).reshape(-1)
    stair = _make_stair_sc(seq, heads, nb, rb, width)(emb_flat)

    return pl.pallas_call(
        functools.partial(_add_kernel, seq, rb),
        grid=(batch, heads, nb),
        in_specs=[
            pl.BlockSpec((1, 1, rb, seq), lambda b, h, t: (b, h, t, 0)),
            pl.BlockSpec((1, 1, 8, width), lambda b, h, t: (t, h, 0, 0)),
        ],
        out_specs=pl.BlockSpec((1, 1, rb, seq), lambda b, h, t: (b, h, t, 0)),
        out_shape=jax.ShapeDtypeStruct((batch, heads, seq, seq), jnp.float32),
        compiler_params=pltpu.CompilerParams(
            dimension_semantics=("parallel", "parallel", "arbitrary")
        ),
    )(qk_dots, stair)

# --- scband reference (transcript-rebuilt; emitter-appended) ---
"""Pipeline reference for scband-relative-position-embedding-2465311228209 (READ-ONLY COPY).

The authoritative reference and input builder live on the scoring server;
editing this copy changes nothing except your own understanding.
"""

import jax, jax.numpy as jnp
import numpy as np
import math

NUM_BUCKETS = 32
MAX_DISTANCE = 128
HEADS = 8
SCALE = 0.125
CAUSAL = False


def _relative_position_bucket(relative_position, causal=CAUSAL, num_buckets=NUM_BUCKETS, max_distance=MAX_DISTANCE):
    ret = jnp.zeros_like(relative_position)
    n = -relative_position
    if not causal:
        num_buckets //= 2
        ret = ret + (n < 0).astype(jnp.int32) * num_buckets
        n = jnp.abs(n)
    else:
        n = jnp.maximum(n, 0)
    max_exact = num_buckets // 2
    is_small = n < max_exact
    n_safe = jnp.maximum(n, 1)
    val_if_large = max_exact + (
        jnp.log(n_safe.astype(jnp.float32) / max_exact)
        / math.log(max_distance / max_exact)
        * (num_buckets - max_exact)
    ).astype(jnp.int32)
    val_if_large = jnp.minimum(val_if_large, num_buckets - 1)
    ret = ret + jnp.where(is_small, n, val_if_large)
    return ret


def setup_inputs(seed: int = 0) -> dict:
    key = jax.random.key(seed)
    k1, k2 = jax.random.split(key)
    qk_dots = jax.random.normal(k1, (2, HEADS, 2048, 2048), dtype=jnp.float32)
    # learned relative_attention_bias embedding table: [num_buckets, heads]
    rel_emb = jax.random.normal(k2, (NUM_BUCKETS, HEADS), dtype=jnp.float32) * 0.02
    return {"qk_dots": qk_dots, "rel_emb": rel_emb}


def reference(qk_dots, rel_emb):
    i, j = qk_dots.shape[-2], qk_dots.shape[-1]
    q_pos = jnp.arange(i, dtype=jnp.int32)
    k_pos = jnp.arange(j, dtype=jnp.int32)
    rel_pos = k_pos[None, :] - q_pos[:, None]  # [i, j]
    rp_bucket = _relative_position_bucket(rel_pos)  # int32 [i, j] in [0, NUM_BUCKETS)
    values = jnp.take(rel_emb, rp_bucket, axis=0)  # gather -> [i, j, heads]
    bias = jnp.transpose(values, (2, 0, 1))[None, ...]  # [1, heads, i, j]
    return qk_dots + bias * SCALE

if __name__ == "__main__":
    import jax
    _d = setup_inputs()
    print(jax.jit(kernel)(*tuple(_d.values())))

</pallas_src>

<mosaic_0001>
#map = affine_map<(d0, d1) -> (0)>
#map1 = affine_map<(d0, d1) -> (0, 0, 0, 0)>
module attributes {stable_mosaic.version = 14 : i64} {
  func.func @stair(%arg0: i32, %arg1: i32, %arg2: memref<256xf32, #tpu.memory_space<hbm>>, %arg3: memref<2x8x8x3072xf32, #tpu.memory_space<hbm>>, %arg4: memref<256xf32, #tpu.memory_space<vmem>>, %arg5: memref<3072xf32, #tpu.memory_space<vmem>>) attributes {dimension_semantics = [#tpu.dimension_semantics<core_parallel>, #tpu.dimension_semantics<subcore_parallel>], iteration_bounds = array<i64: 2, 16>, scalar_prefetch = 0 : i64, scratch_operands = 2 : i64, tpu.core_type = #tpu.core_type<sc_vector_subcore>, window_params = [{transform_indices = #map}, {transform_indices = #map1}]} {
    %mul3A = arith.constant 2 : i32
    %mul3A_0 = arith.muli %arg1, %mul3A : i32
    %add3A = arith.addi %mul3A_0, %arg0 : i32
    "tpu.region"() ({
      %run_scoped3A = tpu.sem_alloc : memref<!tpu.dma_semaphore, #tpu.memory_space<semaphore_mem>>
      tpu.enqueue_dma source(%arg2 : memref<256xf32, #tpu.memory_space<hbm>>) target(%arg4 : memref<256xf32, #tpu.memory_space<vmem>>) target_semaphore(%run_scoped3A : memref<!tpu.dma_semaphore, #tpu.memory_space<semaphore_mem>>)
      tpu.wait_dma2 semaphore(%run_scoped3A : memref<!tpu.dma_semaphore, #tpu.memory_space<semaphore_mem>>) src(%arg2 : memref<256xf32, #tpu.memory_space<hbm>>) dst(%arg4 : memref<256xf32, #tpu.memory_space<vmem>>)
      tpu.yield
    }) : () -> ()
    %get3A = arith.constant 0 : index
    %get3A_1 = tpu.vector_load %arg4[%get3A] {strides = array<i32>} : memref<256xf32, #tpu.memory_space<vmem>>, vector<16xf32>,
    %get3A_2 = vector.shape_cast %get3A_1 : vector<16xf32> to vector<16xf32>
    %mul3A_3 = arith.constant 1.250000e-01 : f32
    %mul3A_4 = vector.broadcast %mul3A_3 : f32 to vector<16xf32>
    %mul3A_5 = arith.mulf %get3A_2, %mul3A_4 : vector<16xf32>
    %swap3A = arith.constant 0 : index
    %swap3A_6 = tpu.vector_load %arg4[%swap3A] {strides = array<i32>} : memref<256xf32, #tpu.memory_space<vmem>>, vector<16xf32>,
    %swap3A_7 = vector.shape_cast %swap3A_6 : vector<16xf32> to vector<16xf32>
    %swap3A_8 = vector.shape_cast %mul3A_5 : vector<16xf32> to vector<16xf32>
    tpu.vector_store %arg4[%swap3A], %swap3A_8 {strides = array<i32>} : memref<256xf32, #tpu.memory_space<vmem>>, vector<16xf32>,
    %get3A_9 = arith.constant 16 : index
    %get3A_10 = tpu.vector_load %arg4[%get3A_9] {strides = array<i32>} : memref<256xf32, #tpu.memory_space<vmem>>, vector<16xf32>,
    %get3A_11 = vector.shape_cast %get3A_10 : vector<16xf32> to vector<16xf32>
    %mul3A_12 = arith.constant 1.250000e-01 : f32
    %mul3A_13 = vector.broadcast %mul3A_12 : f32 to vector<16xf32>
    %mul3A_14 = arith.mulf %get3A_11, %mul3A_13 : vector<16xf32>
    %swap3A_15 = arith.constant 16 : index
    %swap3A_16 = tpu.vector_load %arg4[%swap3A_15] {strides = array<i32>} : memref<256xf32, #tpu.memory_space<vmem>>, vector<16xf32>,
    %swap3A_17 = vector.shape_cast %swap3A_16 : vector<16xf32> to vector<16xf32>
    %swap3A_18 = vector.shape_cast %mul3A_14 : vector<16xf32> to vector<16xf32>
    tpu.vector_store %arg4[%swap3A_15], %swap3A_18 {strides = array<i32>} : memref<256xf32, #tpu.memory_space<vmem>>, vector<16xf32>,
    %get3A_19 = arith.constant 32 : index
    %get3A_20 = tpu.vector_load %arg4[%get3A_19] {strides = array<i32>} : memref<256xf32, #tpu.memory_space<vmem>>, vector<16xf32>,
    %get3A_21 = vector.shape_cast %get3A_20 : vector<16xf32> to vector<16xf32>
    %mul3A_22 = arith.constant 1.250000e-01 : f32
    %mul3A_23 = vector.broadcast %mul3A_22 : f32 to vector<16xf32>
    %mul3A_24 = arith.mulf %get3A_21, %mul3A_23 : vector<16xf32>
    %swap3A_25 = arith.constant 32 : index
    %swap3A_26 = tpu.vector_load %arg4[%swap3A_25] {strides = array<i32>} : memref<256xf32, #tpu.memory_space<vmem>>, vector<16xf32>,
    %swap3A_27 = vector.shape_cast %swap3A_26 : vector<16xf32> to vector<16xf32>
    %swap3A_28 = vector.shape_cast %mul3A_24 : vector<16xf32> to vector<16xf32>
    tpu.vector_store %arg4[%swap3A_25], %swap3A_28 {strides = array<i32>} : memref<256xf32, #tpu.memory_space<vmem>>, vector<16xf32>,
    %get3A_29 = arith.constant 48 : index
    %get3A_30 = tpu.vector_load %arg4[%get3A_29] {strides = array<i32>} : memref<256xf32, #tpu.memory_space<vmem>>, vector<16xf32>,
    %get3A_31 = vector.shape_cast %get3A_30 : vector<16xf32> to vector<16xf32>
    %mul3A_32 = arith.constant 1.250000e-01 : f32
    %mul3A_33 = vector.broadcast %mul3A_32 : f32 to vector<16xf32>
    %mul3A_34 = arith.mulf %get3A_31, %mul3A_33 : vector<16xf32>
    %swap3A_35 = arith.constant 48 : index
    %swap3A_36 = tpu.vector_load %arg4[%swap3A_35] {strides = array<i32>} : memref<256xf32, #tpu.memory_space<vmem>>, vector<16xf32>,
    %swap3A_37 = vector.shape_cast %swap3A_36 : vector<16xf32> to vector<16xf32>
    %swap3A_38 = vector.shape_cast %mul3A_34 : vector<16xf32> to vector<16xf32>
    tpu.vector_store %arg4[%swap3A_35], %swap3A_38 {strides = array<i32>} : memref<256xf32, #tpu.memory_space<vmem>>, vector<16xf32>,
    %get3A_39 = arith.constant 64 : index
    %get3A_40 = tpu.vector_load %arg4[%get3A_39] {strides = array<i32>} : memref<256xf32, #tpu.memory_space<vmem>>, vector<16xf32>,
    %get3A_41 = vector.shape_cast %get3A_40 : vector<16xf32> to vector<16xf32>
    %mul3A_42 = arith.constant 1.250000e-01 : f32
    %mul3A_43 = vector.broadcast %mul3A_42 : f32 to vector<16xf32>
    %mul3A_44 = arith.mulf %get3A_41, %mul3A_43 : vector<16xf32>
    %swap3A_45 = arith.constant 64 : index
    %swap3A_46 = tpu.vector_load %arg4[%swap3A_45] {strides = array<i32>} : memref<256xf32, #tpu.memory_space<vmem>>, vector<16xf32>,
    %swap3A_47 = vector.shape_cast %swap3A_46 : vector<16xf32> to vector<16xf32>
    %swap3A_48 = vector.shape_cast %mul3A_44 : vector<16xf32> to vector<16xf32>
    tpu.vector_store %arg4[%swap3A_45], %swap3A_48 {strides = array<i32>} : memref<256xf32, #tpu.memory_space<vmem>>, vector<16xf32>,
    %get3A_49 = arith.constant 80 : index
    %get3A_50 = tpu.vector_load %arg4[%get3A_49] {strides = array<i32>} : memref<256xf32, #tpu.memory_space<vmem>>, vector<16xf32>,
    %get3A_51 = vector.shape_cast %get3A_50 : vector<16xf32> to vector<16xf32>
    %mul3A_52 = arith.constant 1.250000e-01 : f32
    %mul3A_53 = vector.broadcast %mul3A_52 : f32 to vector<16xf32>
    %mul3A_54 = arith.mulf %get3A_51, %mul3A_53 : vector<16xf32>
    %swap3A_55 = arith.constant 80 : index
    %swap3A_56 = tpu.vector_load %arg4[%swap3A_55] {strides = array<i32>} : memref<256xf32, #tpu.memory_space<vmem>>, vector<16xf32>,
    %swap3A_57 = vector.shape_cast %swap3A_56 : vector<16xf32> to vector<16xf32>
    %swap3A_58 = vector.shape_cast %mul3A_54 : vector<16xf32> to vector<16xf32>
    tpu.vector_store %arg4[%swap3A_55], %swap3A_58 {strides = array<i32>} : memref<256xf32, #tpu.memory_space<vmem>>, vector<16xf32>,
    %get3A_59 = arith.constant 96 : index
    %get3A_60 = tpu.vector_load %arg4[%get3A_59] {strides = array<i32>} : memref<256xf32, #tpu.memory_space<vmem>>, vector<16xf32>,
    %get3A_61 = vector.shape_cast %get3A_60 : vector<16xf32> to vector<16xf32>
    %mul3A_62 = arith.constant 1.250000e-01 : f32
    %mul3A_63 = vector.broadcast %mul3A_62 : f32 to vector<16xf32>
    %mul3A_64 = arith.mulf %get3A_61, %mul3A_63 : vector<16xf32>
    %swap3A_65 = arith.constant 96 : index
    %swap3A_66 = tpu.vector_load %arg4[%swap3A_65] {strides = array<i32>} : memref<256xf32, #tpu.memory_space<vmem>>, vector<16xf32>,
    %swap3A_67 = vector.shape_cast %swap3A_66 : vector<16xf32> to vector<16xf32>
    %swap3A_68 = vector.shape_cast %mul3A_64 : vector<16xf32> to vector<16xf32>
    tpu.vector_store %arg4[%swap3A_65], %swap3A_68 {strides = array<i32>} : memref<256xf32, #tpu.memory_space<vmem>>, vector<16xf32>,
    %get3A_69 = arith.constant 112 : index
    %get3A_70 = tpu.vector_load %arg4[%get3A_69] {strides = array<i32>} : memref<256xf32, #tpu.memory_space<vmem>>, vector<16xf32>,
    %get3A_71 = vector.shape_cast %get3A_70 : vector<16xf32> to vector<16xf32>
    %mul3A_72 = arith.constant 1.250000e-01 : f32
    %mul3A_73 = vector.broadcast %mul3A_72 : f32 to vector<16xf32>
    %mul3A_74 = arith.mulf %get3A_71, %mul3A_73 : vector<16xf32>
    %swap3A_75 = arith.constant 112 : index
    %swap3A_76 = tpu.vector_load %arg4[%swap3A_75] {strides = array<i32>} : memref<256xf32, #tpu.memory_space<vmem>>, vector<16xf32>,
    %swap3A_77 = vector.shape_cast %swap3A_76 : vector<16xf32> to vector<16xf32>
    %swap3A_78 = vector.shape_cast %mul3A_74 : vector<16xf32> to vector<16xf32>
    tpu.vector_store %arg4[%swap3A_75], %swap3A_78 {strides = array<i32>} : memref<256xf32, #tpu.memory_space<vmem>>, vector<16xf32>,
    %get3A_79 = arith.constant 128 : index
    %get3A_80 = tpu.vector_load %arg4[%get3A_79] {strides = array<i32>} : memref<256xf32, #tpu.memory_space<vmem>>, vector<16xf32>,
    %get3A_81 = vector.shape_cast %get3A_80 : vector<16xf32> to vector<16xf32>
    %mul3A_82 = arith.constant 1.250000e-01 : f32
    %mul3A_83 = vector.broadcast %mul3A_82 : f32 to vector<16xf32>
    %mul3A_84 = arith.mulf %get3A_81, %mul3A_83 : vector<16xf32>
    %swap3A_85 = arith.constant 128 : index
    %swap3A_86 = tpu.vector_load %arg4[%swap3A_85] {strides = array<i32>} : memref<256xf32, #tpu.memory_space<vmem>>, vector<16xf32>,
    %swap3A_87 = vector.shape_cast %swap3A_86 : vector<16xf32> to vector<16xf32>
    %swap3A_88 = vector.shape_cast %mul3A_84 : vector<16xf32> to vector<16xf32>
    tpu.vector_store %arg4[%swap3A_85], %swap3A_88 {strides = array<i32>} : memref<256xf32, #tpu.memory_space<vmem>>, vector<16xf32>,
    %get3A_89 = arith.constant 144 : index
    %get3A_90 = tpu.vector_load %arg4[%get3A_89] {strides = array<i32>} : memref<256xf32, #tpu.memory_space<vmem>>, vector<16xf32>,
    %get3A_91 = vector.shape_cast %get3A_90 : vector<16xf32> to vector<16xf32>
    %mul3A_92 = arith.constant 1.250000e-01 : f32
    %mul3A_93 = vector.broadcast %mul3A_92 : f32 to vector<16xf32>
    %mul3A_94 = arith.mulf %get3A_91, %mul3A_93 : vector<16xf32>
    %swap3A_95 = arith.constant 144 : index
    %swap3A_96 = tpu.vector_load %arg4[%swap3A_95] {strides = array<i32>} : memref<256xf32, #tpu.memory_space<vmem>>, vector<16xf32>,
    %swap3A_97 = vector.shape_cast %swap3A_96 : vector<16xf32> to vector<16xf32>
    %swap3A_98 = vector.shape_cast %mul3A_94 : vector<16xf32> to vector<16xf32>
    tpu.vector_store %arg4[%swap3A_95], %swap3A_98 {strides = array<i32>} : memref<256xf32, #tpu.memory_space<vmem>>, vector<16xf32>,
    %get3A_99 = arith.constant 160 : index
    %get3A_100 = tpu.vector_load %arg4[%get3A_99] {strides = array<i32>} : memref<256xf32, #tpu.memory_space<vmem>>, vector<16xf32>,
    %get3A_101 = vector.shape_cast %get3A_100 : vector<16xf32> to vector<16xf32>
    %mul3A_102 = arith.constant 1.250000e-01 : f32
    %mul3A_103 = vector.broadcast %mul3A_102 : f32 to vector<16xf32>
    %mul3A_104 = arith.mulf %get3A_101, %mul3A_103 : vector<16xf32>
    %swap3A_105 = arith.constant 160 : index
    %swap3A_106 = tpu.vector_load %arg4[%swap3A_105] {strides = array<i32>} : memref<256xf32, #tpu.memory_space<vmem>>, vector<16xf32>,
    %swap3A_107 = vector.shape_cast %swap3A_106 : vector<16xf32> to vector<16xf32>
    %swap3A_108 = vector.shape_cast %mul3A_104 : vector<16xf32> to vector<16xf32>
    tpu.vector_store %arg4[%swap3A_105], %swap3A_108 {strides = array<i32>} : memref<256xf32, #tpu.memory_space<vmem>>, vector<16xf32>,
    %get3A_109 = arith.constant 176 : index
    %get3A_110 = tpu.vector_load %arg4[%get3A_109] {strides = array<i32>} : memref<256xf32, #tpu.memory_space<vmem>>, vector<16xf32>,
    %get3A_111 = vector.shape_cast %get3A_110 : vector<16xf32> to vector<16xf32>
    %mul3A_112 = arith.constant 1.250000e-01 : f32
    %mul3A_113 = vector.broadcast %mul3A_112 : f32 to vector<16xf32>
    %mul3A_114 = arith.mulf %get3A_111, %mul3A_113 : vector<16xf32>
    %swap3A_115 = arith.constant 176 : index
    %swap3A_116 = tpu.vector_load %arg4[%swap3A_115] {strides = array<i32>} : memref<256xf32, #tpu.memory_space<vmem>>, vector<16xf32>,
    %swap3A_117 = vector.shape_cast %swap3A_116 : vector<16xf32> to vector<16xf32>
    %swap3A_118 = vector.shape_cast %mul3A_114 : vector<16xf32> to vector<16xf32>
    tpu.vector_store %arg4[%swap3A_115], %swap3A_118 {strides = array<i32>} : memref<256xf32, #tpu.memory_space<vmem>>, vector<16xf32>,
    %get3A_119 = arith.constant 192 : index
    %get3A_120 = tpu.vector_load %arg4[%get3A_119] {strides = array<i32>} : memref<256xf32, #tpu.memory_space<vmem>>, vector<16xf32>,
    %get3A_121 = vector.shape_cast %get3A_120 : vector<16xf32> to vector<16xf32>
    %mul3A_122 = arith.constant 1.250000e-01 : f32
    %mul3A_123 = vector.broadcast %mul3A_122 : f32 to vector<16xf32>
    %mul3A_124 = arith.mulf %get3A_121, %mul3A_123 : vector<16xf32>
    %swap3A_125 = arith.constant 192 : index
    %swap3A_126 = tpu.vector_load %arg4[%swap3A_125] {strides = array<i32>} : memref<256xf32, #tpu.memory_space<vmem>>, vector<16xf32>,
    %swap3A_127 = vector.shape_cast %swap3A_126 : vector<16xf32> to vector<16xf32>
    %swap3A_128 = vector.shape_cast %mul3A_124 : vector<16xf32> to vector<16xf32>
    tpu.vector_store %arg4[%swap3A_125], %swap3A_128 {strides = array<i32>} : memref<256xf32, #tpu.memory_space<vmem>>, vector<16xf32>,
    %get3A_129 = arith.constant 208 : index
    %get3A_130 = tpu.vector_load %arg4[%get3A_129] {strides = array<i32>} : memref<256xf32, #tpu.memory_space<vmem>>, vector<16xf32>,
    %get3A_131 = vector.shape_cast %get3A_130 : vector<16xf32> to vector<16xf32>
    %mul3A_132 = arith.constant 1.250000e-01 : f32
    %mul3A_133 = vector.broadcast %mul3A_132 : f32 to vector<16xf32>
    %mul3A_134 = arith.mulf %get3A_131, %mul3A_133 : vector<16xf32>
    %swap3A_135 = arith.constant 208 : index
    %swap3A_136 = tpu.vector_load %arg4[%swap3A_135] {strides = array<i32>} : memref<256xf32, #tpu.memory_space<vmem>>, vector<16xf32>,
    %swap3A_137 = vector.shape_cast %swap3A_136 : vector<16xf32> to vector<16xf32>
    %swap3A_138 = vector.shape_cast %mul3A_134 : vector<16xf32> to vector<16xf32>
    tpu.vector_store %arg4[%swap3A_135], %swap3A_138 {strides = array<i32>} : memref<256xf32, #tpu.memory_space<vmem>>, vector<16xf32>,
    %get3A_139 = arith.constant 224 : index
    %get3A_140 = tpu.vector_load %arg4[%get3A_139] {strides = array<i32>} : memref<256xf32, #tpu.memory_space<vmem>>, vector<16xf32>,
    %get3A_141 = vector.shape_cast %get3A_140 : vector<16xf32> to vector<16xf32>
    %mul3A_142 = arith.constant 1.250000e-01 : f32
    %mul3A_143 = vector.broadcast %mul3A_142 : f32 to vector<16xf32>
    %mul3A_144 = arith.mulf %get3A_141, %mul3A_143 : vector<16xf32>
    %swap3A_145 = arith.constant 224 : index
    %swap3A_146 = tpu.vector_load %arg4[%swap3A_145] {strides = array<i32>} : memref<256xf32, #tpu.memory_space<vmem>>, vector<16xf32>,
    %swap3A_147 = vector.shape_cast %swap3A_146 : vector<16xf32> to vector<16xf32>
    %swap3A_148 = vector.shape_cast %mul3A_144 : vector<16xf32> to vector<16xf32>
    tpu.vector_store %arg4[%swap3A_145], %swap3A_148 {strides = array<i32>} : memref<256xf32, #tpu.memory_space<vmem>>, vector<16xf32>,
    %get3A_149 = arith.constant 240 : index
    %get3A_150 = tpu.vector_load %arg4[%get3A_149] {strides = array<i32>} : memref<256xf32, #tpu.memory_space<vmem>>, vector<16xf32>,
    %get3A_151 = vector.shape_cast %get3A_150 : vector<16xf32> to vector<16xf32>
    %mul3A_152 = arith.constant 1.250000e-01 : f32
    %mul3A_153 = vector.broadcast %mul3A_152 : f32 to vector<16xf32>
    %mul3A_154 = arith.mulf %get3A_151, %mul3A_153 : vector<16xf32>
    %swap3A_155 = arith.constant 240 : index
    %swap3A_156 = tpu.vector_load %arg4[%swap3A_155] {strides = array<i32>} : memref<256xf32, #tpu.memory_space<vmem>>, vector<16xf32>,
    %swap3A_157 = vector.shape_cast %swap3A_156 : vector<16xf32> to vector<16xf32>
    %swap3A_158 = vector.shape_cast %mul3A_154 : vector<16xf32> to vector<16xf32>
    tpu.vector_store %arg4[%swap3A_155], %swap3A_158 {strides = array<i32>} : memref<256xf32, #tpu.memory_space<vmem>>, vector<16xf32>,
    %mul3A_159 = arith.constant 4 : i32
    %mul3A_160 = arith.muli %add3A, %mul3A_159 : i32
    %add3A_161 = arith.constant 0 : i32
    %add3A_162 = arith.addi %mul3A_160, %add3A_161 : i32
    %jit3A = arith.constant 64 : i32
    %div3A = arith.divsi %add3A_162, %jit3A : i32
    %sign3A = arith.constant 0 : i32
    %sign3A_163 = arith.cmpi sgt, %add3A_162, %sign3A : i32
    %sign3A_164 = arith.extui %sign3A_163 : i1 to i32
    %sign3A_165 = arith.constant 0 : i32
    %sign3A_166 = arith.cmpi slt, %add3A_162, %sign3A_165 : i32
    %sign3A_167 = arith.extui %sign3A_166 : i1 to i32
    %sign3A_168 = arith.subi %sign3A_164, %sign3A_167 : i32
    %sign3A_169 = arith.constant 0 : i32
    %sign3A_170 = arith.cmpi sgt, %jit3A, %sign3A_169 : i32
    %sign3A_171 = arith.extui %sign3A_170 : i1 to i32
    %sign3A_172 = arith.constant 0 : i32
    %sign3A_173 = arith.cmpi slt, %jit3A, %sign3A_172 : i32
    %sign3A_174 = arith.extui %sign3A_173 : i1 to i32
    %sign3A_175 = arith.subi %sign3A_171, %sign3A_174 : i32
    %ne3A = arith.cmpi ne, %sign3A_168, %sign3A_175 : i32
    %rem3A = arith.remsi %add3A_162, %jit3A : i32
    %ne3A_176 = arith.constant 0 : i32
    %ne3A_177 = arith.cmpi ne, %rem3A, %ne3A_176 : i32
    %and3A = arith.andi %ne3A, %ne3A_177 : i1
    %sub3A = arith.constant 1 : i32
    %sub3A_178 = arith.subi %div3A, %sub3A : i32
    %select_n3A = arith.select %and3A, %sub3A_178, %div3A : i32
    %jit3A_179 = arith.constant 8 : i32
    %div3A_180 = arith.divsi %add3A_162, %jit3A_179 : i32
    %sign3A_181 = arith.constant 0 : i32
    %sign3A_182 = arith.cmpi sgt, %add3A_162, %sign3A_181 : i32
    %sign3A_183 = arith.extui %sign3A_182 : i1 to i32
    %sign3A_184 = arith.constant 0 : i32
    %sign3A_185 = arith.cmpi slt, %add3A_162, %sign3A_184 : i32
    %sign3A_186 = arith.extui %sign3A_185 : i1 to i32
    %sign3A_187 = arith.subi %sign3A_183, %sign3A_186 : i32
    %sign3A_188 = arith.constant 0 : i32
    %sign3A_189 = arith.cmpi sgt, %jit3A_179, %sign3A_188 : i32
    %sign3A_190 = arith.extui %sign3A_189 : i1 to i32
    %sign3A_191 = arith.constant 0 : i32
    %sign3A_192 = arith.cmpi slt, %jit3A_179, %sign3A_191 : i32
    %sign3A_193 = arith.extui %sign3A_192 : i1 to i32
    %sign3A_194 = arith.subi %sign3A_190, %sign3A_193 : i32
    %ne3A_195 = arith.cmpi ne, %sign3A_187, %sign3A_194 : i32
    %rem3A_196 = arith.remsi %add3A_162, %jit3A_179 : i32
    %ne3A_197 = arith.constant 0 : i32
    %ne3A_198 = arith.cmpi ne, %rem3A_196, %ne3A_197 : i32
    %and3A_199 = arith.andi %ne3A_195, %ne3A_198 : i1
    %sub3A_200 = arith.constant 1 : i32
    %sub3A_201 = arith.subi %div3A_180, %sub3A_200 : i32
    %select_n3A_202 = arith.select %and3A_199, %sub3A_201, %div3A_180 : i32
    %jit3A_203 = arith.constant 8 : i32
    %eq3A = arith.constant 0 : i32
    %eq3A_204 = arith.cmpi eq, %jit3A_203, %eq3A : i32
    %jit3A_205 = arith.constant 1 : i32
    %select_n3A_206 = arith.select %eq3A_204, %jit3A_205, %jit3A_203 : i32
    %rem3A_207 = arith.remsi %select_n3A_202, %select_n3A_206 : i32
    %ne3A_208 = arith.constant 0 : i32
    %ne3A_209 = arith.cmpi ne, %rem3A_207, %ne3A_208 : i32
    %lt3A = arith.constant 0 : i32
    %lt3A_210 = arith.cmpi slt, %rem3A_207, %lt3A : i32
    %lt3A_211 = arith.constant 0 : i32
    %lt3A_212 = arith.cmpi slt, %select_n3A_206, %lt3A_211 : i32
    %ne3A_213 = arith.xori %lt3A_210, %lt3A_212 : i1
    %and3A_214 = arith.andi %ne3A_213, %ne3A_209 : i1
    %add3A_215 = arith.addi %rem3A_207, %select_n3A_206 : i32
    %select_n3A_216 = arith.select %and3A_214, %add3A_215, %rem3A_207 : i32
    %jit3A_217 = arith.constant 8 : i32
    %eq3A_218 = arith.constant 0 : i32
    %eq3A_219 = arith.cmpi eq, %jit3A_217, %eq3A_218 : i32
    %jit3A_220 = arith.constant 1 : i32
    %select_n3A_221 = arith.select %eq3A_219, %jit3A_220, %jit3A_217 : i32
    %rem3A_222 = arith.remsi %add3A_162, %select_n3A_221 : i32
    %ne3A_223 = arith.constant 0 : i32
    %ne3A_224 = arith.cmpi ne, %rem3A_222, %ne3A_223 : i32
    %lt3A_225 = arith.constant 0 : i32
    %lt3A_226 = arith.cmpi slt, %rem3A_222, %lt3A_225 : i32
    %lt3A_227 = arith.constant 0 : i32
    %lt3A_228 = arith.cmpi slt, %select_n3A_221, %lt3A_227 : i32
    %ne3A_229 = arith.xori %lt3A_226, %lt3A_228 : i1
    %and3A_230 = arith.andi %ne3A_229, %ne3A_224 : i1
    %add3A_231 = arith.addi %rem3A_222, %select_n3A_221 : i32
    %select_n3A_232 = arith.select %and3A_230, %add3A_231, %rem3A_222 : i32
    %sub3A_233 = arith.constant 1 : i32
    %sub3A_234 = arith.subi %sub3A_233, %select_n3A : i32
    %mul3A_235 = arith.constant 1024 : i32
    %mul3A_236 = arith.muli %sub3A_234, %mul3A_235 : i32
    %sub3A_237 = arith.subi %mul3A_236, %select_n3A_232 : i32
    %sub3A_238 = arith.constant 2047 : i32
    %sub3A_239 = arith.subi %sub3A_237, %sub3A_238 : i32
    %mul3A_240 = arith.constant 32 : i32
    %mul3A_241 = arith.muli %select_n3A_216, %mul3A_240 : i32
    %get3A_242 = arith.index_cast %mul3A_241 : i32 to index
    %get3A_243 = tpu.vector_load %arg4[%get3A_242] {strides = array<i32>} : memref<256xf32, #tpu.memory_space<vmem>>, vector<16xf32>,
    %get3A_244 = vector.shape_cast %get3A_243 : vector<16xf32> to vector<16xf32>
    %add3A_245 = arith.constant 16 : i32
    %add3A_246 = arith.addi %mul3A_241, %add3A_245 : i32
    %get3A_247 = arith.index_cast %add3A_246 : i32 to index
    %get3A_248 = tpu.vector_load %arg4[%get3A_247] {strides = array<i32>} : memref<256xf32, #tpu.memory_space<vmem>>, vector<16xf32>,
    %get3A_249 = vector.shape_cast %get3A_248 : vector<16xf32> to vector<16xf32>
    %scan3A = arith.constant 0 : i32
    %scan3A_250 = arith.constant 0 : i32
    %scan3A_251 = arith.constant 192 : i32
    %scan3A_252 = arith.addi %scan3A_250, %scan3A_251 : i32
    %scan3A_253 = arith.constant 1 : i32
    %scan3A_254 = scf.for %scan3A_580 = %scan3A_250 to %scan3A_252 step %scan3A_253 iter_args(%scan3A_581 = %scan3A) -> (i32)  : i32 {
      %mul3A_582 = arith.constant 16 : i32
      %mul3A_583 = arith.muli %scan3A_580, %mul3A_582 : i32
      %iota3A = tpu.iota {dimensions = array<i32: 0>} : vector<16xi32>
      %add3A_584 = vector.broadcast %mul3A_583 : i32 to vector<16xi32>
      %add3A_585 = arith.addi %add3A_584, %iota3A : vector<16xi32>
      %add3A_586 = vector.broadcast %sub3A_239 : i32 to vector<16xi32>
      %add3A_587 = arith.addi %add3A_585, %add3A_586 : vector<16xi32>
      %neg3A = arith.constant 0 : i32
      %neg3A_588 = vector.broadcast %neg3A : i32 to vector<16xi32>
      %neg3A_589 = arith.subi %neg3A_588, %add3A_587 : vector<16xi32>
      %lt3A_590 = arith.constant 0 : i32
      %lt3A_591 = vector.broadcast %lt3A_590 : i32 to vector<16xi32>
      %lt3A_592 = arith.cmpi slt, %neg3A_589, %lt3A_591 : vector<16xi32>
      %abs3A = math.absi %neg3A_589 : vector<16xi32>
      %ge3A = arith.constant 12 : i32
      %ge3A_593 = vector.broadcast %ge3A : i32 to vector<16xi32>
      %ge3A_594 = arith.cmpi sge, %abs3A, %ge3A_593 : vector<16xi32>
      %jit3A_595 = arith.constant 1 : i32
      %jit3A_596 = arith.constant 0 : i32
      %broadcast_in_dim3A = vector.broadcast %jit3A_595 : i32 to vector<16xi32>
      %broadcast_in_dim3A_597 = vector.broadcast %jit3A_596 : i32 to vector<16xi32>
      %select_n3A_598 = arith.select %ge3A_594, %broadcast_in_dim3A, %broadcast_in_dim3A_597 : vector<16xi1>, vector<16xi32>
      %add3A_599 = arith.constant 8 : i32
      %add3A_600 = vector.broadcast %add3A_599 : i32 to vector<16xi32>
      %add3A_601 = arith.addi %add3A_600, %select_n3A_598 : vector<16xi32>
      %ge3A_602 = arith.constant 16 : i32
      %ge3A_603 = vector.broadcast %ge3A_602 : i32 to vector<16xi32>
      %ge3A_604 = arith.cmpi sge, %abs3A, %ge3A_603 : vector<16xi32>
      %jit3A_605 = arith.constant 1 : i32
      %jit3A_606 = arith.constant 0 : i32
      %broadcast_in_dim3A_607 = vector.broadcast %jit3A_605 : i32 to vector<16xi32>
      %broadcast_in_dim3A_608 = vector.broadcast %jit3A_606 : i32 to vector<16xi32>
      %select_n3A_609 = arith.select %ge3A_604, %broadcast_in_dim3A_607, %broadcast_in_dim3A_608 : vector<16xi1>, vector<16xi32>
      %add3A_610 = arith.addi %add3A_601, %select_n3A_609 : vector<16xi32>
      %ge3A_611 = arith.constant 23 : i32
      %ge3A_612 = vector.broadcast %ge3A_611 : i32 to vector<16xi32>
      %ge3A_613 = arith.cmpi sge, %abs3A, %ge3A_612 : vector<16xi32>
      %jit3A_614 = arith.constant 1 : i32
      %jit3A_615 = arith.constant 0 : i32
      %broadcast_in_dim3A_616 = vector.broadcast %jit3A_614 : i32 to vector<16xi32>
      %broadcast_in_dim3A_617 = vector.broadcast %jit3A_615 : i32 to vector<16xi32>
      %select_n3A_618 = arith.select %ge3A_613, %broadcast_in_dim3A_616, %broadcast_in_dim3A_617 : vector<16xi1>, vector<16xi32>
      %add3A_619 = arith.addi %add3A_610, %select_n3A_618 : vector<16xi32>
      %ge3A_620 = arith.constant 32 : i32
      %ge3A_621 = vector.broadcast %ge3A_620 : i32 to vector<16xi32>
      %ge3A_622 = arith.cmpi sge, %abs3A, %ge3A_621 : vector<16xi32>
      %jit3A_623 = arith.constant 1 : i32
      %jit3A_624 = arith.constant 0 : i32
      %broadcast_in_dim3A_625 = vector.broadcast %jit3A_623 : i32 to vector<16xi32>
      %broadcast_in_dim3A_626 = vector.broadcast %jit3A_624 : i32 to vector<16xi32>
      %select_n3A_627 = arith.select %ge3A_622, %broadcast_in_dim3A_625, %broadcast_in_dim3A_626 : vector<16xi1>, vector<16xi32>
      %add3A_628 = arith.addi %add3A_619, %select_n3A_627 : vector<16xi32>
      %ge3A_629 = arith.constant 46 : i32
      %ge3A_630 = vector.broadcast %ge3A_629 : i32 to vector<16xi32>
      %ge3A_631 = arith.cmpi sge, %abs3A, %ge3A_630 : vector<16xi32>
      %jit3A_632 = arith.constant 1 : i32
      %jit3A_633 = arith.constant 0 : i32
      %broadcast_in_dim3A_634 = vector.broadcast %jit3A_632 : i32 to vector<16xi32>
      %broadcast_in_dim3A_635 = vector.broadcast %jit3A_633 : i32 to vector<16xi32>
      %select_n3A_636 = arith.select %ge3A_631, %broadcast_in_dim3A_634, %broadcast_in_dim3A_635 : vector<16xi1>, vector<16xi32>
      %add3A_637 = arith.addi %add3A_628, %select_n3A_636 : vector<16xi32>
      %ge3A_638 = arith.constant 64 : i32
      %ge3A_639 = vector.broadcast %ge3A_638 : i32 to vector<16xi32>
      %ge3A_640 = arith.cmpi sge, %abs3A, %ge3A_639 : vector<16xi32>
      %jit3A_641 = arith.constant 1 : i32
      %jit3A_642 = arith.constant 0 : i32
      %broadcast_in_dim3A_643 = vector.broadcast %jit3A_641 : i32 to vector<16xi32>
      %broadcast_in_dim3A_644 = vector.broadcast %jit3A_642 : i32 to vector<16xi32>
      %select_n3A_645 = arith.select %ge3A_640, %broadcast_in_dim3A_643, %broadcast_in_dim3A_644 : vector<16xi1>, vector<16xi32>
      %add3A_646 = arith.addi %add3A_637, %select_n3A_645 : vector<16xi32>
      %ge3A_647 = arith.constant 91 : i32
      %ge3A_648 = vector.broadcast %ge3A_647 : i32 to vector<16xi32>
      %ge3A_649 = arith.cmpi sge, %abs3A, %ge3A_648 : vector<16xi32>
      %jit3A_650 = arith.constant 1 : i32
      %jit3A_651 = arith.constant 0 : i32
      %broadcast_in_dim3A_652 = vector.broadcast %jit3A_650 : i32 to vector<16xi32>
      %broadcast_in_dim3A_653 = vector.broadcast %jit3A_651 : i32 to vector<16xi32>
      %select_n3A_654 = arith.select %ge3A_649, %broadcast_in_dim3A_652, %broadcast_in_dim3A_653 : vector<16xi1>, vector<16xi32>
      %add3A_655 = arith.addi %add3A_646, %select_n3A_654 : vector<16xi32>
      %lt3A_656 = arith.constant 8 : i32
      %lt3A_657 = vector.broadcast %lt3A_656 : i32 to vector<16xi32>
      %lt3A_658 = arith.cmpi slt, %abs3A, %lt3A_657 : vector<16xi32>
      %select_n3A_659 = arith.select %lt3A_658, %abs3A, %add3A_655 : vector<16xi1>, vector<16xi32>
      %broadcast_in_dim3A_660 = vector.shape_cast %select_n3A_659 : vector<16xi32> to vector<16x1xi32>
      %gather3A = vector.shape_cast %broadcast_in_dim3A_660 : vector<16x1xi32> to vector<16xi32>
      %gather3A_661 = tpu.dynamic_gather %get3A_244[%gather3A] in [0] : vector<16xf32>, vector<16xi32> -> vector<16xf32>
      %broadcast_in_dim3A_662 = vector.shape_cast %select_n3A_659 : vector<16xi32> to vector<16x1xi32>
      %gather3A_663 = vector.shape_cast %broadcast_in_dim3A_662 : vector<16x1xi32> to vector<16xi32>
      %gather3A_664 = tpu.dynamic_gather %get3A_249[%gather3A_663] in [0] : vector<16xf32>, vector<16xi32> -> vector<16xf32>
      %select_n3A_665 = arith.select %lt3A_592, %gather3A_664, %gather3A_661 : vector<16xi1>, vector<16xf32>
      %mul3A_666 = arith.constant 16 : i32
      %mul3A_667 = arith.muli %scan3A_580, %mul3A_666 : i32
      %swap3A_668 = arith.index_cast %mul3A_667 : i32 to index
      %swap3A_669 = tpu.vector_load %arg5[%swap3A_668] {strides = array<i32>} : memref<3072xf32, #tpu.memory_space<vmem>>, vector<16xf32>,
      %swap3A_670 = vector.shape_cast %swap3A_669 : vector<16xf32> to vector<16xf32>
      %swap3A_671 = vector.shape_cast %select_n3A_665 : vector<16xf32> to vector<16xf32>
      tpu.vector_store %arg5[%swap3A_668], %swap3A_671 {strides = array<i32>} : memref<3072xf32, #tpu.memory_space<vmem>>, vector<16xf32>,
      %scan3A_672 = arith.constant 0 : i32
      scf.yield %scan3A_672 : i32
    }
    %scan3A_255 = arith.constant 192 : i32
    "tpu.region"() ({
      %run_scoped3A = tpu.sem_alloc : memref<!tpu.dma_semaphore, #tpu.memory_space<semaphore_mem>>
      %dma_start3A = arith.constant 0 : i32
      %dma_start3A_580 = tpu.memref_slice %arg3[%select_n3A, %select_n3A_216, %select_n3A_232, %dma_start3A] : memref<2x8x8x3072xf32, #tpu.memory_space<hbm>> -> memref<1x1x1x3072xf32, #tpu.memory_space<hbm>>
      %dma_start3A_581 = tpu.memref_squeeze %dma_start3A_580 : memref<1x1x1x3072xf32, #tpu.memory_space<hbm>> -> memref<3072xf32, #tpu.memory_space<hbm>>
      %dma_start3A_582 = arith.constant 0 : i32
      %dma_start3A_583 = tpu.memref_slice %arg3[%select_n3A, %select_n3A_216, %select_n3A_232, %dma_start3A_582] : memref<2x8x8x3072xf32, #tpu.memory_space<hbm>> -> memref<1x1x1x3072xf32, #tpu.memory_space<hbm>>
      %dma_start3A_584 = tpu.memref_squeeze %dma_start3A_583 : memref<1x1x1x3072xf32, #tpu.memory_space<hbm>> -> memref<3072xf32, #tpu.memory_space<hbm>>
      tpu.enqueue_dma source(%arg5 : memref<3072xf32, #tpu.memory_space<vmem>>) target(%dma_start3A_584 : memref<3072xf32, #tpu.memory_space<hbm>>) target_semaphore(%run_scoped3A : memref<!tpu.dma_semaphore, #tpu.memory_space<semaphore_mem>>)
      %dma_wait3A = arith.constant 0 : i32
      %dma_wait3A_585 = tpu.memref_slice %arg3[%select_n3A, %select_n3A_216, %select_n3A_232, %dma_wait3A] : memref<2x8x8x3072xf32, #tpu.memory_space<hbm>> -> memref<1x1x1x3072xf32, #tpu.memory_space<hbm>>
      %dma_wait3A_586 = tpu.memref_squeeze %dma_wait3A_585 : memref<1x1x1x3072xf32, #tpu.memory_space<hbm>> -> memref<3072xf32, #tpu.memory_space<hbm>>
      %dma_wait3A_587 = arith.constant 0 : i32
      %dma_wait3A_588 = tpu.memref_slice %arg3[%select_n3A, %select_n3A_216, %select_n3A_232, %dma_wait3A_587] : memref<2x8x8x3072xf32, #tpu.memory_space<hbm>> -> memref<1x1x1x3072xf32, #tpu.memory_space<hbm>>
      %dma_wait3A_589 = tpu.memref_squeeze %dma_wait3A_588 : memref<1x1x1x3072xf32, #tpu.memory_space<hbm>> -> memref<3072xf32, #tpu.memory_space<hbm>>
      tpu.wait_dma2 semaphore(%run_scoped3A : memref<!tpu.dma_semaphore, #tpu.memory_space<semaphore_mem>>) src(%arg5 : memref<3072xf32, #tpu.memory_space<vmem>>) dst(%dma_wait3A_589 : memref<3072xf32, #tpu.memory_space<hbm>>)
      tpu.yield
    }) : () -> ()
    %mul3A_256 = arith.constant 4 : i32
    %mul3A_257 = arith.muli %add3A, %mul3A_256 : i32
    %add3A_258 = arith.constant 1 : i32
    %add3A_259 = arith.addi %mul3A_257, %add3A_258 : i32
    %jit3A_260 = arith.constant 64 : i32
    %div3A_261 = arith.divsi %add3A_259, %jit3A_260 : i32
    %sign3A_262 = arith.constant 0 : i32
    %sign3A_263 = arith.cmpi sgt, %add3A_259, %sign3A_262 : i32
    %sign3A_264 = arith.extui %sign3A_263 : i1 to i32
    %sign3A_265 = arith.constant 0 : i32
    %sign3A_266 = arith.cmpi slt, %add3A_259, %sign3A_265 : i32
    %sign3A_267 = arith.extui %sign3A_266 : i1 to i32
    %sign3A_268 = arith.subi %sign3A_264, %sign3A_267 : i32
    %sign3A_269 = arith.constant 0 : i32
    %sign3A_270 = arith.cmpi sgt, %jit3A_260, %sign3A_269 : i32
    %sign3A_271 = arith.extui %sign3A_270 : i1 to i32
    %sign3A_272 = arith.constant 0 : i32
    %sign3A_273 = arith.cmpi slt, %jit3A_260, %sign3A_272 : i32
    %sign3A_274 = arith.extui %sign3A_273 : i1 to i32
    %sign3A_275 = arith.subi %sign3A_271, %sign3A_274 : i32
    %ne3A_276 = arith.cmpi ne, %sign3A_268, %sign3A_275 : i32
    %rem3A_277 = arith.remsi %add3A_259, %jit3A_260 : i32
    %ne3A_278 = arith.constant 0 : i32
    %ne3A_279 = arith.cmpi ne, %rem3A_277, %ne3A_278 : i32
    %and3A_280 = arith.andi %ne3A_276, %ne3A_279 : i1
    %sub3A_281 = arith.constant 1 : i32
    %sub3A_282 = arith.subi %div3A_261, %sub3A_281 : i32
    %select_n3A_283 = arith.select %and3A_280, %sub3A_282, %div3A_261 : i32
    %jit3A_284 = arith.constant 8 : i32
    %div3A_285 = arith.divsi %add3A_259, %jit3A_284 : i32
    %sign3A_286 = arith.constant 0 : i32
    %sign3A_287 = arith.cmpi sgt, %add3A_259, %sign3A_286 : i32
    %sign3A_288 = arith.extui %sign3A_287 : i1 to i32
    %sign3A_289 = arith.constant 0 : i32
    %sign3A_290 = arith.cmpi slt, %add3A_259, %sign3A_289 : i32
    %sign3A_291 = arith.extui %sign3A_290 : i1 to i32
    %sign3A_292 = arith.subi %sign3A_288, %sign3A_291 : i32
    %sign3A_293 = arith.constant 0 : i32
    %sign3A_294 = arith.cmpi sgt, %jit3A_284, %sign3A_293 : i32
    %sign3A_295 = arith.extui %sign3A_294 : i1 to i32
    %sign3A_296 = arith.constant 0 : i32
    %sign3A_297 = arith.cmpi slt, %jit3A_284, %sign3A_296 : i32
    %sign3A_298 = arith.extui %sign3A_297 : i1 to i32
    %sign3A_299 = arith.subi %sign3A_295, %sign3A_298 : i32
    %ne3A_300 = arith.cmpi ne, %sign3A_292, %sign3A_299 : i32
    %rem3A_301 = arith.remsi %add3A_259, %jit3A_284 : i32
    %ne3A_302 = arith.constant 0 : i32
    %ne3A_303 = arith.cmpi ne, %rem3A_301, %ne3A_302 : i32
    %and3A_304 = arith.andi %ne3A_300, %ne3A_303 : i1
    %sub3A_305 = arith.constant 1 : i32
    %sub3A_306 = arith.subi %div3A_285, %sub3A_305 : i32
    %select_n3A_307 = arith.select %and3A_304, %sub3A_306, %div3A_285 : i32
    %jit3A_308 = arith.constant 8 : i32
    %eq3A_309 = arith.constant 0 : i32
    %eq3A_310 = arith.cmpi eq, %jit3A_308, %eq3A_309 : i32
    %jit3A_311 = arith.constant 1 : i32
    %select_n3A_312 = arith.select %eq3A_310, %jit3A_311, %jit3A_308 : i32
    %rem3A_313 = arith.remsi %select_n3A_307, %select_n3A_312 : i32
    %ne3A_314 = arith.constant 0 : i32
    %ne3A_315 = arith.cmpi ne, %rem3A_313, %ne3A_314 : i32
    %lt3A_316 = arith.constant 0 : i32
    %lt3A_317 = arith.cmpi slt, %rem3A_313, %lt3A_316 : i32
    %lt3A_318 = arith.constant 0 : i32
    %lt3A_319 = arith.cmpi slt, %select_n3A_312, %lt3A_318 : i32
    %ne3A_320 = arith.xori %lt3A_317, %lt3A_319 : i1
    %and3A_321 = arith.andi %ne3A_320, %ne3A_315 : i1
    %add3A_322 = arith.addi %rem3A_313, %select_n3A_312 : i32
    %select_n3A_323 = arith.select %and3A_321, %add3A_322, %rem3A_313 : i32
    %jit3A_324 = arith.constant 8 : i32
    %eq3A_325 = arith.constant 0 : i32
    %eq3A_326 = arith.cmpi eq, %jit3A_324, %eq3A_325 : i32
    %jit3A_327 = arith.constant 1 : i32
    %select_n3A_328 = arith.select %eq3A_326, %jit3A_327, %jit3A_324 : i32
    %rem3A_329 = arith.remsi %add3A_259, %select_n3A_328 : i32
    %ne3A_330 = arith.constant 0 : i32
    %ne3A_331 = arith.cmpi ne, %rem3A_329, %ne3A_330 : i32
    %lt3A_332 = arith.constant 0 : i32
    %lt3A_333 = arith.cmpi slt, %rem3A_329, %lt3A_332 : i32
    %lt3A_334 = arith.constant 0 : i32
    %lt3A_335 = arith.cmpi slt, %select_n3A_328, %lt3A_334 : i32
    %ne3A_336 = arith.xori %lt3A_333, %lt3A_335 : i1
    %and3A_337 = arith.andi %ne3A_336, %ne3A_331 : i1
    %add3A_338 = arith.addi %rem3A_329, %select_n3A_328 : i32
    %select_n3A_339 = arith.select %and3A_337, %add3A_338, %rem3A_329 : i32
    %sub3A_340 = arith.constant 1 : i32
    %sub3A_341 = arith.subi %sub3A_340, %select_n3A_283 : i32
    %mul3A_342 = arith.constant 1024 : i32
    %mul3A_343 = arith.muli %sub3A_341, %mul3A_342 : i32
    %sub3A_344 = arith.subi %mul3A_343, %select_n3A_339 : i32
    %sub3A_345 = arith.constant 2047 : i32
    %sub3A_346 = arith.subi %sub3A_344, %sub3A_345 : i32
    %mul3A_347 = arith.constant 32 : i32
    %mul3A_348 = arith.muli %select_n3A_323, %mul3A_347 : i32
    %get3A_349 = arith.index_cast %mul3A_348 : i32 to index
    %get3A_350 = tpu.vector_load %arg4[%get3A_349] {strides = array<i32>} : memref<256xf32, #tpu.memory_space<vmem>>, vector<16xf32>,
    %get3A_351 = vector.shape_cast %get3A_350 : vector<16xf32> to vector<16xf32>
    %add3A_352 = arith.constant 16 : i32
    %add3A_353 = arith.addi %mul3A_348, %add3A_352 : i32
    %get3A_354 = arith.index_cast %add3A_353 : i32 to index
    %get3A_355 = tpu.vector_load %arg4[%get3A_354] {strides = array<i32>} : memref<256xf32, #tpu.memory_space<vmem>>, vector<16xf32>,
    %get3A_356 = vector.shape_cast %get3A_355 : vector<16xf32> to vector<16xf32>
    %scan3A_357 = arith.constant 0 : i32
    %scan3A_358 = arith.constant 0 : i32
    %scan3A_359 = arith.constant 192 : i32
    %scan3A_360 = arith.addi %scan3A_358, %scan3A_359 : i32
    %scan3A_361 = arith.constant 1 : i32
    %scan3A_362 = scf.for %scan3A_580 = %scan3A_358 to %scan3A_360 step %scan3A_361 iter_args(%scan3A_581 = %scan3A_357) -> (i32)  : i32 {
      %mul3A_582 = arith.constant 16 : i32
      %mul3A_583 = arith.muli %scan3A_580, %mul3A_582 : i32
      %iota3A = tpu.iota {dimensions = array<i32: 0>} : vector<16xi32>
      %add3A_584 = vector.broadcast %mul3A_583 : i32 to vector<16xi32>
      %add3A_585 = arith.addi %add3A_584, %iota3A : vector<16xi32>
      %add3A_586 = vector.broadcast %sub3A_346 : i32 to vector<16xi32>
      %add3A_587 = arith.addi %add3A_585, %add3A_586 : vector<16xi32>
      %neg3A = arith.constant 0 : i32
      %neg3A_588 = vector.broadcast %neg3A : i32 to vector<16xi32>
      %neg3A_589 = arith.subi %neg3A_588, %add3A_587 : vector<16xi32>
      %lt3A_590 = arith.constant 0 : i32
      %lt3A_591 = vector.broadcast %lt3A_590 : i32 to vector<16xi32>
      %lt3A_592 = arith.cmpi slt, %neg3A_589, %lt3A_591 : vector<16xi32>
      %abs3A = math.absi %neg3A_589 : vector<16xi32>
      %ge3A = arith.constant 12 : i32
      %ge3A_593 = vector.broadcast %ge3A : i32 to vector<16xi32>
      %ge3A_594 = arith.cmpi sge, %abs3A, %ge3A_593 : vector<16xi32>
      %jit3A_595 = arith.constant 1 : i32
      %jit3A_596 = arith.constant 0 : i32
      %broadcast_in_dim3A = vector.broadcast %jit3A_595 : i32 to vector<16xi32>
      %broadcast_in_dim3A_597 = vector.broadcast %jit3A_596 : i32 to vector<16xi32>
      %select_n3A_598 = arith.select %ge3A_594, %broadcast_in_dim3A, %broadcast_in_dim3A_597 : vector<16xi1>, vector<16xi32>
      %add3A_599 = arith.constant 8 : i32
      %add3A_600 = vector.broadcast %add3A_599 : i32 to vector<16xi32>
      %add3A_601 = arith.addi %add3A_600, %select_n3A_598 : vector<16xi32>
      %ge3A_602 = arith.constant 16 : i32
      %ge3A_603 = vector.broadcast %ge3A_602 : i32 to vector<16xi32>
      %ge3A_604 = arith.cmpi sge, %abs3A, %ge3A_603 : vector<16xi32>
      %jit3A_605 = arith.constant 1 : i32
      %jit3A_606 = arith.constant 0 : i32
      %broadcast_in_dim3A_607 = vector.broadcast %jit3A_605 : i32 to vector<16xi32>
      %broadcast_in_dim3A_608 = vector.broadcast %jit3A_606 : i32 to vector<16xi32>
      %select_n3A_609 = arith.select %ge3A_604, %broadcast_in_dim3A_607, %broadcast_in_dim3A_608 : vector<16xi1>, vector<16xi32>
      %add3A_610 = arith.addi %add3A_601, %select_n3A_609 : vector<16xi32>
      %ge3A_611 = arith.constant 23 : i32
      %ge3A_612 = vector.broadcast %ge3A_611 : i32 to vector<16xi32>
      %ge3A_613 = arith.cmpi sge, %abs3A, %ge3A_612 : vector<16xi32>
      %jit3A_614 = arith.constant 1 : i32
      %jit3A_615 = arith.constant 0 : i32
      %broadcast_in_dim3A_616 = vector.broadcast %jit3A_614 : i32 to vector<16xi32>
      %broadcast_in_dim3A_617 = vector.broadcast %jit3A_615 : i32 to vector<16xi32>
      %select_n3A_618 = arith.select %ge3A_613, %broadcast_in_dim3A_616, %broadcast_in_dim3A_617 : vector<16xi1>, vector<16xi32>
      %add3A_619 = arith.addi %add3A_610, %select_n3A_618 : vector<16xi32>
      %ge3A_620 = arith.constant 32 : i32
      %ge3A_621 = vector.broadcast %ge3A_620 : i32 to vector<16xi32>
      %ge3A_622 = arith.cmpi sge, %abs3A, %ge3A_621 : vector<16xi32>
      %jit3A_623 = arith.constant 1 : i32
      %jit3A_624 = arith.constant 0 : i32
      %broadcast_in_dim3A_625 = vector.broadcast %jit3A_623 : i32 to vector<16xi32>
      %broadcast_in_dim3A_626 = vector.broadcast %jit3A_624 : i32 to vector<16xi32>
      %select_n3A_627 = arith.select %ge3A_622, %broadcast_in_dim3A_625, %broadcast_in_dim3A_626 : vector<16xi1>, vector<16xi32>
      %add3A_628 = arith.addi %add3A_619, %select_n3A_627 : vector<16xi32>
      %ge3A_629 = arith.constant 46 : i32
      %ge3A_630 = vector.broadcast %ge3A_629 : i32 to vector<16xi32>
      %ge3A_631 = arith.cmpi sge, %abs3A, %ge3A_630 : vector<16xi32>
      %jit3A_632 = arith.constant 1 : i32
      %jit3A_633 = arith.constant 0 : i32
      %broadcast_in_dim3A_634 = vector.broadcast %jit3A_632 : i32 to vector<16xi32>
      %broadcast_in_dim3A_635 = vector.broadcast %jit3A_633 : i32 to vector<16xi32>
      %select_n3A_636 = arith.select %ge3A_631, %broadcast_in_dim3A_634, %broadcast_in_dim3A_635 : vector<16xi1>, vector<16xi32>
      %add3A_637 = arith.addi %add3A_628, %select_n3A_636 : vector<16xi32>
      %ge3A_638 = arith.constant 64 : i32
      %ge3A_639 = vector.broadcast %ge3A_638 : i32 to vector<16xi32>
      %ge3A_640 = arith.cmpi sge, %abs3A, %ge3A_639 : vector<16xi32>
      %jit3A_641 = arith.constant 1 : i32
      %jit3A_642 = arith.constant 0 : i32
      %broadcast_in_dim3A_643 = vector.broadcast %jit3A_641 : i32 to vector<16xi32>
      %broadcast_in_dim3A_644 = vector.broadcast %jit3A_642 : i32 to vector<16xi32>
      %select_n3A_645 = arith.select %ge3A_640, %broadcast_in_dim3A_643, %broadcast_in_dim3A_644 : vector<16xi1>, vector<16xi32>
      %add3A_646 = arith.addi %add3A_637, %select_n3A_645 : vector<16xi32>
      %ge3A_647 = arith.constant 91 : i32
      %ge3A_648 = vector.broadcast %ge3A_647 : i32 to vector<16xi32>
      %ge3A_649 = arith.cmpi sge, %abs3A, %ge3A_648 : vector<16xi32>
      %jit3A_650 = arith.constant 1 : i32
      %jit3A_651 = arith.constant 0 : i32
      %broadcast_in_dim3A_652 = vector.broadcast %jit3A_650 : i32 to vector<16xi32>
      %broadcast_in_dim3A_653 = vector.broadcast %jit3A_651 : i32 to vector<16xi32>
      %select_n3A_654 = arith.select %ge3A_649, %broadcast_in_dim3A_652, %broadcast_in_dim3A_653 : vector<16xi1>, vector<16xi32>
      %add3A_655 = arith.addi %add3A_646, %select_n3A_654 : vector<16xi32>
      %lt3A_656 = arith.constant 8 : i32
      %lt3A_657 = vector.broadcast %lt3A_656 : i32 to vector<16xi32>
      %lt3A_658 = arith.cmpi slt, %abs3A, %lt3A_657 : vector<16xi32>
      %select_n3A_659 = arith.select %lt3A_658, %abs3A, %add3A_655 : vector<16xi1>, vector<16xi32>
      %broadcast_in_dim3A_660 = vector.shape_cast %select_n3A_659 : vector<16xi32> to vector<16x1xi32>
      %gather3A = vector.shape_cast %broadcast_in_dim3A_660 : vector<16x1xi32> to vector<16xi32>
      %gather3A_661 = tpu.dynamic_gather %get3A_351[%gather3A] in [0] : vector<16xf32>, vector<16xi32> -> vector<16xf32>
      %broadcast_in_dim3A_662 = vector.shape_cast %select_n3A_659 : vector<16xi32> to vector<16x1xi32>
      %gather3A_663 = vector.shape_cast %broadcast_in_dim3A_662 : vector<16x1xi32> to vector<16xi32>
      %gather3A_664 = tpu.dynamic_gather %get3A_356[%gather3A_663] in [0] : vector<16xf32>, vector<16xi32> -> vector<16xf32>
      %select_n3A_665 = arith.select %lt3A_592, %gather3A_664, %gather3A_661 : vector<16xi1>, vector<16xf32>
      %mul3A_666 = arith.constant 16 : i32
      %mul3A_667 = arith.muli %scan3A_580, %mul3A_666 : i32
      %swap3A_668 = arith.index_cast %mul3A_667 : i32 to index
      %swap3A_669 = tpu.vector_load %arg5[%swap3A_668] {strides = array<i32>} : memref<3072xf32, #tpu.memory_space<vmem>>, vector<16xf32>,
      %swap3A_670 = vector.shape_cast %swap3A_669 : vector<16xf32> to vector<16xf32>
      %swap3A_671 = vector.shape_cast %select_n3A_665 : vector<16xf32> to vector<16xf32>
      tpu.vector_store %arg5[%swap3A_668], %swap3A_671 {strides = array<i32>} : memref<3072xf32, #tpu.memory_space<vmem>>, vector<16xf32>,
      %scan3A_672 = arith.constant 0 : i32
      scf.yield %scan3A_672 : i32
    }
    %scan3A_363 = arith.constant 192 : i32
    "tpu.region"() ({
      %run_scoped3A = tpu.sem_alloc : memref<!tpu.dma_semaphore, #tpu.memory_space<semaphore_mem>>
      %dma_start3A = arith.constant 0 : i32
      %dma_start3A_580 = tpu.memref_slice %arg3[%select_n3A_283, %select_n3A_323, %select_n3A_339, %dma_start3A] : memref<2x8x8x3072xf32, #tpu.memory_space<hbm>> -> memref<1x1x1x3072xf32, #tpu.memory_space<hbm>>
      %dma_start3A_581 = tpu.memref_squeeze %dma_start3A_580 : memref<1x1x1x3072xf32, #tpu.memory_space<hbm>> -> memref<3072xf32, #tpu.memory_space<hbm>>
      %dma_start3A_582 = arith.constant 0 : i32
      %dma_start3A_583 = tpu.memref_slice %arg3[%select_n3A_283, %select_n3A_323, %select_n3A_339, %dma_start3A_582] : memref<2x8x8x3072xf32, #tpu.memory_space<hbm>> -> memref<1x1x1x3072xf32, #tpu.memory_space<hbm>>
      %dma_start3A_584 = tpu.memref_squeeze %dma_start3A_583 : memref<1x1x1x3072xf32, #tpu.memory_space<hbm>> -> memref<3072xf32, #tpu.memory_space<hbm>>
      tpu.enqueue_dma source(%arg5 : memref<3072xf32, #tpu.memory_space<vmem>>) target(%dma_start3A_584 : memref<3072xf32, #tpu.memory_space<hbm>>) target_semaphore(%run_scoped3A : memref<!tpu.dma_semaphore, #tpu.memory_space<semaphore_mem>>)
      %dma_wait3A = arith.constant 0 : i32
      %dma_wait3A_585 = tpu.memref_slice %arg3[%select_n3A_283, %select_n3A_323, %select_n3A_339, %dma_wait3A] : memref<2x8x8x3072xf32, #tpu.memory_space<hbm>> -> memref<1x1x1x3072xf32, #tpu.memory_space<hbm>>
      %dma_wait3A_586 = tpu.memref_squeeze %dma_wait3A_585 : memref<1x1x1x3072xf32, #tpu.memory_space<hbm>> -> memref<3072xf32, #tpu.memory_space<hbm>>
      %dma_wait3A_587 = arith.constant 0 : i32
      %dma_wait3A_588 = tpu.memref_slice %arg3[%select_n3A_283, %select_n3A_323, %select_n3A_339, %dma_wait3A_587] : memref<2x8x8x3072xf32, #tpu.memory_space<hbm>> -> memref<1x1x1x3072xf32, #tpu.memory_space<hbm>>
      %dma_wait3A_589 = tpu.memref_squeeze %dma_wait3A_588 : memref<1x1x1x3072xf32, #tpu.memory_space<hbm>> -> memref<3072xf32, #tpu.memory_space<hbm>>
      tpu.wait_dma2 semaphore(%run_scoped3A : memref<!tpu.dma_semaphore, #tpu.memory_space<semaphore_mem>>) src(%arg5 : memref<3072xf32, #tpu.memory_space<vmem>>) dst(%dma_wait3A_589 : memref<3072xf32, #tpu.memory_space<hbm>>)
      tpu.yield
    }) : () -> ()
    %mul3A_364 = arith.constant 4 : i32
    %mul3A_365 = arith.muli %add3A, %mul3A_364 : i32
    %add3A_366 = arith.constant 2 : i32
    %add3A_367 = arith.addi %mul3A_365, %add3A_366 : i32
    %jit3A_368 = arith.constant 64 : i32
    %div3A_369 = arith.divsi %add3A_367, %jit3A_368 : i32
    %sign3A_370 = arith.constant 0 : i32
    %sign3A_371 = arith.cmpi sgt, %add3A_367, %sign3A_370 : i32
    %sign3A_372 = arith.extui %sign3A_371 : i1 to i32
    %sign3A_373 = arith.constant 0 : i32
    %sign3A_374 = arith.cmpi slt, %add3A_367, %sign3A_373 : i32
    %sign3A_375 = arith.extui %sign3A_374 : i1 to i32
    %sign3A_376 = arith.subi %sign3A_372, %sign3A_375 : i32
    %sign3A_377 = arith.constant 0 : i32
    %sign3A_378 = arith.cmpi sgt, %jit3A_368, %sign3A_377 : i32
    %sign3A_379 = arith.extui %sign3A_378 : i1 to i32
    %sign3A_380 = arith.constant 0 : i32
    %sign3A_381 = arith.cmpi slt, %jit3A_368, %sign3A_380 : i32
    %sign3A_382 = arith.extui %sign3A_381 : i1 to i32
    %sign3A_383 = arith.subi %sign3A_379, %sign3A_382 : i32
    %ne3A_384 = arith.cmpi ne, %sign3A_376, %sign3A_383 : i32
    %rem3A_385 = arith.remsi %add3A_367, %jit3A_368 : i32
    %ne3A_386 = arith.constant 0 : i32
    %ne3A_387 = arith.cmpi ne, %rem3A_385, %ne3A_386 : i32
    %and3A_388 = arith.andi %ne3A_384, %ne3A_387 : i1
    %sub3A_389 = arith.constant 1 : i32
    %sub3A_390 = arith.subi %div3A_369, %sub3A_389 : i32
    %select_n3A_391 = arith.select %and3A_388, %sub3A_390, %div3A_369 : i32
    %jit3A_392 = arith.constant 8 : i32
    %div3A_393 = arith.divsi %add3A_367, %jit3A_392 : i32
    %sign3A_394 = arith.constant 0 : i32
    %sign3A_395 = arith.cmpi sgt, %add3A_367, %sign3A_394 : i32
    %sign3A_396 = arith.extui %sign3A_395 : i1 to i32
    %sign3A_397 = arith.constant 0 : i32
    %sign3A_398 = arith.cmpi slt, %add3A_367, %sign3A_397 : i32
    %sign3A_399 = arith.extui %sign3A_398 : i1 to i32
    %sign3A_400 = arith.subi %sign3A_396, %sign3A_399 : i32
    %sign3A_401 = arith.constant 0 : i32
    %sign3A_402 = arith.cmpi sgt, %jit3A_392, %sign3A_401 : i32
    %sign3A_403 = arith.extui %sign3A_402 : i1 to i32
    %sign3A_404 = arith.constant 0 : i32
    %sign3A_405 = arith.cmpi slt, %jit3A_392, %sign3A_404 : i32
    %sign3A_406 = arith.extui %sign3A_405 : i1 to i32
    %sign3A_407 = arith.subi %sign3A_403, %sign3A_406 : i32
    %ne3A_408 = arith.cmpi ne, %sign3A_400, %sign3A_407 : i32
    %rem3A_409 = arith.remsi %add3A_367, %jit3A_392 : i32
    %ne3A_410 = arith.constant 0 : i32
    %ne3A_411 = arith.cmpi ne, %rem3A_409, %ne3A_410 : i32
    %and3A_412 = arith.andi %ne3A_408, %ne3A_411 : i1
    %sub3A_413 = arith.constant 1 : i32
    %sub3A_414 = arith.subi %div3A_393, %sub3A_413 : i32
    %select_n3A_415 = arith.select %and3A_412, %sub3A_414, %div3A_393 : i32
    %jit3A_416 = arith.constant 8 : i32
    %eq3A_417 = arith.constant 0 : i32
    %eq3A_418 = arith.cmpi eq, %jit3A_416, %eq3A_417 : i32
    %jit3A_419 = arith.constant 1 : i32
    %select_n3A_420 = arith.select %eq3A_418, %jit3A_419, %jit3A_416 : i32
    %rem3A_421 = arith.remsi %select_n3A_415, %select_n3A_420 : i32
    %ne3A_422 = arith.constant 0 : i32
    %ne3A_423 = arith.cmpi ne, %rem3A_421, %ne3A_422 : i32
    %lt3A_424 = arith.constant 0 : i32
    %lt3A_425 = arith.cmpi slt, %rem3A_421, %lt3A_424 : i32
    %lt3A_426 = arith.constant 0 : i32
    %lt3A_427 = arith.cmpi slt, %select_n3A_420, %lt3A_426 : i32
    %ne3A_428 = arith.xori %lt3A_425, %lt3A_427 : i1
    %and3A_429 = arith.andi %ne3A_428, %ne3A_423 : i1
    %add3A_430 = arith.addi %rem3A_421, %select_n3A_420 : i32
    %select_n3A_431 = arith.select %and3A_429, %add3A_430, %rem3A_421 : i32
    %jit3A_432 = arith.constant 8 : i32
    %eq3A_433 = arith.constant 0 : i32
    %eq3A_434 = arith.cmpi eq, %jit3A_432, %eq3A_433 : i32
    %jit3A_435 = arith.constant 1 : i32
    %select_n3A_436 = arith.select %eq3A_434, %jit3A_435, %jit3A_432 : i32
    %rem3A_437 = arith.remsi %add3A_367, %select_n3A_436 : i32
    %ne3A_438 = arith.constant 0 : i32
    %ne3A_439 = arith.cmpi ne, %rem3A_437, %ne3A_438 : i32
    %lt3A_440 = arith.constant 0 : i32
    %lt3A_441 = arith.cmpi slt, %rem3A_437, %lt3A_440 : i32
    %lt3A_442 = arith.constant 0 : i32
    %lt3A_443 = arith.cmpi slt, %select_n3A_436, %lt3A_442 : i32
    %ne3A_444 = arith.xori %lt3A_441, %lt3A_443 : i1
    %and3A_445 = arith.andi %ne3A_444, %ne3A_439 : i1
    %add3A_446 = arith.addi %rem3A_437, %select_n3A_436 : i32
    %select_n3A_447 = arith.select %and3A_445, %add3A_446, %rem3A_437 : i32
    %sub3A_448 = arith.constant 1 : i32
    %sub3A_449 = arith.subi %sub3A_448, %select_n3A_391 : i32
    %mul3A_450 = arith.constant 1024 : i32
    %mul3A_451 = arith.muli %sub3A_449, %mul3A_450 : i32
    %sub3A_452 = arith.subi %mul3A_451, %select_n3A_447 : i32
    %sub3A_453 = arith.constant 2047 : i32
    %sub3A_454 = arith.subi %sub3A_452, %sub3A_453 : i32
    %mul3A_455 = arith.constant 32 : i32
    %mul3A_456 = arith.muli %select_n3A_431, %mul3A_455 : i32
    %get3A_457 = arith.index_cast %mul3A_456 : i32 to index
    %get3A_458 = tpu.vector_load %arg4[%get3A_457] {strides = array<i32>} : memref<256xf32, #tpu.memory_space<vmem>>, vector<16xf32>,
    %get3A_459 = vector.shape_cast %get3A_458 : vector<16xf32> to vector<16xf32>
    %add3A_460 = arith.constant 16 : i32
    %add3A_461 = arith.addi %mul3A_456, %add3A_460 : i32
    %get3A_462 = arith.index_cast %add3A_461 : i32 to index
    %get3A_463 = tpu.vector_load %arg4[%get3A_462] {strides = array<i32>} : memref<256xf32, #tpu.memory_space<vmem>>, vector<16xf32>,
    %get3A_464 = vector.shape_cast %get3A_463 : vector<16xf32> to vector<16xf32>
    %scan3A_465 = arith.constant 0 : i32
    %scan3A_466 = arith.constant 0 : i32
    %scan3A_467 = arith.constant 192 : i32
    %scan3A_468 = arith.addi %scan3A_466, %scan3A_467 : i32
    %scan3A_469 = arith.constant 1 : i32
    %scan3A_470 = scf.for %scan3A_580 = %scan3A_466 to %scan3A_468 step %scan3A_469 iter_args(%scan3A_581 = %scan3A_465) -> (i32)  : i32 {
      %mul3A_582 = arith.constant 16 : i32
      %mul3A_583 = arith.muli %scan3A_580, %mul3A_582 : i32
      %iota3A = tpu.iota {dimensions = array<i32: 0>} : vector<16xi32>
      %add3A_584 = vector.broadcast %mul3A_583 : i32 to vector<16xi32>
      %add3A_585 = arith.addi %add3A_584, %iota3A : vector<16xi32>
      %add3A_586 = vector.broadcast %sub3A_454 : i32 to vector<16xi32>
      %add3A_587 = arith.addi %add3A_585, %add3A_586 : vector<16xi32>
      %neg3A = arith.constant 0 : i32
      %neg3A_588 = vector.broadcast %neg3A : i32 to vector<16xi32>
      %neg3A_589 = arith.subi %neg3A_588, %add3A_587 : vector<16xi32>
      %lt3A_590 = arith.constant 0 : i32
      %lt3A_591 = vector.broadcast %lt3A_590 : i32 to vector<16xi32>
      %lt3A_592 = arith.cmpi slt, %neg3A_589, %lt3A_591 : vector<16xi32>
      %abs3A = math.absi %neg3A_589 : vector<16xi32>
      %ge3A = arith.constant 12 : i32
      %ge3A_593 = vector.broadcast %ge3A : i32 to vector<16xi32>
      %ge3A_594 = arith.cmpi sge, %abs3A, %ge3A_593 : vector<16xi32>
      %jit3A_595 = arith.constant 1 : i32
      %jit3A_596 = arith.constant 0 : i32
      %broadcast_in_dim3A = vector.broadcast %jit3A_595 : i32 to vector<16xi32>
      %broadcast_in_dim3A_597 = vector.broadcast %jit3A_596 : i32 to vector<16xi32>
      %select_n3A_598 = arith.select %ge3A_594, %broadcast_in_dim3A, %broadcast_in_dim3A_597 : vector<16xi1>, vector<16xi32>
      %add3A_599 = arith.constant 8 : i32
      %add3A_600 = vector.broadcast %add3A_599 : i32 to vector<16xi32>
      %add3A_601 = arith.addi %add3A_600, %select_n3A_598 : vector<16xi32>
      %ge3A_602 = arith.constant 16 : i32
      %ge3A_603 = vector.broadcast %ge3A_602 : i32 to vector<16xi32>
      %ge3A_604 = arith.cmpi sge, %abs3A, %ge3A_603 : vector<16xi32>
      %jit3A_605 = arith.constant 1 : i32
      %jit3A_606 = arith.constant 0 : i32
      %broadcast_in_dim3A_607 = vector.broadcast %jit3A_605 : i32 to vector<16xi32>
      %broadcast_in_dim3A_608 = vector.broadcast %jit3A_606 : i32 to vector<16xi32>
      %select_n3A_609 = arith.select %ge3A_604, %broadcast_in_dim3A_607, %broadcast_in_dim3A_608 : vector<16xi1>, vector<16xi32>
      %add3A_610 = arith.addi %add3A_601, %select_n3A_609 : vector<16xi32>
      %ge3A_611 = arith.constant 23 : i32
      %ge3A_612 = vector.broadcast %ge3A_611 : i32 to vector<16xi32>
      %ge3A_613 = arith.cmpi sge, %abs3A, %ge3A_612 : vector<16xi32>
      %jit3A_614 = arith.constant 1 : i32
      %jit3A_615 = arith.constant 0 : i32
      %broadcast_in_dim3A_616 = vector.broadcast %jit3A_614 : i32 to vector<16xi32>
      %broadcast_in_dim3A_617 = vector.broadcast %jit3A_615 : i32 to vector<16xi32>
      %select_n3A_618 = arith.select %ge3A_613, %broadcast_in_dim3A_616, %broadcast_in_dim3A_617 : vector<16xi1>, vector<16xi32>
      %add3A_619 = arith.addi %add3A_610, %select_n3A_618 : vector<16xi32>
      %ge3A_620 = arith.constant 32 : i32
      %ge3A_621 = vector.broadcast %ge3A_620 : i32 to vector<16xi32>
      %ge3A_622 = arith.cmpi sge, %abs3A, %ge3A_621 : vector<16xi32>
      %jit3A_623 = arith.constant 1 : i32
      %jit3A_624 = arith.constant 0 : i32
      %broadcast_in_dim3A_625 = vector.broadcast %jit3A_623 : i32 to vector<16xi32>
      %broadcast_in_dim3A_626 = vector.broadcast %jit3A_624 : i32 to vector<16xi32>
      %select_n3A_627 = arith.select %ge3A_622, %broadcast_in_dim3A_625, %broadcast_in_dim3A_626 : vector<16xi1>, vector<16xi32>
      %add3A_628 = arith.addi %add3A_619, %select_n3A_627 : vector<16xi32>
      %ge3A_629 = arith.constant 46 : i32
      %ge3A_630 = vector.broadcast %ge3A_629 : i32 to vector<16xi32>
      %ge3A_631 = arith.cmpi sge, %abs3A, %ge3A_630 : vector<16xi32>
      %jit3A_632 = arith.constant 1 : i32
      %jit3A_633 = arith.constant 0 : i32
      %broadcast_in_dim3A_634 = vector.broadcast %jit3A_632 : i32 to vector<16xi32>
      %broadcast_in_dim3A_635 = vector.broadcast %jit3A_633 : i32 to vector<16xi32>
      %select_n3A_636 = arith.select %ge3A_631, %broadcast_in_dim3A_634, %broadcast_in_dim3A_635 : vector<16xi1>, vector<16xi32>
      %add3A_637 = arith.addi %add3A_628, %select_n3A_636 : vector<16xi32>
      %ge3A_638 = arith.constant 64 : i32
      %ge3A_639 = vector.broadcast %ge3A_638 : i32 to vector<16xi32>
      %ge3A_640 = arith.cmpi sge, %abs3A, %ge3A_639 : vector<16xi32>
      %jit3A_641 = arith.constant 1 : i32
      %jit3A_642 = arith.constant 0 : i32
      %broadcast_in_dim3A_643 = vector.broadcast %jit3A_641 : i32 to vector<16xi32>
      %broadcast_in_dim3A_644 = vector.broadcast %jit3A_642 : i32 to vector<16xi32>
      %select_n3A_645 = arith.select %ge3A_640, %broadcast_in_dim3A_643, %broadcast_in_dim3A_644 : vector<16xi1>, vector<16xi32>
      %add3A_646 = arith.addi %add3A_637, %select_n3A_645 : vector<16xi32>
      %ge3A_647 = arith.constant 91 : i32
      %ge3A_648 = vector.broadcast %ge3A_647 : i32 to vector<16xi32>
      %ge3A_649 = arith.cmpi sge, %abs3A, %ge3A_648 : vector<16xi32>
      %jit3A_650 = arith.constant 1 : i32
      %jit3A_651 = arith.constant 0 : i32
      %broadcast_in_dim3A_652 = vector.broadcast %jit3A_650 : i32 to vector<16xi32>
      %broadcast_in_dim3A_653 = vector.broadcast %jit3A_651 : i32 to vector<16xi32>
      %select_n3A_654 = arith.select %ge3A_649, %broadcast_in_dim3A_652, %broadcast_in_dim3A_653 : vector<16xi1>, vector<16xi32>
      %add3A_655 = arith.addi %add3A_646, %select_n3A_654 : vector<16xi32>
      %lt3A_656 = arith.constant 8 : i32
      %lt3A_657 = vector.broadcast %lt3A_656 : i32 to vector<16xi32>
      %lt3A_658 = arith.cmpi slt, %abs3A, %lt3A_657 : vector<16xi32>
      %select_n3A_659 = arith.select %lt3A_658, %abs3A, %add3A_655 : vector<16xi1>, vector<16xi32>
      %broadcast_in_dim3A_660 = vector.shape_cast %select_n3A_659 : vector<16xi32> to vector<16x1xi32>
      %gather3A = vector.shape_cast %broadcast_in_dim3A_660 : vector<16x1xi32> to vector<16xi32>
      %gather3A_661 = tpu.dynamic_gather %get3A_459[%gather3A] in [0] : vector<16xf32>, vector<16xi32> -> vector<16xf32>
      %broadcast_in_dim3A_662 = vector.shape_cast %select_n3A_659 : vector<16xi32> to vector<16x1xi32>
      %gather3A_663 = vector.shape_cast %broadcast_in_dim3A_662 : vector<16x1xi32> to vector<16xi32>
      %gather3A_664 = tpu.dynamic_gather %get3A_464[%gather3A_663] in [0] : vector<16xf32>, vector<16xi32> -> vector<16xf32>
      %select_n3A_665 = arith.select %lt3A_592, %gather3A_664, %gather3A_661 : vector<16xi1>, vector<16xf32>
      %mul3A_666 = arith.constant 16 : i32
      %mul3A_667 = arith.muli %scan3A_580, %mul3A_666 : i32
      %swap3A_668 = arith.index_cast %mul3A_667 : i32 to index
      %swap3A_669 = tpu.vector_load %arg5[%swap3A_668] {strides = array<i32>} : memref<3072xf32, #tpu.memory_space<vmem>>, vector<16xf32>,
      %swap3A_670 = vector.shape_cast %swap3A_669 : vector<16xf32> to vector<16xf32>
      %swap3A_671 = vector.shape_cast %select_n3A_665 : vector<16xf32> to vector<16xf32>
      tpu.vector_store %arg5[%swap3A_668], %swap3A_671 {strides = array<i32>} : memref<3072xf32, #tpu.memory_space<vmem>>, vector<16xf32>,
      %scan3A_672 = arith.constant 0 : i32
      scf.yield %scan3A_672 : i32
    }
    %scan3A_471 = arith.constant 192 : i32
    "tpu.region"() ({
      %run_scoped3A = tpu.sem_alloc : memref<!tpu.dma_semaphore, #tpu.memory_space<semaphore_mem>>
      %dma_start3A = arith.constant 0 : i32
      %dma_start3A_580 = tpu.memref_slice %arg3[%select_n3A_391, %select_n3A_431, %select_n3A_447, %dma_start3A] : memref<2x8x8x3072xf32, #tpu.memory_space<hbm>> -> memref<1x1x1x3072xf32, #tpu.memory_space<hbm>>
      %dma_start3A_581 = tpu.memref_squeeze %dma_start3A_580 : memref<1x1x1x3072xf32, #tpu.memory_space<hbm>> -> memref<3072xf32, #tpu.memory_space<hbm>>
      %dma_start3A_582 = arith.constant 0 : i32
      %dma_start3A_583 = tpu.memref_slice %arg3[%select_n3A_391, %select_n3A_431, %select_n3A_447, %dma_start3A_582] : memref<2x8x8x3072xf32, #tpu.memory_space<hbm>> -> memref<1x1x1x3072xf32, #tpu.memory_space<hbm>>
      %dma_start3A_584 = tpu.memref_squeeze %dma_start3A_583 : memref<1x1x1x3072xf32, #tpu.memory_space<hbm>> -> memref<3072xf32, #tpu.memory_space<hbm>>
      tpu.enqueue_dma source(%arg5 : memref<3072xf32, #tpu.memory_space<vmem>>) target(%dma_start3A_584 : memref<3072xf32, #tpu.memory_space<hbm>>) target_semaphore(%run_scoped3A : memref<!tpu.dma_semaphore, #tpu.memory_space<semaphore_mem>>)
      %dma_wait3A = arith.constant 0 : i32
      %dma_wait3A_585 = tpu.memref_slice %arg3[%select_n3A_391, %select_n3A_431, %select_n3A_447, %dma_wait3A] : memref<2x8x8x3072xf32, #tpu.memory_space<hbm>> -> memref<1x1x1x3072xf32, #tpu.memory_space<hbm>>
      %dma_wait3A_586 = tpu.memref_squeeze %dma_wait3A_585 : memref<1x1x1x3072xf32, #tpu.memory_space<hbm>> -> memref<3072xf32, #tpu.memory_space<hbm>>
      %dma_wait3A_587 = arith.constant 0 : i32
      %dma_wait3A_588 = tpu.memref_slice %arg3[%select_n3A_391, %select_n3A_431, %select_n3A_447, %dma_wait3A_587] : memref<2x8x8x3072xf32, #tpu.memory_space<hbm>> -> memref<1x1x1x3072xf32, #tpu.memory_space<hbm>>
      %dma_wait3A_589 = tpu.memref_squeeze %dma_wait3A_588 : memref<1x1x1x3072xf32, #tpu.memory_space<hbm>> -> memref<3072xf32, #tpu.memory_space<hbm>>
      tpu.wait_dma2 semaphore(%run_scoped3A : memref<!tpu.dma_semaphore, #tpu.memory_space<semaphore_mem>>) src(%arg5 : memref<3072xf32, #tpu.memory_space<vmem>>) dst(%dma_wait3A_589 : memref<3072xf32, #tpu.memory_space<hbm>>)
      tpu.yield
    }) : () -> ()
    %mul3A_472 = arith.constant 4 : i32
    %mul3A_473 = arith.muli %add3A, %mul3A_472 : i32
    %add3A_474 = arith.constant 3 : i32
    %add3A_475 = arith.addi %mul3A_473, %add3A_474 : i32
    %jit3A_476 = arith.constant 64 : i32
    %div3A_477 = arith.divsi %add3A_475, %jit3A_476 : i32
    %sign3A_478 = arith.constant 0 : i32
    %sign3A_479 = arith.cmpi sgt, %add3A_475, %sign3A_478 : i32
    %sign3A_480 = arith.extui %sign3A_479 : i1 to i32
    %sign3A_481 = arith.constant 0 : i32
    %sign3A_482 = arith.cmpi slt, %add3A_475, %sign3A_481 : i32
    %sign3A_483 = arith.extui %sign3A_482 : i1 to i32
    %sign3A_484 = arith.subi %sign3A_480, %sign3A_483 : i32
    %sign3A_485 = arith.constant 0 : i32
    %sign3A_486 = arith.cmpi sgt, %jit3A_476, %sign3A_485 : i32
    %sign3A_487 = arith.extui %sign3A_486 : i1 to i32
    %sign3A_488 = arith.constant 0 : i32
    %sign3A_489 = arith.cmpi slt, %jit3A_476, %sign3A_488 : i32
    %sign3A_490 = arith.extui %sign3A_489 : i1 to i32
    %sign3A_491 = arith.subi %sign3A_487, %sign3A_490 : i32
    %ne3A_492 = arith.cmpi ne, %sign3A_484, %sign3A_491 : i32
    %rem3A_493 = arith.remsi %add3A_475, %jit3A_476 : i32
    %ne3A_494 = arith.constant 0 : i32
    %ne3A_495 = arith.cmpi ne, %rem3A_493, %ne3A_494 : i32
    %and3A_496 = arith.andi %ne3A_492, %ne3A_495 : i1
    %sub3A_497 = arith.constant 1 : i32
    %sub3A_498 = arith.subi %div3A_477, %sub3A_497 : i32
    %select_n3A_499 = arith.select %and3A_496, %sub3A_498, %div3A_477 : i32
    %jit3A_500 = arith.constant 8 : i32
    %div3A_501 = arith.divsi %add3A_475, %jit3A_500 : i32
    %sign3A_502 = arith.constant 0 : i32
    %sign3A_503 = arith.cmpi sgt, %add3A_475, %sign3A_502 : i32
    %sign3A_504 = arith.extui %sign3A_503 : i1 to i32
    %sign3A_505 = arith.constant 0 : i32
    %sign3A_506 = arith.cmpi slt, %add3A_475, %sign3A_505 : i32
    %sign3A_507 = arith.extui %sign3A_506 : i1 to i32
    %sign3A_508 = arith.subi %sign3A_504, %sign3A_507 : i32
    %sign3A_509 = arith.constant 0 : i32
    %sign3A_510 = arith.cmpi sgt, %jit3A_500, %sign3A_509 : i32
    %sign3A_511 = arith.extui %sign3A_510 : i1 to i32
    %sign3A_512 = arith.constant 0 : i32
    %sign3A_513 = arith.cmpi slt, %jit3A_500, %sign3A_512 : i32
    %sign3A_514 = arith.extui %sign3A_513 : i1 to i32
    %sign3A_515 = arith.subi %sign3A_511, %sign3A_514 : i32
    %ne3A_516 = arith.cmpi ne, %sign3A_508, %sign3A_515 : i32
    %rem3A_517 = arith.remsi %add3A_475, %jit3A_500 : i32
    %ne3A_518 = arith.constant 0 : i32
    %ne3A_519 = arith.cmpi ne, %rem3A_517, %ne3A_518 : i32
    %and3A_520 = arith.andi %ne3A_516, %ne3A_519 : i1
    %sub3A_521 = arith.constant 1 : i32
    %sub3A_522 = arith.subi %div3A_501, %sub3A_521 : i32
    %select_n3A_523 = arith.select %and3A_520, %sub3A_522, %div3A_501 : i32
    %jit3A_524 = arith.constant 8 : i32
    %eq3A_525 = arith.constant 0 : i32
    %eq3A_526 = arith.cmpi eq, %jit3A_524, %eq3A_525 : i32
    %jit3A_527 = arith.constant 1 : i32
    %select_n3A_528 = arith.select %eq3A_526, %jit3A_527, %jit3A_524 : i32
    %rem3A_529 = arith.remsi %select_n3A_523, %select_n3A_528 : i32
    %ne3A_530 = arith.constant 0 : i32
    %ne3A_531 = arith.cmpi ne, %rem3A_529, %ne3A_530 : i32
    %lt3A_532 = arith.constant 0 : i32
    %lt3A_533 = arith.cmpi slt, %rem3A_529, %lt3A_532 : i32
    %lt3A_534 = arith.constant 0 : i32
    %lt3A_535 = arith.cmpi slt, %select_n3A_528, %lt3A_534 : i32
    %ne3A_536 = arith.xori %lt3A_533, %lt3A_535 : i1
    %and3A_537 = arith.andi %ne3A_536, %ne3A_531 : i1
    %add3A_538 = arith.addi %rem3A_529, %select_n3A_528 : i32
    %select_n3A_539 = arith.select %and3A_537, %add3A_538, %rem3A_529 : i32
    %jit3A_540 = arith.constant 8 : i32
    %eq3A_541 = arith.constant 0 : i32
    %eq3A_542 = arith.cmpi eq, %jit3A_540, %eq3A_541 : i32
    %jit3A_543 = arith.constant 1 : i32
    %select_n3A_544 = arith.select %eq3A_542, %jit3A_543, %jit3A_540 : i32
    %rem3A_545 = arith.remsi %add3A_475, %select_n3A_544 : i32
    %ne3A_546 = arith.constant 0 : i32
    %ne3A_547 = arith.cmpi ne, %rem3A_545, %ne3A_546 : i32
    %lt3A_548 = arith.constant 0 : i32
    %lt3A_549 = arith.cmpi slt, %rem3A_545, %lt3A_548 : i32
    %lt3A_550 = arith.constant 0 : i32
    %lt3A_551 = arith.cmpi slt, %select_n3A_544, %lt3A_550 : i32
    %ne3A_552 = arith.xori %lt3A_549, %lt3A_551 : i1
    %and3A_553 = arith.andi %ne3A_552, %ne3A_547 : i1
    %add3A_554 = arith.addi %rem3A_545, %select_n3A_544 : i32
    %select_n3A_555 = arith.select %and3A_553, %add3A_554, %rem3A_545 : i32
    %sub3A_556 = arith.constant 1 : i32
    %sub3A_557 = arith.subi %sub3A_556, %select_n3A_499 : i32
    %mul3A_558 = arith.constant 1024 : i32
    %mul3A_559 = arith.muli %sub3A_557, %mul3A_558 : i32
    %sub3A_560 = arith.subi %mul3A_559, %select_n3A_555 : i32
    %sub3A_561 = arith.constant 2047 : i32
    %sub3A_562 = arith.subi %sub3A_560, %sub3A_561 : i32
    %mul3A_563 = arith.constant 32 : i32
    %mul3A_564 = arith.muli %select_n3A_539, %mul3A_563 : i32
    %get3A_565 = arith.index_cast %mul3A_564 : i32 to index
    %get3A_566 = tpu.vector_load %arg4[%get3A_565] {strides = array<i32>} : memref<256xf32, #tpu.memory_space<vmem>>, vector<16xf32>,
    %get3A_567 = vector.shape_cast %get3A_566 : vector<16xf32> to vector<16xf32>
    %add3A_568 = arith.constant 16 : i32
    %add3A_569 = arith.addi %mul3A_564, %add3A_568 : i32
    %get3A_570 = arith.index_cast %add3A_569 : i32 to index
    %get3A_571 = tpu.vector_load %arg4[%get3A_570] {strides = array<i32>} : memref<256xf32, #tpu.memory_space<vmem>>, vector<16xf32>,
    %get3A_572 = vector.shape_cast %get3A_571 : vector<16xf32> to vector<16xf32>
    %scan3A_573 = arith.constant 0 : i32
    %scan3A_574 = arith.constant 0 : i32
    %scan3A_575 = arith.constant 192 : i32
    %scan3A_576 = arith.addi %scan3A_574, %scan3A_575 : i32
    %scan3A_577 = arith.constant 1 : i32
    %scan3A_578 = scf.for %scan3A_580 = %scan3A_574 to %scan3A_576 step %scan3A_577 iter_args(%scan3A_581 = %scan3A_573) -> (i32)  : i32 {
      %mul3A_582 = arith.constant 16 : i32
      %mul3A_583 = arith.muli %scan3A_580, %mul3A_582 : i32
      %iota3A = tpu.iota {dimensions = array<i32: 0>} : vector<16xi32>
      %add3A_584 = vector.broadcast %mul3A_583 : i32 to vector<16xi32>
      %add3A_585 = arith.addi %add3A_584, %iota3A : vector<16xi32>
      %add3A_586 = vector.broadcast %sub3A_562 : i32 to vector<16xi32>
      %add3A_587 = arith.addi %add3A_585, %add3A_586 : vector<16xi32>
      %neg3A = arith.constant 0 : i32
      %neg3A_588 = vector.broadcast %neg3A : i32 to vector<16xi32>
      %neg3A_589 = arith.subi %neg3A_588, %add3A_587 : vector<16xi32>
      %lt3A_590 = arith.constant 0 : i32
      %lt3A_591 = vector.broadcast %lt3A_590 : i32 to vector<16xi32>
      %lt3A_592 = arith.cmpi slt, %neg3A_589, %lt3A_591 : vector<16xi32>
      %abs3A = math.absi %neg3A_589 : vector<16xi32>
      %ge3A = arith.constant 12 : i32
      %ge3A_593 = vector.broadcast %ge3A : i32 to vector<16xi32>
      %ge3A_594 = arith.cmpi sge, %abs3A, %ge3A_593 : vector<16xi32>
      %jit3A_595 = arith.constant 1 : i32
      %jit3A_596 = arith.constant 0 : i32
      %broadcast_in_dim3A = vector.broadcast %jit3A_595 : i32 to vector<16xi32>
      %broadcast_in_dim3A_597 = vector.broadcast %jit3A_596 : i32 to vector<16xi32>
      %select_n3A_598 = arith.select %ge3A_594, %broadcast_in_dim3A, %broadcast_in_dim3A_597 : vector<16xi1>, vector<16xi32>
      %add3A_599 = arith.constant 8 : i32
      %add3A_600 = vector.broadcast %add3A_599 : i32 to vector<16xi32>
      %add3A_601 = arith.addi %add3A_600, %select_n3A_598 : vector<16xi32>
      %ge3A_602 = arith.constant 16 : i32
      %ge3A_603 = vector.broadcast %ge3A_602 : i32 to vector<16xi32>
      %ge3A_604 = arith.cmpi sge, %abs3A, %ge3A_603 : vector<16xi32>
      %jit3A_605 = arith.constant 1 : i32
      %jit3A_606 = arith.constant 0 : i32
      %broadcast_in_dim3A_607 = vector.broadcast %jit3A_605 : i32 to vector<16xi32>
      %broadcast_in_dim3A_608 = vector.broadcast %jit3A_606 : i32 to vector<16xi32>
      %select_n3A_609 = arith.select %ge3A_604, %broadcast_in_dim3A_607, %broadcast_in_dim3A_608 : vector<16xi1>, vector<16xi32>
      %add3A_610 = arith.addi %add3A_601, %select_n3A_609 : vector<16xi32>
      %ge3A_611 = arith.constant 23 : i32
      %ge3A_612 = vector.broadcast %ge3A_611 : i32 to vector<16xi32>
      %ge3A_613 = arith.cmpi sge, %abs3A, %ge3A_612 : vector<16xi32>
      %jit3A_614 = arith.constant 1 : i32
      %jit3A_615 = arith.constant 0 : i32
      %broadcast_in_dim3A_616 = vector.broadcast %jit3A_614 : i32 to vector<16xi32>
      %broadcast_in_dim3A_617 = vector.broadcast %jit3A_615 : i32 to vector<16xi32>
      %select_n3A_618 = arith.select %ge3A_613, %broadcast_in_dim3A_616, %broadcast_in_dim3A_617 : vector<16xi1>, vector<16xi32>
      %add3A_619 = arith.addi %add3A_610, %select_n3A_618 : vector<16xi32>
      %ge3A_620 = arith.constant 32 : i32
      %ge3A_621 = vector.broadcast %ge3A_620 : i32 to vector<16xi32>
      %ge3A_622 = arith.cmpi sge, %abs3A, %ge3A_621 : vector<16xi32>
      %jit3A_623 = arith.constant 1 : i32
      %jit3A_624 = arith.constant 0 : i32
      %broadcast_in_dim3A_625 = vector.broadcast %jit3A_623 : i32 to vector<16xi32>
      %broadcast_in_dim3A_626 = vector.broadcast %jit3A_624 : i32 to vector<16xi32>
      %select_n3A_627 = arith.select %ge3A_622, %broadcast_in_dim3A_625, %broadcast_in_dim3A_626 : vector<16xi1>, vector<16xi32>
      %add3A_628 = arith.addi %add3A_619, %select_n3A_627 : vector<16xi32>
      %ge3A_629 = arith.constant 46 : i32
      %ge3A_630 = vector.broadcast %ge3A_629 : i32 to vector<16xi32>
      %ge3A_631 = arith.cmpi sge, %abs3A, %ge3A_630 : vector<16xi32>
      %jit3A_632 = arith.constant 1 : i32
      %jit3A_633 = arith.constant 0 : i32
      %broadcast_in_dim3A_634 = vector.broadcast %jit3A_632 : i32 to vector<16xi32>
      %broadcast_in_dim3A_635 = vector.broadcast %jit3A_633 : i32 to vector<16xi32>
      %select_n3A_636 = arith.select %ge3A_631, %broadcast_in_dim3A_634, %broadcast_in_dim3A_635 : vector<16xi1>, vector<16xi32>
      %add3A_637 = arith.addi %add3A_628, %select_n3A_636 : vector<16xi32>
      %ge3A_638 = arith.constant 64 : i32
      %ge3A_639 = vector.broadcast %ge3A_638 : i32 to vector<16xi32>
      %ge3A_640 = arith.cmpi sge, %abs3A, %ge3A_639 : vector<16xi32>
      %jit3A_641 = arith.constant 1 : i32
      %jit3A_642 = arith.constant 0 : i32
      %broadcast_in_dim3A_643 = vector.broadcast %jit3A_641 : i32 to vector<16xi32>
      %broadcast_in_dim3A_644 = vector.broadcast %jit3A_642 : i32 to vector<16xi32>
      %select_n3A_645 = arith.select %ge3A_640, %broadcast_in_dim3A_643, %broadcast_in_dim3A_644 : vector<16xi1>, vector<16xi32>
      %add3A_646 = arith.addi %add3A_637, %select_n3A_645 : vector<16xi32>
      %ge3A_647 = arith.constant 91 : i32
      %ge3A_648 = vector.broadcast %ge3A_647 : i32 to vector<16xi32>
      %ge3A_649 = arith.cmpi sge, %abs3A, %ge3A_648 : vector<16xi32>
      %jit3A_650 = arith.constant 1 : i32
      %jit3A_651 = arith.constant 0 : i32
      %broadcast_in_dim3A_652 = vector.broadcast %jit3A_650 : i32 to vector<16xi32>
      %broadcast_in_dim3A_653 = vector.broadcast %jit3A_651 : i32 to vector<16xi32>
      %select_n3A_654 = arith.select %ge3A_649, %broadcast_in_dim3A_652, %broadcast_in_dim3A_653 : vector<16xi1>, vector<16xi32>
      %add3A_655 = arith.addi %add3A_646, %select_n3A_654 : vector<16xi32>
      %lt3A_656 = arith.constant 8 : i32
      %lt3A_657 = vector.broadcast %lt3A_656 : i32 to vector<16xi32>
      %lt3A_658 = arith.cmpi slt, %abs3A, %lt3A_657 : vector<16xi32>
      %select_n3A_659 = arith.select %lt3A_658, %abs3A, %add3A_655 : vector<16xi1>, vector<16xi32>
      %broadcast_in_dim3A_660 = vector.shape_cast %select_n3A_659 : vector<16xi32> to vector<16x1xi32>
      %gather3A = vector.shape_cast %broadcast_in_dim3A_660 : vector<16x1xi32> to vector<16xi32>
      %gather3A_661 = tpu.dynamic_gather %get3A_567[%gather3A] in [0] : vector<16xf32>, vector<16xi32> -> vector<16xf32>
      %broadcast_in_dim3A_662 = vector.shape_cast %select_n3A_659 : vector<16xi32> to vector<16x1xi32>
      %gather3A_663 = vector.shape_cast %broadcast_in_dim3A_662 : vector<16x1xi32> to vector<16xi32>
      %gather3A_664 = tpu.dynamic_gather %get3A_572[%gather3A_663] in [0] : vector<16xf32>, vector<16xi32> -> vector<16xf32>
      %select_n3A_665 = arith.select %lt3A_592, %gather3A_664, %gather3A_661 : vector<16xi1>, vector<16xf32>
      %mul3A_666 = arith.constant 16 : i32
      %mul3A_667 = arith.muli %scan3A_580, %mul3A_666 : i32
      %swap3A_668 = arith.index_cast %mul3A_667 : i32 to index
      %swap3A_669 = tpu.vector_load %arg5[%swap3A_668] {strides = array<i32>} : memref<3072xf32, #tpu.memory_space<vmem>>, vector<16xf32>,
      %swap3A_670 = vector.shape_cast %swap3A_669 : vector<16xf32> to vector<16xf32>
      %swap3A_671 = vector.shape_cast %select_n3A_665 : vector<16xf32> to vector<16xf32>
      tpu.vector_store %arg5[%swap3A_668], %swap3A_671 {strides = array<i32>} : memref<3072xf32, #tpu.memory_space<vmem>>, vector<16xf32>,
      %scan3A_672 = arith.constant 0 : i32
      scf.yield %scan3A_672 : i32
    }
    %scan3A_579 = arith.constant 192 : i32
    "tpu.region"() ({
      %run_scoped3A = tpu.sem_alloc : memref<!tpu.dma_semaphore, #tpu.memory_space<semaphore_mem>>
      %dma_start3A = arith.constant 0 : i32
      %dma_start3A_580 = tpu.memref_slice %arg3[%select_n3A_499, %select_n3A_539, %select_n3A_555, %dma_start3A] : memref<2x8x8x3072xf32, #tpu.memory_space<hbm>> -> memref<1x1x1x3072xf32, #tpu.memory_space<hbm>>
      %dma_start3A_581 = tpu.memref_squeeze %dma_start3A_580 : memref<1x1x1x3072xf32, #tpu.memory_space<hbm>> -> memref<3072xf32, #tpu.memory_space<hbm>>
      %dma_start3A_582 = arith.constant 0 : i32
      %dma_start3A_583 = tpu.memref_slice %arg3[%select_n3A_499, %select_n3A_539, %select_n3A_555, %dma_start3A_582] : memref<2x8x8x3072xf32, #tpu.memory_space<hbm>> -> memref<1x1x1x3072xf32, #tpu.memory_space<hbm>>
      %dma_start3A_584 = tpu.memref_squeeze %dma_start3A_583 : memref<1x1x1x3072xf32, #tpu.memory_space<hbm>> -> memref<3072xf32, #tpu.memory_space<hbm>>
      tpu.enqueue_dma source(%arg5 : memref<3072xf32, #tpu.memory_space<vmem>>) target(%dma_start3A_584 : memref<3072xf32, #tpu.memory_space<hbm>>) target_semaphore(%run_scoped3A : memref<!tpu.dma_semaphore, #tpu.memory_space<semaphore_mem>>)
      %dma_wait3A = arith.constant 0 : i32
      %dma_wait3A_585 = tpu.memref_slice %arg3[%select_n3A_499, %select_n3A_539, %select_n3A_555, %dma_wait3A] : memref<2x8x8x3072xf32, #tpu.memory_space<hbm>> -> memref<1x1x1x3072xf32, #tpu.memory_space<hbm>>
      %dma_wait3A_586 = tpu.memref_squeeze %dma_wait3A_585 : memref<1x1x1x3072xf32, #tpu.memory_space<hbm>> -> memref<3072xf32, #tpu.memory_space<hbm>>
      %dma_wait3A_587 = arith.constant 0 : i32
      %dma_wait3A_588 = tpu.memref_slice %arg3[%select_n3A_499, %select_n3A_539, %select_n3A_555, %dma_wait3A_587] : memref<2x8x8x3072xf32, #tpu.memory_space<hbm>> -> memref<1x1x1x3072xf32, #tpu.memory_space<hbm>>
      %dma_wait3A_589 = tpu.memref_squeeze %dma_wait3A_588 : memref<1x1x1x3072xf32, #tpu.memory_space<hbm>> -> memref<3072xf32, #tpu.memory_space<hbm>>
      tpu.wait_dma2 semaphore(%run_scoped3A : memref<!tpu.dma_semaphore, #tpu.memory_space<semaphore_mem>>) src(%arg5 : memref<3072xf32, #tpu.memory_space<vmem>>) dst(%dma_wait3A_589 : memref<3072xf32, #tpu.memory_space<hbm>>)
      tpu.yield
    }) : () -> ()
    return
  }
}

module attributes {stable_mosaic.version = 14 : i64} {
  func.func @_add_kernel(%arg0: i32, %arg1: i32, %arg2: i32, %arg3: memref<1x1x1024x2048xf32, #tpu.memory_space<vmem>>, %arg4: memref<1x1x8x3072xf32, #tpu.memory_space<vmem>>, %arg5: memref<1x1x1024x2048xf32, #tpu.memory_space<vmem>>) attributes {dimension_semantics = [#tpu.dimension_semantics<parallel>, #tpu.dimension_semantics<parallel>, #tpu.dimension_semantics<arbitrary>], iteration_bounds = array<i64: 2, 8, 2>, scalar_prefetch = 0 : i64, scratch_operands = 0 : i64, tpu.core_type = #tpu.core_type<tc>, window_params = [{transform_indices = @transform_0, window_bounds = array<i64: 1, 1, 1024, 2048>}, {transform_indices = @transform_1, window_bounds = array<i64: 1, 1, 8, 3072>}, {transform_indices = @transform_2, window_bounds = array<i64: 1, 1, 1024, 2048>}]} {
    %get3A = arith.constant 0 : index
    %get3A_0 = arith.constant 0 : index
    %get3A_1 = arith.constant 0 : index
    %get3A_2 = arith.constant 1023 : index
    %get3A_3 = vector.load %arg4[%get3A, %get3A_0, %get3A_1, %get3A_2] : memref<1x1x8x3072xf32, #tpu.memory_space<vmem>>, vector<1x1x8x2048xf32>
    %get3A_4 = vector.shape_cast %get3A_3 : vector<1x1x8x2048xf32> to vector<8x2048xf32>
    %get3A_5 = arith.constant 0 : index
    %get3A_6 = arith.constant 0 : index
    %get3A_7 = arith.constant 0 : index
    %get3A_8 = arith.constant 0 : index
    %get3A_9 = vector.load %arg3[%get3A_5, %get3A_6, %get3A_7, %get3A_8] : memref<1x1x1024x2048xf32, #tpu.memory_space<vmem>>, vector<1x1x8x2048xf32>
    %get3A_10 = vector.shape_cast %get3A_9 : vector<1x1x8x2048xf32> to vector<8x2048xf32>
    %add3A = arith.addf %get3A_10, %get3A_4 : vector<8x2048xf32>
    %swap3A = arith.constant 0 : index
    %swap3A_11 = arith.constant 0 : index
    %swap3A_12 = arith.constant 0 : index
    %swap3A_13 = arith.constant 0 : index
    %swap3A_14 = vector.load %arg5[%swap3A, %swap3A_11, %swap3A_12, %swap3A_13] : memref<1x1x1024x2048xf32, #tpu.memory_space<vmem>>, vector<1x1x8x2048xf32>
    %swap3A_15 = vector.shape_cast %swap3A_14 : vector<1x1x8x2048xf32> to vector<8x2048xf32>
    %swap3A_16 = vector.shape_cast %add3A : vector<8x2048xf32> to vector<1x1x8x2048xf32>
    tpu.vector_store %arg5[%swap3A, %swap3A_11, %swap3A_12, %swap3A_13], %swap3A_16 {strides = array<i32>} : memref<1x1x1024x2048xf32, #tpu.memory_space<vmem>>, vector<1x1x8x2048xf32>,
    %get3A_17 = arith.constant 0 : index
    %get3A_18 = arith.constant 0 : index
    %get3A_19 = arith.constant 0 : index
    %get3A_20 = arith.constant 1015 : index
    %get3A_21 = vector.load %arg4[%get3A_17, %get3A_18, %get3A_19, %get3A_20] : memref<1x1x8x3072xf32, #tpu.memory_space<vmem>>, vector<1x1x8x2048xf32>
    %get3A_22 = vector.shape_cast %get3A_21 : vector<1x1x8x2048xf32> to vector<8x2048xf32>
    %get3A_23 = arith.constant 0 : index
    %get3A_24 = arith.constant 0 : index
    %get3A_25 = arith.constant 8 : index
    %get3A_26 = arith.constant 0 : index
    %get3A_27 = vector.load %arg3[%get3A_23, %get3A_24, %get3A_25, %get3A_26] : memref<1x1x1024x2048xf32, #tpu.memory_space<vmem>>, vector<1x1x8x2048xf32>
    %get3A_28 = vector.shape_cast %get3A_27 : vector<1x1x8x2048xf32> to vector<8x2048xf32>
    %add3A_29 = arith.addf %get3A_28, %get3A_22 : vector<8x2048xf32>
    %swap3A_30 = arith.constant 0 : index
    %swap3A_31 = arith.constant 0 : index
    %swap3A_32 = arith.constant 8 : index
    %swap3A_33 = arith.constant 0 : index
    %swap3A_34 = vector.load %arg5[%swap3A_30, %swap3A_31, %swap3A_32, %swap3A_33] : memref<1x1x1024x2048xf32, #tpu.memory_space<vmem>>, vector<1x1x8x2048xf32>
    %swap3A_35 = vector.shape_cast %swap3A_34 : vector<1x1x8x2048xf32> to vector<8x2048xf32>
    %swap3A_36 = vector.shape_cast %add3A_29 : vector<8x2048xf32> to vector<1x1x8x2048xf32>
    tpu.vector_store %arg5[%swap3A_30, %swap3A_31, %swap3A_32, %swap3A_33], %swap3A_36 {strides = array<i32>} : memref<1x1x1024x2048xf32, #tpu.memory_space<vmem>>, vector<1x1x8x2048xf32>,
    %get3A_37 = arith.constant 0 : index
    %get3A_38 = arith.constant 0 : index
    %get3A_39 = arith.constant 0 : index
    %get3A_40 = arith.constant 1007 : index
    %get3A_41 = vector.load %arg4[%get3A_37, %get3A_38, %get3A_39, %get3A_40] : memref<1x1x8x3072xf32, #tpu.memory_space<vmem>>, vector<1x1x8x2048xf32>
    %get3A_42 = vector.shape_cast %get3A_41 : vector<1x1x8x2048xf32> to vector<8x2048xf32>
    %get3A_43 = arith.constant 0 : index
    %get3A_44 = arith.constant 0 : index
    %get3A_45 = arith.constant 16 : index
    %get3A_46 = arith.constant 0 : index
    %get3A_47 = vector.load %arg3[%get3A_43, %get3A_44, %get3A_45, %get3A_46] : memref<1x1x1024x2048xf32, #tpu.memory_space<vmem>>, vector<1x1x8x2048xf32>
    %get3A_48 = vector.shape_cast %get3A_47 : vector<1x1x8x2048xf32> to vector<8x2048xf32>
    %add3A_49 = arith.addf %get3A_48, %get3A_42 : vector<8x2048xf32>
    %swap3A_50 = arith.constant 0 : index
    %swap3A_51 = arith.constant 0 : index
    %swap3A_52 = arith.constant 16 : index
    %swap3A_53 = arith.constant 0 : index
    %swap3A_54 = vector.load %arg5[%swap3A_50, %swap3A_51, %swap3A_52, %swap3A_53] : memref<1x1x1024x2048xf32, #tpu.memory_space<vmem>>, vector<1x1x8x2048xf32>
    %swap3A_55 = vector.shape_cast %swap3A_54 : vector<1x1x8x2048xf32> to vector<8x2048xf32>
    %swap3A_56 = vector.shape_cast %add3A_49 : vector<8x2048xf32> to vector<1x1x8x2048xf32>
    tpu.vector_store %arg5[%swap3A_50, %swap3A_51, %swap3A_52, %swap3A_53], %swap3A_56 {strides = array<i32>} : memref<1x1x1024x2048xf32, #tpu.memory_space<vmem>>, vector<1x1x8x2048xf32>,
    %get3A_57 = arith.constant 0 : index
    %get3A_58 = arith.constant 0 : index
    %get3A_59 = arith.constant 0 : index
    %get3A_60 = arith.constant 999 : index
    %get3A_61 = vector.load %arg4[%get3A_57, %get3A_58, %get3A_59, %get3A_60] : memref<1x1x8x3072xf32, #tpu.memory_space<vmem>>, vector<1x1x8x2048xf32>
    %get3A_62 = vector.shape_cast %get3A_61 : vector<1x1x8x2048xf32> to vector<8x2048xf32>
    %get3A_63 = arith.constant 0 : index
    %get3A_64 = arith.constant 0 : index
    %get3A_65 = arith.constant 24 : index
    %get3A_66 = arith.constant 0 : index
    %get3A_67 = vector.load %arg3[%get3A_63, %get3A_64, %get3A_65, %get3A_66] : memref<1x1x1024x2048xf32, #tpu.memory_space<vmem>>, vector<1x1x8x2048xf32>
    %get3A_68 = vector.shape_cast %get3A_67 : vector<1x1x8x2048xf32> to vector<8x2048xf32>
    %add3A_69 = arith.addf %get3A_68, %get3A_62 : vector<8x2048xf32>
    %swap3A_70 = arith.constant 0 : index
    %swap3A_71 = arith.constant 0 : index
    %swap3A_72 = arith.constant 24 : index
    %swap3A_73 = arith.constant 0 : index
    %swap3A_74 = vector.load %arg5[%swap3A_70, %swap3A_71, %swap3A_72, %swap3A_73] : memref<1x1x1024x2048xf32, #tpu.memory_space<vmem>>, vector<1x1x8x2048xf32>
    %swap3A_75 = vector.shape_cast %swap3A_74 : vector<1x1x8x2048xf32> to vector<8x2048xf32>
    %swap3A_76 = vector.shape_cast %add3A_69 : vector<8x2048xf32> to vector<1x1x8x2048xf32>
    tpu.vector_store %arg5[%swap3A_70, %swap3A_71, %swap3A_72, %swap3A_73], %swap3A_76 {strides = array<i32>} : memref<1x1x1024x2048xf32, #tpu.memory_space<vmem>>, vector<1x1x8x2048xf32>,
    %get3A_77 = arith.constant 0 : index
    %get3A_78 = arith.constant 0 : index
    %get3A_79 = arith.constant 0 : index
    %get3A_80 = arith.constant 991 : index
    %get3A_81 = vector.load %arg4[%get3A_77, %get3A_78, %get3A_79, %get3A_80] : memref<1x1x8x3072xf32, #tpu.memory_space<vmem>>, vector<1x1x8x2048xf32>
    %get3A_82 = vector.shape_cast %get3A_81 : vector<1x1x8x2048xf32> to vector<8x2048xf32>
    %get3A_83 = arith.constant 0 : index
    %get3A_84 = arith.constant 0 : index
    %get3A_85 = arith.constant 32 : index
    %get3A_86 = arith.constant 0 : index
    %get3A_87 = vector.load %arg3[%get3A_83, %get3A_84, %get3A_85, %get3A_86] : memref<1x1x1024x2048xf32, #tpu.memory_space<vmem>>, vector<1x1x8x2048xf32>
    %get3A_88 = vector.shape_cast %get3A_87 : vector<1x1x8x2048xf32> to vector<8x2048xf32>
    %add3A_89 = arith.addf %get3A_88, %get3A_82 : vector<8x2048xf32>
    %swap3A_90 = arith.constant 0 : index
    %swap3A_91 = arith.constant 0 : index
    %swap3A_92 = arith.constant 32 : index
    %swap3A_93 = arith.constant 0 : index
    %swap3A_94 = vector.load %arg5[%swap3A_90, %swap3A_91, %swap3A_92, %swap3A_93] : memref<1x1x1024x2048xf32, #tpu.memory_space<vmem>>, vector<1x1x8x2048xf32>
    %swap3A_95 = vector.shape_cast %swap3A_94 : vector<1x1x8x2048xf32> to vector<8x2048xf32>
    %swap3A_96 = vector.shape_cast %add3A_89 : vector<8x2048xf32> to vector<1x1x8x2048xf32>
    tpu.vector_store %arg5[%swap3A_90, %swap3A_91, %swap3A_92, %swap3A_93], %swap3A_96 {strides = array<i32>} : memref<1x1x1024x2048xf32, #tpu.memory_space<vmem>>, vector<1x1x8x2048xf32>,
    %get3A_97 = arith.constant 0 : index
    %get3A_98 = arith.constant 0 : index
    %get3A_99 = arith.constant 0 : index
    %get3A_100 = arith.constant 983 : index
    %get3A_101 = vector.load %arg4[%get3A_97, %get3A_98, %get3A_99, %get3A_100] : memref<1x1x8x3072xf32, #tpu.memory_space<vmem>>, vector<1x1x8x2048xf32>
    %get3A_102 = vector.shape_cast %get3A_101 : vector<1x1x8x2048xf32> to vector<8x2048xf32>
    %get3A_103 = arith.constant 0 : index
    %get3A_104 = arith.constant 0 : index
    %get3A_105 = arith.constant 40 : index
    %get3A_106 = arith.constant 0 : index
    %get3A_107 = vector.load %arg3[%get3A_103, %get3A_104, %get3A_105, %get3A_106] : memref<1x1x1024x2048xf32, #tpu.memory_space<vmem>>, vector<1x1x8x2048xf32>
    %get3A_108 = vector.shape_cast %get3A_107 : vector<1x1x8x2048xf32> to vector<8x2048xf32>
    %add3A_109 = arith.addf %get3A_108, %get3A_102 : vector<8x2048xf32>
    %swap3A_110 = arith.constant 0 : index
    %swap3A_111 = arith.constant 0 : index
    %swap3A_112 = arith.constant 40 : index
    %swap3A_113 = arith.constant 0 : index
    %swap3A_114 = vector.load %arg5[%swap3A_110, %swap3A_111, %swap3A_112, %swap3A_113] : memref<1x1x1024x2048xf32, #tpu.memory_space<vmem>>, vector<1x1x8x2048xf32>
    %swap3A_115 = vector.shape_cast %swap3A_114 : vector<1x1x8x2048xf32> to vector<8x2048xf32>
    %swap3A_116 = vector.shape_cast %add3A_109 : vector<8x2048xf32> to vector<1x1x8x2048xf32>
    tpu.vector_store %arg5[%swap3A_110, %swap3A_111, %swap3A_112, %swap3A_113], %swap3A_116 {strides = array<i32>} : memref<1x1x1024x2048xf32, #tpu.memory_space<vmem>>, vector<1x1x8x2048xf32>,
    %get3A_117 = arith.constant 0 : index
    %get3A_118 = arith.constant 0 : index
    %get3A_119 = arith.constant 0 : index
    %get3A_120 = arith.constant 975 : index
    %get3A_121 = vector.load %arg4[%get3A_117, %get3A_118, %get3A_119, %get3A_120] : memref<1x1x8x3072xf32, #tpu.memory_space<vmem>>, vector<1x1x8x2048xf32>
    %get3A_122 = vector.shape_cast %get3A_121 : vector<1x1x8x2048xf32> to vector<8x2048xf32>
    %get3A_123 = arith.constant 0 : index
    %get3A_124 = arith.constant 0 : index
    %get3A_125 = arith.constant 48 : index
    %get3A_126 = arith.constant 0 : index
    %get3A_127 = vector.load %arg3[%get3A_123, %get3A_124, %get3A_125, %get3A_126] : memref<1x1x1024x2048xf32, #tpu.memory_space<vmem>>, vector<1x1x8x2048xf32>
    %get3A_128 = vector.shape_cast %get3A_127 : vector<1x1x8x2048xf32> to vector<8x2048xf32>
    %add3A_129 = arith.addf %get3A_128, %get3A_122 : vector<8x2048xf32>
    %swap3A_130 = arith.constant 0 : index
    %swap3A_131 = arith.constant 0 : index
    %swap3A_132 = arith.constant 48 : index
    %swap3A_133 = arith.constant 0 : index
    %swap3A_134 = vector.load %arg5[%swap3A_130, %swap3A_131, %swap3A_132, %swap3A_133] : memref<1x1x1024x2048xf32, #tpu.memory_space<vmem>>, vector<1x1x8x2048xf32>
    %swap3A_135 = vector.shape_cast %swap3A_134 : vector<1x1x8x2048xf32> to vector<8x2048xf32>
    %swap3A_136 = vector.shape_cast %add3A_129 : vector<8x2048xf32> to vector<1x1x8x2048xf32>
    tpu.vector_store %arg5[%swap3A_130, %swap3A_131, %swap3A_132, %swap3A_133], %swap3A_136 {strides = array<i32>} : memref<1x1x1024x2048xf32, #tpu.memory_space<vmem>>, vector<1x1x8x2048xf32>,
    %get3A_137 = arith.constant 0 : index
    %get3A_138 = arith.constant 0 : index
    %get3A_139 = arith.constant 0 : index
    %get3A_140 = arith.constant 967 : index
    %get3A_141 = vector.load %arg4[%get3A_137, %get3A_138, %get3A_139, %get3A_140] : memref<1x1x8x3072xf32, #tpu.memory_space<vmem>>, vector<1x1x8x2048xf32>
    %get3A_142 = vector.shape_cast %get3A_141 : vector<1x1x8x2048xf32> to vector<8x2048xf32>
    %get3A_143 = arith.constant 0 : index
    %get3A_144 = arith.constant 0 : index
    %get3A_145 = arith.constant 56 : index
    %get3A_146 = arith.constant 0 : index
    %get3A_147 = vector.load %arg3[%get3A_143, %get3A_144, %get3A_145, %get3A_146] : memref<1x1x1024x2048xf32, #tpu.memory_space<vmem>>, vector<1x1x8x2048xf32>
    %get3A_148 = vector.shape_cast %get3A_147 : vector<1x1x8x2048xf32> to vector<8x2048xf32>
    %add3A_149 = arith.addf %get3A_148, %get3A_142 : vector<8x2048xf32>
    %swap3A_150 = arith.constant 0 : index
    %swap3A_151 = arith.constant 0 : index
    %swap3A_152 = arith.constant 56 : index
    %swap3A_153 = arith.constant 0 : index
    %swap3A_154 = vector.load %arg5[%swap3A_150, %swap3A_151, %swap3A_152, %swap3A_153] : memref<1x1x1024x2048xf32, #tpu.memory_space<vmem>>, vector<1x1x8x2048xf32>
    %swap3A_155 = vector.shape_cast %swap3A_154 : vector<1x1x8x2048xf32> to vector<8x2048xf32>
    %swap3A_156 = vector.shape_cast %add3A_149 : vector<8x2048xf32> to vector<1x1x8x2048xf32>
    tpu.vector_store %arg5[%swap3A_150, %swap3A_151, %swap3A_152, %swap3A_153], %swap3A_156 {strides = array<i32>} : memref<1x1x1024x2048xf32, #tpu.memory_space<vmem>>, vector<1x1x8x2048xf32>,
    %get3A_157 = arith.constant 0 : index
    %get3A_158 = arith.constant 0 : index
    %get3A_159 = arith.constant 0 : index
    %get3A_160 = arith.constant 959 : index
    %get3A_161 = vector.load %arg4[%get3A_157, %get3A_158, %get3A_159, %get3A_160] : memref<1x1x8x3072xf32, #tpu.memory_space<vmem>>, vector<1x1x8x2048xf32>
    %get3A_162 = vector.shape_cast %get3A_161 : vector<1x1x8x2048xf32> to vector<8x2048xf32>
    %get3A_163 = arith.constant 0 : index
    %get3A_164 = arith.constant 0 : index
    %get3A_165 = arith.constant 64 : index
    %get3A_166 = arith.constant 0 : index
    %get3A_167 = vector.load %arg3[%get3A_163, %get3A_164, %get3A_165, %get3A_166] : memref<1x1x1024x2048xf32, #tpu.memory_space<vmem>>, vector<1x1x8x2048xf32>
    %get3A_168 = vector.shape_cast %get3A_167 : vector<1x1x8x2048xf32> to vector<8x2048xf32>
    %add3A_169 = arith.addf %get3A_168, %get3A_162 : vector<8x2048xf32>
    %swap3A_170 = arith.constant 0 : index
    %swap3A_171 = arith.constant 0 : index
    %swap3A_172 = arith.constant 64 : index
    %swap3A_173 = arith.constant 0 : index
    %swap3A_174 = vector.load %arg5[%swap3A_170, %swap3A_171, %swap3A_172, %swap3A_173] : memref<1x1x1024x2048xf32, #tpu.memory_space<vmem>>, vector<1x1x8x2048xf32>
    %swap3A_175 = vector.shape_cast %swap3A_174 : vector<1x1x8x2048xf32> to vector<8x2048xf32>
    %swap3A_176 = vector.shape_cast %add3A_169 : vector<8x2048xf32> to vector<1x1x8x2048xf32>
    tpu.vector_store %arg5[%swap3A_170, %swap3A_171, %swap3A_172, %swap3A_173], %swap3A_176 {strides = array<i32>} : memref<1x1x1024x2048xf32, #tpu.memory_space<vmem>>, vector<1x1x8x2048xf32>,
    %get3A_177 = arith.constant 0 : index
    %get3A_178 = arith.constant 0 : index
    %get3A_179 = arith.constant 0 : index
    %get3A_180 = arith.constant 951 : index
    %get3A_181 = vector.load %arg4[%get3A_177, %get3A_178, %get3A_179, %get3A_180] : memref<1x1x8x3072xf32, #tpu.memory_space<vmem>>, vector<1x1x8x2048xf32>
    %get3A_182 = vector.shape_cast %get3A_181 : vector<1x1x8x2048xf32> to vector<8x2048xf32>
    %get3A_183 = arith.constant 0 : index
    %get3A_184 = arith.constant 0 : index
    %get3A_185 = arith.constant 72 : index
    %get3A_186 = arith.constant 0 : index
    %get3A_187 = vector.load %arg3[%get3A_183, %get3A_184, %get3A_185, %get3A_186] : memref<1x1x1024x2048xf32, #tpu.memory_space<vmem>>, vector<1x1x8x2048xf32>
    %get3A_188 = vector.shape_cast %get3A_187 : vector<1x1x8x2048xf32> to vector<8x2048xf32>
    %add3A_189 = arith.addf %get3A_188, %get3A_182 : vector<8x2048xf32>
    %swap3A_190 = arith.constant 0 : index
    %swap3A_191 = arith.constant 0 : index
    %swap3A_192 = arith.constant 72 : index
    %swap3A_193 = arith.constant 0 : index
    %swap3A_194 = vector.load %arg5[%swap3A_190, %swap3A_191, %swap3A_192, %swap3A_193] : memref<1x1x1024x2048xf32, #tpu.memory_space<vmem>>, vector<1x1x8x2048xf32>
    %swap3A_195 = vector.shape_cast %swap3A_194 : vector<1x1x8x2048xf32> to vector<8x2048xf32>
    %swap3A_196 = vector.shape_cast %add3A_189 : vector<8x2048xf32> to vector<1x1x8x2048xf32>
    tpu.vector_store %arg5[%swap3A_190, %swap3A_191, %swap3A_192, %swap3A_193], %swap3A_196 {strides = array<i32>} : memref<1x1x1024x2048xf32, #tpu.memory_space<vmem>>, vector<1x1x8x2048xf32>,
    %get3A_197 = arith.constant 0 : index
    %get3A_198 = arith.constant 0 : index
    %get3A_199 = arith.constant 0 : index
    %get3A_200 = arith.constant 943 : index
    %get3A_201 = vector.load %arg4[%get3A_197, %get3A_198, %get3A_199, %get3A_200] : memref<1x1x8x3072xf32, #tpu.memory_space<vmem>>, vector<1x1x8x2048xf32>
    %get3A_202 = vector.shape_cast %get3A_201 : vector<1x1x8x2048xf32> to vector<8x2048xf32>
    %get3A_203 = arith.constant 0 : index
    %get3A_204 = arith.constant 0 : index
    %get3A_205 = arith.constant 80 : index
    %get3A_206 = arith.constant 0 : index
    %get3A_207 = vector.load %arg3[%get3A_203, %get3A_204, %get3A_205, %get3A_206] : memref<1x1x1024x2048xf32, #tpu.memory_space<vmem>>, vector<1x1x8x2048xf32>
    %get3A_208 = vector.shape_cast %get3A_207 : vector<1x1x8x2048xf32> to vector<8x2048xf32>
    %add3A_209 = arith.addf %get3A_208, %get3A_202 : vector<8x2048xf32>
    %swap3A_210 = arith.constant 0 : index
    %swap3A_211 = arith.constant 0 : index
    %swap3A_212 = arith.constant 80 : index
    %swap3A_213 = arith.constant 0 : index
    %swap3A_214 = vector.load %arg5[%swap3A_210, %swap3A_211, %swap3A_212, %swap3A_213] : memref<1x1x1024x2048xf32, #tpu.memory_space<vmem>>, vector<1x1x8x2048xf32>
    %swap3A_215 = vector.shape_cast %swap3A_214 : vector<1x1x8x2048xf32> to vector<8x2048xf32>
    %swap3A_216 = vector.shape_cast %add3A_209 : vector<8x2048xf32> to vector<1x1x8x2048xf32>
    tpu.vector_store %arg5[%swap3A_210, %swap3A_211, %swap3A_212, %swap3A_213], %swap3A_216 {strides = array<i32>} : memref<1x1x1024x2048xf32, #tpu.memory_space<vmem>>, vector<1x1x8x2048xf32>,
    %get3A_217 = arith.constant 0 : index
    %get3A_218 = arith.constant 0 : index
    %get3A_219 = arith.constant 0 : index
    %get3A_220 = arith.constant 935 : index
    %get3A_221 = vector.load %arg4[%get3A_217, %get3A_218, %get3A_219, %get3A_220] : memref<1x1x8x3072xf32, #tpu.memory_space<vmem>>, vector<1x1x8x2048xf32>
    %get3A_222 = vector.shape_cast %get3A_221 : vector<1x1x8x2048xf32> to vector<8x2048xf32>
    %get3A_223 = arith.constant 0 : index
    %get3A_224 = arith.constant 0 : index
    %get3A_225 = arith.constant 88 : index
    %get3A_226 = arith.constant 0 : index
    %get3A_227 = vector.load %arg3[%get3A_223, %get3A_224, %get3A_225, %get3A_226] : memref<1x1x1024x2048xf32, #tpu.memory_space<vmem>>, vector<1x1x8x2048xf32>
    %get3A_228 = vector.shape_cast %get3A_227 : vector<1x1x8x2048xf32> to vector<8x2048xf32>
    %add3A_229 = arith.addf %get3A_228, %get3A_222 : vector<8x2048xf32>
    %swap3A_230 = arith.constant 0 : index
    %swap3A_231 = arith.constant 0 : index
    %swap3A_232 = arith.constant 88 : index
    %swap3A_233 = arith.constant 0 : index
    %swap3A_234 = vector.load %arg5[%swap3A_230, %swap3A_231, %swap3A_232, %swap3A_233] : memref<1x1x1024x2048xf32, #tpu.memory_space<vmem>>, vector<1x1x8x2048xf32>
    %swap3A_235 = vector.shape_cast %swap3A_234 : vector<1x1x8x2048xf32> to vector<8x2048xf32>
    %swap3A_236 = vector.shape_cast %add3A_229 : vector<8x2048xf32> to vector<1x1x8x2048xf32>
    tpu.vector_store %arg5[%swap3A_230, %swap3A_231, %swap3A_232, %swap3A_233], %swap3A_236 {strides = array<i32>} : memref<1x1x1024x2048xf32, #tpu.memory_space<vmem>>, vector<1x1x8x2048xf32>,
    %get3A_237 = arith.constant 0 : index
    %get3A_238 = arith.constant 0 : index
    %get3A_239 = arith.constant 0 : index
    %get3A_240 = arith.constant 927 : index
    %get3A_241 = vector.load %arg4[%get3A_237, %get3A_238, %get3A_239, %get3A_240] : memref<1x1x8x3072xf32, #tpu.memory_space<vmem>>, vector<1x1x8x2048xf32>
    %get3A_242 = vector.shape_cast %get3A_241 : vector<1x1x8x2048xf32> to vector<8x2048xf32>
    %get3A_243 = arith.constant 0 : index
    %get3A_244 = arith.constant 0 : index
    %get3A_245 = arith.constant 96 : index
    %get3A_246 = arith.constant 0 : index
    %get3A_247 = vector.load %arg3[%get3A_243, %get3A_244, %get3A_245, %get3A_246] : memref<1x1x1024x2048xf32, #tpu.memory_space<vmem>>, vector<1x1x8x2048xf32>
    %get3A_248 = vector.shape_cast %get3A_247 : vector<1x1x8x2048xf32> to vector<8x2048xf32>
    %add3A_249 = arith.addf %get3A_248, %get3A_242 : vector<8x2048xf32>
    %swap3A_250 = arith.constant 0 : index
    %swap3A_251 = arith.constant 0 : index
    %swap3A_252 = arith.constant 96 : index
    %swap3A_253 = arith.constant 0 : index
    %swap3A_254 = vector.load %arg5[%swap3A_250, %swap3A_251, %swap3A_252, %swap3A_253] : memref<1x1x1024x2048xf32, #tpu.memory_space<vmem>>, vector<1x1x8x2048xf32>
    %swap3A_255 = vector.shape_cast %swap3A_254 : vector<1x1x8x2048xf32> to vector<8x2048xf32>
    %swap3A_256 = vector.shape_cast %add3A_249 : vector<8x2048xf32> to vector<1x1x8x2048xf32>
    tpu.vector_store %arg5[%swap3A_250, %swap3A_251, %swap3A_252, %swap3A_253], %swap3A_256 {strides = array<i32>} : memref<1x1x1024x2048xf32, #tpu.memory_space<vmem>>, vector<1x1x8x2048xf32>,
    %get3A_257 = arith.constant 0 : index
    %get3A_258 = arith.constant 0 : index
    %get3A_259 = arith.constant 0 : index
    %get3A_260 = arith.constant 919 : index
    %get3A_261 = vector.load %arg4[%get3A_257, %get3A_258, %get3A_259, %get3A_260] : memref<1x1x8x3072xf32, #tpu.memory_space<vmem>>, vector<1x1x8x2048xf32>
    %get3A_262 = vector.shape_cast %get3A_261 : vector<1x1x8x2048xf32> to vector<8x2048xf32>
    %get3A_263 = arith.constant 0 : index
    %get3A_264 = arith.constant 0 : index
    %get3A_265 = arith.constant 104 : index
    %get3A_266 = arith.constant 0 : index
    %get3A_267 = vector.load %arg3[%get3A_263, %get3A_264, %get3A_265, %get3A_266] : memref<1x1x1024x2048xf32, #tpu.memory_space<vmem>>, vector<1x1x8x2048xf32>
    %get3A_268 = vector.shape_cast %get3A_267 : vector<1x1x8x2048xf32> to vector<8x2048xf32>
    %add3A_269 = arith.addf %get3A_268, %get3A_262 : vector<8x2048xf32>
    %swap3A_270 = arith.constant 0 : index
    %swap3A_271 = arith.constant 0 : index
    %swap3A_272 = arith.constant 104 : index
    %swap3A_273 = arith.constant 0 : index
    %swap3A_274 = vector.load %arg5[%swap3A_270, %swap3A_271, %swap3A_272, %swap3A_273] : memref<1x1x1024x2048xf32, #tpu.memory_space<vmem>>, vector<1x1x8x2048xf32>
    %swap3A_275 = vector.shape_cast %swap3A_274 : vector<1x1x8x2048xf32> to vector<8x2048xf32>
    %swap3A_276 = vector.shape_cast %add3A_269 : vector<8x2048xf32> to vector<1x1x8x2048xf32>
    tpu.vector_store %arg5[%swap3A_270, %swap3A_271, %swap3A_272, %swap3A_273], %swap3A_276 {strides = array<i32>} : memref<1x1x1024x2048xf32, #tpu.memory_space<vmem>>, vector<1x1x8x2048xf32>,
    %get3A_277 = arith.constant 0 : index
    %get3A_278 = arith.constant 0 : index
    %get3A_279 = arith.constant 0 : index
    %get3A_280 = arith.constant 911 : index
    %get3A_281 = vector.load %arg4[%get3A_277, %get3A_278, %get3A_279, %get3A_280] : memref<1x1x8x3072xf32, #tpu.memory_space<vmem>>, vector<1x1x8x2048xf32>
    %get3A_282 = vector.shape_cast %get3A_281 : vector<1x1x8x2048xf32> to vector<8x2048xf32>
    %get3A_283 = arith.constant 0 : index
    %get3A_284 = arith.constant 0 : index
    %get3A_285 = arith.constant 112 : index
    %get3A_286 = arith.constant 0 : index
    %get3A_287 = vector.load %arg3[%get3A_283, %get3A_284, %get3A_285, %get3A_286] : memref<1x1x1024x2048xf32, #tpu.memory_space<vmem>>, vector<1x1x8x2048xf32>
    %get3A_288 = vector.shape_cast %get3A_287 : vector<1x1x8x2048xf32> to vector<8x2048xf32>
    %add3A_289 = arith.addf %get3A_288, %get3A_282 : vector<8x2048xf32>
    %swap3A_290 = arith.constant 0 : index
    %swap3A_291 = arith.constant 0 : index
    %swap3A_292 = arith.constant 112 : index
    %swap3A_293 = arith.constant 0 : index
    %swap3A_294 = vector.load %arg5[%swap3A_290, %swap3A_291, %swap3A_292, %swap3A_293] : memref<1x1x1024x2048xf32, #tpu.memory_space<vmem>>, vector<1x1x8x2048xf32>
    %swap3A_295 = vector.shape_cast %swap3A_294 : vector<1x1x8x2048xf32> to vector<8x2048xf32>
    %swap3A_296 = vector.shape_cast %add3A_289 : vector<8x2048xf32> to vector<1x1x8x2048xf32>
    tpu.vector_store %arg5[%swap3A_290, %swap3A_291, %swap3A_292, %swap3A_293], %swap3A_296 {strides = array<i32>} : memref<1x1x1024x2048xf32, #tpu.memory_space<vmem>>, vector<1x1x8x2048xf32>,
    %get3A_297 = arith.constant 0 : index
    %get3A_298 = arith.constant 0 : index
    %get3A_299 = arith.constant 0 : index
    %get3A_300 = arith.constant 903 : index
    %get3A_301 = vector.load %arg4[%get3A_297, %get3A_298, %get3A_299, %get3A_300] : memref<1x1x8x3072xf32, #tpu.memory_space<vmem>>, vector<1x1x8x2048xf32>
    %get3A_302 = vector.shape_cast %get3A_301 : vector<1x1x8x2048xf32> to vector<8x2048xf32>
    %get3A_303 = arith.constant 0 : index
    %get3A_304 = arith.constant 0 : index
    %get3A_305 = arith.constant 120 : index
    %get3A_306 = arith.constant 0 : index
    %get3A_307 = vector.load %arg3[%get3A_303, %get3A_304, %get3A_305, %get3A_306] : memref<1x1x1024x2048xf32, #tpu.memory_space<vmem>>, vector<1x1x8x2048xf32>
    %get3A_308 = vector.shape_cast %get3A_307 : vector<1x1x8x2048xf32> to vector<8x2048xf32>
    %add3A_309 = arith.addf %get3A_308, %get3A_302 : vector<8x2048xf32>
    %swap3A_310 = arith.constant 0 : index
    %swap3A_311 = arith.constant 0 : index
    %swap3A_312 = arith.constant 120 : index
    %swap3A_313 = arith.constant 0 : index
    %swap3A_314 = vector.load %arg5[%swap3A_310, %swap3A_311, %swap3A_312, %swap3A_313] : memref<1x1x1024x2048xf32, #tpu.memory_space<vmem>>, vector<1x1x8x2048xf32>
    %swap3A_315 = vector.shape_cast %swap3A_314 : vector<1x1x8x2048xf32> to vector<8x2048xf32>
    %swap3A_316 = vector.shape_cast %add3A_309 : vector<8x2048xf32> to vector<1x1x8x2048xf32>
    tpu.vector_store %arg5[%swap3A_310, %swap3A_311, %swap3A_312, %swap3A_313], %swap3A_316 {strides = array<i32>} : memref<1x1x1024x2048xf32, #tpu.memory_space<vmem>>, vector<1x1x8x2048xf32>,
    %get3A_317 = arith.constant 0 : index
    %get3A_318 = arith.constant 0 : index
    %get3A_319 = arith.constant 0 : index
    %get3A_320 = arith.constant 895 : index
    %get3A_321 = vector.load %arg4[%get3A_317, %get3A_318, %get3A_319, %get3A_320] : memref<1x1x8x3072xf32, #tpu.memory_space<vmem>>, vector<1x1x8x2048xf32>
    %get3A_322 = vector.shape_cast %get3A_321 : vector<1x1x8x2048xf32> to vector<8x2048xf32>
    %get3A_323 = arith.constant 0 : index
    %get3A_324 = arith.constant 0 : index
    %get3A_325 = arith.constant 128 : index
    %get3A_326 = arith.constant 0 : index
    %get3A_327 = vector.load %arg3[%get3A_323, %get3A_324, %get3A_325, %get3A_326] : memref<1x1x1024x2048xf32, #tpu.memory_space<vmem>>, vector<1x1x8x2048xf32>
    %get3A_328 = vector.shape_cast %get3A_327 : vector<1x1x8x2048xf32> to vector<8x2048xf32>
    %add3A_329 = arith.addf %get3A_328, %get3A_322 : vector<8x2048xf32>
    %swap3A_330 = arith.constant 0 : index
    %swap3A_331 = arith.constant 0 : index
    %swap3A_332 = arith.constant 128 : index
    %swap3A_333 = arith.constant 0 : index
    %swap3A_334 = vector.load %arg5[%swap3A_330, %swap3A_331, %swap3A_332, %swap3A_333] : memref<1x1x1024x2048xf32, #tpu.memory_space<vmem>>, vector<1x1x8x2048xf32>
    %swap3A_335 = vector.shape_cast %swap3A_334 : vector<1x1x8x2048xf32> to vector<8x2048xf32>
    %swap3A_336 = vector.shape_cast %add3A_329 : vector<8x2048xf32> to vector<1x1x8x2048xf32>
    tpu.vector_store %arg5[%swap3A_330, %swap3A_331, %swap3A_332, %swap3A_333], %swap3A_336 {strides = array<i32>} : memref<1x1x1024x2048xf32, #tpu.memory_space<vmem>>, vector<1x1x8x2048xf32>,
    %get3A_337 = arith.constant 0 : index
    %get3A_338 = arith.constant 0 : index
    %get3A_339 = arith.constant 0 : index
    %get3A_340 = arith.constant 887 : index
    %get3A_341 = vector.load %arg4[%get3A_337, %get3A_338, %get3A_339, %get3A_340] : memref<1x1x8x3072xf32, #tpu.memory_space<vmem>>, vector<1x1x8x2048xf32>
    %get3A_342 = vector.shape_cast %get3A_341 : vector<1x1x8x2048xf32> to vector<8x2048xf32>
    %get3A_343 = arith.constant 0 : index
    %get3A_344 = arith.constant 0 : index
    %get3A_345 = arith.constant 136 : index
    %get3A_346 = arith.constant 0 : index
    %get3A_347 = vector.load %arg3[%get3A_343, %get3A_344, %get3A_345, %get3A_346] : memref<1x1x1024x2048xf32, #tpu.memory_space<vmem>>, vector<1x1x8x2048xf32>
    %get3A_348 = vector.shape_cast %get3A_347 : vector<1x1x8x2048xf32> to vector<8x2048xf32>
    %add3A_349 = arith.addf %get3A_348, %get3A_342 : vector<8x2048xf32>
    %swap3A_350 = arith.constant 0 : index
    %swap3A_351 = arith.constant 0 : index
    %swap3A_352 = arith.constant 136 : index
    %swap3A_353 = arith.constant 0 : index
    %swap3A_354 = vector.load %arg5[%swap3A_350, %swap3A_351, %swap3A_352, %swap3A_353] : memref<1x1x1024x2048xf32, #tpu.memory_space<vmem>>, vector<1x1x8x2048xf32>
    %swap3A_355 = vector.shape_cast %swap3A_354 : vector<1x1x8x2048xf32> to vector<8x2048xf32>
    %swap3A_356 = vector.shape_cast %add3A_349 : vector<8x2048xf32> to vector<1x1x8x2048xf32>
    tpu.vector_store %arg5[%swap3A_350, %swap3A_351, %swap3A_352, %swap3A_353], %swap3A_356 {strides = array<i32>} : memref<1x1x1024x2048xf32, #tpu.memory_space<vmem>>, vector<1x1x8x2048xf32>,
    %get3A_357 = arith.constant 0 : index
    %get3A_358 = arith.constant 0 : index
    %get3A_359 = arith.constant 0 : index
    %get3A_360 = arith.constant 879 : index
    %get3A_361 = vector.load %arg4[%get3A_357, %get3A_358, %get3A_359, %get3A_360] : memref<1x1x8x3072xf32, #tpu.memory_space<vmem>>, vector<1x1x8x2048xf32>
    %get3A_362 = vector.shape_cast %get3A_361 : vector<1x1x8x2048xf32> to vector<8x2048xf32>
    %get3A_363 = arith.constant 0 : index
    %get3A_364 = arith.constant 0 : index
    %get3A_365 = arith.constant 144 : index
    %get3A_366 = arith.constant 0 : index
    %get3A_367 = vector.load %arg3[%get3A_363, %get3A_364, %get3A_365, %get3A_366] : memref<1x1x1024x2048xf32, #tpu.memory_space<vmem>>, vector<1x1x8x2048xf32>
    %get3A_368 = vector.shape_cast %get3A_367 : vector<1x1x8x2048xf32> to vector<8x2048xf32>
    %add3A_369 = arith.addf %get3A_368, %get3A_362 : vector<8x2048xf32>
    %swap3A_370 = arith.constant 0 : index
    %swap3A_371 = arith.constant 0 : index
    %swap3A_372 = arith.constant 144 : index
    %swap3A_373 = arith.constant 0 : index
    %swap3A_374 = vector.load %arg5[%swap3A_370, %swap3A_371, %swap3A_372, %swap3A_373] : memref<1x1x1024x2048xf32, #tpu.memory_space<vmem>>, vector<1x1x8x2048xf32>
    %swap3A_375 = vector.shape_cast %swap3A_374 : vector<1x1x8x2048xf32> to vector<8x2048xf32>
    %swap3A_376 = vector.shape_cast %add3A_369 : vector<8x2048xf32> to vector<1x1x8x2048xf32>
    tpu.vector_store %arg5[%swap3A_370, %swap3A_371, %swap3A_372, %swap3A_373], %swap3A_376 {strides = array<i32>} : memref<1x1x1024x2048xf32, #tpu.memory_space<vmem>>, vector<1x1x8x2048xf32>,
    %get3A_377 = arith.constant 0 : index
    %get3A_378 = arith.constant 0 : index
    %get3A_379 = arith.constant 0 : index
    %get3A_380 = arith.constant 871 : index
    %get3A_381 = vector.load %arg4[%get3A_377, %get3A_378, %get3A_379, %get3A_380] : memref<1x1x8x3072xf32, #tpu.memory_space<vmem>>, vector<1x1x8x2048xf32>
    %get3A_382 = vector.shape_cast %get3A_381 : vector<1x1x8x2048xf32> to vector<8x2048xf32>
    %get3A_383 = arith.constant 0 : index
    %get3A_384 = arith.constant 0 : index
    %get3A_385 = arith.constant 152 : index
    %get3A_386 = arith.constant 0 : index
    %get3A_387 = vector.load %arg3[%get3A_383, %get3A_384, %get3A_385, %get3A_386] : memref<1x1x1024x2048xf32, #tpu.memory_space<vmem>>, vector<1x1x8x2048xf32>
    %get3A_388 = vector.shape_cast %get3A_387 : vector<1x1x8x2048xf32> to vector<8x2048xf32>
    %add3A_389 = arith.addf %get3A_388, %get3A_382 : vector<8x2048xf32>
    %swap3A_390 = arith.constant 0 : index
    %swap3A_391 = arith.constant 0 : index
    %swap3A_392 = arith.constant 152 : index
    %swap3A_393 = arith.constant 0 : index
    %swap3A_394 = vector.load %arg5[%swap3A_390, %swap3A_391, %swap3A_392, %swap3A_393] : memref<1x1x1024x2048xf32, #tpu.memory_space<vmem>>, vector<1x1x8x2048xf32>
    %swap3A_395 = vector.shape_cast %swap3A_394 : vector<1x1x8x2048xf32> to vector<8x2048xf32>
    %swap3A_396 = vector.shape_cast %add3A_389 : vector<8x2048xf32> to vector<1x1x8x2048xf32>
    tpu.vector_store %arg5[%swap3A_390, %swap3A_391, %swap3A_392, %swap3A_393], %swap3A_396 {strides = array<i32>} : memref<1x1x1024x2048xf32, #tpu.memory_space<vmem>>, vector<1x1x8x2048xf32>,
    %get3A_397 = arith.constant 0 : index
    %get3A_398 = arith.constant 0 : index
    %get3A_399 = arith.constant 0 : index
    %get3A_400 = arith.constant 863 : index
    %get3A_401 = vector.load %arg4[%get3A_397, %get3A_398, %get3A_399, %get3A_400] : memref<1x1x8x3072xf32, #tpu.memory_space<vmem>>, vector<1x1x8x2048xf32>
    %get3A_402 = vector.shape_cast %get3A_401 : vector<1x1x8x2048xf32> to vector<8x2048xf32>
    %get3A_403 = arith.constant 0 : index
    %get3A_404 = arith.constant 0 : index
    %get3A_405 = arith.constant 160 : index
    %get3A_406 = arith.constant 0 : index
    %get3A_407 = vector.load %arg3[%get3A_403, %get3A_404, %get3A_405, %get3A_406] : memref<1x1x1024x2048xf32, #tpu.memory_space<vmem>>, vector<1x1x8x2048xf32>
    %get3A_408 = vector.shape_cast %get3A_407 : vector<1x1x8x2048xf32> to vector<8x2048xf32>
    %add3A_409 = arith.addf %get3A_408, %get3A_402 : vector<8x2048xf32>
    %swap3A_410 = arith.constant 0 : index
    %swap3A_411 = arith.constant 0 : index
    %swap3A_412 = arith.constant 160 : index
    %swap3A_413 = arith.constant 0 : index
    %swap3A_414 = vector.load %arg5[%swap3A_410, %swap3A_411, %swap3A_412, %swap3A_413] : memref<1x1x1024x2048xf32, #tpu.memory_space<vmem>>, vector<1x1x8x2048xf32>
    %swap3A_415 = vector.shape_cast %swap3A_414 : vector<1x1x8x2048xf32> to vector<8x2048xf32>
    %swap3A_416 = vector.shape_cast %add3A_409 : vector<8x2048xf32> to vector<1x1x8x2048xf32>
    tpu.vector_store %arg5[%swap3A_410, %swap3A_411, %swap3A_412, %swap3A_413], %swap3A_416 {strides = array<i32>} : memref<1x1x1024x2048xf32, #tpu.memory_space<vmem>>, vector<1x1x8x2048xf32>,
    %get3A_417 = arith.constant 0 : index
    %get3A_418 = arith.constant 0 : index
    %get3A_419 = arith.constant 0 : index
    %get3A_420 = arith.constant 855 : index
    %get3A_421 = vector.load %arg4[%get3A_417, %get3A_418, %get3A_419, %get3A_420] : memref<1x1x8x3072xf32, #tpu.memory_space<vmem>>, vector<1x1x8x2048xf32>
    %get3A_422 = vector.shape_cast %get3A_421 : vector<1x1x8x2048xf32> to vector<8x2048xf32>
    %get3A_423 = arith.constant 0 : index
    %get3A_424 = arith.constant 0 : index
    %get3A_425 = arith.constant 168 : index
    %get3A_426 = arith.constant 0 : index
    %get3A_427 = vector.load %arg3[%get3A_423, %get3A_424, %get3A_425, %get3A_426] : memref<1x1x1024x2048xf32, #tpu.memory_space<vmem>>, vector<1x1x8x2048xf32>
    %get3A_428 = vector.shape_cast %get3A_427 : vector<1x1x8x2048xf32> to vector<8x2048xf32>
    %add3A_429 = arith.addf %get3A_428, %get3A_422 : vector<8x2048xf32>
    %swap3A_430 = arith.constant 0 : index
    %swap3A_431 = arith.constant 0 : index
    %swap3A_432 = arith.constant 168 : index
    %swap3A_433 = arith.constant 0 : index
    %swap3A_434 = vector.load %arg5[%swap3A_430, %swap3A_431, %swap3A_432, %swap3A_433] : memref<1x1x1024x2048xf32, #tpu.memory_space<vmem>>, vector<1x1x8x2048xf32>
    %swap3A_435 = vector.shape_cast %swap3A_434 : vector<1x1x8x2048xf32> to vector<8x2048xf32>
    %swap3A_436 = vector.shape_cast %add3A_429 : vector<8x2048xf32> to vector<1x1x8x2048xf32>
    tpu.vector_store %arg5[%swap3A_430, %swap3A_431, %swap3A_432, %swap3A_433], %swap3A_436 {strides = array<i32>} : memref<1x1x1024x2048xf32, #tpu.memory_space<vmem>>, vector<1x1x8x2048xf32>,
    %get3A_437 = arith.constant 0 : index
    %get3A_438 = arith.constant 0 : index
    %get3A_439 = arith.constant 0 : index
    %get3A_440 = arith.constant 847 : index
    %get3A_441 = vector.load %arg4[%get3A_437, %get3A_438, %get3A_439, %get3A_440] : memref<1x1x8x3072xf32, #tpu.memory_space<vmem>>, vector<1x1x8x2048xf32>
    %get3A_442 = vector.shape_cast %get3A_441 : vector<1x1x8x2048xf32> to vector<8x2048xf32>
    %get3A_443 = arith.constant 0 : index
    %get3A_444 = arith.constant 0 : index
    %get3A_445 = arith.constant 176 : index
    %get3A_446 = arith.constant 0 : index
    %get3A_447 = vector.load %arg3[%get3A_443, %get3A_444, %get3A_445, %get3A_446] : memref<1x1x1024x2048xf32, #tpu.memory_space<vmem>>, vector<1x1x8x2048xf32>
    %get3A_448 = vector.shape_cast %get3A_447 : vector<1x1x8x2048xf32> to vector<8x2048xf32>
    %add3A_449 = arith.addf %get3A_448, %get3A_442 : vector<8x2048xf32>
    %swap3A_450 = arith.constant 0 : index
    %swap3A_451 = arith.constant 0 : index
    %swap3A_452 = arith.constant 176 : index
    %swap3A_453 = arith.constant 0 : index
    %swap3A_454 = vector.load %arg5[%swap3A_450, %swap3A_451, %swap3A_452, %swap3A_453] : memref<1x1x1024x2048xf32, #tpu.memory_space<vmem>>, vector<1x1x8x2048xf32>
    %swap3A_455 = vector.shape_cast %swap3A_454 : vector<1x1x8x2048xf32> to vector<8x2048xf32>
    %swap3A_456 = vector.shape_cast %add3A_449 : vector<8x2048xf32> to vector<1x1x8x2048xf32>
    tpu.vector_store %arg5[%swap3A_450, %swap3A_451, %swap3A_452, %swap3A_453], %swap3A_456 {strides = array<i32>} : memref<1x1x1024x2048xf32, #tpu.memory_space<vmem>>, vector<1x1x8x2048xf32>,
    %get3A_457 = arith.constant 0 : index
    %get3A_458 = arith.constant 0 : index
    %get3A_459 = arith.constant 0 : index
    %get3A_460 = arith.constant 839 : index
    %get3A_461 = vector.load %arg4[%get3A_457, %get3A_458, %get3A_459, %get3A_460] : memref<1x1x8x3072xf32, #tpu.memory_space<vmem>>, vector<1x1x8x2048xf32>
    %get3A_462 = vector.shape_cast %get3A_461 : vector<1x1x8x2048xf32> to vector<8x2048xf32>
    %get3A_463 = arith.constant 0 : index
    %get3A_464 = arith.constant 0 : index
    %get3A_465 = arith.constant 184 : index
    %get3A_466 = arith.constant 0 : index
    %get3A_467 = vector.load %arg3[%get3A_463, %get3A_464, %get3A_465, %get3A_466] : memref<1x1x1024x2048xf32, #tpu.memory_space<vmem>>, vector<1x1x8x2048xf32>
    %get3A_468 = vector.shape_cast %get3A_467 : vector<1x1x8x2048xf32> to vector<8x2048xf32>
    %add3A_469 = arith.addf %get3A_468, %get3A_462 : vector<8x2048xf32>
    %swap3A_470 = arith.constant 0 : index
    %swap3A_471 = arith.constant 0 : index
    %swap3A_472 = arith.constant 184 : index
    %swap3A_473 = arith.constant 0 : index
    %swap3A_474 = vector.load %arg5[%swap3A_470, %swap3A_471, %swap3A_472, %swap3A_473] : memref<1x1x1024x2048xf32, #tpu.memory_space<vmem>>, vector<1x1x8x2048xf32>
    %swap3A_475 = vector.shape_cast %swap3A_474 : vector<1x1x8x2048xf32> to vector<8x2048xf32>
    %swap3A_476 = vector.shape_cast %add3A_469 : vector<8x2048xf32> to vector<1x1x8x2048xf32>
    tpu.vector_store %arg5[%swap3A_470, %swap3A_471, %swap3A_472, %swap3A_473], %swap3A_476 {strides = array<i32>} : memref<1x1x1024x2048xf32, #tpu.memory_space<vmem>>, vector<1x1x8x2048xf32>,
    %get3A_477 = arith.constant 0 : index
    %get3A_478 = arith.constant 0 : index
    %get3A_479 = arith.constant 0 : index
    %get3A_480 = arith.constant 831 : index
    %get3A_481 = vector.load %arg4[%get3A_477, %get3A_478, %get3A_479, %get3A_480] : memref<1x1x8x3072xf32, #tpu.memory_space<vmem>>, vector<1x1x8x2048xf32>
    %get3A_482 = vector.shape_cast %get3A_481 : vector<1x1x8x2048xf32> to vector<8x2048xf32>
    %get3A_483 = arith.constant 0 : index
    %get3A_484 = arith.constant 0 : index
    %get3A_485 = arith.constant 192 : index
    %get3A_486 = arith.constant 0 : index
    %get3A_487 = vector.load %arg3[%get3A_483, %get3A_484, %get3A_485, %get3A_486] : memref<1x1x1024x2048xf32, #tpu.memory_space<vmem>>, vector<1x1x8x2048xf32>
    %get3A_488 = vector.shape_cast %get3A_487 : vector<1x1x8x2048xf32> to vector<8x2048xf32>
    %add3A_489 = arith.addf %get3A_488, %get3A_482 : vector<8x2048xf32>
    %swap3A_490 = arith.constant 0 : index
    %swap3A_491 = arith.constant 0 : index
    %swap3A_492 = arith.constant 192 : index
    %swap3A_493 = arith.constant 0 : index
    %swap3A_494 = vector.load %arg5[%swap3A_490, %swap3A_491, %swap3A_492, %swap3A_493] : memref<1x1x1024x2048xf32, #tpu.memory_space<vmem>>, vector<1x1x8x2048xf32>
    %swap3A_495 = vector.shape_cast %swap3A_494 : vector<1x1x8x2048xf32> to vector<8x2048xf32>
    %swap3A_496 = vector.shape_cast %add3A_489 : vector<8x2048xf32> to vector<1x1x8x2048xf32>
    tpu.vector_store %arg5[%swap3A_490, %swap3A_491, %swap3A_492, %swap3A_493], %swap3A_496 {strides = array<i32>} : memref<1x1x1024x2048xf32, #tpu.memory_space<vmem>>, vector<1x1x8x2048xf32>,
    %get3A_497 = arith.constant 0 : index
    %get3A_498 = arith.constant 0 : index
    %get3A_499 = arith.constant 0 : index
    %get3A_500 = arith.constant 823 : index
    %get3A_501 = vector.load %arg4[%get3A_497, %get3A_498, %get3A_499, %get3A_500] : memref<1x1x8x3072xf32, #tpu.memory_space<vmem>>, vector<1x1x8x2048xf32>
    %get3A_502 = vector.shape_cast %get3A_501 : vector<1x1x8x2048xf32> to vector<8x2048xf32>
    %get3A_503 = arith.constant 0 : index
    %get3A_504 = arith.constant 0 : index
    %get3A_505 = arith.constant 200 : index
    %get3A_506 = arith.constant 0 : index
    %get3A_507 = vector.load %arg3[%get3A_503, %get3A_504, %get3A_505, %get3A_506] : memref<1x1x1024x2048xf32, #tpu.memory_space<vmem>>, vector<1x1x8x2048xf32>
    %get3A_508 = vector.shape_cast %get3A_507 : vector<1x1x8x2048xf32> to vector<8x2048xf32>
    %add3A_509 = arith.addf %get3A_508, %get3A_502 : vector<8x2048xf32>
    %swap3A_510 = arith.constant 0 : index
    %swap3A_511 = arith.constant 0 : index
    %swap3A_512 = arith.constant 200 : index
    %swap3A_513 = arith.constant 0 : index
    %swap3A_514 = vector.load %arg5[%swap3A_510, %swap3A_511, %swap3A_512, %swap3A_513] : memref<1x1x1024x2048xf32, #tpu.memory_space<vmem>>, vector<1x1x8x2048xf32>
    %swap3A_515 = vector.shape_cast %swap3A_514 : vector<1x1x8x2048xf32> to vector<8x2048xf32>
    %swap3A_516 = vector.shape_cast %add3A_509 : vector<8x2048xf32> to vector<1x1x8x2048xf32>
    tpu.vector_store %arg5[%swap3A_510, %swap3A_511, %swap3A_512, %swap3A_513], %swap3A_516 {strides = array<i32>} : memref<1x1x1024x2048xf32, #tpu.memory_space<vmem>>, vector<1x1x8x2048xf32>,
    %get3A_517 = arith.constant 0 : index
    %get3A_518 = arith.constant 0 : index
    %get3A_519 = arith.constant 0 : index
    %get3A_520 = arith.constant 815 : index
    %get3A_521 = vector.load %arg4[%get3A_517, %get3A_518, %get3A_519, %get3A_520] : memref<1x1x8x3072xf32, #tpu.memory_space<vmem>>, vector<1x1x8x2048xf32>
    %get3A_522 = vector.shape_cast %get3A_521 : vector<1x1x8x2048xf32> to vector<8x2048xf32>
    %get3A_523 = arith.constant 0 : index
    %get3A_524 = arith.constant 0 : index
    %get3A_525 = arith.constant 208 : index
    %get3A_526 = arith.constant 0 : index
    %get3A_527 = vector.load %arg3[%get3A_523, %get3A_524, %get3A_525, %get3A_526] : memref<1x1x1024x2048xf32, #tpu.memory_space<vmem>>, vector<1x1x8x2048xf32>
    %get3A_528 = vector.shape_cast %get3A_527 : vector<1x1x8x2048xf32> to vector<8x2048xf32>
    %add3A_529 = arith.addf %get3A_528, %get3A_522 : vector<8x2048xf32>
    %swap3A_530 = arith.constant 0 : index
    %swap3A_531 = arith.constant 0 : index
    %swap3A_532 = arith.constant 208 : index
    %swap3A_533 = arith.constant 0 : index
    %swap3A_534 = vector.load %arg5[%swap3A_530, %swap3A_531, %swap3A_532, %swap3A_533] : memref<1x1x1024x2048xf32, #tpu.memory_space<vmem>>, vector<1x1x8x2048xf32>
    %swap3A_535 = vector.shape_cast %swap3A_534 : vector<1x1x8x2048xf32> to vector<8x2048xf32>
    %swap3A_536 = vector.shape_cast %add3A_529 : vector<8x2048xf32> to vector<1x1x8x2048xf32>
    tpu.vector_store %arg5[%swap3A_530, %swap3A_531, %swap3A_532, %swap3A_533], %swap3A_536 {strides = array<i32>} : memref<1x1x1024x2048xf32, #tpu.memory_space<vmem>>, vector<1x1x8x2048xf32>,
    %get3A_537 = arith.constant 0 : index
    %get3A_538 = arith.constant 0 : index
    %get3A_539 = arith.constant 0 : index
    %get3A_540 = arith.constant 807 : index
    %get3A_541 = vector.load %arg4[%get3A_537, %get3A_538, %get3A_539, %get3A_540] : memref<1x1x8x3072xf32, #tpu.memory_space<vmem>>, vector<1x1x8x2048xf32>
    %get3A_542 = vector.shape_cast %get3A_541 : vector<1x1x8x2048xf32> to vector<8x2048xf32>
    %get3A_543 = arith.constant 0 : index
    %get3A_544 = arith.constant 0 : index
    %get3A_545 = arith.constant 216 : index
    %get3A_546 = arith.constant 0 : index
    %get3A_547 = vector.load %arg3[%get3A_543, %get3A_544, %get3A_545, %get3A_546] : memref<1x1x1024x2048xf32, #tpu.memory_space<vmem>>, vector<1x1x8x2048xf32>
    %get3A_548 = vector.shape_cast %get3A_547 : vector<1x1x8x2048xf32> to vector<8x2048xf32>
    %add3A_549 = arith.addf %get3A_548, %get3A_542 : vector<8x2048xf32>
    %swap3A_550 = arith.constant 0 : index
    %swap3A_551 = arith.constant 0 : index
    %swap3A_552 = arith.constant 216 : index
    %swap3A_553 = arith.constant 0 : index
    %swap3A_554 = vector.load %arg5[%swap3A_550, %swap3A_551, %swap3A_552, %swap3A_553] : memref<1x1x1024x2048xf32, #tpu.memory_space<vmem>>, vector<1x1x8x2048xf32>
    %swap3A_555 = vector.shape_cast %swap3A_554 : vector<1x1x8x2048xf32> to vector<8x2048xf32>
    %swap3A_556 = vector.shape_cast %add3A_549 : vector<8x2048xf32> to vector<1x1x8x2048xf32>
    tpu.vector_store %arg5[%swap3A_550, %swap3A_551, %swap3A_552, %swap3A_553], %swap3A_556 {strides = array<i32>} : memref<1x1x1024x2048xf32, #tpu.memory_space<vmem>>, vector<1x1x8x2048xf32>,
    %get3A_557 = arith.constant 0 : index
    %get3A_558 = arith.constant 0 : index
    %get3A_559 = arith.constant 0 : index
    %get3A_560 = arith.constant 799 : index
    %get3A_561 = vector.load %arg4[%get3A_557, %get3A_558, %get3A_559, %get3A_560] : memref<1x1x8x3072xf32, #tpu.memory_space<vmem>>, vector<1x1x8x2048xf32>
    %get3A_562 = vector.shape_cast %get3A_561 : vector<1x1x8x2048xf32> to vector<8x2048xf32>
    %get3A_563 = arith.constant 0 : index
    %get3A_564 = arith.constant 0 : index
    %get3A_565 = arith.constant 224 : index
    %get3A_566 = arith.constant 0 : index
    %get3A_567 = vector.load %arg3[%get3A_563, %get3A_564, %get3A_565, %get3A_566] : memref<1x1x1024x2048xf32, #tpu.memory_space<vmem>>, vector<1x1x8x2048xf32>
    %get3A_568 = vector.shape_cast %get3A_567 : vector<1x1x8x2048xf32> to vector<8x2048xf32>
    %add3A_569 = arith.addf %get3A_568, %get3A_562 : vector<8x2048xf32>
    %swap3A_570 = arith.constant 0 : index
    %swap3A_571 = arith.constant 0 : index
    %swap3A_572 = arith.constant 224 : index
    %swap3A_573 = arith.constant 0 : index
    %swap3A_574 = vector.load %arg5[%swap3A_570, %swap3A_571, %swap3A_572, %swap3A_573] : memref<1x1x1024x2048xf32, #tpu.memory_space<vmem>>, vector<1x1x8x2048xf32>
    %swap3A_575 = vector.shape_cast %swap3A_574 : vector<1x1x8x2048xf32> to vector<8x2048xf32>
    %swap3A_576 = vector.shape_cast %add3A_569 : vector<8x2048xf32> to vector<1x1x8x2048xf32>
    tpu.vector_store %arg5[%swap3A_570, %swap3A_571, %swap3A_572, %swap3A_573], %swap3A_576 {strides = array<i32>} : memref<1x1x1024x2048xf32, #tpu.memory_space<vmem>>, vector<1x1x8x2048xf32>,
    %get3A_577 = arith.constant 0 : index
    %get3A_578 = arith.constant 0 : index
    %get3A_579 = arith.constant 0 : index
    %get3A_580 = arith.constant 791 : index
    %get3A_581 = vector.load %arg4[%get3A_577, %get3A_578, %get3A_579, %get3A_580] : memref<1x1x8x3072xf32, #tpu.memory_space<vmem>>, vector<1x1x8x2048xf32>
    %get3A_582 = vector.shape_cast %get3A_581 : vector<1x1x8x2048xf32> to vector<8x2048xf32>
    %get3A_583 = arith.constant 0 : index
    %get3A_584 = arith.constant 0 : index
    %get3A_585 = arith.constant 232 : index
    %get3A_586 = arith.constant 0 : index
    %get3A_587 = vector.load %arg3[%get3A_583, %get3A_584, %get3A_585, %get3A_586] : memref<1x1x1024x2048xf32, #tpu.memory_space<vmem>>, vector<1x1x8x2048xf32>
    %get3A_588 = vector.shape_cast %get3A_587 : vector<1x1x8x2048xf32> to vector<8x2048xf32>
    %add3A_589 = arith.addf %get3A_588, %get3A_582 : vector<8x2048xf32>
    %swap3A_590 = arith.constant 0 : index
    %swap3A_591 = arith.constant 0 : index
    %swap3A_592 = arith.constant 232 : index
    %swap3A_593 = arith.constant 0 : index
    %swap3A_594 = vector.load %arg5[%swap3A_590, %swap3A_591, %swap3A_592, %swap3A_593] : memref<1x1x1024x2048xf32, #tpu.memory_space<vmem>>, vector<1x1x8x2048xf32>
    %swap3A_595 = vector.shape_cast %swap3A_594 : vector<1x1x8x2048xf32> to vector<8x2048xf32>
    %swap3A_596 = vector.shape_cast %add3A_589 : vector<8x2048xf32> to vector<1x1x8x2048xf32>
    tpu.vector_store %arg5[%swap3A_590, %swap3A_591, %swap3A_592, %swap3A_593], %swap3A_596 {strides = array<i32>} : memref<1x1x1024x2048xf32, #tpu.memory_space<vmem>>, vector<1x1x8x2048xf32>,
    %get3A_597 = arith.constant 0 : index
    %get3A_598 = arith.constant 0 : index
    %get3A_599 = arith.constant 0 : index
    %get3A_600 = arith.constant 783 : index
    %get3A_601 = vector.load %arg4[%get3A_597, %get3A_598, %get3A_599, %get3A_600] : memref<1x1x8x3072xf32, #tpu.memory_space<vmem>>, vector<1x1x8x2048xf32>
    %get3A_602 = vector.shape_cast %get3A_601 : vector<1x1x8x2048xf32> to vector<8x2048xf32>
    %get3A_603 = arith.constant 0 : index
    %get3A_604 = arith.constant 0 : index
    %get3A_605 = arith.constant 240 : index
    %get3A_606 = arith.constant 0 : index
    %get3A_607 = vector.load %arg3[%get3A_603, %get3A_604, %get3A_605, %get3A_606] : memref<1x1x1024x2048xf32, #tpu.memory_space<vmem>>, vector<1x1x8x2048xf32>
    %get3A_608 = vector.shape_cast %get3A_607 : vector<1x1x8x2048xf32> to vector<8x2048xf32>
    %add3A_609 = arith.addf %get3A_608, %get3A_602 : vector<8x2048xf32>
    %swap3A_610 = arith.constant 0 : index
    %swap3A_611 = arith.constant 0 : index
    %swap3A_612 = arith.constant 240 : index
    %swap3A_613 = arith.constant 0 : index
    %swap3A_614 = vector.load %arg5[%swap3A_610, %swap3A_611, %swap3A_612, %swap3A_613] : memref<1x1x1024x2048xf32, #tpu.memory_space<vmem>>, vector<1x1x8x2048xf32>
    %swap3A_615 = vector.shape_cast %swap3A_614 : vector<1x1x8x2048xf32> to vector<8x2048xf32>
    %swap3A_616 = vector.shape_cast %add3A_609 : vector<8x2048xf32> to vector<1x1x8x2048xf32>
    tpu.vector_store %arg5[%swap3A_610, %swap3A_611, %swap3A_612, %swap3A_613], %swap3A_616 {strides = array<i32>} : memref<1x1x1024x2048xf32, #tpu.memory_space<vmem>>, vector<1x1x8x2048xf32>,
    %get3A_617 = arith.constant 0 : index
    %get3A_618 = arith.constant 0 : index
    %get3A_619 = arith.constant 0 : index
    %get3A_620 = arith.constant 775 : index
    %get3A_621 = vector.load %arg4[%get3A_617, %get3A_618, %get3A_619, %get3A_620] : memref<1x1x8x3072xf32, #tpu.memory_space<vmem>>, vector<1x1x8x2048xf32>
    %get3A_622 = vector.shape_cast %get3A_621 : vector<1x1x8x2048xf32> to vector<8x2048xf32>
    %get3A_623 = arith.constant 0 : index
    %get3A_624 = arith.constant 0 : index
    %get3A_625 = arith.constant 248 : index
    %get3A_626 = arith.constant 0 : index
    %get3A_627 = vector.load %arg3[%get3A_623, %get3A_624, %get3A_625, %get3A_626] : memref<1x1x1024x2048xf32, #tpu.memory_space<vmem>>, vector<1x1x8x2048xf32>
    %get3A_628 = vector.shape_cast %get3A_627 : vector<1x1x8x2048xf32> to vector<8x2048xf32>
    %add3A_629 = arith.addf %get3A_628, %get3A_622 : vector<8x2048xf32>
    %swap3A_630 = arith.constant 0 : index
    %swap3A_631 = arith.constant 0 : index
    %swap3A_632 = arith.constant 248 : index
    %swap3A_633 = arith.constant 0 : index
    %swap3A_634 = vector.load %arg5[%swap3A_630, %swap3A_631, %swap3A_632, %swap3A_633] : memref<1x1x1024x2048xf32, #tpu.memory_space<vmem>>, vector<1x1x8x2048xf32>
    %swap3A_635 = vector.shape_cast %swap3A_634 : vector<1x1x8x2048xf32> to vector<8x2048xf32>
    %swap3A_636 = vector.shape_cast %add3A_629 : vector<8x2048xf32> to vector<1x1x8x2048xf32>
    tpu.vector_store %arg5[%swap3A_630, %swap3A_631, %swap3A_632, %swap3A_633], %swap3A_636 {strides = array<i32>} : memref<1x1x1024x2048xf32, #tpu.memory_space<vmem>>, vector<1x1x8x2048xf32>,
    %get3A_637 = arith.constant 0 : index
    %get3A_638 = arith.constant 0 : index
    %get3A_639 = arith.constant 0 : index
    %get3A_640 = arith.constant 767 : index
    %get3A_641 = vector.load %arg4[%get3A_637, %get3A_638, %get3A_639, %get3A_640] : memref<1x1x8x3072xf32, #tpu.memory_space<vmem>>, vector<1x1x8x2048xf32>
    %get3A_642 = vector.shape_cast %get3A_641 : vector<1x1x8x2048xf32> to vector<8x2048xf32>
    %get3A_643 = arith.constant 0 : index
    %get3A_644 = arith.constant 0 : index
    %get3A_645 = arith.constant 256 : index
    %get3A_646 = arith.constant 0 : index
    %get3A_647 = vector.load %arg3[%get3A_643, %get3A_644, %get3A_645, %get3A_646] : memref<1x1x1024x2048xf32, #tpu.memory_space<vmem>>, vector<1x1x8x2048xf32>
    %get3A_648 = vector.shape_cast %get3A_647 : vector<1x1x8x2048xf32> to vector<8x2048xf32>
    %add3A_649 = arith.addf %get3A_648, %get3A_642 : vector<8x2048xf32>
    %swap3A_650 = arith.constant 0 : index
    %swap3A_651 = arith.constant 0 : index
    %swap3A_652 = arith.constant 256 : index
    %swap3A_653 = arith.constant 0 : index
    %swap3A_654 = vector.load %arg5[%swap3A_650, %swap3A_651, %swap3A_652, %swap3A_653] : memref<1x1x1024x2048xf32, #tpu.memory_space<vmem>>, vector<1x1x8x2048xf32>
    %swap3A_655 = vector.shape_cast %swap3A_654 : vector<1x1x8x2048xf32> to vector<8x2048xf32>
    %swap3A_656 = vector.shape_cast %add3A_649 : vector<8x2048xf32> to vector<1x1x8x2048xf32>
    tpu.vector_store %arg5[%swap3A_650, %swap3A_651, %swap3A_652, %swap3A_653], %swap3A_656 {strides = array<i32>} : memref<1x1x1024x2048xf32, #tpu.memory_space<vmem>>, vector<1x1x8x2048xf32>,
    %get3A_657 = arith.constant 0 : index
    %get3A_658 = arith.constant 0 : index
    %get3A_659 = arith.constant 0 : index
    %get3A_660 = arith.constant 759 : index
    %get3A_661 = vector.load %arg4[%get3A_657, %get3A_658, %get3A_659, %get3A_660] : memref<1x1x8x3072xf32, #tpu.memory_space<vmem>>, vector<1x1x8x2048xf32>
    %get3A_662 = vector.shape_cast %get3A_661 : vector<1x1x8x2048xf32> to vector<8x2048xf32>
    %get3A_663 = arith.constant 0 : index
    %get3A_664 = arith.constant 0 : index
    %get3A_665 = arith.constant 264 : index
    %get3A_666 = arith.constant 0 : index
    %get3A_667 = vector.load %arg3[%get3A_663, %get3A_664, %get3A_665, %get3A_666] : memref<1x1x1024x2048xf32, #tpu.memory_space<vmem>>, vector<1x1x8x2048xf32>
    %get3A_668 = vector.shape_cast %get3A_667 : vector<1x1x8x2048xf32> to vector<8x2048xf32>
    %add3A_669 = arith.addf %get3A_668, %get3A_662 : vector<8x2048xf32>
    %swap3A_670 = arith.constant 0 : index
    %swap3A_671 = arith.constant 0 : index
    %swap3A_672 = arith.constant 264 : index
    %swap3A_673 = arith.constant 0 : index
    %swap3A_674 = vector.load %arg5[%swap3A_670, %swap3A_671, %swap3A_672, %swap3A_673] : memref<1x1x1024x2048xf32, #tpu.memory_space<vmem>>, vector<1x1x8x2048xf32>
    %swap3A_675 = vector.shape_cast %swap3A_674 : vector<1x1x8x2048xf32> to vector<8x2048xf32>
    %swap3A_676 = vector.shape_cast %add3A_669 : vector<8x2048xf32> to vector<1x1x8x2048xf32>
    tpu.vector_store %arg5[%swap3A_670, %swap3A_671, %swap3A_672, %swap3A_673], %swap3A_676 {strides = array<i32>} : memref<1x1x1024x2048xf32, #tpu.memory_space<vmem>>, vector<1x1x8x2048xf32>,
    %get3A_677 = arith.constant 0 : index
    %get3A_678 = arith.constant 0 : index
    %get3A_679 = arith.constant 0 : index
    %get3A_680 = arith.constant 751 : index
    %get3A_681 = vector.load %arg4[%get3A_677, %get3A_678, %get3A_679, %get3A_680] : memref<1x1x8x3072xf32, #tpu.memory_space<vmem>>, vector<1x1x8x2048xf32>
    %get3A_682 = vector.shape_cast %get3A_681 : vector<1x1x8x2048xf32> to vector<8x2048xf32>
    %get3A_683 = arith.constant 0 : index
    %get3A_684 = arith.constant 0 : index
    %get3A_685 = arith.constant 272 : index
    %get3A_686 = arith.constant 0 : index
    %get3A_687 = vector.load %arg3[%get3A_683, %get3A_684, %get3A_685, %get3A_686] : memref<1x1x1024x2048xf32, #tpu.memory_space<vmem>>, vector<1x1x8x2048xf32>
    %get3A_688 = vector.shape_cast %get3A_687 : vector<1x1x8x2048xf32> to vector<8x2048xf32>
    %add3A_689 = arith.addf %get3A_688, %get3A_682 : vector<8x2048xf32>
    %swap3A_690 = arith.constant 0 : index
    %swap3A_691 = arith.constant 0 : index
    %swap3A_692 = arith.constant 272 : index
    %swap3A_693 = arith.constant 0 : index
    %swap3A_694 = vector.load %arg5[%swap3A_690, %swap3A_691, %swap3A_692, %swap3A_693] : memref<1x1x1024x2048xf32, #tpu.memory_space<vmem>>, vector<1x1x8x2048xf32>
    %swap3A_695 = vector.shape_cast %swap3A_694 : vector<1x1x8x2048xf32> to vector<8x2048xf32>
    %swap3A_696 = vector.shape_cast %add3A_689 : vector<8x2048xf32> to vector<1x1x8x2048xf32>
    tpu.vector_store %arg5[%swap3A_690, %swap3A_691, %swap3A_692, %swap3A_693], %swap3A_696 {strides = array<i32>} : memref<1x1x1024x2048xf32, #tpu.memory_space<vmem>>, vector<1x1x8x2048xf32>,
    %get3A_697 = arith.constant 0 : index
    %get3A_698 = arith.constant 0 : index
    %get3A_699 = arith.constant 0 : index
    %get3A_700 = arith.constant 743 : index
    %get3A_701 = vector.load %arg4[%get3A_697, %get3A_698, %get3A_699, %get3A_700] : memref<1x1x8x3072xf32, #tpu.memory_space<vmem>>, vector<1x1x8x2048xf32>
    %get3A_702 = vector.shape_cast %get3A_701 : vector<1x1x8x2048xf32> to vector<8x2048xf32>
    %get3A_703 = arith.constant 0 : index
    %get3A_704 = arith.constant 0 : index
    %get3A_705 = arith.constant 280 : index
    %get3A_706 = arith.constant 0 : index
    %get3A_707 = vector.load %arg3[%get3A_703, %get3A_704, %get3A_705, %get3A_706] : memref<1x1x1024x2048xf32, #tpu.memory_space<vmem>>, vector<1x1x8x2048xf32>
    %get3A_708 = vector.shape_cast %get3A_707 : vector<1x1x8x2048xf32> to vector<8x2048xf32>
    %add3A_709 = arith.addf %get3A_708, %get3A_702 : vector<8x2048xf32>
    %swap3A_710 = arith.constant 0 : index
    %swap3A_711 = arith.constant 0 : index
    %swap3A_712 = arith.constant 280 : index
    %swap3A_713 = arith.constant 0 : index
    %swap3A_714 = vector.load %arg5[%swap3A_710, %swap3A_711, %swap3A_712, %swap3A_713] : memref<1x1x1024x2048xf32, #tpu.memory_space<vmem>>, vector<1x1x8x2048xf32>
    %swap3A_715 = vector.shape_cast %swap3A_714 : vector<1x1x8x2048xf32> to vector<8x2048xf32>
    %swap3A_716 = vector.shape_cast %add3A_709 : vector<8x2048xf32> to vector<1x1x8x2048xf32>
    tpu.vector_store %arg5[%swap3A_710, %swap3A_711, %swap3A_712, %swap3A_713], %swap3A_716 {strides = array<i32>} : memref<1x1x1024x2048xf32, #tpu.memory_space<vmem>>, vector<1x1x8x2048xf32>,
    %get3A_717 = arith.constant 0 : index
    %get3A_718 = arith.constant 0 : index
    %get3A_719 = arith.constant 0 : index
    %get3A_720 = arith.constant 735 : index
    %get3A_721 = vector.load %arg4[%get3A_717, %get3A_718, %get3A_719, %get3A_720] : memref<1x1x8x3072xf32, #tpu.memory_space<vmem>>, vector<1x1x8x2048xf32>
    %get3A_722 = vector.shape_cast %get3A_721 : vector<1x1x8x2048xf32> to vector<8x2048xf32>
    %get3A_723 = arith.constant 0 : index
    %get3A_724 = arith.constant 0 : index
    %get3A_725 = arith.constant 288 : index
    %get3A_726 = arith.constant 0 : index
    %get3A_727 = vector.load %arg3[%get3A_723, %get3A_724, %get3A_725, %get3A_726] : memref<1x1x1024x2048xf32, #tpu.memory_space<vmem>>, vector<1x1x8x2048xf32>
    %get3A_728 = vector.shape_cast %get3A_727 : vector<1x1x8x2048xf32> to vector<8x2048xf32>
    %add3A_729 = arith.addf %get3A_728, %get3A_722 : vector<8x2048xf32>
    %swap3A_730 = arith.constant 0 : index
    %swap3A_731 = arith.constant 0 : index
    %swap3A_732 = arith.constant 288 : index
    %swap3A_733 = arith.constant 0 : index
    %swap3A_734 = vector.load %arg5[%swap3A_730, %swap3A_731, %swap3A_732, %swap3A_733] : memref<1x1x1024x2048xf32, #tpu.memory_space<vmem>>, vector<1x1x8x2048xf32>
    %swap3A_735 = vector.shape_cast %swap3A_734 : vector<1x1x8x2048xf32> to vector<8x2048xf32>
    %swap3A_736 = vector.shape_cast %add3A_729 : vector<8x2048xf32> to vector<1x1x8x2048xf32>
    tpu.vector_store %arg5[%swap3A_730, %swap3A_731, %swap3A_732, %swap3A_733], %swap3A_736 {strides = array<i32>} : memref<1x1x1024x2048xf32, #tpu.memory_space<vmem>>, vector<1x1x8x2048xf32>,
    %get3A_737 = arith.constant 0 : index
    %get3A_738 = arith.constant 0 : index
    %get3A_739 = arith.constant 0 : index
    %get3A_740 = arith.constant 727 : index
    %get3A_741 = vector.load %arg4[%get3A_737, %get3A_738, %get3A_739, %get3A_740] : memref<1x1x8x3072xf32, #tpu.memory_space<vmem>>, vector<1x1x8x2048xf32>
    %get3A_742 = vector.shape_cast %get3A_741 : vector<1x1x8x2048xf32> to vector<8x2048xf32>
    %get3A_743 = arith.constant 0 : index
    %get3A_744 = arith.constant 0 : index
    %get3A_745 = arith.constant 296 : index
    %get3A_746 = arith.constant 0 : index
    %get3A_747 = vector.load %arg3[%get3A_743, %get3A_744, %get3A_745, %get3A_746] : memref<1x1x1024x2048xf32, #tpu.memory_space<vmem>>, vector<1x1x8x2048xf32>
    %get3A_748 = vector.shape_cast %get3A_747 : vector<1x1x8x2048xf32> to vector<8x2048xf32>
    %add3A_749 = arith.addf %get3A_748, %get3A_742 : vector<8x2048xf32>
    %swap3A_750 = arith.constant 0 : index
    %swap3A_751 = arith.constant 0 : index
    %swap3A_752 = arith.constant 296 : index
    %swap3A_753 = arith.constant 0 : index
    %swap3A_754 = vector.load %arg5[%swap3A_750, %swap3A_751, %swap3A_752, %swap3A_753] : memref<1x1x1024x2048xf32, #tpu.memory_space<vmem>>, vector<1x1x8x2048xf32>
    %swap3A_755 = vector.shape_cast %swap3A_754 : vector<1x1x8x2048xf32> to vector<8x2048xf32>
    %swap3A_756 = vector.shape_cast %add3A_749 : vector<8x2048xf32> to vector<1x1x8x2048xf32>
    tpu.vector_store %arg5[%swap3A_750, %swap3A_751, %swap3A_752, %swap3A_753], %swap3A_756 {strides = array<i32>} : memref<1x1x1024x2048xf32, #tpu.memory_space<vmem>>, vector<1x1x8x2048xf32>,
    %get3A_757 = arith.constant 0 : index
    %get3A_758 = arith.constant 0 : index
    %get3A_759 = arith.constant 0 : index
    %get3A_760 = arith.constant 719 : index
    %get3A_761 = vector.load %arg4[%get3A_757, %get3A_758, %get3A_759, %get3A_760] : memref<1x1x8x3072xf32, #tpu.memory_space<vmem>>, vector<1x1x8x2048xf32>
    %get3A_762 = vector.shape_cast %get3A_761 : vector<1x1x8x2048xf32> to vector<8x2048xf32>
    %get3A_763 = arith.constant 0 : index
    %get3A_764 = arith.constant 0 : index
    %get3A_765 = arith.constant 304 : index
    %get3A_766 = arith.constant 0 : index
    %get3A_767 = vector.load %arg3[%get3A_763, %get3A_764, %get3A_765, %get3A_766] : memref<1x1x1024x2048xf32, #tpu.memory_space<vmem>>, vector<1x1x8x2048xf32>
    %get3A_768 = vector.shape_cast %get3A_767 : vector<1x1x8x2048xf32> to vector<8x2048xf32>
    %add3A_769 = arith.addf %get3A_768, %get3A_762 : vector<8x2048xf32>
    %swap3A_770 = arith.constant 0 : index
    %swap3A_771 = arith.constant 0 : index
    %swap3A_772 = arith.constant 304 : index
    %swap3A_773 = arith.constant 0 : index
    %swap3A_774 = vector.load %arg5[%swap3A_770, %swap3A_771, %swap3A_772, %swap3A_773] : memref<1x1x1024x2048xf32, #tpu.memory_space<vmem>>, vector<1x1x8x2048xf32>
    %swap3A_775 = vector.shape_cast %swap3A_774 : vector<1x1x8x2048xf32> to vector<8x2048xf32>
    %swap3A_776 = vector.shape_cast %add3A_769 : vector<8x2048xf32> to vector<1x1x8x2048xf32>
    tpu.vector_store %arg5[%swap3A_770, %swap3A_771, %swap3A_772, %swap3A_773], %swap3A_776 {strides = array<i32>} : memref<1x1x1024x2048xf32, #tpu.memory_space<vmem>>, vector<1x1x8x2048xf32>,
    %get3A_777 = arith.constant 0 : index
    %get3A_778 = arith.constant 0 : index
    %get3A_779 = arith.constant 0 : index
    %get3A_780 = arith.constant 711 : index
    %get3A_781 = vector.load %arg4[%get3A_777, %get3A_778, %get3A_779, %get3A_780] : memref<1x1x8x3072xf32, #tpu.memory_space<vmem>>, vector<1x1x8x2048xf32>
    %get3A_782 = vector.shape_cast %get3A_781 : vector<1x1x8x2048xf32> to vector<8x2048xf32>
    %get3A_783 = arith.constant 0 : index
    %get3A_784 = arith.constant 0 : index
    %get3A_785 = arith.constant 312 : index
    %get3A_786 = arith.constant 0 : index
    %get3A_787 = vector.load %arg3[%get3A_783, %get3A_784, %get3A_785, %get3A_786] : memref<1x1x1024x2048xf32, #tpu.memory_space<vmem>>, vector<1x1x8x2048xf32>
    %get3A_788 = vector.shape_cast %get3A_787 : vector<1x1x8x2048xf32> to vector<8x2048xf32>
    %add3A_789 = arith.addf %get3A_788, %get3A_782 : vector<8x2048xf32>
    %swap3A_790 = arith.constant 0 : index
    %swap3A_791 = arith.constant 0 : index
    %swap3A_792 = arith.constant 312 : index
    %swap3A_793 = arith.constant 0 : index
    %swap3A_794 = vector.load %arg5[%swap3A_790, %swap3A_791, %swap3A_792, %swap3A_793] : memref<1x1x1024x2048xf32, #tpu.memory_space<vmem>>, vector<1x1x8x2048xf32>
    %swap3A_795 = vector.shape_cast %swap3A_794 : vector<1x1x8x2048xf32> to vector<8x2048xf32>
    %swap3A_796 = vector.shape_cast %add3A_789 : vector<8x2048xf32> to vector<1x1x8x2048xf32>
    tpu.vector_store %arg5[%swap3A_790, %swap3A_791, %swap3A_792, %swap3A_793], %swap3A_796 {strides = array<i32>} : memref<1x1x1024x2048xf32, #tpu.memory_space<vmem>>, vector<1x1x8x2048xf32>,
    %get3A_797 = arith.constant 0 : index
    %get3A_798 = arith.constant 0 : index
    %get3A_799 = arith.constant 0 : index
    %get3A_800 = arith.constant 703 : index
    %get3A_801 = vector.load %arg4[%get3A_797, %get3A_798, %get3A_799, %get3A_800] : memref<1x1x8x3072xf32, #tpu.memory_space<vmem>>, vector<1x1x8x2048xf32>
    %get3A_802 = vector.shape_cast %get3A_801 : vector<1x1x8x2048xf32> to vector<8x2048xf32>
    %get3A_803 = arith.constant 0 : index
    %get3A_804 = arith.constant 0 : index
    %get3A_805 = arith.constant 320 : index
    %get3A_806 = arith.constant 0 : index
    %get3A_807 = vector.load %arg3[%get3A_803, %get3A_804, %get3A_805, %get3A_806] : memref<1x1x1024x2048xf32, #tpu.memory_space<vmem>>, vector<1x1x8x2048xf32>
    %get3A_808 = vector.shape_cast %get3A_807 : vector<1x1x8x2048xf32> to vector<8x2048xf32>
    %add3A_809 = arith.addf %get3A_808, %get3A_802 : vector<8x2048xf32>
    %swap3A_810 = arith.constant 0 : index
    %swap3A_811 = arith.constant 0 : index
    %swap3A_812 = arith.constant 320 : index
    %swap3A_813 = arith.constant 0 : index
    %swap3A_814 = vector.load %arg5[%swap3A_810, %swap3A_811, %swap3A_812, %swap3A_813] : memref<1x1x1024x2048xf32, #tpu.memory_space<vmem>>, vector<1x1x8x2048xf32>
    %swap3A_815 = vector.shape_cast %swap3A_814 : vector<1x1x8x2048xf32> to vector<8x2048xf32>
    %swap3A_816 = vector.shape_cast %add3A_809 : vector<8x2048xf32> to vector<1x1x8x2048xf32>
    tpu.vector_store %arg5[%swap3A_810, %swap3A_811, %swap3A_812, %swap3A_813], %swap3A_816 {strides = array<i32>} : memref<1x1x1024x2048xf32, #tpu.memory_space<vmem>>, vector<1x1x8x2048xf32>,
    %get3A_817 = arith.constant 0 : index
    %get3A_818 = arith.constant 0 : index
    %get3A_819 = arith.constant 0 : index
    %get3A_820 = arith.constant 695 : index
    %get3A_821 = vector.load %arg4[%get3A_817, %get3A_818, %get3A_819, %get3A_820] : memref<1x1x8x3072xf32, #tpu.memory_space<vmem>>, vector<1x1x8x2048xf32>
    %get3A_822 = vector.shape_cast %get3A_821 : vector<1x1x8x2048xf32> to vector<8x2048xf32>
    %get3A_823 = arith.constant 0 : index
    %get3A_824 = arith.constant 0 : index
    %get3A_825 = arith.constant 328 : index
    %get3A_826 = arith.constant 0 : index
    %get3A_827 = vector.load %arg3[%get3A_823, %get3A_824, %get3A_825, %get3A_826] : memref<1x1x1024x2048xf32, #tpu.memory_space<vmem>>, vector<1x1x8x2048xf32>
    %get3A_828 = vector.shape_cast %get3A_827 : vector<1x1x8x2048xf32> to vector<8x2048xf32>
    %add3A_829 = arith.addf %get3A_828, %get3A_822 : vector<8x2048xf32>
    %swap3A_830 = arith.constant 0 : index
    %swap3A_831 = arith.constant 0 : index
    %swap3A_832 = arith.constant 328 : index
    %swap3A_833 = arith.constant 0 : index
    %swap3A_834 = vector.load %arg5[%swap3A_830, %swap3A_831, %swap3A_832, %swap3A_833] : memref<1x1x1024x2048xf32, #tpu.memory_space<vmem>>, vector<1x1x8x2048xf32>
    %swap3A_835 = vector.shape_cast %swap3A_834 : vector<1x1x8x2048xf32> to vector<8x2048xf32>
    %swap3A_836 = vector.shape_cast %add3A_829 : vector<8x2048xf32> to vector<1x1x8x2048xf32>
    tpu.vector_store %arg5[%swap3A_830, %swap3A_831, %swap3A_832, %swap3A_833], %swap3A_836 {strides = array<i32>} : memref<1x1x1024x2048xf32, #tpu.memory_space<vmem>>, vector<1x1x8x2048xf32>,
    %get3A_837 = arith.constant 0 : index
    %get3A_838 = arith.constant 0 : index
    %get3A_839 = arith.constant 0 : index
    %get3A_840 = arith.constant 687 : index
    %get3A_841 = vector.load %arg4[%get3A_837, %get3A_838, %get3A_839, %get3A_840] : memref<1x1x8x3072xf32, #tpu.memory_space<vmem>>, vector<1x1x8x2048xf32>
    %get3A_842 = vector.shape_cast %get3A_841 : vector<1x1x8x2048xf32> to vector<8x2048xf32>
    %get3A_843 = arith.constant 0 : index
    %get3A_844 = arith.constant 0 : index
    %get3A_845 = arith.constant 336 : index
    %get3A_846 = arith.constant 0 : index
    %get3A_847 = vector.load %arg3[%get3A_843, %get3A_844, %get3A_845, %get3A_846] : memref<1x1x1024x2048xf32, #tpu.memory_space<vmem>>, vector<1x1x8x2048xf32>
    %get3A_848 = vector.shape_cast %get3A_847 : vector<1x1x8x2048xf32> to vector<8x2048xf32>
    %add3A_849 = arith.addf %get3A_848, %get3A_842 : vector<8x2048xf32>
    %swap3A_850 = arith.constant 0 : index
    %swap3A_851 = arith.constant 0 : index
    %swap3A_852 = arith.constant 336 : index
    %swap3A_853 = arith.constant 0 : index
    %swap3A_854 = vector.load %arg5[%swap3A_850, %swap3A_851, %swap3A_852, %swap3A_853] : memref<1x1x1024x2048xf32, #tpu.memory_space<vmem>>, vector<1x1x8x2048xf32>
    %swap3A_855 = vector.shape_cast %swap3A_854 : vector<1x1x8x2048xf32> to vector<8x2048xf32>
    %swap3A_856 = vector.shape_cast %add3A_849 : vector<8x2048xf32> to vector<1x1x8x2048xf32>
    tpu.vector_store %arg5[%swap3A_850, %swap3A_851, %swap3A_852, %swap3A_853], %swap3A_856 {strides = array<i32>} : memref<1x1x1024x2048xf32, #tpu.memory_space<vmem>>, vector<1x1x8x2048xf32>,
    %get3A_857 = arith.constant 0 : index
    %get3A_858 = arith.constant 0 : index
    %get3A_859 = arith.constant 0 : index
    %get3A_860 = arith.constant 679 : index
    %get3A_861 = vector.load %arg4[%get3A_857, %get3A_858, %get3A_859, %get3A_860] : memref<1x1x8x3072xf32, #tpu.memory_space<vmem>>, vector<1x1x8x2048xf32>
    %get3A_862 = vector.shape_cast %get3A_861 : vector<1x1x8x2048xf32> to vector<8x2048xf32>
    %get3A_863 = arith.constant 0 : index
    %get3A_864 = arith.constant 0 : index
    %get3A_865 = arith.constant 344 : index
    %get3A_866 = arith.constant 0 : index
    %get3A_867 = vector.load %arg3[%get3A_863, %get3A_864, %get3A_865, %get3A_866] : memref<1x1x1024x2048xf32, #tpu.memory_space<vmem>>, vector<1x1x8x2048xf32>
    %get3A_868 = vector.shape_cast %get3A_867 : vector<1x1x8x2048xf32> to vector<8x2048xf32>
    %add3A_869 = arith.addf %get3A_868, %get3A_862 : vector<8x2048xf32>
    %swap3A_870 = arith.constant 0 : index
    %swap3A_871 = arith.constant 0 : index
    %swap3A_872 = arith.constant 344 : index
    %swap3A_873 = arith.constant 0 : index
    %swap3A_874 = vector.load %arg5[%swap3A_870, %swap3A_871, %swap3A_872, %swap3A_873] : memref<1x1x1024x2048xf32, #tpu.memory_space<vmem>>, vector<1x1x8x2048xf32>
    %swap3A_875 = vector.shape_cast %swap3A_874 : vector<1x1x8x2048xf32> to vector<8x2048xf32>
    %swap3A_876 = vector.shape_cast %add3A_869 : vector<8x2048xf32> to vector<1x1x8x2048xf32>
    tpu.vector_store %arg5[%swap3A_870, %swap3A_871, %swap3A_872, %swap3A_873], %swap3A_876 {strides = array<i32>} : memref<1x1x1024x2048xf32, #tpu.memory_space<vmem>>, vector<1x1x8x2048xf32>,
    %get3A_877 = arith.constant 0 : index
    %get3A_878 = arith.constant 0 : index
    %get3A_879 = arith.constant 0 : index
    %get3A_880 = arith.constant 671 : index
    %get3A_881 = vector.load %arg4[%get3A_877, %get3A_878, %get3A_879, %get3A_880] : memref<1x1x8x3072xf32, #tpu.memory_space<vmem>>, vector<1x1x8x2048xf32>
    %get3A_882 = vector.shape_cast %get3A_881 : vector<1x1x8x2048xf32> to vector<8x2048xf32>
    %get3A_883 = arith.constant 0 : index
    %get3A_884 = arith.constant 0 : index
    %get3A_885 = arith.constant 352 : index
    %get3A_886 = arith.constant 0 : index
    %get3A_887 = vector.load %arg3[%get3A_883, %get3A_884, %get3A_885, %get3A_886] : memref<1x1x1024x2048xf32, #tpu.memory_space<vmem>>, vector<1x1x8x2048xf32>
    %get3A_888 = vector.shape_cast %get3A_887 : vector<1x1x8x2048xf32> to vector<8x2048xf32>
    %add3A_889 = arith.addf %get3A_888, %get3A_882 : vector<8x2048xf32>
    %swap3A_890 = arith.constant 0 : index
    %swap3A_891 = arith.constant 0 : index
    %swap3A_892 = arith.constant 352 : index
    %swap3A_893 = arith.constant 0 : index
    %swap3A_894 = vector.load %arg5[%swap3A_890, %swap3A_891, %swap3A_892, %swap3A_893] : memref<1x1x1024x2048xf32, #tpu.memory_space<vmem>>, vector<1x1x8x2048xf32>
    %swap3A_895 = vector.shape_cast %swap3A_894 : vector<1x1x8x2048xf32> to vector<8x2048xf32>
    %swap3A_896 = vector.shape_cast %add3A_889 : vector<8x2048xf32> to vector<1x1x8x2048xf32>
    tpu.vector_store %arg5[%swap3A_890, %swap3A_891, %swap3A_892, %swap3A_893], %swap3A_896 {strides = array<i32>} : memref<1x1x1024x2048xf32, #tpu.memory_space<vmem>>, vector<1x1x8x2048xf32>,
    %get3A_897 = arith.constant 0 : index
    %get3A_898 = arith.constant 0 : index
    %get3A_899 = arith.constant 0 : index
    %get3A_900 = arith.constant 663 : index
    %get3A_901 = vector.load %arg4[%get3A_897, %get3A_898, %get3A_899, %get3A_900] : memref<1x1x8x3072xf32, #tpu.memory_space<vmem>>, vector<1x1x8x2048xf32>
    %get3A_902 = vector.shape_cast %get3A_901 : vector<1x1x8x2048xf32> to vector<8x2048xf32>
    %get3A_903 = arith.constant 0 : index
    %get3A_904 = arith.constant 0 : index
    %get3A_905 = arith.constant 360 : index
    %get3A_906 = arith.constant 0 : index
    %get3A_907 = vector.load %arg3[%get3A_903, %get3A_904, %get3A_905, %get3A_906] : memref<1x1x1024x2048xf32, #tpu.memory_space<vmem>>, vector<1x1x8x2048xf32>
    %get3A_908 = vector.shape_cast %get3A_907 : vector<1x1x8x2048xf32> to vector<8x2048xf32>
    %add3A_909 = arith.addf %get3A_908, %get3A_902 : vector<8x2048xf32>
    %swap3A_910 = arith.constant 0 : index
    %swap3A_911 = arith.constant 0 : index
    %swap3A_912 = arith.constant 360 : index
    %swap3A_913 = arith.constant 0 : index
    %swap3A_914 = vector.load %arg5[%swap3A_910, %swap3A_911, %swap3A_912, %swap3A_913] : memref<1x1x1024x2048xf32, #tpu.memory_space<vmem>>, vector<1x1x8x2048xf32>
    %swap3A_915 = vector.shape_cast %swap3A_914 : vector<1x1x8x2048xf32> to vector<8x2048xf32>
    %swap3A_916 = vector.shape_cast %add3A_909 : vector<8x2048xf32> to vector<1x1x8x2048xf32>
    tpu.vector_store %arg5[%swap3A_910, %swap3A_911, %swap3A_912, %swap3A_913], %swap3A_916 {strides = array<i32>} : memref<1x1x1024x2048xf32, #tpu.memory_space<vmem>>, vector<1x1x8x2048xf32>,
    %get3A_917 = arith.constant 0 : index
    %get3A_918 = arith.constant 0 : index
    %get3A_919 = arith.constant 0 : index
    %get3A_920 = arith.constant 655 : index
    %get3A_921 = vector.load %arg4[%get3A_917, %get3A_918, %get3A_919, %get3A_920] : memref<1x1x8x3072xf32, #tpu.memory_space<vmem>>, vector<1x1x8x2048xf32>
    %get3A_922 = vector.shape_cast %get3A_921 : vector<1x1x8x2048xf32> to vector<8x2048xf32>
    %get3A_923 = arith.constant 0 : index
    %get3A_924 = arith.constant 0 : index
    %get3A_925 = arith.constant 368 : index
    %get3A_926 = arith.constant 0 : index
    %get3A_927 = vector.load %arg3[%get3A_923, %get3A_924, %get3A_925, %get3A_926] : memref<1x1x1024x2048xf32, #tpu.memory_space<vmem>>, vector<1x1x8x2048xf32>
    %get3A_928 = vector.shape_cast %get3A_927 : vector<1x1x8x2048xf32> to vector<8x2048xf32>
    %add3A_929 = arith.addf %get3A_928, %get3A_922 : vector<8x2048xf32>
    %swap3A_930 = arith.constant 0 : index
    %swap3A_931 = arith.constant 0 : index
    %swap3A_932 = arith.constant 368 : index
    %swap3A_933 = arith.constant 0 : index
    %swap3A_934 = vector.load %arg5[%swap3A_930, %swap3A_931, %swap3A_932, %swap3A_933] : memref<1x1x1024x2048xf32, #tpu.memory_space<vmem>>, vector<1x1x8x2048xf32>
    %swap3A_935 = vector.shape_cast %swap3A_934 : vector<1x1x8x2048xf32> to vector<8x2048xf32>
    %swap3A_936 = vector.shape_cast %add3A_929 : vector<8x2048xf32> to vector<1x1x8x2048xf32>
    tpu.vector_store %arg5[%swap3A_930, %swap3A_931, %swap3A_932, %swap3A_933], %swap3A_936 {strides = array<i32>} : memref<1x1x1024x2048xf32, #tpu.memory_space<vmem>>, vector<1x1x8x2048xf32>,
    %get3A_937 = arith.constant 0 : index
    %get3A_938 = arith.constant 0 : index
    %get3A_939 = arith.constant 0 : index
    %get3A_940 = arith.constant 647 : index
    %get3A_941 = vector.load %arg4[%get3A_937, %get3A_938, %get3A_939, %get3A_940] : memref<1x1x8x3072xf32, #tpu.memory_space<vmem>>, vector<1x1x8x2048xf32>
    %get3A_942 = vector.shape_cast %get3A_941 : vector<1x1x8x2048xf32> to vector<8x2048xf32>
    %get3A_943 = arith.constant 0 : index
    %get3A_944 = arith.constant 0 : index
    %get3A_945 = arith.constant 376 : index
    %get3A_946 = arith.constant 0 : index
    %get3A_947 = vector.load %arg3[%get3A_943, %get3A_944, %get3A_945, %get3A_946] : memref<1x1x1024x2048xf32, #tpu.memory_space<vmem>>, vector<1x1x8x2048xf32>
    %get3A_948 = vector.shape_cast %get3A_947 : vector<1x1x8x2048xf32> to vector<8x2048xf32>
    %add3A_949 = arith.addf %get3A_948, %get3A_942 : vector<8x2048xf32>
    %swap3A_950 = arith.constant 0 : index
    %swap3A_951 = arith.constant 0 : index
    %swap3A_952 = arith.constant 376 : index
    %swap3A_953 = arith.constant 0 : index
    %swap3A_954 = vector.load %arg5[%swap3A_950, %swap3A_951, %swap3A_952, %swap3A_953] : memref<1x1x1024x2048xf32, #tpu.memory_space<vmem>>, vector<1x1x8x2048xf32>
    %swap3A_955 = vector.shape_cast %swap3A_954 : vector<1x1x8x2048xf32> to vector<8x2048xf32>
    %swap3A_956 = vector.shape_cast %add3A_949 : vector<8x2048xf32> to vector<1x1x8x2048xf32>
    tpu.vector_store %arg5[%swap3A_950, %swap3A_951, %swap3A_952, %swap3A_953], %swap3A_956 {strides = array<i32>} : memref<1x1x1024x2048xf32, #tpu.memory_space<vmem>>, vector<1x1x8x2048xf32>,
    %get3A_957 = arith.constant 0 : index
    %get3A_958 = arith.constant 0 : index
    %get3A_959 = arith.constant 0 : index
    %get3A_960 = arith.constant 639 : index
    %get3A_961 = vector.load %arg4[%get3A_957, %get3A_958, %get3A_959, %get3A_960] : memref<1x1x8x3072xf32, #tpu.memory_space<vmem>>, vector<1x1x8x2048xf32>
    %get3A_962 = vector.shape_cast %get3A_961 : vector<1x1x8x2048xf32> to vector<8x2048xf32>
    %get3A_963 = arith.constant 0 : index
    %get3A_964 = arith.constant 0 : index
    %get3A_965 = arith.constant 384 : index
    %get3A_966 = arith.constant 0 : index
    %get3A_967 = vector.load %arg3[%get3A_963, %get3A_964, %get3A_965, %get3A_966] : memref<1x1x1024x2048xf32, #tpu.memory_space<vmem>>, vector<1x1x8x2048xf32>
    %get3A_968 = vector.shape_cast %get3A_967 : vector<1x1x8x2048xf32> to vector<8x2048xf32>
    %add3A_969 = arith.addf %get3A_968, %get3A_962 : vector<8x2048xf32>
    %swap3A_970 = arith.constant 0 : index
    %swap3A_971 = arith.constant 0 : index
    %swap3A_972 = arith.constant 384 : index
    %swap3A_973 = arith.constant 0 : index
    %swap3A_974 = vector.load %arg5[%swap3A_970, %swap3A_971, %swap3A_972, %swap3A_973] : memref<1x1x1024x2048xf32, #tpu.memory_space<vmem>>, vector<1x1x8x2048xf32>
    %swap3A_975 = vector.shape_cast %swap3A_974 : vector<1x1x8x2048xf32> to vector<8x2048xf32>
    %swap3A_976 = vector.shape_cast %add3A_969 : vector<8x2048xf32> to vector<1x1x8x2048xf32>
    tpu.vector_store %arg5[%swap3A_970, %swap3A_971, %swap3A_972, %swap3A_973], %swap3A_976 {strides = array<i32>} : memref<1x1x1024x2048xf32, #tpu.memory_space<vmem>>, vector<1x1x8x2048xf32>,
    %get3A_977 = arith.constant 0 : index
    %get3A_978 = arith.constant 0 : index
    %get3A_979 = arith.constant 0 : index
    %get3A_980 = arith.constant 631 : index
    %get3A_981 = vector.load %arg4[%get3A_977, %get3A_978, %get3A_979, %get3A_980] : memref<1x1x8x3072xf32, #tpu.memory_space<vmem>>, vector<1x1x8x2048xf32>
    %get3A_982 = vector.shape_cast %get3A_981 : vector<1x1x8x2048xf32> to vector<8x2048xf32>
    %get3A_983 = arith.constant 0 : index
    %get3A_984 = arith.constant 0 : index
    %get3A_985 = arith.constant 392 : index
    %get3A_986 = arith.constant 0 : index
    %get3A_987 = vector.load %arg3[%get3A_983, %get3A_984, %get3A_985, %get3A_986] : memref<1x1x1024x2048xf32, #tpu.memory_space<vmem>>, vector<1x1x8x2048xf32>
    %get3A_988 = vector.shape_cast %get3A_987 : vector<1x1x8x2048xf32> to vector<8x2048xf32>
    %add3A_989 = arith.addf %get3A_988, %get3A_982 : vector<8x2048xf32>
    %swap3A_990 = arith.constant 0 : index
    %swap3A_991 = arith.constant 0 : index
    %swap3A_992 = arith.constant 392 : index
    %swap3A_993 = arith.constant 0 : index
    %swap3A_994 = vector.load %arg5[%swap3A_990, %swap3A_991, %swap3A_992, %swap3A_993] : memref<1x1x1024x2048xf32, #tpu.memory_space<vmem>>, vector<1x1x8x2048xf32>
    %swap3A_995 = vector.shape_cast %swap3A_994 : vector<1x1x8x2048xf32> to vector<8x2048xf32>
    %swap3A_996 = vector.shape_cast %add3A_989 : vector<8x2048xf32> to vector<1x1x8x2048xf32>
    tpu.vector_store %arg5[%swap3A_990, %swap3A_991, %swap3A_992, %swap3A_993], %swap3A_996 {strides = array<i32>} : memref<1x1x1024x2048xf32, #tpu.memory_space<vmem>>, vector<1x1x8x2048xf32>,
    %get3A_997 = arith.constant 0 : index
    %get3A_998 = arith.constant 0 : index
    %get3A_999 = arith.constant 0 : index
    %get3A_1000 = arith.constant 623 : index
    %get3A_1001 = vector.load %arg4[%get3A_997, %get3A_998, %get3A_999, %get3A_1000] : memref<1x1x8x3072xf32, #tpu.memory_space<vmem>>, vector<1x1x8x2048xf32>
    %get3A_1002 = vector.shape_cast %get3A_1001 : vector<1x1x8x2048xf32> to vector<8x2048xf32>
    %get3A_1003 = arith.constant 0 : index
    %get3A_1004 = arith.constant 0 : index
    %get3A_1005 = arith.constant 400 : index
    %get3A_1006 = arith.constant 0 : index
    %get3A_1007 = vector.load %arg3[%get3A_1003, %get3A_1004, %get3A_1005, %get3A_1006] : memref<1x1x1024x2048xf32, #tpu.memory_space<vmem>>, vector<1x1x8x2048xf32>
    %get3A_1008 = vector.shape_cast %get3A_1007 : vector<1x1x8x2048xf32> to vector<8x2048xf32>
    %add3A_1009 = arith.addf %get3A_1008, %get3A_1002 : vector<8x2048xf32>
    %swap3A_1010 = arith.constant 0 : index
    %swap3A_1011 = arith.constant 0 : index
    %swap3A_1012 = arith.constant 400 : index
    %swap3A_1013 = arith.constant 0 : index
    %swap3A_1014 = vector.load %arg5[%swap3A_1010, %swap3A_1011, %swap3A_1012, %swap3A_1013] : memref<1x1x1024x2048xf32, #tpu.memory_space<vmem>>, vector<1x1x8x2048xf32>
    %swap3A_1015 = vector.shape_cast %swap3A_1014 : vector<1x1x8x2048xf32> to vector<8x2048xf32>
    %swap3A_1016 = vector.shape_cast %add3A_1009 : vector<8x2048xf32> to vector<1x1x8x2048xf32>
    tpu.vector_store %arg5[%swap3A_1010, %swap3A_1011, %swap3A_1012, %swap3A_1013], %swap3A_1016 {strides = array<i32>} : memref<1x1x1024x2048xf32, #tpu.memory_space<vmem>>, vector<1x1x8x2048xf32>,
    %get3A_1017 = arith.constant 0 : index
    %get3A_1018 = arith.constant 0 : index
    %get3A_1019 = arith.constant 0 : index
    %get3A_1020 = arith.constant 615 : index
    %get3A_1021 = vector.load %arg4[%get3A_1017, %get3A_1018, %get3A_1019, %get3A_1020] : memref<1x1x8x3072xf32, #tpu.memory_space<vmem>>, vector<1x1x8x2048xf32>
    %get3A_1022 = vector.shape_cast %get3A_1021 : vector<1x1x8x2048xf32> to vector<8x2048xf32>
    %get3A_1023 = arith.constant 0 : index
    %get3A_1024 = arith.constant 0 : index
    %get3A_1025 = arith.constant 408 : index
    %get3A_1026 = arith.constant 0 : index
    %get3A_1027 = vector.load %arg3[%get3A_1023, %get3A_1024, %get3A_1025, %get3A_1026] : memref<1x1x1024x2048xf32, #tpu.memory_space<vmem>>, vector<1x1x8x2048xf32>
    %get3A_1028 = vector.shape_cast %get3A_1027 : vector<1x1x8x2048xf32> to vector<8x2048xf32>
    %add3A_1029 = arith.addf %get3A_1028, %get3A_1022 : vector<8x2048xf32>
    %swap3A_1030 = arith.constant 0 : index
    %swap3A_1031 = arith.constant 0 : index
    %swap3A_1032 = arith.constant 408 : index
    %swap3A_1033 = arith.constant 0 : index
    %swap3A_1034 = vector.load %arg5[%swap3A_1030, %swap3A_1031, %swap3A_1032, %swap3A_1033] : memref<1x1x1024x2048xf32, #tpu.memory_space<vmem>>, vector<1x1x8x2048xf32>
    %swap3A_1035 = vector.shape_cast %swap3A_1034 : vector<1x1x8x2048xf32> to vector<8x2048xf32>
    %swap3A_1036 = vector.shape_cast %add3A_1029 : vector<8x2048xf32> to vector<1x1x8x2048xf32>
    tpu.vector_store %arg5[%swap3A_1030, %swap3A_1031, %swap3A_1032, %swap3A_1033], %swap3A_1036 {strides = array<i32>} : memref<1x1x1024x2048xf32, #tpu.memory_space<vmem>>, vector<1x1x8x2048xf32>,
    %get3A_1037 = arith.constant 0 : index
    %get3A_1038 = arith.constant 0 : index
    %get3A_1039 = arith.constant 0 : index
    %get3A_1040 = arith.constant 607 : index
    %get3A_1041 = vector.load %arg4[%get3A_1037, %get3A_1038, %get3A_1039, %get3A_1040] : memref<1x1x8x3072xf32, #tpu.memory_space<vmem>>, vector<1x1x8x2048xf32>
    %get3A_1042 = vector.shape_cast %get3A_1041 : vector<1x1x8x2048xf32> to vector<8x2048xf32>
    %get3A_1043 = arith.constant 0 : index
    %get3A_1044 = arith.constant 0 : index
    %get3A_1045 = arith.constant 416 : index
    %get3A_1046 = arith.constant 0 : index
    %get3A_1047 = vector.load %arg3[%get3A_1043, %get3A_1044, %get3A_1045, %get3A_1046] : memref<1x1x1024x2048xf32, #tpu.memory_space<vmem>>, vector<1x1x8x2048xf32>
    %get3A_1048 = vector.shape_cast %get3A_1047 : vector<1x1x8x2048xf32> to vector<8x2048xf32>
    %add3A_1049 = arith.addf %get3A_1048, %get3A_1042 : vector<8x2048xf32>
    %swap3A_1050 = arith.constant 0 : index
    %swap3A_1051 = arith.constant 0 : index
    %swap3A_1052 = arith.constant 416 : index
    %swap3A_1053 = arith.constant 0 : index
    %swap3A_1054 = vector.load %arg5[%swap3A_1050, %swap3A_1051, %swap3A_1052, %swap3A_1053] : memref<1x1x1024x2048xf32, #tpu.memory_space<vmem>>, vector<1x1x8x2048xf32>
    %swap3A_1055 = vector.shape_cast %swap3A_1054 : vector<1x1x8x2048xf32> to vector<8x2048xf32>
    %swap3A_1056 = vector.shape_cast %add3A_1049 : vector<8x2048xf32> to vector<1x1x8x2048xf32>
    tpu.vector_store %arg5[%swap3A_1050, %swap3A_1051, %swap3A_1052, %swap3A_1053], %swap3A_1056 {strides = array<i32>} : memref<1x1x1024x2048xf32, #tpu.memory_space<vmem>>, vector<1x1x8x2048xf32>,
    %get3A_1057 = arith.constant 0 : index
    %get3A_1058 = arith.constant 0 : index
    %get3A_1059 = arith.constant 0 : index
    %get3A_1060 = arith.constant 599 : index
    %get3A_1061 = vector.load %arg4[%get3A_1057, %get3A_1058, %get3A_1059, %get3A_1060] : memref<1x1x8x3072xf32, #tpu.memory_space<vmem>>, vector<1x1x8x2048xf32>
    %get3A_1062 = vector.shape_cast %get3A_1061 : vector<1x1x8x2048xf32> to vector<8x2048xf32>
    %get3A_1063 = arith.constant 0 : index
    %get3A_1064 = arith.constant 0 : index
    %get3A_1065 = arith.constant 424 : index
    %get3A_1066 = arith.constant 0 : index
    %get3A_1067 = vector.load %arg3[%get3A_1063, %get3A_1064, %get3A_1065, %get3A_1066] : memref<1x1x1024x2048xf32, #tpu.memory_space<vmem>>, vector<1x1x8x2048xf32>
    %get3A_1068 = vector.shape_cast %get3A_1067 : vector<1x1x8x2048xf32> to vector<8x2048xf32>
    %add3A_1069 = arith.addf %get3A_1068, %get3A_1062 : vector<8x2048xf32>
    %swap3A_1070 = arith.constant 0 : index
    %swap3A_1071 = arith.constant 0 : index
    %swap3A_1072 = arith.constant 424 : index
    %swap3A_1073 = arith.constant 0 : index
    %swap3A_1074 = vector.load %arg5[%swap3A_1070, %swap3A_1071, %swap3A_1072, %swap3A_1073] : memref<1x1x1024x2048xf32, #tpu.memory_space<vmem>>, vector<1x1x8x2048xf32>
    %swap3A_1075 = vector.shape_cast %swap3A_1074 : vector<1x1x8x2048xf32> to vector<8x2048xf32>
    %swap3A_1076 = vector.shape_cast %add3A_1069 : vector<8x2048xf32> to vector<1x1x8x2048xf32>
    tpu.vector_store %arg5[%swap3A_1070, %swap3A_1071, %swap3A_1072, %swap3A_1073], %swap3A_1076 {strides = array<i32>} : memref<1x1x1024x2048xf32, #tpu.memory_space<vmem>>, vector<1x1x8x2048xf32>,
    %get3A_1077 = arith.constant 0 : index
    %get3A_1078 = arith.constant 0 : index
    %get3A_1079 = arith.constant 0 : index
    %get3A_1080 = arith.constant 591 : index
    %get3A_1081 = vector.load %arg4[%get3A_1077, %get3A_1078, %get3A_1079, %get3A_1080] : memref<1x1x8x3072xf32, #tpu.memory_space<vmem>>, vector<1x1x8x2048xf32>
    %get3A_1082 = vector.shape_cast %get3A_1081 : vector<1x1x8x2048xf32> to vector<8x2048xf32>
    %get3A_1083 = arith.constant 0 : index
    %get3A_1084 = arith.constant 0 : index
    %get3A_1085 = arith.constant 432 : index
    %get3A_1086 = arith.constant 0 : index
    %get3A_1087 = vector.load %arg3[%get3A_1083, %get3A_1084, %get3A_1085, %get3A_1086] : memref<1x1x1024x2048xf32, #tpu.memory_space<vmem>>, vector<1x1x8x2048xf32>
    %get3A_1088 = vector.shape_cast %get3A_1087 : vector<1x1x8x2048xf32> to vector<8x2048xf32>
    %add3A_1089 = arith.addf %get3A_1088, %get3A_1082 : vector<8x2048xf32>
    %swap3A_1090 = arith.constant 0 : index
    %swap3A_1091 = arith.constant 0 : index
    %swap3A_1092 = arith.constant 432 : index
    %swap3A_1093 = arith.constant 0 : index
    %swap3A_1094 = vector.load %arg5[%swap3A_1090, %swap3A_1091, %swap3A_1092, %swap3A_1093] : memref<1x1x1024x2048xf32, #tpu.memory_space<vmem>>, vector<1x1x8x2048xf32>
    %swap3A_1095 = vector.shape_cast %swap3A_1094 : vector<1x1x8x2048xf32> to vector<8x2048xf32>
    %swap3A_1096 = vector.shape_cast %add3A_1089 : vector<8x2048xf32> to vector<1x1x8x2048xf32>
    tpu.vector_store %arg5[%swap3A_1090, %swap3A_1091, %swap3A_1092, %swap3A_1093], %swap3A_1096 {strides = array<i32>} : memref<1x1x1024x2048xf32, #tpu.memory_space<vmem>>, vector<1x1x8x2048xf32>,
    %get3A_1097 = arith.constant 0 : index
    %get3A_1098 = arith.constant 0 : index
    %get3A_1099 = arith.constant 0 : index
    %get3A_1100 = arith.constant 583 : index
    %get3A_1101 = vector.load %arg4[%get3A_1097, %get3A_1098, %get3A_1099, %get3A_1100] : memref<1x1x8x3072xf32, #tpu.memory_space<vmem>>, vector<1x1x8x2048xf32>
    %get3A_1102 = vector.shape_cast %get3A_1101 : vector<1x1x8x2048xf32> to vector<8x2048xf32>
    %get3A_1103 = arith.constant 0 : index
    %get3A_1104 = arith.constant 0 : index
    %get3A_1105 = arith.constant 440 : index
    %get3A_1106 = arith.constant 0 : index
    %get3A_1107 = vector.load %arg3[%get3A_1103, %get3A_1104, %get3A_1105, %get3A_1106] : memref<1x1x1024x2048xf32, #tpu.memory_space<vmem>>, vector<1x1x8x2048xf32>
    %get3A_1108 = vector.shape_cast %get3A_1107 : vector<1x1x8x2048xf32> to vector<8x2048xf32>
    %add3A_1109 = arith.addf %get3A_1108, %get3A_1102 : vector<8x2048xf32>
    %swap3A_1110 = arith.constant 0 : index
    %swap3A_1111 = arith.constant 0 : index
    %swap3A_1112 = arith.constant 440 : index
    %swap3A_1113 = arith.constant 0 : index
    %swap3A_1114 = vector.load %arg5[%swap3A_1110, %swap3A_1111, %swap3A_1112, %swap3A_1113] : memref<1x1x1024x2048xf32, #tpu.memory_space<vmem>>, vector<1x1x8x2048xf32>
    %swap3A_1115 = vector.shape_cast %swap3A_1114 : vector<1x1x8x2048xf32> to vector<8x2048xf32>
    %swap3A_1116 = vector.shape_cast %add3A_1109 : vector<8x2048xf32> to vector<1x1x8x2048xf32>
    tpu.vector_store %arg5[%swap3A_1110, %swap3A_1111, %swap3A_1112, %swap3A_1113], %swap3A_1116 {strides = array<i32>} : memref<1x1x1024x2048xf32, #tpu.memory_space<vmem>>, vector<1x1x8x2048xf32>,
    %get3A_1117 = arith.constant 0 : index
    %get3A_1118 = arith.constant 0 : index
    %get3A_1119 = arith.constant 0 : index
    %get3A_1120 = arith.constant 575 : index
    %get3A_1121 = vector.load %arg4[%get3A_1117, %get3A_1118, %get3A_1119, %get3A_1120] : memref<1x1x8x3072xf32, #tpu.memory_space<vmem>>, vector<1x1x8x2048xf32>
    %get3A_1122 = vector.shape_cast %get3A_1121 : vector<1x1x8x2048xf32> to vector<8x2048xf32>
    %get3A_1123 = arith.constant 0 : index
    %get3A_1124 = arith.constant 0 : index
    %get3A_1125 = arith.constant 448 : index
    %get3A_1126 = arith.constant 0 : index
    %get3A_1127 = vector.load %arg3[%get3A_1123, %get3A_1124, %get3A_1125, %get3A_1126] : memref<1x1x1024x2048xf32, #tpu.memory_space<vmem>>, vector<1x1x8x2048xf32>
    %get3A_1128 = vector.shape_cast %get3A_1127 : vector<1x1x8x2048xf32> to vector<8x2048xf32>
    %add3A_1129 = arith.addf %get3A_1128, %get3A_1122 : vector<8x2048xf32>
    %swap3A_1130 = arith.constant 0 : index
    %swap3A_1131 = arith.constant 0 : index
    %swap3A_1132 = arith.constant 448 : index
    %swap3A_1133 = arith.constant 0 : index
    %swap3A_1134 = vector.load %arg5[%swap3A_1130, %swap3A_1131, %swap3A_1132, %swap3A_1133] : memref<1x1x1024x2048xf32, #tpu.memory_space<vmem>>, vector<1x1x8x2048xf32>
    %swap3A_1135 = vector.shape_cast %swap3A_1134 : vector<1x1x8x2048xf32> to vector<8x2048xf32>
    %swap3A_1136 = vector.shape_cast %add3A_1129 : vector<8x2048xf32> to vector<1x1x8x2048xf32>
    tpu.vector_store %arg5[%swap3A_1130, %swap3A_1131, %swap3A_1132, %swap3A_1133], %swap3A_1136 {strides = array<i32>} : memref<1x1x1024x2048xf32, #tpu.memory_space<vmem>>, vector<1x1x8x2048xf32>,
    %get3A_1137 = arith.constant 0 : index
    %get3A_1138 = arith.constant 0 : index
    %get3A_1139 = arith.constant 0 : index
    %get3A_1140 = arith.constant 567 : index
    %get3A_1141 = vector.load %arg4[%get3A_1137, %get3A_1138, %get3A_1139, %get3A_1140] : memref<1x1x8x3072xf32, #tpu.memory_space<vmem>>, vector<1x1x8x2048xf32>
    %get3A_1142 = vector.shape_cast %get3A_1141 : vector<1x1x8x2048xf32> to vector<8x2048xf32>
    %get3A_1143 = arith.constant 0 : index
    %get3A_1144 = arith.constant 0 : index
    %get3A_1145 = arith.constant 456 : index
    %get3A_1146 = arith.constant 0 : index
    %get3A_1147 = vector.load %arg3[%get3A_1143, %get3A_1144, %get3A_1145, %get3A_1146] : memref<1x1x1024x2048xf32, #tpu.memory_space<vmem>>, vector<1x1x8x2048xf32>
    %get3A_1148 = vector.shape_cast %get3A_1147 : vector<1x1x8x2048xf32> to vector<8x2048xf32>
    %add3A_1149 = arith.addf %get3A_1148, %get3A_1142 : vector<8x2048xf32>
    %swap3A_1150 = arith.constant 0 : index
    %swap3A_1151 = arith.constant 0 : index
    %swap3A_1152 = arith.constant 456 : index
    %swap3A_1153 = arith.constant 0 : index
    %swap3A_1154 = vector.load %arg5[%swap3A_1150, %swap3A_1151, %swap3A_1152, %swap3A_1153] : memref<1x1x1024x2048xf32, #tpu.memory_space<vmem>>, vector<1x1x8x2048xf32>
    %swap3A_1155 = vector.shape_cast %swap3A_1154 : vector<1x1x8x2048xf32> to vector<8x2048xf32>
    %swap3A_1156 = vector.shape_cast %add3A_1149 : vector<8x2048xf32> to vector<1x1x8x2048xf32>
    tpu.vector_store %arg5[%swap3A_1150, %swap3A_1151, %swap3A_1152, %swap3A_1153], %swap3A_1156 {strides = array<i32>} : memref<1x1x1024x2048xf32, #tpu.memory_space<vmem>>, vector<1x1x8x2048xf32>,
    %get3A_1157 = arith.constant 0 : index
    %get3A_1158 = arith.constant 0 : index
    %get3A_1159 = arith.constant 0 : index
    %get3A_1160 = arith.constant 559 : index
    %get3A_1161 = vector.load %arg4[%get3A_1157, %get3A_1158, %get3A_1159, %get3A_1160] : memref<1x1x8x3072xf32, #tpu.memory_space<vmem>>, vector<1x1x8x2048xf32>
    %get3A_1162 = vector.shape_cast %get3A_1161 : vector<1x1x8x2048xf32> to vector<8x2048xf32>
    %get3A_1163 = arith.constant 0 : index
    %get3A_1164 = arith.constant 0 : index
    %get3A_1165 = arith.constant 464 : index
    %get3A_1166 = arith.constant 0 : index
    %get3A_1167 = vector.load %arg3[%get3A_1163, %get3A_1164, %get3A_1165, %get3A_1166] : memref<1x1x1024x2048xf32, #tpu.memory_space<vmem>>, vector<1x1x8x2048xf32>
    %get3A_1168 = vector.shape_cast %get3A_1167 : vector<1x1x8x2048xf32> to vector<8x2048xf32>
    %add3A_1169 = arith.addf %get3A_1168, %get3A_1162 : vector<8x2048xf32>
    %swap3A_1170 = arith.constant 0 : index
    %swap3A_1171 = arith.constant 0 : index
    %swap3A_1172 = arith.constant 464 : index
    %swap3A_1173 = arith.constant 0 : index
    %swap3A_1174 = vector.load %arg5[%swap3A_1170, %swap3A_1171, %swap3A_1172, %swap3A_1173] : memref<1x1x1024x2048xf32, #tpu.memory_space<vmem>>, vector<1x1x8x2048xf32>
    %swap3A_1175 = vector.shape_cast %swap3A_1174 : vector<1x1x8x2048xf32> to vector<8x2048xf32>
    %swap3A_1176 = vector.shape_cast %add3A_1169 : vector<8x2048xf32> to vector<1x1x8x2048xf32>
    tpu.vector_store %arg5[%swap3A_1170, %swap3A_1171, %swap3A_1172, %swap3A_1173], %swap3A_1176 {strides = array<i32>} : memref<1x1x1024x2048xf32, #tpu.memory_space<vmem>>, vector<1x1x8x2048xf32>,
    %get3A_1177 = arith.constant 0 : index
    %get3A_1178 = arith.constant 0 : index
    %get3A_1179 = arith.constant 0 : index
    %get3A_1180 = arith.constant 551 : index
    %get3A_1181 = vector.load %arg4[%get3A_1177, %get3A_1178, %get3A_1179, %get3A_1180] : memref<1x1x8x3072xf32, #tpu.memory_space<vmem>>, vector<1x1x8x2048xf32>
    %get3A_1182 = vector.shape_cast %get3A_1181 : vector<1x1x8x2048xf32> to vector<8x2048xf32>
    %get3A_1183 = arith.constant 0 : index
    %get3A_1184 = arith.constant 0 : index
    %get3A_1185 = arith.constant 472 : index
    %get3A_1186 = arith.constant 0 : index
    %get3A_1187 = vector.load %arg3[%get3A_1183, %get3A_1184, %get3A_1185, %get3A_1186] : memref<1x1x1024x2048xf32, #tpu.memory_space<vmem>>, vector<1x1x8x2048xf32>
    %get3A_1188 = vector.shape_cast %get3A_1187 : vector<1x1x8x2048xf32> to vector<8x2048xf32>
    %add3A_1189 = arith.addf %get3A_1188, %get3A_1182 : vector<8x2048xf32>
    %swap3A_1190 = arith.constant 0 : index
    %swap3A_1191 = arith.constant 0 : index
    %swap3A_1192 = arith.constant 472 : index
    %swap3A_1193 = arith.constant 0 : index
    %swap3A_1194 = vector.load %arg5[%swap3A_1190, %swap3A_1191, %swap3A_1192, %swap3A_1193] : memref<1x1x1024x2048xf32, #tpu.memory_space<vmem>>, vector<1x1x8x2048xf32>
    %swap3A_1195 = vector.shape_cast %swap3A_1194 : vector<1x1x8x2048xf32> to vector<8x2048xf32>
    %swap3A_1196 = vector.shape_cast %add3A_1189 : vector<8x2048xf32> to vector<1x1x8x2048xf32>
    tpu.vector_store %arg5[%swap3A_1190, %swap3A_1191, %swap3A_1192, %swap3A_1193], %swap3A_1196 {strides = array<i32>} : memref<1x1x1024x2048xf32, #tpu.memory_space<vmem>>, vector<1x1x8x2048xf32>,
    %get3A_1197 = arith.constant 0 : index
    %get3A_1198 = arith.constant 0 : index
    %get3A_1199 = arith.constant 0 : index
    %get3A_1200 = arith.constant 543 : index
    %get3A_1201 = vector.load %arg4[%get3A_1197, %get3A_1198, %get3A_1199, %get3A_1200] : memref<1x1x8x3072xf32, #tpu.memory_space<vmem>>, vector<1x1x8x2048xf32>
    %get3A_1202 = vector.shape_cast %get3A_1201 : vector<1x1x8x2048xf32> to vector<8x2048xf32>
    %get3A_1203 = arith.constant 0 : index
    %get3A_1204 = arith.constant 0 : index
    %get3A_1205 = arith.constant 480 : index
    %get3A_1206 = arith.constant 0 : index
    %get3A_1207 = vector.load %arg3[%get3A_1203, %get3A_1204, %get3A_1205, %get3A_1206] : memref<1x1x1024x2048xf32, #tpu.memory_space<vmem>>, vector<1x1x8x2048xf32>
    %get3A_1208 = vector.shape_cast %get3A_1207 : vector<1x1x8x2048xf32> to vector<8x2048xf32>
    %add3A_1209 = arith.addf %get3A_1208, %get3A_1202 : vector<8x2048xf32>
    %swap3A_1210 = arith.constant 0 : index
    %swap3A_1211 = arith.constant 0 : index
    %swap3A_1212 = arith.constant 480 : index
    %swap3A_1213 = arith.constant 0 : index
    %swap3A_1214 = vector.load %arg5[%swap3A_1210, %swap3A_1211, %swap3A_1212, %swap3A_1213] : memref<1x1x1024x2048xf32, #tpu.memory_space<vmem>>, vector<1x1x8x2048xf32>
    %swap3A_1215 = vector.shape_cast %swap3A_1214 : vector<1x1x8x2048xf32> to vector<8x2048xf32>
    %swap3A_1216 = vector.shape_cast %add3A_1209 : vector<8x2048xf32> to vector<1x1x8x2048xf32>
    tpu.vector_store %arg5[%swap3A_1210, %swap3A_1211, %swap3A_1212, %swap3A_1213], %swap3A_1216 {strides = array<i32>} : memref<1x1x1024x2048xf32, #tpu.memory_space<vmem>>, vector<1x1x8x2048xf32>,
    %get3A_1217 = arith.constant 0 : index
    %get3A_1218 = arith.constant 0 : index
    %get3A_1219 = arith.constant 0 : index
    %get3A_1220 = arith.constant 535 : index
    %get3A_1221 = vector.load %arg4[%get3A_1217, %get3A_1218, %get3A_1219, %get3A_1220] : memref<1x1x8x3072xf32, #tpu.memory_space<vmem>>, vector<1x1x8x2048xf32>
    %get3A_1222 = vector.shape_cast %get3A_1221 : vector<1x1x8x2048xf32> to vector<8x2048xf32>
    %get3A_1223 = arith.constant 0 : index
    %get3A_1224 = arith.constant 0 : index
    %get3A_1225 = arith.constant 488 : index
    %get3A_1226 = arith.constant 0 : index
    %get3A_1227 = vector.load %arg3[%get3A_1223, %get3A_1224, %get3A_1225, %get3A_1226] : memref<1x1x1024x2048xf32, #tpu.memory_space<vmem>>, vector<1x1x8x2048xf32>
    %get3A_1228 = vector.shape_cast %get3A_1227 : vector<1x1x8x2048xf32> to vector<8x2048xf32>
    %add3A_1229 = arith.addf %get3A_1228, %get3A_1222 : vector<8x2048xf32>
    %swap3A_1230 = arith.constant 0 : index
    %swap3A_1231 = arith.constant 0 : index
    %swap3A_1232 = arith.constant 488 : index
    %swap3A_1233 = arith.constant 0 : index
    %swap3A_1234 = vector.load %arg5[%swap3A_1230, %swap3A_1231, %swap3A_1232, %swap3A_1233] : memref<1x1x1024x2048xf32, #tpu.memory_space<vmem>>, vector<1x1x8x2048xf32>
    %swap3A_1235 = vector.shape_cast %swap3A_1234 : vector<1x1x8x2048xf32> to vector<8x2048xf32>
    %swap3A_1236 = vector.shape_cast %add3A_1229 : vector<8x2048xf32> to vector<1x1x8x2048xf32>
    tpu.vector_store %arg5[%swap3A_1230, %swap3A_1231, %swap3A_1232, %swap3A_1233], %swap3A_1236 {strides = array<i32>} : memref<1x1x1024x2048xf32, #tpu.memory_space<vmem>>, vector<1x1x8x2048xf32>,
    %get3A_1237 = arith.constant 0 : index
    %get3A_1238 = arith.constant 0 : index
    %get3A_1239 = arith.constant 0 : index
    %get3A_1240 = arith.constant 527 : index
    %get3A_1241 = vector.load %arg4[%get3A_1237, %get3A_1238, %get3A_1239, %get3A_1240] : memref<1x1x8x3072xf32, #tpu.memory_space<vmem>>, vector<1x1x8x2048xf32>
    %get3A_1242 = vector.shape_cast %get3A_1241 : vector<1x1x8x2048xf32> to vector<8x2048xf32>
    %get3A_1243 = arith.constant 0 : index
    %get3A_1244 = arith.constant 0 : index
    %get3A_1245 = arith.constant 496 : index
    %get3A_1246 = arith.constant 0 : index
    %get3A_1247 = vector.load %arg3[%get3A_1243, %get3A_1244, %get3A_1245, %get3A_1246] : memref<1x1x1024x2048xf32, #tpu.memory_space<vmem>>, vector<1x1x8x2048xf32>
    %get3A_1248 = vector.shape_cast %get3A_1247 : vector<1x1x8x2048xf32> to vector<8x2048xf32>
    %add3A_1249 = arith.addf %get3A_1248, %get3A_1242 : vector<8x2048xf32>
    %swap3A_1250 = arith.constant 0 : index
    %swap3A_1251 = arith.constant 0 : index
    %swap3A_1252 = arith.constant 496 : index
    %swap3A_1253 = arith.constant 0 : index
    %swap3A_1254 = vector.load %arg5[%swap3A_1250, %swap3A_1251, %swap3A_1252, %swap3A_1253] : memref<1x1x1024x2048xf32, #tpu.memory_space<vmem>>, vector<1x1x8x2048xf32>
    %swap3A_1255 = vector.shape_cast %swap3A_1254 : vector<1x1x8x2048xf32> to vector<8x2048xf32>
    %swap3A_1256 = vector.shape_cast %add3A_1249 : vector<8x2048xf32> to vector<1x1x8x2048xf32>
    tpu.vector_store %arg5[%swap3A_1250, %swap3A_1251, %swap3A_1252, %swap3A_1253], %swap3A_1256 {strides = array<i32>} : memref<1x1x1024x2048xf32, #tpu.memory_space<vmem>>, vector<1x1x8x2048xf32>,
    %get3A_1257 = arith.constant 0 : index
    %get3A_1258 = arith.constant 0 : index
    %get3A_1259 = arith.constant 0 : index
    %get3A_1260 = arith.constant 519 : index
    %get3A_1261 = vector.load %arg4[%get3A_1257, %get3A_1258, %get3A_1259, %get3A_1260] : memref<1x1x8x3072xf32, #tpu.memory_space<vmem>>, vector<1x1x8x2048xf32>
    %get3A_1262 = vector.shape_cast %get3A_1261 : vector<1x1x8x2048xf32> to vector<8x2048xf32>
    %get3A_1263 = arith.constant 0 : index
    %get3A_1264 = arith.constant 0 : index
    %get3A_1265 = arith.constant 504 : index
    %get3A_1266 = arith.constant 0 : index
    %get3A_1267 = vector.load %arg3[%get3A_1263, %get3A_1264, %get3A_1265, %get3A_1266] : memref<1x1x1024x2048xf32, #tpu.memory_space<vmem>>, vector<1x1x8x2048xf32>
    %get3A_1268 = vector.shape_cast %get3A_1267 : vector<1x1x8x2048xf32> to vector<8x2048xf32>
    %add3A_1269 = arith.addf %get3A_1268, %get3A_1262 : vector<8x2048xf32>
    %swap3A_1270 = arith.constant 0 : index
    %swap3A_1271 = arith.constant 0 : index
    %swap3A_1272 = arith.constant 504 : index
    %swap3A_1273 = arith.constant 0 : index
    %swap3A_1274 = vector.load %arg5[%swap3A_1270, %swap3A_1271, %swap3A_1272, %swap3A_1273] : memref<1x1x1024x2048xf32, #tpu.memory_space<vmem>>, vector<1x1x8x2048xf32>
    %swap3A_1275 = vector.shape_cast %swap3A_1274 : vector<1x1x8x2048xf32> to vector<8x2048xf32>
    %swap3A_1276 = vector.shape_cast %add3A_1269 : vector<8x2048xf32> to vector<1x1x8x2048xf32>
    tpu.vector_store %arg5[%swap3A_1270, %swap3A_1271, %swap3A_1272, %swap3A_1273], %swap3A_1276 {strides = array<i32>} : memref<1x1x1024x2048xf32, #tpu.memory_space<vmem>>, vector<1x1x8x2048xf32>,
    %get3A_1277 = arith.constant 0 : index
    %get3A_1278 = arith.constant 0 : index
    %get3A_1279 = arith.constant 0 : index
    %get3A_1280 = arith.constant 511 : index
    %get3A_1281 = vector.load %arg4[%get3A_1277, %get3A_1278, %get3A_1279, %get3A_1280] : memref<1x1x8x3072xf32, #tpu.memory_space<vmem>>, vector<1x1x8x2048xf32>
    %get3A_1282 = vector.shape_cast %get3A_1281 : vector<1x1x8x2048xf32> to vector<8x2048xf32>
    %get3A_1283 = arith.constant 0 : index
    %get3A_1284 = arith.constant 0 : index
    %get3A_1285 = arith.constant 512 : index
    %get3A_1286 = arith.constant 0 : index
    %get3A_1287 = vector.load %arg3[%get3A_1283, %get3A_1284, %get3A_1285, %get3A_1286] : memref<1x1x1024x2048xf32, #tpu.memory_space<vmem>>, vector<1x1x8x2048xf32>
    %get3A_1288 = vector.shape_cast %get3A_1287 : vector<1x1x8x2048xf32> to vector<8x2048xf32>
    %add3A_1289 = arith.addf %get3A_1288, %get3A_1282 : vector<8x2048xf32>
    %swap3A_1290 = arith.constant 0 : index
    %swap3A_1291 = arith.constant 0 : index
    %swap3A_1292 = arith.constant 512 : index
    %swap3A_1293 = arith.constant 0 : index
    %swap3A_1294 = vector.load %arg5[%swap3A_1290, %swap3A_1291, %swap3A_1292, %swap3A_1293] : memref<1x1x1024x2048xf32, #tpu.memory_space<vmem>>, vector<1x1x8x2048xf32>
    %swap3A_1295 = vector.shape_cast %swap3A_1294 : vector<1x1x8x2048xf32> to vector<8x2048xf32>
    %swap3A_1296 = vector.shape_cast %add3A_1289 : vector<8x2048xf32> to vector<1x1x8x2048xf32>
    tpu.vector_store %arg5[%swap3A_1290, %swap3A_1291, %swap3A_1292, %swap3A_1293], %swap3A_1296 {strides = array<i32>} : memref<1x1x1024x2048xf32, #tpu.memory_space<vmem>>, vector<1x1x8x2048xf32>,
    %get3A_1297 = arith.constant 0 : index
    %get3A_1298 = arith.constant 0 : index
    %get3A_1299 = arith.constant 0 : index
    %get3A_1300 = arith.constant 503 : index
    %get3A_1301 = vector.load %arg4[%get3A_1297, %get3A_1298, %get3A_1299, %get3A_1300] : memref<1x1x8x3072xf32, #tpu.memory_space<vmem>>, vector<1x1x8x2048xf32>
    %get3A_1302 = vector.shape_cast %get3A_1301 : vector<1x1x8x2048xf32> to vector<8x2048xf32>
    %get3A_1303 = arith.constant 0 : index
    %get3A_1304 = arith.constant 0 : index
    %get3A_1305 = arith.constant 520 : index
    %get3A_1306 = arith.constant 0 : index
    %get3A_1307 = vector.load %arg3[%get3A_1303, %get3A_1304, %get3A_1305, %get3A_1306] : memref<1x1x1024x2048xf32, #tpu.memory_space<vmem>>, vector<1x1x8x2048xf32>
    %get3A_1308 = vector.shape_cast %get3A_1307 : vector<1x1x8x2048xf32> to vector<8x2048xf32>
    %add3A_1309 = arith.addf %get3A_1308, %get3A_1302 : vector<8x2048xf32>
    %swap3A_1310 = arith.constant 0 : index
    %swap3A_1311 = arith.constant 0 : index
    %swap3A_1312 = arith.constant 520 : index
    %swap3A_1313 = arith.constant 0 : index
    %swap3A_1314 = vector.load %arg5[%swap3A_1310, %swap3A_1311, %swap3A_1312, %swap3A_1313] : memref<1x1x1024x2048xf32, #tpu.memory_space<vmem>>, vector<1x1x8x2048xf32>
    %swap3A_1315 = vector.shape_cast %swap3A_1314 : vector<1x1x8x2048xf32> to vector<8x2048xf32>
    %swap3A_1316 = vector.shape_cast %add3A_1309 : vector<8x2048xf32> to vector<1x1x8x2048xf32>
    tpu.vector_store %arg5[%swap3A_1310, %swap3A_1311, %swap3A_1312, %swap3A_1313], %swap3A_1316 {strides = array<i32>} : memref<1x1x1024x2048xf32, #tpu.memory_space<vmem>>, vector<1x1x8x2048xf32>,
    %get3A_1317 = arith.constant 0 : index
    %get3A_1318 = arith.constant 0 : index
    %get3A_1319 = arith.constant 0 : index
    %get3A_1320 = arith.constant 495 : index
    %get3A_1321 = vector.load %arg4[%get3A_1317, %get3A_1318, %get3A_1319, %get3A_1320] : memref<1x1x8x3072xf32, #tpu.memory_space<vmem>>, vector<1x1x8x2048xf32>
    %get3A_1322 = vector.shape_cast %get3A_1321 : vector<1x1x8x2048xf32> to vector<8x2048xf32>
    %get3A_1323 = arith.constant 0 : index
    %get3A_1324 = arith.constant 0 : index
    %get3A_1325 = arith.constant 528 : index
    %get3A_1326 = arith.constant 0 : index
    %get3A_1327 = vector.load %arg3[%get3A_1323, %get3A_1324, %get3A_1325, %get3A_1326] : memref<1x1x1024x2048xf32, #tpu.memory_space<vmem>>, vector<1x1x8x2048xf32>
    %get3A_1328 = vector.shape_cast %get3A_1327 : vector<1x1x8x2048xf32> to vector<8x2048xf32>
    %add3A_1329 = arith.addf %get3A_1328, %get3A_1322 : vector<8x2048xf32>
    %swap3A_1330 = arith.constant 0 : index
    %swap3A_1331 = arith.constant 0 : index
    %swap3A_1332 = arith.constant 528 : index
    %swap3A_1333 = arith.constant 0 : index
    %swap3A_1334 = vector.load %arg5[%swap3A_1330, %swap3A_1331, %swap3A_1332, %swap3A_1333] : memref<1x1x1024x2048xf32, #tpu.memory_space<vmem>>, vector<1x1x8x2048xf32>
    %swap3A_1335 = vector.shape_cast %swap3A_1334 : vector<1x1x8x2048xf32> to vector<8x2048xf32>
    %swap3A_1336 = vector.shape_cast %add3A_1329 : vector<8x2048xf32> to vector<1x1x8x2048xf32>
    tpu.vector_store %arg5[%swap3A_1330, %swap3A_1331, %swap3A_1332, %swap3A_1333], %swap3A_1336 {strides = array<i32>} : memref<1x1x1024x2048xf32, #tpu.memory_space<vmem>>, vector<1x1x8x2048xf32>,
    %get3A_1337 = arith.constant 0 : index
    %get3A_1338 = arith.constant 0 : index
    %get3A_1339 = arith.constant 0 : index
    %get3A_1340 = arith.constant 487 : index
    %get3A_1341 = vector.load %arg4[%get3A_1337, %get3A_1338, %get3A_1339, %get3A_1340] : memref<1x1x8x3072xf32, #tpu.memory_space<vmem>>, vector<1x1x8x2048xf32>
    %get3A_1342 = vector.shape_cast %get3A_1341 : vector<1x1x8x2048xf32> to vector<8x2048xf32>
    %get3A_1343 = arith.constant 0 : index
    %get3A_1344 = arith.constant 0 : index
    %get3A_1345 = arith.constant 536 : index
    %get3A_1346 = arith.constant 0 : index
    %get3A_1347 = vector.load %arg3[%get3A_1343, %get3A_1344, %get3A_1345, %get3A_1346] : memref<1x1x1024x2048xf32, #tpu.memory_space<vmem>>, vector<1x1x8x2048xf32>
    %get3A_1348 = vector.shape_cast %get3A_1347 : vector<1x1x8x2048xf32> to vector<8x2048xf32>
    %add3A_1349 = arith.addf %get3A_1348, %get3A_1342 : vector<8x2048xf32>
    %swap3A_1350 = arith.constant 0 : index
    %swap3A_1351 = arith.constant 0 : index
    %swap3A_1352 = arith.constant 536 : index
    %swap3A_1353 = arith.constant 0 : index
    %swap3A_1354 = vector.load %arg5[%swap3A_1350, %swap3A_1351, %swap3A_1352, %swap3A_1353] : memref<1x1x1024x2048xf32, #tpu.memory_space<vmem>>, vector<1x1x8x2048xf32>
    %swap3A_1355 = vector.shape_cast %swap3A_1354 : vector<1x1x8x2048xf32> to vector<8x2048xf32>
    %swap3A_1356 = vector.shape_cast %add3A_1349 : vector<8x2048xf32> to vector<1x1x8x2048xf32>
    tpu.vector_store %arg5[%swap3A_1350, %swap3A_1351, %swap3A_1352, %swap3A_1353], %swap3A_1356 {strides = array<i32>} : memref<1x1x1024x2048xf32, #tpu.memory_space<vmem>>, vector<1x1x8x2048xf32>,
    %get3A_1357 = arith.constant 0 : index
    %get3A_1358 = arith.constant 0 : index
    %get3A_1359 = arith.constant 0 : index
    %get3A_1360 = arith.constant 479 : index
    %get3A_1361 = vector.load %arg4[%get3A_1357, %get3A_1358, %get3A_1359, %get3A_1360] : memref<1x1x8x3072xf32, #tpu.memory_space<vmem>>, vector<1x1x8x2048xf32>
    %get3A_1362 = vector.shape_cast %get3A_1361 : vector<1x1x8x2048xf32> to vector<8x2048xf32>
    %get3A_1363 = arith.constant 0 : index
    %get3A_1364 = arith.constant 0 : index
    %get3A_1365 = arith.constant 544 : index
    %get3A_1366 = arith.constant 0 : index
    %get3A_1367 = vector.load %arg3[%get3A_1363, %get3A_1364, %get3A_1365, %get3A_1366] : memref<1x1x1024x2048xf32, #tpu.memory_space<vmem>>, vector<1x1x8x2048xf32>
    %get3A_1368 = vector.shape_cast %get3A_1367 : vector<1x1x8x2048xf32> to vector<8x2048xf32>
    %add3A_1369 = arith.addf %get3A_1368, %get3A_1362 : vector<8x2048xf32>
    %swap3A_1370 = arith.constant 0 : index
    %swap3A_1371 = arith.constant 0 : index
    %swap3A_1372 = arith.constant 544 : index
    %swap3A_1373 = arith.constant 0 : index
    %swap3A_1374 = vector.load %arg5[%swap3A_1370, %swap3A_1371, %swap3A_1372, %swap3A_1373] : memref<1x1x1024x2048xf32, #tpu.memory_space<vmem>>, vector<1x1x8x2048xf32>
    %swap3A_1375 = vector.shape_cast %swap3A_1374 : vector<1x1x8x2048xf32> to vector<8x2048xf32>
    %swap3A_1376 = vector.shape_cast %add3A_1369 : vector<8x2048xf32> to vector<1x1x8x2048xf32>
    tpu.vector_store %arg5[%swap3A_1370, %swap3A_1371, %swap3A_1372, %swap3A_1373], %swap3A_1376 {strides = array<i32>} : memref<1x1x1024x2048xf32, #tpu.memory_space<vmem>>, vector<1x1x8x2048xf32>,
    %get3A_1377 = arith.constant 0 : index
    %get3A_1378 = arith.constant 0 : index
    %get3A_1379 = arith.constant 0 : index
    %get3A_1380 = arith.constant 471 : index
    %get3A_1381 = vector.load %arg4[%get3A_1377, %get3A_1378, %get3A_1379, %get3A_1380] : memref<1x1x8x3072xf32, #tpu.memory_space<vmem>>, vector<1x1x8x2048xf32>
    %get3A_1382 = vector.shape_cast %get3A_1381 : vector<1x1x8x2048xf32> to vector<8x2048xf32>
    %get3A_1383 = arith.constant 0 : index
    %get3A_1384 = arith.constant 0 : index
    %get3A_1385 = arith.constant 552 : index
    %get3A_1386 = arith.constant 0 : index
    %get3A_1387 = vector.load %arg3[%get3A_1383, %get3A_1384, %get3A_1385, %get3A_1386] : memref<1x1x1024x2048xf32, #tpu.memory_space<vmem>>, vector<1x1x8x2048xf32>
    %get3A_1388 = vector.shape_cast %get3A_1387 : vector<1x1x8x2048xf32> to vector<8x2048xf32>
    %add3A_1389 = arith.addf %get3A_1388, %get3A_1382 : vector<8x2048xf32>
    %swap3A_1390 = arith.constant 0 : index
    %swap3A_1391 = arith.constant 0 : index
    %swap3A_1392 = arith.constant 552 : index
    %swap3A_1393 = arith.constant 0 : index
    %swap3A_1394 = vector.load %arg5[%swap3A_1390, %swap3A_1391, %swap3A_1392, %swap3A_1393] : memref<1x1x1024x2048xf32, #tpu.memory_space<vmem>>, vector<1x1x8x2048xf32>
    %swap3A_1395 = vector.shape_cast %swap3A_1394 : vector<1x1x8x2048xf32> to vector<8x2048xf32>
    %swap3A_1396 = vector.shape_cast %add3A_1389 : vector<8x2048xf32> to vector<1x1x8x2048xf32>
    tpu.vector_store %arg5[%swap3A_1390, %swap3A_1391, %swap3A_1392, %swap3A_1393], %swap3A_1396 {strides = array<i32>} : memref<1x1x1024x2048xf32, #tpu.memory_space<vmem>>, vector<1x1x8x2048xf32>,
    %get3A_1397 = arith.constant 0 : index
    %get3A_1398 = arith.constant 0 : index
    %get3A_1399 = arith.constant 0 : index
    %get3A_1400 = arith.constant 463 : index
    %get3A_1401 = vector.load %arg4[%get3A_1397, %get3A_1398, %get3A_1399, %get3A_1400] : memref<1x1x8x3072xf32, #tpu.memory_space<vmem>>, vector<1x1x8x2048xf32>
    %get3A_1402 = vector.shape_cast %get3A_1401 : vector<1x1x8x2048xf32> to vector<8x2048xf32>
    %get3A_1403 = arith.constant 0 : index
    %get3A_1404 = arith.constant 0 : index
    %get3A_1405 = arith.constant 560 : index
    %get3A_1406 = arith.constant 0 : index
    %get3A_1407 = vector.load %arg3[%get3A_1403, %get3A_1404, %get3A_1405, %get3A_1406] : memref<1x1x1024x2048xf32, #tpu.memory_space<vmem>>, vector<1x1x8x2048xf32>
    %get3A_1408 = vector.shape_cast %get3A_1407 : vector<1x1x8x2048xf32> to vector<8x2048xf32>
    %add3A_1409 = arith.addf %get3A_1408, %get3A_1402 : vector<8x2048xf32>
    %swap3A_1410 = arith.constant 0 : index
    %swap3A_1411 = arith.constant 0 : index
    %swap3A_1412 = arith.constant 560 : index
    %swap3A_1413 = arith.constant 0 : index
    %swap3A_1414 = vector.load %arg5[%swap3A_1410, %swap3A_1411, %swap3A_1412, %swap3A_1413] : memref<1x1x1024x2048xf32, #tpu.memory_space<vmem>>, vector<1x1x8x2048xf32>
    %swap3A_1415 = vector.shape_cast %swap3A_1414 : vector<1x1x8x2048xf32> to vector<8x2048xf32>
    %swap3A_1416 = vector.shape_cast %add3A_1409 : vector<8x2048xf32> to vector<1x1x8x2048xf32>
    tpu.vector_store %arg5[%swap3A_1410, %swap3A_1411, %swap3A_1412, %swap3A_1413], %swap3A_1416 {strides = array<i32>} : memref<1x1x1024x2048xf32, #tpu.memory_space<vmem>>, vector<1x1x8x2048xf32>,
    %get3A_1417 = arith.constant 0 : index
    %get3A_1418 = arith.constant 0 : index
    %get3A_1419 = arith.constant 0 : index
    %get3A_1420 = arith.constant 455 : index
    %get3A_1421 = vector.load %arg4[%get3A_1417, %get3A_1418, %get3A_1419, %get3A_1420] : memref<1x1x8x3072xf32, #tpu.memory_space<vmem>>, vector<1x1x8x2048xf32>
    %get3A_1422 = vector.shape_cast %get3A_1421 : vector<1x1x8x2048xf32> to vector<8x2048xf32>
    %get3A_1423 = arith.constant 0 : index
    %get3A_1424 = arith.constant 0 : index
    %get3A_1425 = arith.constant 568 : index
    %get3A_1426 = arith.constant 0 : index
    %get3A_1427 = vector.load %arg3[%get3A_1423, %get3A_1424, %get3A_1425, %get3A_1426] : memref<1x1x1024x2048xf32, #tpu.memory_space<vmem>>, vector<1x1x8x2048xf32>
    %get3A_1428 = vector.shape_cast %get3A_1427 : vector<1x1x8x2048xf32> to vector<8x2048xf32>
    %add3A_1429 = arith.addf %get3A_1428, %get3A_1422 : vector<8x2048xf32>
    %swap3A_1430 = arith.constant 0 : index
    %swap3A_1431 = arith.constant 0 : index
    %swap3A_1432 = arith.constant 568 : index
    %swap3A_1433 = arith.constant 0 : index
    %swap3A_1434 = vector.load %arg5[%swap3A_1430, %swap3A_1431, %swap3A_1432, %swap3A_1433] : memref<1x1x1024x2048xf32, #tpu.memory_space<vmem>>, vector<1x1x8x2048xf32>
    %swap3A_1435 = vector.shape_cast %swap3A_1434 : vector<1x1x8x2048xf32> to vector<8x2048xf32>
    %swap3A_1436 = vector.shape_cast %add3A_1429 : vector<8x2048xf32> to vector<1x1x8x2048xf32>
    tpu.vector_store %arg5[%swap3A_1430, %swap3A_1431, %swap3A_1432, %swap3A_1433], %swap3A_1436 {strides = array<i32>} : memref<1x1x1024x2048xf32, #tpu.memory_space<vmem>>, vector<1x1x8x2048xf32>,
    %get3A_1437 = arith.constant 0 : index
    %get3A_1438 = arith.constant 0 : index
    %get3A_1439 = arith.constant 0 : index
    %get3A_1440 = arith.constant 447 : index
    %get3A_1441 = vector.load %arg4[%get3A_1437, %get3A_1438, %get3A_1439, %get3A_1440] : memref<1x1x8x3072xf32, #tpu.memory_space<vmem>>, vector<1x1x8x2048xf32>
    %get3A_1442 = vector.shape_cast %get3A_1441 : vector<1x1x8x2048xf32> to vector<8x2048xf32>
    %get3A_1443 = arith.constant 0 : index
    %get3A_1444 = arith.constant 0 : index
    %get3A_1445 = arith.constant 576 : index
    %get3A_1446 = arith.constant 0 : index
    %get3A_1447 = vector.load %arg3[%get3A_1443, %get3A_1444, %get3A_1445, %get3A_1446] : memref<1x1x1024x2048xf32, #tpu.memory_space<vmem>>, vector<1x1x8x2048xf32>
    %get3A_1448 = vector.shape_cast %get3A_1447 : vector<1x1x8x2048xf32> to vector<8x2048xf32>
    %add3A_1449 = arith.addf %get3A_1448, %get3A_1442 : vector<8x2048xf32>
    %swap3A_1450 = arith.constant 0 : index
    %swap3A_1451 = arith.constant 0 : index
    %swap3A_1452 = arith.constant 576 : index
    %swap3A_1453 = arith.constant 0 : index
    %swap3A_1454 = vector.load %arg5[%swap3A_1450, %swap3A_1451, %swap3A_1452, %swap3A_1453] : memref<1x1x1024x2048xf32, #tpu.memory_space<vmem>>, vector<1x1x8x2048xf32>
    %swap3A_1455 = vector.shape_cast %swap3A_1454 : vector<1x1x8x2048xf32> to vector<8x2048xf32>
    %swap3A_1456 = vector.shape_cast %add3A_1449 : vector<8x2048xf32> to vector<1x1x8x2048xf32>
    tpu.vector_store %arg5[%swap3A_1450, %swap3A_1451, %swap3A_1452, %swap3A_1453], %swap3A_1456 {strides = array<i32>} : memref<1x1x1024x2048xf32, #tpu.memory_space<vmem>>, vector<1x1x8x2048xf32>,
    %get3A_1457 = arith.constant 0 : index
    %get3A_1458 = arith.constant 0 : index
    %get3A_1459 = arith.constant 0 : index
    %get3A_1460 = arith.constant 439 : index
    %get3A_1461 = vector.load %arg4[%get3A_1457, %get3A_1458, %get3A_1459, %get3A_1460] : memref<1x1x8x3072xf32, #tpu.memory_space<vmem>>, vector<1x1x8x2048xf32>
    %get3A_1462 = vector.shape_cast %get3A_1461 : vector<1x1x8x2048xf32> to vector<8x2048xf32>
    %get3A_1463 = arith.constant 0 : index
    %get3A_1464 = arith.constant 0 : index
    %get3A_1465 = arith.constant 584 : index
    %get3A_1466 = arith.constant 0 : index
    %get3A_1467 = vector.load %arg3[%get3A_1463, %get3A_1464, %get3A_1465, %get3A_1466] : memref<1x1x1024x2048xf32, #tpu.memory_space<vmem>>, vector<1x1x8x2048xf32>
    %get3A_1468 = vector.shape_cast %get3A_1467 : vector<1x1x8x2048xf32> to vector<8x2048xf32>
    %add3A_1469 = arith.addf %get3A_1468, %get3A_1462 : vector<8x2048xf32>
    %swap3A_1470 = arith.constant 0 : index
    %swap3A_1471 = arith.constant 0 : index
    %swap3A_1472 = arith.constant 584 : index
    %swap3A_1473 = arith.constant 0 : index
    %swap3A_1474 = vector.load %arg5[%swap3A_1470, %swap3A_1471, %swap3A_1472, %swap3A_1473] : memref<1x1x1024x2048xf32, #tpu.memory_space<vmem>>, vector<1x1x8x2048xf32>
    %swap3A_1475 = vector.shape_cast %swap3A_1474 : vector<1x1x8x2048xf32> to vector<8x2048xf32>
    %swap3A_1476 = vector.shape_cast %add3A_1469 : vector<8x2048xf32> to vector<1x1x8x2048xf32>
    tpu.vector_store %arg5[%swap3A_1470, %swap3A_1471, %swap3A_1472, %swap3A_1473], %swap3A_1476 {strides = array<i32>} : memref<1x1x1024x2048xf32, #tpu.memory_space<vmem>>, vector<1x1x8x2048xf32>,
    %get3A_1477 = arith.constant 0 : index
    %get3A_1478 = arith.constant 0 : index
    %get3A_1479 = arith.constant 0 : index
    %get3A_1480 = arith.constant 431 : index
    %get3A_1481 = vector.load %arg4[%get3A_1477, %get3A_1478, %get3A_1479, %get3A_1480] : memref<1x1x8x3072xf32, #tpu.memory_space<vmem>>, vector<1x1x8x2048xf32>
    %get3A_1482 = vector.shape_cast %get3A_1481 : vector<1x1x8x2048xf32> to vector<8x2048xf32>
    %get3A_1483 = arith.constant 0 : index
    %get3A_1484 = arith.constant 0 : index
    %get3A_1485 = arith.constant 592 : index
    %get3A_1486 = arith.constant 0 : index
    %get3A_1487 = vector.load %arg3[%get3A_1483, %get3A_1484, %get3A_1485, %get3A_1486] : memref<1x1x1024x2048xf32, #tpu.memory_space<vmem>>, vector<1x1x8x2048xf32>
    %get3A_1488 = vector.shape_cast %get3A_1487 : vector<1x1x8x2048xf32> to vector<8x2048xf32>
    %add3A_1489 = arith.addf %get3A_1488, %get3A_1482 : vector<8x2048xf32>
    %swap3A_1490 = arith.constant 0 : index
    %swap3A_1491 = arith.constant 0 : index
    %swap3A_1492 = arith.constant 592 : index
    %swap3A_1493 = arith.constant 0 : index
    %swap3A_1494 = vector.load %arg5[%swap3A_1490, %swap3A_1491, %swap3A_1492, %swap3A_1493] : memref<1x1x1024x2048xf32, #tpu.memory_space<vmem>>, vector<1x1x8x2048xf32>
    %swap3A_1495 = vector.shape_cast %swap3A_1494 : vector<1x1x8x2048xf32> to vector<8x2048xf32>
    %swap3A_1496 = vector.shape_cast %add3A_1489 : vector<8x2048xf32> to vector<1x1x8x2048xf32>
    tpu.vector_store %arg5[%swap3A_1490, %swap3A_1491, %swap3A_1492, %swap3A_1493], %swap3A_1496 {strides = array<i32>} : memref<1x1x1024x2048xf32, #tpu.memory_space<vmem>>, vector<1x1x8x2048xf32>,
    %get3A_1497 = arith.constant 0 : index
    %get3A_1498 = arith.constant 0 : index
    %get3A_1499 = arith.constant 0 : index
    %get3A_1500 = arith.constant 423 : index
    %get3A_1501 = vector.load %arg4[%get3A_1497, %get3A_1498, %get3A_1499, %get3A_1500] : memref<1x1x8x3072xf32, #tpu.memory_space<vmem>>, vector<1x1x8x2048xf32>
    %get3A_1502 = vector.shape_cast %get3A_1501 : vector<1x1x8x2048xf32> to vector<8x2048xf32>
    %get3A_1503 = arith.constant 0 : index
    %get3A_1504 = arith.constant 0 : index
    %get3A_1505 = arith.constant 600 : index
    %get3A_1506 = arith.constant 0 : index
    %get3A_1507 = vector.load %arg3[%get3A_1503, %get3A_1504, %get3A_1505, %get3A_1506] : memref<1x1x1024x2048xf32, #tpu.memory_space<vmem>>, vector<1x1x8x2048xf32>
    %get3A_1508 = vector.shape_cast %get3A_1507 : vector<1x1x8x2048xf32> to vector<8x2048xf32>
    %add3A_1509 = arith.addf %get3A_1508, %get3A_1502 : vector<8x2048xf32>
    %swap3A_1510 = arith.constant 0 : index
    %swap3A_1511 = arith.constant 0 : index
    %swap3A_1512 = arith.constant 600 : index
    %swap3A_1513 = arith.constant 0 : index
    %swap3A_1514 = vector.load %arg5[%swap3A_1510, %swap3A_1511, %swap3A_1512, %swap3A_1513] : memref<1x1x1024x2048xf32, #tpu.memory_space<vmem>>, vector<1x1x8x2048xf32>
    %swap3A_1515 = vector.shape_cast %swap3A_1514 : vector<1x1x8x2048xf32> to vector<8x2048xf32>
    %swap3A_1516 = vector.shape_cast %add3A_1509 : vector<8x2048xf32> to vector<1x1x8x2048xf32>
    tpu.vector_store %arg5[%swap3A_1510, %swap3A_1511, %swap3A_1512, %swap3A_1513], %swap3A_1516 {strides = array<i32>} : memref<1x1x1024x2048xf32, #tpu.memory_space<vmem>>, vector<1x1x8x2048xf32>,
    %get3A_1517 = arith.constant 0 : index
    %get3A_1518 = arith.constant 0 : index
    %get3A_1519 = arith.constant 0 : index
    %get3A_1520 = arith.constant 415 : index
    %get3A_1521 = vector.load %arg4[%get3A_1517, %get3A_1518, %get3A_1519, %get3A_1520] : memref<1x1x8x3072xf32, #tpu.memory_space<vmem>>, vector<1x1x8x2048xf32>
    %get3A_1522 = vector.shape_cast %get3A_1521 : vector<1x1x8x2048xf32> to vector<8x2048xf32>
    %get3A_1523 = arith.constant 0 : index
    %get3A_1524 = arith.constant 0 : index
    %get3A_1525 = arith.constant 608 : index
    %get3A_1526 = arith.constant 0 : index
    %get3A_1527 = vector.load %arg3[%get3A_1523, %get3A_1524, %get3A_1525, %get3A_1526] : memref<1x1x1024x2048xf32, #tpu.memory_space<vmem>>, vector<1x1x8x2048xf32>
    %get3A_1528 = vector.shape_cast %get3A_1527 : vector<1x1x8x2048xf32> to vector<8x2048xf32>
    %add3A_1529 = arith.addf %get3A_1528, %get3A_1522 : vector<8x2048xf32>
    %swap3A_1530 = arith.constant 0 : index
    %swap3A_1531 = arith.constant 0 : index
    %swap3A_1532 = arith.constant 608 : index
    %swap3A_1533 = arith.constant 0 : index
    %swap3A_1534 = vector.load %arg5[%swap3A_1530, %swap3A_1531, %swap3A_1532, %swap3A_1533] : memref<1x1x1024x2048xf32, #tpu.memory_space<vmem>>, vector<1x1x8x2048xf32>
    %swap3A_1535 = vector.shape_cast %swap3A_1534 : vector<1x1x8x2048xf32> to vector<8x2048xf32>
    %swap3A_1536 = vector.shape_cast %add3A_1529 : vector<8x2048xf32> to vector<1x1x8x2048xf32>
    tpu.vector_store %arg5[%swap3A_1530, %swap3A_1531, %swap3A_1532, %swap3A_1533], %swap3A_1536 {strides = array<i32>} : memref<1x1x1024x2048xf32, #tpu.memory_space<vmem>>, vector<1x1x8x2048xf32>,
    %get3A_1537 = arith.constant 0 : index
    %get3A_1538 = arith.constant 0 : index
    %get3A_1539 = arith.constant 0 : index
    %get3A_1540 = arith.constant 407 : index
    %get3A_1541 = vector.load %arg4[%get3A_1537, %get3A_1538, %get3A_1539, %get3A_1540] : memref<1x1x8x3072xf32, #tpu.memory_space<vmem>>, vector<1x1x8x2048xf32>
    %get3A_1542 = vector.shape_cast %get3A_1541 : vector<1x1x8x2048xf32> to vector<8x2048xf32>
    %get3A_1543 = arith.constant 0 : index
    %get3A_1544 = arith.constant 0 : index
    %get3A_1545 = arith.constant 616 : index
    %get3A_1546 = arith.constant 0 : index
    %get3A_1547 = vector.load %arg3[%get3A_1543, %get3A_1544, %get3A_1545, %get3A_1546] : memref<1x1x1024x2048xf32, #tpu.memory_space<vmem>>, vector<1x1x8x2048xf32>
    %get3A_1548 = vector.shape_cast %get3A_1547 : vector<1x1x8x2048xf32> to vector<8x2048xf32>
    %add3A_1549 = arith.addf %get3A_1548, %get3A_1542 : vector<8x2048xf32>
    %swap3A_1550 = arith.constant 0 : index
    %swap3A_1551 = arith.constant 0 : index
    %swap3A_1552 = arith.constant 616 : index
    %swap3A_1553 = arith.constant 0 : index
    %swap3A_1554 = vector.load %arg5[%swap3A_1550, %swap3A_1551, %swap3A_1552, %swap3A_1553] : memref<1x1x1024x2048xf32, #tpu.memory_space<vmem>>, vector<1x1x8x2048xf32>
    %swap3A_1555 = vector.shape_cast %swap3A_1554 : vector<1x1x8x2048xf32> to vector<8x2048xf32>
    %swap3A_1556 = vector.shape_cast %add3A_1549 : vector<8x2048xf32> to vector<1x1x8x2048xf32>
    tpu.vector_store %arg5[%swap3A_1550, %swap3A_1551, %swap3A_1552, %swap3A_1553], %swap3A_1556 {strides = array<i32>} : memref<1x1x1024x2048xf32, #tpu.memory_space<vmem>>, vector<1x1x8x2048xf32>,
    %get3A_1557 = arith.constant 0 : index
    %get3A_1558 = arith.constant 0 : index
    %get3A_1559 = arith.constant 0 : index
    %get3A_1560 = arith.constant 399 : index
    %get3A_1561 = vector.load %arg4[%get3A_1557, %get3A_1558, %get3A_1559, %get3A_1560] : memref<1x1x8x3072xf32, #tpu.memory_space<vmem>>, vector<1x1x8x2048xf32>
    %get3A_1562 = vector.shape_cast %get3A_1561 : vector<1x1x8x2048xf32> to vector<8x2048xf32>
    %get3A_1563 = arith.constant 0 : index
    %get3A_1564 = arith.constant 0 : index
    %get3A_1565 = arith.constant 624 : index
    %get3A_1566 = arith.constant 0 : index
    %get3A_1567 = vector.load %arg3[%get3A_1563, %get3A_1564, %get3A_1565, %get3A_1566] : memref<1x1x1024x2048xf32, #tpu.memory_space<vmem>>, vector<1x1x8x2048xf32>
    %get3A_1568 = vector.shape_cast %get3A_1567 : vector<1x1x8x2048xf32> to vector<8x2048xf32>
    %add3A_1569 = arith.addf %get3A_1568, %get3A_1562 : vector<8x2048xf32>
    %swap3A_1570 = arith.constant 0 : index
    %swap3A_1571 = arith.constant 0 : index
    %swap3A_1572 = arith.constant 624 : index
    %swap3A_1573 = arith.constant 0 : index
    %swap3A_1574 = vector.load %arg5[%swap3A_1570, %swap3A_1571, %swap3A_1572, %swap3A_1573] : memref<1x1x1024x2048xf32, #tpu.memory_space<vmem>>, vector<1x1x8x2048xf32>
    %swap3A_1575 = vector.shape_cast %swap3A_1574 : vector<1x1x8x2048xf32> to vector<8x2048xf32>
    %swap3A_1576 = vector.shape_cast %add3A_1569 : vector<8x2048xf32> to vector<1x1x8x2048xf32>
    tpu.vector_store %arg5[%swap3A_1570, %swap3A_1571, %swap3A_1572, %swap3A_1573], %swap3A_1576 {strides = array<i32>} : memref<1x1x1024x2048xf32, #tpu.memory_space<vmem>>, vector<1x1x8x2048xf32>,
    %get3A_1577 = arith.constant 0 : index
    %get3A_1578 = arith.constant 0 : index
    %get3A_1579 = arith.constant 0 : index
    %get3A_1580 = arith.constant 391 : index
    %get3A_1581 = vector.load %arg4[%get3A_1577, %get3A_1578, %get3A_1579, %get3A_1580] : memref<1x1x8x3072xf32, #tpu.memory_space<vmem>>, vector<1x1x8x2048xf32>
    %get3A_1582 = vector.shape_cast %get3A_1581 : vector<1x1x8x2048xf32> to vector<8x2048xf32>
    %get3A_1583 = arith.constant 0 : index
    %get3A_1584 = arith.constant 0 : index
    %get3A_1585 = arith.constant 632 : index
    %get3A_1586 = arith.constant 0 : index
    %get3A_1587 = vector.load %arg3[%get3A_1583, %get3A_1584, %get3A_1585, %get3A_1586] : memref<1x1x1024x2048xf32, #tpu.memory_space<vmem>>, vector<1x1x8x2048xf32>
    %get3A_1588 = vector.shape_cast %get3A_1587 : vector<1x1x8x2048xf32> to vector<8x2048xf32>
    %add3A_1589 = arith.addf %get3A_1588, %get3A_1582 : vector<8x2048xf32>
    %swap3A_1590 = arith.constant 0 : index
    %swap3A_1591 = arith.constant 0 : index
    %swap3A_1592 = arith.constant 632 : index
    %swap3A_1593 = arith.constant 0 : index
    %swap3A_1594 = vector.load %arg5[%swap3A_1590, %swap3A_1591, %swap3A_1592, %swap3A_1593] : memref<1x1x1024x2048xf32, #tpu.memory_space<vmem>>, vector<1x1x8x2048xf32>
    %swap3A_1595 = vector.shape_cast %swap3A_1594 : vector<1x1x8x2048xf32> to vector<8x2048xf32>
    %swap3A_1596 = vector.shape_cast %add3A_1589 : vector<8x2048xf32> to vector<1x1x8x2048xf32>
    tpu.vector_store %arg5[%swap3A_1590, %swap3A_1591, %swap3A_1592, %swap3A_1593], %swap3A_1596 {strides = array<i32>} : memref<1x1x1024x2048xf32, #tpu.memory_space<vmem>>, vector<1x1x8x2048xf32>,
    %get3A_1597 = arith.constant 0 : index
    %get3A_1598 = arith.constant 0 : index
    %get3A_1599 = arith.constant 0 : index
    %get3A_1600 = arith.constant 383 : index
    %get3A_1601 = vector.load %arg4[%get3A_1597, %get3A_1598, %get3A_1599, %get3A_1600] : memref<1x1x8x3072xf32, #tpu.memory_space<vmem>>, vector<1x1x8x2048xf32>
    %get3A_1602 = vector.shape_cast %get3A_1601 : vector<1x1x8x2048xf32> to vector<8x2048xf32>
    %get3A_1603 = arith.constant 0 : index
    %get3A_1604 = arith.constant 0 : index
    %get3A_1605 = arith.constant 640 : index
    %get3A_1606 = arith.constant 0 : index
    %get3A_1607 = vector.load %arg3[%get3A_1603, %get3A_1604, %get3A_1605, %get3A_1606] : memref<1x1x1024x2048xf32, #tpu.memory_space<vmem>>, vector<1x1x8x2048xf32>
    %get3A_1608 = vector.shape_cast %get3A_1607 : vector<1x1x8x2048xf32> to vector<8x2048xf32>
    %add3A_1609 = arith.addf %get3A_1608, %get3A_1602 : vector<8x2048xf32>
    %swap3A_1610 = arith.constant 0 : index
    %swap3A_1611 = arith.constant 0 : index
    %swap3A_1612 = arith.constant 640 : index
    %swap3A_1613 = arith.constant 0 : index
    %swap3A_1614 = vector.load %arg5[%swap3A_1610, %swap3A_1611, %swap3A_1612, %swap3A_1613] : memref<1x1x1024x2048xf32, #tpu.memory_space<vmem>>, vector<1x1x8x2048xf32>
    %swap3A_1615 = vector.shape_cast %swap3A_1614 : vector<1x1x8x2048xf32> to vector<8x2048xf32>
    %swap3A_1616 = vector.shape_cast %add3A_1609 : vector<8x2048xf32> to vector<1x1x8x2048xf32>
    tpu.vector_store %arg5[%swap3A_1610, %swap3A_1611, %swap3A_1612, %swap3A_1613], %swap3A_1616 {strides = array<i32>} : memref<1x1x1024x2048xf32, #tpu.memory_space<vmem>>, vector<1x1x8x2048xf32>,
    %get3A_1617 = arith.constant 0 : index
    %get3A_1618 = arith.constant 0 : index
    %get3A_1619 = arith.constant 0 : index
    %get3A_1620 = arith.constant 375 : index
    %get3A_1621 = vector.load %arg4[%get3A_1617, %get3A_1618, %get3A_1619, %get3A_1620] : memref<1x1x8x3072xf32, #tpu.memory_space<vmem>>, vector<1x1x8x2048xf32>
    %get3A_1622 = vector.shape_cast %get3A_1621 : vector<1x1x8x2048xf32> to vector<8x2048xf32>
    %get3A_1623 = arith.constant 0 : index
    %get3A_1624 = arith.constant 0 : index
    %get3A_1625 = arith.constant 648 : index
    %get3A_1626 = arith.constant 0 : index
    %get3A_1627 = vector.load %arg3[%get3A_1623, %get3A_1624, %get3A_1625, %get3A_1626] : memref<1x1x1024x2048xf32, #tpu.memory_space<vmem>>, vector<1x1x8x2048xf32>
    %get3A_1628 = vector.shape_cast %get3A_1627 : vector<1x1x8x2048xf32> to vector<8x2048xf32>
    %add3A_1629 = arith.addf %get3A_1628, %get3A_1622 : vector<8x2048xf32>
    %swap3A_1630 = arith.constant 0 : index
    %swap3A_1631 = arith.constant 0 : index
    %swap3A_1632 = arith.constant 648 : index
    %swap3A_1633 = arith.constant 0 : index
    %swap3A_1634 = vector.load %arg5[%swap3A_1630, %swap3A_1631, %swap3A_1632, %swap3A_1633] : memref<1x1x1024x2048xf32, #tpu.memory_space<vmem>>, vector<1x1x8x2048xf32>
    %swap3A_1635 = vector.shape_cast %swap3A_1634 : vector<1x1x8x2048xf32> to vector<8x2048xf32>
    %swap3A_1636 = vector.shape_cast %add3A_1629 : vector<8x2048xf32> to vector<1x1x8x2048xf32>
    tpu.vector_store %arg5[%swap3A_1630, %swap3A_1631, %swap3A_1632, %swap3A_1633], %swap3A_1636 {strides = array<i32>} : memref<1x1x1024x2048xf32, #tpu.memory_space<vmem>>, vector<1x1x8x2048xf32>,
    %get3A_1637 = arith.constant 0 : index
    %get3A_1638 = arith.constant 0 : index
    %get3A_1639 = arith.constant 0 : index
    %get3A_1640 = arith.constant 367 : index
    %get3A_1641 = vector.load %arg4[%get3A_1637, %get3A_1638, %get3A_1639, %get3A_1640] : memref<1x1x8x3072xf32, #tpu.memory_space<vmem>>, vector<1x1x8x2048xf32>
    %get3A_1642 = vector.shape_cast %get3A_1641 : vector<1x1x8x2048xf32> to vector<8x2048xf32>
    %get3A_1643 = arith.constant 0 : index
    %get3A_1644 = arith.constant 0 : index
    %get3A_1645 = arith.constant 656 : index
    %get3A_1646 = arith.constant 0 : index
    %get3A_1647 = vector.load %arg3[%get3A_1643, %get3A_1644, %get3A_1645, %get3A_1646] : memref<1x1x1024x2048xf32, #tpu.memory_space<vmem>>, vector<1x1x8x2048xf32>
    %get3A_1648 = vector.shape_cast %get3A_1647 : vector<1x1x8x2048xf32> to vector<8x2048xf32>
    %add3A_1649 = arith.addf %get3A_1648, %get3A_1642 : vector<8x2048xf32>
    %swap3A_1650 = arith.constant 0 : index
    %swap3A_1651 = arith.constant 0 : index
    %swap3A_1652 = arith.constant 656 : index
    %swap3A_1653 = arith.constant 0 : index
    %swap3A_1654 = vector.load %arg5[%swap3A_1650, %swap3A_1651, %swap3A_1652, %swap3A_1653] : memref<1x1x1024x2048xf32, #tpu.memory_space<vmem>>, vector<1x1x8x2048xf32>
    %swap3A_1655 = vector.shape_cast %swap3A_1654 : vector<1x1x8x2048xf32> to vector<8x2048xf32>
    %swap3A_1656 = vector.shape_cast %add3A_1649 : vector<8x2048xf32> to vector<1x1x8x2048xf32>
    tpu.vector_store %arg5[%swap3A_1650, %swap3A_1651, %swap3A_1652, %swap3A_1653], %swap3A_1656 {strides = array<i32>} : memref<1x1x1024x2048xf32, #tpu.memory_space<vmem>>, vector<1x1x8x2048xf32>,
    %get3A_1657 = arith.constant 0 : index
    %get3A_1658 = arith.constant 0 : index
    %get3A_1659 = arith.constant 0 : index
    %get3A_1660 = arith.constant 359 : index
    %get3A_1661 = vector.load %arg4[%get3A_1657, %get3A_1658, %get3A_1659, %get3A_1660] : memref<1x1x8x3072xf32, #tpu.memory_space<vmem>>, vector<1x1x8x2048xf32>
    %get3A_1662 = vector.shape_cast %get3A_1661 : vector<1x1x8x2048xf32> to vector<8x2048xf32>
    %get3A_1663 = arith.constant 0 : index
    %get3A_1664 = arith.constant 0 : index
    %get3A_1665 = arith.constant 664 : index
    %get3A_1666 = arith.constant 0 : index
    %get3A_1667 = vector.load %arg3[%get3A_1663, %get3A_1664, %get3A_1665, %get3A_1666] : memref<1x1x1024x2048xf32, #tpu.memory_space<vmem>>, vector<1x1x8x2048xf32>
    %get3A_1668 = vector.shape_cast %get3A_1667 : vector<1x1x8x2048xf32> to vector<8x2048xf32>
    %add3A_1669 = arith.addf %get3A_1668, %get3A_1662 : vector<8x2048xf32>
    %swap3A_1670 = arith.constant 0 : index
    %swap3A_1671 = arith.constant 0 : index
    %swap3A_1672 = arith.constant 664 : index
    %swap3A_1673 = arith.constant 0 : index
    %swap3A_1674 = vector.load %arg5[%swap3A_1670, %swap3A_1671, %swap3A_1672, %swap3A_1673] : memref<1x1x1024x2048xf32, #tpu.memory_space<vmem>>, vector<1x1x8x2048xf32>
    %swap3A_1675 = vector.shape_cast %swap3A_1674 : vector<1x1x8x2048xf32> to vector<8x2048xf32>
    %swap3A_1676 = vector.shape_cast %add3A_1669 : vector<8x2048xf32> to vector<1x1x8x2048xf32>
    tpu.vector_store %arg5[%swap3A_1670, %swap3A_1671, %swap3A_1672, %swap3A_1673], %swap3A_1676 {strides = array<i32>} : memref<1x1x1024x2048xf32, #tpu.memory_space<vmem>>, vector<1x1x8x2048xf32>,
    %get3A_1677 = arith.constant 0 : index
    %get3A_1678 = arith.constant 0 : index
    %get3A_1679 = arith.constant 0 : index
    %get3A_1680 = arith.constant 351 : index
    %get3A_1681 = vector.load %arg4[%get3A_1677, %get3A_1678, %get3A_1679, %get3A_1680] : memref<1x1x8x3072xf32, #tpu.memory_space<vmem>>, vector<1x1x8x2048xf32>
    %get3A_1682 = vector.shape_cast %get3A_1681 : vector<1x1x8x2048xf32> to vector<8x2048xf32>
    %get3A_1683 = arith.constant 0 : index
    %get3A_1684 = arith.constant 0 : index
    %get3A_1685 = arith.constant 672 : index
    %get3A_1686 = arith.constant 0 : index
    %get3A_1687 = vector.load %arg3[%get3A_1683, %get3A_1684, %get3A_1685, %get3A_1686] : memref<1x1x1024x2048xf32, #tpu.memory_space<vmem>>, vector<1x1x8x2048xf32>
    %get3A_1688 = vector.shape_cast %get3A_1687 : vector<1x1x8x2048xf32> to vector<8x2048xf32>
    %add3A_1689 = arith.addf %get3A_1688, %get3A_1682 : vector<8x2048xf32>
    %swap3A_1690 = arith.constant 0 : index
    %swap3A_1691 = arith.constant 0 : index
    %swap3A_1692 = arith.constant 672 : index
    %swap3A_1693 = arith.constant 0 : index
    %swap3A_1694 = vector.load %arg5[%swap3A_1690, %swap3A_1691, %swap3A_1692, %swap3A_1693] : memref<1x1x1024x2048xf32, #tpu.memory_space<vmem>>, vector<1x1x8x2048xf32>
    %swap3A_1695 = vector.shape_cast %swap3A_1694 : vector<1x1x8x2048xf32> to vector<8x2048xf32>
    %swap3A_1696 = vector.shape_cast %add3A_1689 : vector<8x2048xf32> to vector<1x1x8x2048xf32>
    tpu.vector_store %arg5[%swap3A_1690, %swap3A_1691, %swap3A_1692, %swap3A_1693], %swap3A_1696 {strides = array<i32>} : memref<1x1x1024x2048xf32, #tpu.memory_space<vmem>>, vector<1x1x8x2048xf32>,
    %get3A_1697 = arith.constant 0 : index
    %get3A_1698 = arith.constant 0 : index
    %get3A_1699 = arith.constant 0 : index
    %get3A_1700 = arith.constant 343 : index
    %get3A_1701 = vector.load %arg4[%get3A_1697, %get3A_1698, %get3A_1699, %get3A_1700] : memref<1x1x8x3072xf32, #tpu.memory_space<vmem>>, vector<1x1x8x2048xf32>
    %get3A_1702 = vector.shape_cast %get3A_1701 : vector<1x1x8x2048xf32> to vector<8x2048xf32>
    %get3A_1703 = arith.constant 0 : index
    %get3A_1704 = arith.constant 0 : index
    %get3A_1705 = arith.constant 680 : index
    %get3A_1706 = arith.constant 0 : index
    %get3A_1707 = vector.load %arg3[%get3A_1703, %get3A_1704, %get3A_1705, %get3A_1706] : memref<1x1x1024x2048xf32, #tpu.memory_space<vmem>>, vector<1x1x8x2048xf32>
    %get3A_1708 = vector.shape_cast %get3A_1707 : vector<1x1x8x2048xf32> to vector<8x2048xf32>
    %add3A_1709 = arith.addf %get3A_1708, %get3A_1702 : vector<8x2048xf32>
    %swap3A_1710 = arith.constant 0 : index
    %swap3A_1711 = arith.constant 0 : index
    %swap3A_1712 = arith.constant 680 : index
    %swap3A_1713 = arith.constant 0 : index
    %swap3A_1714 = vector.load %arg5[%swap3A_1710, %swap3A_1711, %swap3A_1712, %swap3A_1713] : memref<1x1x1024x2048xf32, #tpu.memory_space<vmem>>, vector<1x1x8x2048xf32>
    %swap3A_1715 = vector.shape_cast %swap3A_1714 : vector<1x1x8x2048xf32> to vector<8x2048xf32>
    %swap3A_1716 = vector.shape_cast %add3A_1709 : vector<8x2048xf32> to vector<1x1x8x2048xf32>
    tpu.vector_store %arg5[%swap3A_1710, %swap3A_1711, %swap3A_1712, %swap3A_1713], %swap3A_1716 {strides = array<i32>} : memref<1x1x1024x2048xf32, #tpu.memory_space<vmem>>, vector<1x1x8x2048xf32>,
    %get3A_1717 = arith.constant 0 : index
    %get3A_1718 = arith.constant 0 : index
    %get3A_1719 = arith.constant 0 : index
    %get3A_1720 = arith.constant 335 : index
    %get3A_1721 = vector.load %arg4[%get3A_1717, %get3A_1718, %get3A_1719, %get3A_1720] : memref<1x1x8x3072xf32, #tpu.memory_space<vmem>>, vector<1x1x8x2048xf32>
    %get3A_1722 = vector.shape_cast %get3A_1721 : vector<1x1x8x2048xf32> to vector<8x2048xf32>
    %get3A_1723 = arith.constant 0 : index
    %get3A_1724 = arith.constant 0 : index
    %get3A_1725 = arith.constant 688 : index
    %get3A_1726 = arith.constant 0 : index
    %get3A_1727 = vector.load %arg3[%get3A_1723, %get3A_1724, %get3A_1725, %get3A_1726] : memref<1x1x1024x2048xf32, #tpu.memory_space<vmem>>, vector<1x1x8x2048xf32>
    %get3A_1728 = vector.shape_cast %get3A_1727 : vector<1x1x8x2048xf32> to vector<8x2048xf32>
    %add3A_1729 = arith.addf %get3A_1728, %get3A_1722 : vector<8x2048xf32>
    %swap3A_1730 = arith.constant 0 : index
    %swap3A_1731 = arith.constant 0 : index
    %swap3A_1732 = arith.constant 688 : index
    %swap3A_1733 = arith.constant 0 : index
    %swap3A_1734 = vector.load %arg5[%swap3A_1730, %swap3A_1731, %swap3A_1732, %swap3A_1733] : memref<1x1x1024x2048xf32, #tpu.memory_space<vmem>>, vector<1x1x8x2048xf32>
    %swap3A_1735 = vector.shape_cast %swap3A_1734 : vector<1x1x8x2048xf32> to vector<8x2048xf32>
    %swap3A_1736 = vector.shape_cast %add3A_1729 : vector<8x2048xf32> to vector<1x1x8x2048xf32>
    tpu.vector_store %arg5[%swap3A_1730, %swap3A_1731, %swap3A_1732, %swap3A_1733], %swap3A_1736 {strides = array<i32>} : memref<1x1x1024x2048xf32, #tpu.memory_space<vmem>>, vector<1x1x8x2048xf32>,
    %get3A_1737 = arith.constant 0 : index
    %get3A_1738 = arith.constant 0 : index
    %get3A_1739 = arith.constant 0 : index
    %get3A_1740 = arith.constant 327 : index
    %get3A_1741 = vector.load %arg4[%get3A_1737, %get3A_1738, %get3A_1739, %get3A_1740] : memref<1x1x8x3072xf32, #tpu.memory_space<vmem>>, vector<1x1x8x2048xf32>
    %get3A_1742 = vector.shape_cast %get3A_1741 : vector<1x1x8x2048xf32> to vector<8x2048xf32>
    %get3A_1743 = arith.constant 0 : index
    %get3A_1744 = arith.constant 0 : index
    %get3A_1745 = arith.constant 696 : index
    %get3A_1746 = arith.constant 0 : index
    %get3A_1747 = vector.load %arg3[%get3A_1743, %get3A_1744, %get3A_1745, %get3A_1746] : memref<1x1x1024x2048xf32, #tpu.memory_space<vmem>>, vector<1x1x8x2048xf32>
    %get3A_1748 = vector.shape_cast %get3A_1747 : vector<1x1x8x2048xf32> to vector<8x2048xf32>
    %add3A_1749 = arith.addf %get3A_1748, %get3A_1742 : vector<8x2048xf32>
    %swap3A_1750 = arith.constant 0 : index
    %swap3A_1751 = arith.constant 0 : index
    %swap3A_1752 = arith.constant 696 : index
    %swap3A_1753 = arith.constant 0 : index
    %swap3A_1754 = vector.load %arg5[%swap3A_1750, %swap3A_1751, %swap3A_1752, %swap3A_1753] : memref<1x1x1024x2048xf32, #tpu.memory_space<vmem>>, vector<1x1x8x2048xf32>
    %swap3A_1755 = vector.shape_cast %swap3A_1754 : vector<1x1x8x2048xf32> to vector<8x2048xf32>
    %swap3A_1756 = vector.shape_cast %add3A_1749 : vector<8x2048xf32> to vector<1x1x8x2048xf32>
    tpu.vector_store %arg5[%swap3A_1750, %swap3A_1751, %swap3A_1752, %swap3A_1753], %swap3A_1756 {strides = array<i32>} : memref<1x1x1024x2048xf32, #tpu.memory_space<vmem>>, vector<1x1x8x2048xf32>,
    %get3A_1757 = arith.constant 0 : index
    %get3A_1758 = arith.constant 0 : index
    %get3A_1759 = arith.constant 0 : index
    %get3A_1760 = arith.constant 319 : index
    %get3A_1761 = vector.load %arg4[%get3A_1757, %get3A_1758, %get3A_1759, %get3A_1760] : memref<1x1x8x3072xf32, #tpu.memory_space<vmem>>, vector<1x1x8x2048xf32>
    %get3A_1762 = vector.shape_cast %get3A_1761 : vector<1x1x8x2048xf32> to vector<8x2048xf32>
    %get3A_1763 = arith.constant 0 : index
    %get3A_1764 = arith.constant 0 : index
    %get3A_1765 = arith.constant 704 : index
    %get3A_1766 = arith.constant 0 : index
    %get3A_1767 = vector.load %arg3[%get3A_1763, %get3A_1764, %get3A_1765, %get3A_1766] : memref<1x1x1024x2048xf32, #tpu.memory_space<vmem>>, vector<1x1x8x2048xf32>
    %get3A_1768 = vector.shape_cast %get3A_1767 : vector<1x1x8x2048xf32> to vector<8x2048xf32>
    %add3A_1769 = arith.addf %get3A_1768, %get3A_1762 : vector<8x2048xf32>
    %swap3A_1770 = arith.constant 0 : index
    %swap3A_1771 = arith.constant 0 : index
    %swap3A_1772 = arith.constant 704 : index
    %swap3A_1773 = arith.constant 0 : index
    %swap3A_1774 = vector.load %arg5[%swap3A_1770, %swap3A_1771, %swap3A_1772, %swap3A_1773] : memref<1x1x1024x2048xf32, #tpu.memory_space<vmem>>, vector<1x1x8x2048xf32>
    %swap3A_1775 = vector.shape_cast %swap3A_1774 : vector<1x1x8x2048xf32> to vector<8x2048xf32>
    %swap3A_1776 = vector.shape_cast %add3A_1769 : vector<8x2048xf32> to vector<1x1x8x2048xf32>
    tpu.vector_store %arg5[%swap3A_1770, %swap3A_1771, %swap3A_1772, %swap3A_1773], %swap3A_1776 {strides = array<i32>} : memref<1x1x1024x2048xf32, #tpu.memory_space<vmem>>, vector<1x1x8x2048xf32>,
    %get3A_1777 = arith.constant 0 : index
    %get3A_1778 = arith.constant 0 : index
    %get3A_1779 = arith.constant 0 : index
    %get3A_1780 = arith.constant 311 : index
    %get3A_1781 = vector.load %arg4[%get3A_1777, %get3A_1778, %get3A_1779, %get3A_1780] : memref<1x1x8x3072xf32, #tpu.memory_space<vmem>>, vector<1x1x8x2048xf32>
    %get3A_1782 = vector.shape_cast %get3A_1781 : vector<1x1x8x2048xf32> to vector<8x2048xf32>
    %get3A_1783 = arith.constant 0 : index
    %get3A_1784 = arith.constant 0 : index
    %get3A_1785 = arith.constant 712 : index
    %get3A_1786 = arith.constant 0 : index
    %get3A_1787 = vector.load %arg3[%get3A_1783, %get3A_1784, %get3A_1785, %get3A_1786] : memref<1x1x1024x2048xf32, #tpu.memory_space<vmem>>, vector<1x1x8x2048xf32>
    %get3A_1788 = vector.shape_cast %get3A_1787 : vector<1x1x8x2048xf32> to vector<8x2048xf32>
    %add3A_1789 = arith.addf %get3A_1788, %get3A_1782 : vector<8x2048xf32>
    %swap3A_1790 = arith.constant 0 : index
    %swap3A_1791 = arith.constant 0 : index
    %swap3A_1792 = arith.constant 712 : index
    %swap3A_1793 = arith.constant 0 : index
    %swap3A_1794 = vector.load %arg5[%swap3A_1790, %swap3A_1791, %swap3A_1792, %swap3A_1793] : memref<1x1x1024x2048xf32, #tpu.memory_space<vmem>>, vector<1x1x8x2048xf32>
    %swap3A_1795 = vector.shape_cast %swap3A_1794 : vector<1x1x8x2048xf32> to vector<8x2048xf32>
    %swap3A_1796 = vector.shape_cast %add3A_1789 : vector<8x2048xf32> to vector<1x1x8x2048xf32>
    tpu.vector_store %arg5[%swap3A_1790, %swap3A_1791, %swap3A_1792, %swap3A_1793], %swap3A_1796 {strides = array<i32>} : memref<1x1x1024x2048xf32, #tpu.memory_space<vmem>>, vector<1x1x8x2048xf32>,
    %get3A_1797 = arith.constant 0 : index
    %get3A_1798 = arith.constant 0 : index
    %get3A_1799 = arith.constant 0 : index
    %get3A_1800 = arith.constant 303 : index
    %get3A_1801 = vector.load %arg4[%get3A_1797, %get3A_1798, %get3A_1799, %get3A_1800] : memref<1x1x8x3072xf32, #tpu.memory_space<vmem>>, vector<1x1x8x2048xf32>
    %get3A_1802 = vector.shape_cast %get3A_1801 : vector<1x1x8x2048xf32> to vector<8x2048xf32>
    %get3A_1803 = arith.constant 0 : index
    %get3A_1804 = arith.constant 0 : index
    %get3A_1805 = arith.constant 720 : index
    %get3A_1806 = arith.constant 0 : index
    %get3A_1807 = vector.load %arg3[%get3A_1803, %get3A_1804, %get3A_1805, %get3A_1806] : memref<1x1x1024x2048xf32, #tpu.memory_space<vmem>>, vector<1x1x8x2048xf32>
    %get3A_1808 = vector.shape_cast %get3A_1807 : vector<1x1x8x2048xf32> to vector<8x2048xf32>
    %add3A_1809 = arith.addf %get3A_1808, %get3A_1802 : vector<8x2048xf32>
    %swap3A_1810 = arith.constant 0 : index
    %swap3A_1811 = arith.constant 0 : index
    %swap3A_1812 = arith.constant 720 : index
    %swap3A_1813 = arith.constant 0 : index
    %swap3A_1814 = vector.load %arg5[%swap3A_1810, %swap3A_1811, %swap3A_1812, %swap3A_1813] : memref<1x1x1024x2048xf32, #tpu.memory_space<vmem>>, vector<1x1x8x2048xf32>
    %swap3A_1815 = vector.shape_cast %swap3A_1814 : vector<1x1x8x2048xf32> to vector<8x2048xf32>
    %swap3A_1816 = vector.shape_cast %add3A_1809 : vector<8x2048xf32> to vector<1x1x8x2048xf32>
    tpu.vector_store %arg5[%swap3A_1810, %swap3A_1811, %swap3A_1812, %swap3A_1813], %swap3A_1816 {strides = array<i32>} : memref<1x1x1024x2048xf32, #tpu.memory_space<vmem>>, vector<1x1x8x2048xf32>,
    %get3A_1817 = arith.constant 0 : index
    %get3A_1818 = arith.constant 0 : index
    %get3A_1819 = arith.constant 0 : index
    %get3A_1820 = arith.constant 295 : index
    %get3A_1821 = vector.load %arg4[%get3A_1817, %get3A_1818, %get3A_1819, %get3A_1820] : memref<1x1x8x3072xf32, #tpu.memory_space<vmem>>, vector<1x1x8x2048xf32>
    %get3A_1822 = vector.shape_cast %get3A_1821 : vector<1x1x8x2048xf32> to vector<8x2048xf32>
    %get3A_1823 = arith.constant 0 : index
    %get3A_1824 = arith.constant 0 : index
    %get3A_1825 = arith.constant 728 : index
    %get3A_1826 = arith.constant 0 : index
    %get3A_1827 = vector.load %arg3[%get3A_1823, %get3A_1824, %get3A_1825, %get3A_1826] : memref<1x1x1024x2048xf32, #tpu.memory_space<vmem>>, vector<1x1x8x2048xf32>
    %get3A_1828 = vector.shape_cast %get3A_1827 : vector<1x1x8x2048xf32> to vector<8x2048xf32>
    %add3A_1829 = arith.addf %get3A_1828, %get3A_1822 : vector<8x2048xf32>
    %swap3A_1830 = arith.constant 0 : index
    %swap3A_1831 = arith.constant 0 : index
    %swap3A_1832 = arith.constant 728 : index
    %swap3A_1833 = arith.constant 0 : index
    %swap3A_1834 = vector.load %arg5[%swap3A_1830, %swap3A_1831, %swap3A_1832, %swap3A_1833] : memref<1x1x1024x2048xf32, #tpu.memory_space<vmem>>, vector<1x1x8x2048xf32>
    %swap3A_1835 = vector.shape_cast %swap3A_1834 : vector<1x1x8x2048xf32> to vector<8x2048xf32>
    %swap3A_1836 = vector.shape_cast %add3A_1829 : vector<8x2048xf32> to vector<1x1x8x2048xf32>
    tpu.vector_store %arg5[%swap3A_1830, %swap3A_1831, %swap3A_1832, %swap3A_1833], %swap3A_1836 {strides = array<i32>} : memref<1x1x1024x2048xf32, #tpu.memory_space<vmem>>, vector<1x1x8x2048xf32>,
    %get3A_1837 = arith.constant 0 : index
    %get3A_1838 = arith.constant 0 : index
    %get3A_1839 = arith.constant 0 : index
    %get3A_1840 = arith.constant 287 : index
    %get3A_1841 = vector.load %arg4[%get3A_1837, %get3A_1838, %get3A_1839, %get3A_1840] : memref<1x1x8x3072xf32, #tpu.memory_space<vmem>>, vector<1x1x8x2048xf32>
    %get3A_1842 = vector.shape_cast %get3A_1841 : vector<1x1x8x2048xf32> to vector<8x2048xf32>
    %get3A_1843 = arith.constant 0 : index
    %get3A_1844 = arith.constant 0 : index
    %get3A_1845 = arith.constant 736 : index
    %get3A_1846 = arith.constant 0 : index
    %get3A_1847 = vector.load %arg3[%get3A_1843, %get3A_1844, %get3A_1845, %get3A_1846] : memref<1x1x1024x2048xf32, #tpu.memory_space<vmem>>, vector<1x1x8x2048xf32>
    %get3A_1848 = vector.shape_cast %get3A_1847 : vector<1x1x8x2048xf32> to vector<8x2048xf32>
    %add3A_1849 = arith.addf %get3A_1848, %get3A_1842 : vector<8x2048xf32>
    %swap3A_1850 = arith.constant 0 : index
    %swap3A_1851 = arith.constant 0 : index
    %swap3A_1852 = arith.constant 736 : index
    %swap3A_1853 = arith.constant 0 : index
    %swap3A_1854 = vector.load %arg5[%swap3A_1850, %swap3A_1851, %swap3A_1852, %swap3A_1853] : memref<1x1x1024x2048xf32, #tpu.memory_space<vmem>>, vector<1x1x8x2048xf32>
    %swap3A_1855 = vector.shape_cast %swap3A_1854 : vector<1x1x8x2048xf32> to vector<8x2048xf32>
    %swap3A_1856 = vector.shape_cast %add3A_1849 : vector<8x2048xf32> to vector<1x1x8x2048xf32>
    tpu.vector_store %arg5[%swap3A_1850, %swap3A_1851, %swap3A_1852, %swap3A_1853], %swap3A_1856 {strides = array<i32>} : memref<1x1x1024x2048xf32, #tpu.memory_space<vmem>>, vector<1x1x8x2048xf32>,
    %get3A_1857 = arith.constant 0 : index
    %get3A_1858 = arith.constant 0 : index
    %get3A_1859 = arith.constant 0 : index
    %get3A_1860 = arith.constant 279 : index
    %get3A_1861 = vector.load %arg4[%get3A_1857, %get3A_1858, %get3A_1859, %get3A_1860] : memref<1x1x8x3072xf32, #tpu.memory_space<vmem>>, vector<1x1x8x2048xf32>
    %get3A_1862 = vector.shape_cast %get3A_1861 : vector<1x1x8x2048xf32> to vector<8x2048xf32>
    %get3A_1863 = arith.constant 0 : index
    %get3A_1864 = arith.constant 0 : index
    %get3A_1865 = arith.constant 744 : index
    %get3A_1866 = arith.constant 0 : index
    %get3A_1867 = vector.load %arg3[%get3A_1863, %get3A_1864, %get3A_1865, %get3A_1866] : memref<1x1x1024x2048xf32, #tpu.memory_space<vmem>>, vector<1x1x8x2048xf32>
    %get3A_1868 = vector.shape_cast %get3A_1867 : vector<1x1x8x2048xf32> to vector<8x2048xf32>
    %add3A_1869 = arith.addf %get3A_1868, %get3A_1862 : vector<8x2048xf32>
    %swap3A_1870 = arith.constant 0 : index
    %swap3A_1871 = arith.constant 0 : index
    %swap3A_1872 = arith.constant 744 : index
    %swap3A_1873 = arith.constant 0 : index
    %swap3A_1874 = vector.load %arg5[%swap3A_1870, %swap3A_1871, %swap3A_1872, %swap3A_1873] : memref<1x1x1024x2048xf32, #tpu.memory_space<vmem>>, vector<1x1x8x2048xf32>
    %swap3A_1875 = vector.shape_cast %swap3A_1874 : vector<1x1x8x2048xf32> to vector<8x2048xf32>
    %swap3A_1876 = vector.shape_cast %add3A_1869 : vector<8x2048xf32> to vector<1x1x8x2048xf32>
    tpu.vector_store %arg5[%swap3A_1870, %swap3A_1871, %swap3A_1872, %swap3A_1873], %swap3A_1876 {strides = array<i32>} : memref<1x1x1024x2048xf32, #tpu.memory_space<vmem>>, vector<1x1x8x2048xf32>,
    %get3A_1877 = arith.constant 0 : index
    %get3A_1878 = arith.constant 0 : index
    %get3A_1879 = arith.constant 0 : index
    %get3A_1880 = arith.constant 271 : index
    %get3A_1881 = vector.load %arg4[%get3A_1877, %get3A_1878, %get3A_1879, %get3A_1880] : memref<1x1x8x3072xf32, #tpu.memory_space<vmem>>, vector<1x1x8x2048xf32>
    %get3A_1882 = vector.shape_cast %get3A_1881 : vector<1x1x8x2048xf32> to vector<8x2048xf32>
    %get3A_1883 = arith.constant 0 : index
    %get3A_1884 = arith.constant 0 : index
    %get3A_1885 = arith.constant 752 : index
    %get3A_1886 = arith.constant 0 : index
    %get3A_1887 = vector.load %arg3[%get3A_1883, %get3A_1884, %get3A_1885, %get3A_1886] : memref<1x1x1024x2048xf32, #tpu.memory_space<vmem>>, vector<1x1x8x2048xf32>
    %get3A_1888 = vector.shape_cast %get3A_1887 : vector<1x1x8x2048xf32> to vector<8x2048xf32>
    %add3A_1889 = arith.addf %get3A_1888, %get3A_1882 : vector<8x2048xf32>
    %swap3A_1890 = arith.constant 0 : index
    %swap3A_1891 = arith.constant 0 : index
    %swap3A_1892 = arith.constant 752 : index
    %swap3A_1893 = arith.constant 0 : index
    %swap3A_1894 = vector.load %arg5[%swap3A_1890, %swap3A_1891, %swap3A_1892, %swap3A_1893] : memref<1x1x1024x2048xf32, #tpu.memory_space<vmem>>, vector<1x1x8x2048xf32>
    %swap3A_1895 = vector.shape_cast %swap3A_1894 : vector<1x1x8x2048xf32> to vector<8x2048xf32>
    %swap3A_1896 = vector.shape_cast %add3A_1889 : vector<8x2048xf32> to vector<1x1x8x2048xf32>
    tpu.vector_store %arg5[%swap3A_1890, %swap3A_1891, %swap3A_1892, %swap3A_1893], %swap3A_1896 {strides = array<i32>} : memref<1x1x1024x2048xf32, #tpu.memory_space<vmem>>, vector<1x1x8x2048xf32>,
    %get3A_1897 = arith.constant 0 : index
    %get3A_1898 = arith.constant 0 : index
    %get3A_1899 = arith.constant 0 : index
    %get3A_1900 = arith.constant 263 : index
    %get3A_1901 = vector.load %arg4[%get3A_1897, %get3A_1898, %get3A_1899, %get3A_1900] : memref<1x1x8x3072xf32, #tpu.memory_space<vmem>>, vector<1x1x8x2048xf32>
    %get3A_1902 = vector.shape_cast %get3A_1901 : vector<1x1x8x2048xf32> to vector<8x2048xf32>
    %get3A_1903 = arith.constant 0 : index
    %get3A_1904 = arith.constant 0 : index
    %get3A_1905 = arith.constant 760 : index
    %get3A_1906 = arith.constant 0 : index
    %get3A_1907 = vector.load %arg3[%get3A_1903, %get3A_1904, %get3A_1905, %get3A_1906] : memref<1x1x1024x2048xf32, #tpu.memory_space<vmem>>, vector<1x1x8x2048xf32>
    %get3A_1908 = vector.shape_cast %get3A_1907 : vector<1x1x8x2048xf32> to vector<8x2048xf32>
    %add3A_1909 = arith.addf %get3A_1908, %get3A_1902 : vector<8x2048xf32>
    %swap3A_1910 = arith.constant 0 : index
    %swap3A_1911 = arith.constant 0 : index
    %swap3A_1912 = arith.constant 760 : index
    %swap3A_1913 = arith.constant 0 : index
    %swap3A_1914 = vector.load %arg5[%swap3A_1910, %swap3A_1911, %swap3A_1912, %swap3A_1913] : memref<1x1x1024x2048xf32, #tpu.memory_space<vmem>>, vector<1x1x8x2048xf32>
    %swap3A_1915 = vector.shape_cast %swap3A_1914 : vector<1x1x8x2048xf32> to vector<8x2048xf32>
    %swap3A_1916 = vector.shape_cast %add3A_1909 : vector<8x2048xf32> to vector<1x1x8x2048xf32>
    tpu.vector_store %arg5[%swap3A_1910, %swap3A_1911, %swap3A_1912, %swap3A_1913], %swap3A_1916 {strides = array<i32>} : memref<1x1x1024x2048xf32, #tpu.memory_space<vmem>>, vector<1x1x8x2048xf32>,
    %get3A_1917 = arith.constant 0 : index
    %get3A_1918 = arith.constant 0 : index
    %get3A_1919 = arith.constant 0 : index
    %get3A_1920 = arith.constant 255 : index
    %get3A_1921 = vector.load %arg4[%get3A_1917, %get3A_1918, %get3A_1919, %get3A_1920] : memref<1x1x8x3072xf32, #tpu.memory_space<vmem>>, vector<1x1x8x2048xf32>
    %get3A_1922 = vector.shape_cast %get3A_1921 : vector<1x1x8x2048xf32> to vector<8x2048xf32>
    %get3A_1923 = arith.constant 0 : index
    %get3A_1924 = arith.constant 0 : index
    %get3A_1925 = arith.constant 768 : index
    %get3A_1926 = arith.constant 0 : index
    %get3A_1927 = vector.load %arg3[%get3A_1923, %get3A_1924, %get3A_1925, %get3A_1926] : memref<1x1x1024x2048xf32, #tpu.memory_space<vmem>>, vector<1x1x8x2048xf32>
    %get3A_1928 = vector.shape_cast %get3A_1927 : vector<1x1x8x2048xf32> to vector<8x2048xf32>
    %add3A_1929 = arith.addf %get3A_1928, %get3A_1922 : vector<8x2048xf32>
    %swap3A_1930 = arith.constant 0 : index
    %swap3A_1931 = arith.constant 0 : index
    %swap3A_1932 = arith.constant 768 : index
    %swap3A_1933 = arith.constant 0 : index
    %swap3A_1934 = vector.load %arg5[%swap3A_1930, %swap3A_1931, %swap3A_1932, %swap3A_1933] : memref<1x1x1024x2048xf32, #tpu.memory_space<vmem>>, vector<1x1x8x2048xf32>
    %swap3A_1935 = vector.shape_cast %swap3A_1934 : vector<1x1x8x2048xf32> to vector<8x2048xf32>
    %swap3A_1936 = vector.shape_cast %add3A_1929 : vector<8x2048xf32> to vector<1x1x8x2048xf32>
    tpu.vector_store %arg5[%swap3A_1930, %swap3A_1931, %swap3A_1932, %swap3A_1933], %swap3A_1936 {strides = array<i32>} : memref<1x1x1024x2048xf32, #tpu.memory_space<vmem>>, vector<1x1x8x2048xf32>,
    %get3A_1937 = arith.constant 0 : index
    %get3A_1938 = arith.constant 0 : index
    %get3A_1939 = arith.constant 0 : index
    %get3A_1940 = arith.constant 247 : index
    %get3A_1941 = vector.load %arg4[%get3A_1937, %get3A_1938, %get3A_1939, %get3A_1940] : memref<1x1x8x3072xf32, #tpu.memory_space<vmem>>, vector<1x1x8x2048xf32>
    %get3A_1942 = vector.shape_cast %get3A_1941 : vector<1x1x8x2048xf32> to vector<8x2048xf32>
    %get3A_1943 = arith.constant 0 : index
    %get3A_1944 = arith.constant 0 : index
    %get3A_1945 = arith.constant 776 : index
    %get3A_1946 = arith.constant 0 : index
    %get3A_1947 = vector.load %arg3[%get3A_1943, %get3A_1944, %get3A_1945, %get3A_1946] : memref<1x1x1024x2048xf32, #tpu.memory_space<vmem>>, vector<1x1x8x2048xf32>
    %get3A_1948 = vector.shape_cast %get3A_1947 : vector<1x1x8x2048xf32> to vector<8x2048xf32>
    %add3A_1949 = arith.addf %get3A_1948, %get3A_1942 : vector<8x2048xf32>
    %swap3A_1950 = arith.constant 0 : index
    %swap3A_1951 = arith.constant 0 : index
    %swap3A_1952 = arith.constant 776 : index
    %swap3A_1953 = arith.constant 0 : index
    %swap3A_1954 = vector.load %arg5[%swap3A_1950, %swap3A_1951, %swap3A_1952, %swap3A_1953] : memref<1x1x1024x2048xf32, #tpu.memory_space<vmem>>, vector<1x1x8x2048xf32>
    %swap3A_1955 = vector.shape_cast %swap3A_1954 : vector<1x1x8x2048xf32> to vector<8x2048xf32>
    %swap3A_1956 = vector.shape_cast %add3A_1949 : vector<8x2048xf32> to vector<1x1x8x2048xf32>
    tpu.vector_store %arg5[%swap3A_1950, %swap3A_1951, %swap3A_1952, %swap3A_1953], %swap3A_1956 {strides = array<i32>} : memref<1x1x1024x2048xf32, #tpu.memory_space<vmem>>, vector<1x1x8x2048xf32>,
    %get3A_1957 = arith.constant 0 : index
    %get3A_1958 = arith.constant 0 : index
    %get3A_1959 = arith.constant 0 : index
    %get3A_1960 = arith.constant 239 : index
    %get3A_1961 = vector.load %arg4[%get3A_1957, %get3A_1958, %get3A_1959, %get3A_1960] : memref<1x1x8x3072xf32, #tpu.memory_space<vmem>>, vector<1x1x8x2048xf32>
    %get3A_1962 = vector.shape_cast %get3A_1961 : vector<1x1x8x2048xf32> to vector<8x2048xf32>
    %get3A_1963 = arith.constant 0 : index
    %get3A_1964 = arith.constant 0 : index
    %get3A_1965 = arith.constant 784 : index
    %get3A_1966 = arith.constant 0 : index
    %get3A_1967 = vector.load %arg3[%get3A_1963, %get3A_1964, %get3A_1965, %get3A_1966] : memref<1x1x1024x2048xf32, #tpu.memory_space<vmem>>, vector<1x1x8x2048xf32>
    %get3A_1968 = vector.shape_cast %get3A_1967 : vector<1x1x8x2048xf32> to vector<8x2048xf32>
    %add3A_1969 = arith.addf %get3A_1968, %get3A_1962 : vector<8x2048xf32>
    %swap3A_1970 = arith.constant 0 : index
    %swap3A_1971 = arith.constant 0 : index
    %swap3A_1972 = arith.constant 784 : index
    %swap3A_1973 = arith.constant 0 : index
    %swap3A_1974 = vector.load %arg5[%swap3A_1970, %swap3A_1971, %swap3A_1972, %swap3A_1973] : memref<1x1x1024x2048xf32, #tpu.memory_space<vmem>>, vector<1x1x8x2048xf32>
    %swap3A_1975 = vector.shape_cast %swap3A_1974 : vector<1x1x8x2048xf32> to vector<8x2048xf32>
    %swap3A_1976 = vector.shape_cast %add3A_1969 : vector<8x2048xf32> to vector<1x1x8x2048xf32>
    tpu.vector_store %arg5[%swap3A_1970, %swap3A_1971, %swap3A_1972, %swap3A_1973], %swap3A_1976 {strides = array<i32>} : memref<1x1x1024x2048xf32, #tpu.memory_space<vmem>>, vector<1x1x8x2048xf32>,
    %get3A_1977 = arith.constant 0 : index
    %get3A_1978 = arith.constant 0 : index
    %get3A_1979 = arith.constant 0 : index
    %get3A_1980 = arith.constant 231 : index
    %get3A_1981 = vector.load %arg4[%get3A_1977, %get3A_1978, %get3A_1979, %get3A_1980] : memref<1x1x8x3072xf32, #tpu.memory_space<vmem>>, vector<1x1x8x2048xf32>
    %get3A_1982 = vector.shape_cast %get3A_1981 : vector<1x1x8x2048xf32> to vector<8x2048xf32>
    %get3A_1983 = arith.constant 0 : index
    %get3A_1984 = arith.constant 0 : index
    %get3A_1985 = arith.constant 792 : index
    %get3A_1986 = arith.constant 0 : index
    %get3A_1987 = vector.load %arg3[%get3A_1983, %get3A_1984, %get3A_1985, %get3A_1986] : memref<1x1x1024x2048xf32, #tpu.memory_space<vmem>>, vector<1x1x8x2048xf32>
    %get3A_1988 = vector.shape_cast %get3A_1987 : vector<1x1x8x2048xf32> to vector<8x2048xf32>
    %add3A_1989 = arith.addf %get3A_1988, %get3A_1982 : vector<8x2048xf32>
    %swap3A_1990 = arith.constant 0 : index
    %swap3A_1991 = arith.constant 0 : index
    %swap3A_1992 = arith.constant 792 : index
    %swap3A_1993 = arith.constant 0 : index
    %swap3A_1994 = vector.load %arg5[%swap3A_1990, %swap3A_1991, %swap3A_1992, %swap3A_1993] : memref<1x1x1024x2048xf32, #tpu.memory_space<vmem>>, vector<1x1x8x2048xf32>
    %swap3A_1995 = vector.shape_cast %swap3A_1994 : vector<1x1x8x2048xf32> to vector<8x2048xf32>
    %swap3A_1996 = vector.shape_cast %add3A_1989 : vector<8x2048xf32> to vector<1x1x8x2048xf32>
    tpu.vector_store %arg5[%swap3A_1990, %swap3A_1991, %swap3A_1992, %swap3A_1993], %swap3A_1996 {strides = array<i32>} : memref<1x1x1024x2048xf32, #tpu.memory_space<vmem>>, vector<1x1x8x2048xf32>,
    %get3A_1997 = arith.constant 0 : index
    %get3A_1998 = arith.constant 0 : index
    %get3A_1999 = arith.constant 0 : index
    %get3A_2000 = arith.constant 223 : index
    %get3A_2001 = vector.load %arg4[%get3A_1997, %get3A_1998, %get3A_1999, %get3A_2000] : memref<1x1x8x3072xf32, #tpu.memory_space<vmem>>, vector<1x1x8x2048xf32>
    %get3A_2002 = vector.shape_cast %get3A_2001 : vector<1x1x8x2048xf32> to vector<8x2048xf32>
    %get3A_2003 = arith.constant 0 : index
    %get3A_2004 = arith.constant 0 : index
    %get3A_2005 = arith.constant 800 : index
    %get3A_2006 = arith.constant 0 : index
    %get3A_2007 = vector.load %arg3[%get3A_2003, %get3A_2004, %get3A_2005, %get3A_2006] : memref<1x1x1024x2048xf32, #tpu.memory_space<vmem>>, vector<1x1x8x2048xf32>
    %get3A_2008 = vector.shape_cast %get3A_2007 : vector<1x1x8x2048xf32> to vector<8x2048xf32>
    %add3A_2009 = arith.addf %get3A_2008, %get3A_2002 : vector<8x2048xf32>
    %swap3A_2010 = arith.constant 0 : index
    %swap3A_2011 = arith.constant 0 : index
    %swap3A_2012 = arith.constant 800 : index
    %swap3A_2013 = arith.constant 0 : index
    %swap3A_2014 = vector.load %arg5[%swap3A_2010, %swap3A_2011, %swap3A_2012, %swap3A_2013] : memref<1x1x1024x2048xf32, #tpu.memory_space<vmem>>, vector<1x1x8x2048xf32>
    %swap3A_2015 = vector.shape_cast %swap3A_2014 : vector<1x1x8x2048xf32> to vector<8x2048xf32>
    %swap3A_2016 = vector.shape_cast %add3A_2009 : vector<8x2048xf32> to vector<1x1x8x2048xf32>
    tpu.vector_store %arg5[%swap3A_2010, %swap3A_2011, %swap3A_2012, %swap3A_2013], %swap3A_2016 {strides = array<i32>} : memref<1x1x1024x2048xf32, #tpu.memory_space<vmem>>, vector<1x1x8x2048xf32>,
    %get3A_2017 = arith.constant 0 : index
    %get3A_2018 = arith.constant 0 : index
    %get3A_2019 = arith.constant 0 : index
    %get3A_2020 = arith.constant 215 : index
    %get3A_2021 = vector.load %arg4[%get3A_2017, %get3A_2018, %get3A_2019, %get3A_2020] : memref<1x1x8x3072xf32, #tpu.memory_space<vmem>>, vector<1x1x8x2048xf32>
    %get3A_2022 = vector.shape_cast %get3A_2021 : vector<1x1x8x2048xf32> to vector<8x2048xf32>
    %get3A_2023 = arith.constant 0 : index
    %get3A_2024 = arith.constant 0 : index
    %get3A_2025 = arith.constant 808 : index
    %get3A_2026 = arith.constant 0 : index
    %get3A_2027 = vector.load %arg3[%get3A_2023, %get3A_2024, %get3A_2025, %get3A_2026] : memref<1x1x1024x2048xf32, #tpu.memory_space<vmem>>, vector<1x1x8x2048xf32>
    %get3A_2028 = vector.shape_cast %get3A_2027 : vector<1x1x8x2048xf32> to vector<8x2048xf32>
    %add3A_2029 = arith.addf %get3A_2028, %get3A_2022 : vector<8x2048xf32>
    %swap3A_2030 = arith.constant 0 : index
    %swap3A_2031 = arith.constant 0 : index
    %swap3A_2032 = arith.constant 808 : index
    %swap3A_2033 = arith.constant 0 : index
    %swap3A_2034 = vector.load %arg5[%swap3A_2030, %swap3A_2031, %swap3A_2032, %swap3A_2033] : memref<1x1x1024x2048xf32, #tpu.memory_space<vmem>>, vector<1x1x8x2048xf32>
    %swap3A_2035 = vector.shape_cast %swap3A_2034 : vector<1x1x8x2048xf32> to vector<8x2048xf32>
    %swap3A_2036 = vector.shape_cast %add3A_2029 : vector<8x2048xf32> to vector<1x1x8x2048xf32>
    tpu.vector_store %arg5[%swap3A_2030, %swap3A_2031, %swap3A_2032, %swap3A_2033], %swap3A_2036 {strides = array<i32>} : memref<1x1x1024x2048xf32, #tpu.memory_space<vmem>>, vector<1x1x8x2048xf32>,
    %get3A_2037 = arith.constant 0 : index
    %get3A_2038 = arith.constant 0 : index
    %get3A_2039 = arith.constant 0 : index
    %get3A_2040 = arith.constant 207 : index
    %get3A_2041 = vector.load %arg4[%get3A_2037, %get3A_2038, %get3A_2039, %get3A_2040] : memref<1x1x8x3072xf32, #tpu.memory_space<vmem>>, vector<1x1x8x2048xf32>
    %get3A_2042 = vector.shape_cast %get3A_2041 : vector<1x1x8x2048xf32> to vector<8x2048xf32>
    %get3A_2043 = arith.constant 0 : index
    %get3A_2044 = arith.constant 0 : index
    %get3A_2045 = arith.constant 816 : index
    %get3A_2046 = arith.constant 0 : index
    %get3A_2047 = vector.load %arg3[%get3A_2043, %get3A_2044, %get3A_2045, %get3A_2046] : memref<1x1x1024x2048xf32, #tpu.memory_space<vmem>>, vector<1x1x8x2048xf32>
    %get3A_2048 = vector.shape_cast %get3A_2047 : vector<1x1x8x2048xf32> to vector<8x2048xf32>
    %add3A_2049 = arith.addf %get3A_2048, %get3A_2042 : vector<8x2048xf32>
    %swap3A_2050 = arith.constant 0 : index
    %swap3A_2051 = arith.constant 0 : index
    %swap3A_2052 = arith.constant 816 : index
    %swap3A_2053 = arith.constant 0 : index
    %swap3A_2054 = vector.load %arg5[%swap3A_2050, %swap3A_2051, %swap3A_2052, %swap3A_2053] : memref<1x1x1024x2048xf32, #tpu.memory_space<vmem>>, vector<1x1x8x2048xf32>
    %swap3A_2055 = vector.shape_cast %swap3A_2054 : vector<1x1x8x2048xf32> to vector<8x2048xf32>
    %swap3A_2056 = vector.shape_cast %add3A_2049 : vector<8x2048xf32> to vector<1x1x8x2048xf32>
    tpu.vector_store %arg5[%swap3A_2050, %swap3A_2051, %swap3A_2052, %swap3A_2053], %swap3A_2056 {strides = array<i32>} : memref<1x1x1024x2048xf32, #tpu.memory_space<vmem>>, vector<1x1x8x2048xf32>,
    %get3A_2057 = arith.constant 0 : index
    %get3A_2058 = arith.constant 0 : index
    %get3A_2059 = arith.constant 0 : index
    %get3A_2060 = arith.constant 199 : index
    %get3A_2061 = vector.load %arg4[%get3A_2057, %get3A_2058, %get3A_2059, %get3A_2060] : memref<1x1x8x3072xf32, #tpu.memory_space<vmem>>, vector<1x1x8x2048xf32>
    %get3A_2062 = vector.shape_cast %get3A_2061 : vector<1x1x8x2048xf32> to vector<8x2048xf32>
    %get3A_2063 = arith.constant 0 : index
    %get3A_2064 = arith.constant 0 : index
    %get3A_2065 = arith.constant 824 : index
    %get3A_2066 = arith.constant 0 : index
    %get3A_2067 = vector.load %arg3[%get3A_2063, %get3A_2064, %get3A_2065, %get3A_2066] : memref<1x1x1024x2048xf32, #tpu.memory_space<vmem>>, vector<1x1x8x2048xf32>
    %get3A_2068 = vector.shape_cast %get3A_2067 : vector<1x1x8x2048xf32> to vector<8x2048xf32>
    %add3A_2069 = arith.addf %get3A_2068, %get3A_2062 : vector<8x2048xf32>
    %swap3A_2070 = arith.constant 0 : index
    %swap3A_2071 = arith.constant 0 : index
    %swap3A_2072 = arith.constant 824 : index
    %swap3A_2073 = arith.constant 0 : index
    %swap3A_2074 = vector.load %arg5[%swap3A_2070, %swap3A_2071, %swap3A_2072, %swap3A_2073] : memref<1x1x1024x2048xf32, #tpu.memory_space<vmem>>, vector<1x1x8x2048xf32>
    %swap3A_2075 = vector.shape_cast %swap3A_2074 : vector<1x1x8x2048xf32> to vector<8x2048xf32>
    %swap3A_2076 = vector.shape_cast %add3A_2069 : vector<8x2048xf32> to vector<1x1x8x2048xf32>
    tpu.vector_store %arg5[%swap3A_2070, %swap3A_2071, %swap3A_2072, %swap3A_2073], %swap3A_2076 {strides = array<i32>} : memref<1x1x1024x2048xf32, #tpu.memory_space<vmem>>, vector<1x1x8x2048xf32>,
    %get3A_2077 = arith.constant 0 : index
    %get3A_2078 = arith.constant 0 : index
    %get3A_2079 = arith.constant 0 : index
    %get3A_2080 = arith.constant 191 : index
    %get3A_2081 = vector.load %arg4[%get3A_2077, %get3A_2078, %get3A_2079, %get3A_2080] : memref<1x1x8x3072xf32, #tpu.memory_space<vmem>>, vector<1x1x8x2048xf32>
    %get3A_2082 = vector.shape_cast %get3A_2081 : vector<1x1x8x2048xf32> to vector<8x2048xf32>
    %get3A_2083 = arith.constant 0 : index
    %get3A_2084 = arith.constant 0 : index
    %get3A_2085 = arith.constant 832 : index
    %get3A_2086 = arith.constant 0 : index
    %get3A_2087 = vector.load %arg3[%get3A_2083, %get3A_2084, %get3A_2085, %get3A_2086] : memref<1x1x1024x2048xf32, #tpu.memory_space<vmem>>, vector<1x1x8x2048xf32>
    %get3A_2088 = vector.shape_cast %get3A_2087 : vector<1x1x8x2048xf32> to vector<8x2048xf32>
    %add3A_2089 = arith.addf %get3A_2088, %get3A_2082 : vector<8x2048xf32>
    %swap3A_2090 = arith.constant 0 : index
    %swap3A_2091 = arith.constant 0 : index
    %swap3A_2092 = arith.constant 832 : index
    %swap3A_2093 = arith.constant 0 : index
    %swap3A_2094 = vector.load %arg5[%swap3A_2090, %swap3A_2091, %swap3A_2092, %swap3A_2093] : memref<1x1x1024x2048xf32, #tpu.memory_space<vmem>>, vector<1x1x8x2048xf32>
    %swap3A_2095 = vector.shape_cast %swap3A_2094 : vector<1x1x8x2048xf32> to vector<8x2048xf32>
    %swap3A_2096 = vector.shape_cast %add3A_2089 : vector<8x2048xf32> to vector<1x1x8x2048xf32>
    tpu.vector_store %arg5[%swap3A_2090, %swap3A_2091, %swap3A_2092, %swap3A_2093], %swap3A_2096 {strides = array<i32>} : memref<1x1x1024x2048xf32, #tpu.memory_space<vmem>>, vector<1x1x8x2048xf32>,
    %get3A_2097 = arith.constant 0 : index
    %get3A_2098 = arith.constant 0 : index
    %get3A_2099 = arith.constant 0 : index
    %get3A_2100 = arith.constant 183 : index
    %get3A_2101 = vector.load %arg4[%get3A_2097, %get3A_2098, %get3A_2099, %get3A_2100] : memref<1x1x8x3072xf32, #tpu.memory_space<vmem>>, vector<1x1x8x2048xf32>
    %get3A_2102 = vector.shape_cast %get3A_2101 : vector<1x1x8x2048xf32> to vector<8x2048xf32>
    %get3A_2103 = arith.constant 0 : index
    %get3A_2104 = arith.constant 0 : index
    %get3A_2105 = arith.constant 840 : index
    %get3A_2106 = arith.constant 0 : index
    %get3A_2107 = vector.load %arg3[%get3A_2103, %get3A_2104, %get3A_2105, %get3A_2106] : memref<1x1x1024x2048xf32, #tpu.memory_space<vmem>>, vector<1x1x8x2048xf32>
    %get3A_2108 = vector.shape_cast %get3A_2107 : vector<1x1x8x2048xf32> to vector<8x2048xf32>
    %add3A_2109 = arith.addf %get3A_2108, %get3A_2102 : vector<8x2048xf32>
    %swap3A_2110 = arith.constant 0 : index
    %swap3A_2111 = arith.constant 0 : index
    %swap3A_2112 = arith.constant 840 : index
    %swap3A_2113 = arith.constant 0 : index
    %swap3A_2114 = vector.load %arg5[%swap3A_2110, %swap3A_2111, %swap3A_2112, %swap3A_2113] : memref<1x1x1024x2048xf32, #tpu.memory_space<vmem>>, vector<1x1x8x2048xf32>
    %swap3A_2115 = vector.shape_cast %swap3A_2114 : vector<1x1x8x2048xf32> to vector<8x2048xf32>
    %swap3A_2116 = vector.shape_cast %add3A_2109 : vector<8x2048xf32> to vector<1x1x8x2048xf32>
    tpu.vector_store %arg5[%swap3A_2110, %swap3A_2111, %swap3A_2112, %swap3A_2113], %swap3A_2116 {strides = array<i32>} : memref<1x1x1024x2048xf32, #tpu.memory_space<vmem>>, vector<1x1x8x2048xf32>,
    %get3A_2117 = arith.constant 0 : index
    %get3A_2118 = arith.constant 0 : index
    %get3A_2119 = arith.constant 0 : index
    %get3A_2120 = arith.constant 175 : index
    %get3A_2121 = vector.load %arg4[%get3A_2117, %get3A_2118, %get3A_2119, %get3A_2120] : memref<1x1x8x3072xf32, #tpu.memory_space<vmem>>, vector<1x1x8x2048xf32>
    %get3A_2122 = vector.shape_cast %get3A_2121 : vector<1x1x8x2048xf32> to vector<8x2048xf32>
    %get3A_2123 = arith.constant 0 : index
    %get3A_2124 = arith.constant 0 : index
    %get3A_2125 = arith.constant 848 : index
    %get3A_2126 = arith.constant 0 : index
    %get3A_2127 = vector.load %arg3[%get3A_2123, %get3A_2124, %get3A_2125, %get3A_2126] : memref<1x1x1024x2048xf32, #tpu.memory_space<vmem>>, vector<1x1x8x2048xf32>
    %get3A_2128 = vector.shape_cast %get3A_2127 : vector<1x1x8x2048xf32> to vector<8x2048xf32>
    %add3A_2129 = arith.addf %get3A_2128, %get3A_2122 : vector<8x2048xf32>
    %swap3A_2130 = arith.constant 0 : index
    %swap3A_2131 = arith.constant 0 : index
    %swap3A_2132 = arith.constant 848 : index
    %swap3A_2133 = arith.constant 0 : index
    %swap3A_2134 = vector.load %arg5[%swap3A_2130, %swap3A_2131, %swap3A_2132, %swap3A_2133] : memref<1x1x1024x2048xf32, #tpu.memory_space<vmem>>, vector<1x1x8x2048xf32>
    %swap3A_2135 = vector.shape_cast %swap3A_2134 : vector<1x1x8x2048xf32> to vector<8x2048xf32>
    %swap3A_2136 = vector.shape_cast %add3A_2129 : vector<8x2048xf32> to vector<1x1x8x2048xf32>
    tpu.vector_store %arg5[%swap3A_2130, %swap3A_2131, %swap3A_2132, %swap3A_2133], %swap3A_2136 {strides = array<i32>} : memref<1x1x1024x2048xf32, #tpu.memory_space<vmem>>, vector<1x1x8x2048xf32>,
    %get3A_2137 = arith.constant 0 : index
    %get3A_2138 = arith.constant 0 : index
    %get3A_2139 = arith.constant 0 : index
    %get3A_2140 = arith.constant 167 : index
    %get3A_2141 = vector.load %arg4[%get3A_2137, %get3A_2138, %get3A_2139, %get3A_2140] : memref<1x1x8x3072xf32, #tpu.memory_space<vmem>>, vector<1x1x8x2048xf32>
    %get3A_2142 = vector.shape_cast %get3A_2141 : vector<1x1x8x2048xf32> to vector<8x2048xf32>
    %get3A_2143 = arith.constant 0 : index
    %get3A_2144 = arith.constant 0 : index
    %get3A_2145 = arith.constant 856 : index
    %get3A_2146 = arith.constant 0 : index
    %get3A_2147 = vector.load %arg3[%get3A_2143, %get3A_2144, %get3A_2145, %get3A_2146] : memref<1x1x1024x2048xf32, #tpu.memory_space<vmem>>, vector<1x1x8x2048xf32>
    %get3A_2148 = vector.shape_cast %get3A_2147 : vector<1x1x8x2048xf32> to vector<8x2048xf32>
    %add3A_2149 = arith.addf %get3A_2148, %get3A_2142 : vector<8x2048xf32>
    %swap3A_2150 = arith.constant 0 : index
    %swap3A_2151 = arith.constant 0 : index
    %swap3A_2152 = arith.constant 856 : index
    %swap3A_2153 = arith.constant 0 : index
    %swap3A_2154 = vector.load %arg5[%swap3A_2150, %swap3A_2151, %swap3A_2152, %swap3A_2153] : memref<1x1x1024x2048xf32, #tpu.memory_space<vmem>>, vector<1x1x8x2048xf32>
    %swap3A_2155 = vector.shape_cast %swap3A_2154 : vector<1x1x8x2048xf32> to vector<8x2048xf32>
    %swap3A_2156 = vector.shape_cast %add3A_2149 : vector<8x2048xf32> to vector<1x1x8x2048xf32>
    tpu.vector_store %arg5[%swap3A_2150, %swap3A_2151, %swap3A_2152, %swap3A_2153], %swap3A_2156 {strides = array<i32>} : memref<1x1x1024x2048xf32, #tpu.memory_space<vmem>>, vector<1x1x8x2048xf32>,
    %get3A_2157 = arith.constant 0 : index
    %get3A_2158 = arith.constant 0 : index
    %get3A_2159 = arith.constant 0 : index
    %get3A_2160 = arith.constant 159 : index
    %get3A_2161 = vector.load %arg4[%get3A_2157, %get3A_2158, %get3A_2159, %get3A_2160] : memref<1x1x8x3072xf32, #tpu.memory_space<vmem>>, vector<1x1x8x2048xf32>
    %get3A_2162 = vector.shape_cast %get3A_2161 : vector<1x1x8x2048xf32> to vector<8x2048xf32>
    %get3A_2163 = arith.constant 0 : index
    %get3A_2164 = arith.constant 0 : index
    %get3A_2165 = arith.constant 864 : index
    %get3A_2166 = arith.constant 0 : index
    %get3A_2167 = vector.load %arg3[%get3A_2163, %get3A_2164, %get3A_2165, %get3A_2166] : memref<1x1x1024x2048xf32, #tpu.memory_space<vmem>>, vector<1x1x8x2048xf32>
    %get3A_2168 = vector.shape_cast %get3A_2167 : vector<1x1x8x2048xf32> to vector<8x2048xf32>
    %add3A_2169 = arith.addf %get3A_2168, %get3A_2162 : vector<8x2048xf32>
    %swap3A_2170 = arith.constant 0 : index
    %swap3A_2171 = arith.constant 0 : index
    %swap3A_2172 = arith.constant 864 : index
    %swap3A_2173 = arith.constant 0 : index
    %swap3A_2174 = vector.load %arg5[%swap3A_2170, %swap3A_2171, %swap3A_2172, %swap3A_2173] : memref<1x1x1024x2048xf32, #tpu.memory_space<vmem>>, vector<1x1x8x2048xf32>
    %swap3A_2175 = vector.shape_cast %swap3A_2174 : vector<1x1x8x2048xf32> to vector<8x2048xf32>
    %swap3A_2176 = vector.shape_cast %add3A_2169 : vector<8x2048xf32> to vector<1x1x8x2048xf32>
    tpu.vector_store %arg5[%swap3A_2170, %swap3A_2171, %swap3A_2172, %swap3A_2173], %swap3A_2176 {strides = array<i32>} : memref<1x1x1024x2048xf32, #tpu.memory_space<vmem>>, vector<1x1x8x2048xf32>,
    %get3A_2177 = arith.constant 0 : index
    %get3A_2178 = arith.constant 0 : index
    %get3A_2179 = arith.constant 0 : index
    %get3A_2180 = arith.constant 151 : index
    %get3A_2181 = vector.load %arg4[%get3A_2177, %get3A_2178, %get3A_2179, %get3A_2180] : memref<1x1x8x3072xf32, #tpu.memory_space<vmem>>, vector<1x1x8x2048xf32>
    %get3A_2182 = vector.shape_cast %get3A_2181 : vector<1x1x8x2048xf32> to vector<8x2048xf32>
    %get3A_2183 = arith.constant 0 : index
    %get3A_2184 = arith.constant 0 : index
    %get3A_2185 = arith.constant 872 : index
    %get3A_2186 = arith.constant 0 : index
    %get3A_2187 = vector.load %arg3[%get3A_2183, %get3A_2184, %get3A_2185, %get3A_2186] : memref<1x1x1024x2048xf32, #tpu.memory_space<vmem>>, vector<1x1x8x2048xf32>
    %get3A_2188 = vector.shape_cast %get3A_2187 : vector<1x1x8x2048xf32> to vector<8x2048xf32>
    %add3A_2189 = arith.addf %get3A_2188, %get3A_2182 : vector<8x2048xf32>
    %swap3A_2190 = arith.constant 0 : index
    %swap3A_2191 = arith.constant 0 : index
    %swap3A_2192 = arith.constant 872 : index
    %swap3A_2193 = arith.constant 0 : index
    %swap3A_2194 = vector.load %arg5[%swap3A_2190, %swap3A_2191, %swap3A_2192, %swap3A_2193] : memref<1x1x1024x2048xf32, #tpu.memory_space<vmem>>, vector<1x1x8x2048xf32>
    %swap3A_2195 = vector.shape_cast %swap3A_2194 : vector<1x1x8x2048xf32> to vector<8x2048xf32>
    %swap3A_2196 = vector.shape_cast %add3A_2189 : vector<8x2048xf32> to vector<1x1x8x2048xf32>
    tpu.vector_store %arg5[%swap3A_2190, %swap3A_2191, %swap3A_2192, %swap3A_2193], %swap3A_2196 {strides = array<i32>} : memref<1x1x1024x2048xf32, #tpu.memory_space<vmem>>, vector<1x1x8x2048xf32>,
    %get3A_2197 = arith.constant 0 : index
    %get3A_2198 = arith.constant 0 : index
    %get3A_2199 = arith.constant 0 : index
    %get3A_2200 = arith.constant 143 : index
    %get3A_2201 = vector.load %arg4[%get3A_2197, %get3A_2198, %get3A_2199, %get3A_2200] : memref<1x1x8x3072xf32, #tpu.memory_space<vmem>>, vector<1x1x8x2048xf32>
    %get3A_2202 = vector.shape_cast %get3A_2201 : vector<1x1x8x2048xf32> to vector<8x2048xf32>
    %get3A_2203 = arith.constant 0 : index
    %get3A_2204 = arith.constant 0 : index
    %get3A_2205 = arith.constant 880 : index
    %get3A_2206 = arith.constant 0 : index
    %get3A_2207 = vector.load %arg3[%get3A_2203, %get3A_2204, %get3A_2205, %get3A_2206] : memref<1x1x1024x2048xf32, #tpu.memory_space<vmem>>, vector<1x1x8x2048xf32>
    %get3A_2208 = vector.shape_cast %get3A_2207 : vector<1x1x8x2048xf32> to vector<8x2048xf32>
    %add3A_2209 = arith.addf %get3A_2208, %get3A_2202 : vector<8x2048xf32>
    %swap3A_2210 = arith.constant 0 : index
    %swap3A_2211 = arith.constant 0 : index
    %swap3A_2212 = arith.constant 880 : index
    %swap3A_2213 = arith.constant 0 : index
    %swap3A_2214 = vector.load %arg5[%swap3A_2210, %swap3A_2211, %swap3A_2212, %swap3A_2213] : memref<1x1x1024x2048xf32, #tpu.memory_space<vmem>>, vector<1x1x8x2048xf32>
    %swap3A_2215 = vector.shape_cast %swap3A_2214 : vector<1x1x8x2048xf32> to vector<8x2048xf32>
    %swap3A_2216 = vector.shape_cast %add3A_2209 : vector<8x2048xf32> to vector<1x1x8x2048xf32>
    tpu.vector_store %arg5[%swap3A_2210, %swap3A_2211, %swap3A_2212, %swap3A_2213], %swap3A_2216 {strides = array<i32>} : memref<1x1x1024x2048xf32, #tpu.memory_space<vmem>>, vector<1x1x8x2048xf32>,
    %get3A_2217 = arith.constant 0 : index
    %get3A_2218 = arith.constant 0 : index
    %get3A_2219 = arith.constant 0 : index
    %get3A_2220 = arith.constant 135 : index
    %get3A_2221 = vector.load %arg4[%get3A_2217, %get3A_2218, %get3A_2219, %get3A_2220] : memref<1x1x8x3072xf32, #tpu.memory_space<vmem>>, vector<1x1x8x2048xf32>
    %get3A_2222 = vector.shape_cast %get3A_2221 : vector<1x1x8x2048xf32> to vector<8x2048xf32>
    %get3A_2223 = arith.constant 0 : index
    %get3A_2224 = arith.constant 0 : index
    %get3A_2225 = arith.constant 888 : index
    %get3A_2226 = arith.constant 0 : index
    %get3A_2227 = vector.load %arg3[%get3A_2223, %get3A_2224, %get3A_2225, %get3A_2226] : memref<1x1x1024x2048xf32, #tpu.memory_space<vmem>>, vector<1x1x8x2048xf32>
    %get3A_2228 = vector.shape_cast %get3A_2227 : vector<1x1x8x2048xf32> to vector<8x2048xf32>
    %add3A_2229 = arith.addf %get3A_2228, %get3A_2222 : vector<8x2048xf32>
    %swap3A_2230 = arith.constant 0 : index
    %swap3A_2231 = arith.constant 0 : index
    %swap3A_2232 = arith.constant 888 : index
    %swap3A_2233 = arith.constant 0 : index
    %swap3A_2234 = vector.load %arg5[%swap3A_2230, %swap3A_2231, %swap3A_2232, %swap3A_2233] : memref<1x1x1024x2048xf32, #tpu.memory_space<vmem>>, vector<1x1x8x2048xf32>
    %swap3A_2235 = vector.shape_cast %swap3A_2234 : vector<1x1x8x2048xf32> to vector<8x2048xf32>
    %swap3A_2236 = vector.shape_cast %add3A_2229 : vector<8x2048xf32> to vector<1x1x8x2048xf32>
    tpu.vector_store %arg5[%swap3A_2230, %swap3A_2231, %swap3A_2232, %swap3A_2233], %swap3A_2236 {strides = array<i32>} : memref<1x1x1024x2048xf32, #tpu.memory_space<vmem>>, vector<1x1x8x2048xf32>,
    %get3A_2237 = arith.constant 0 : index
    %get3A_2238 = arith.constant 0 : index
    %get3A_2239 = arith.constant 0 : index
    %get3A_2240 = arith.constant 127 : index
    %get3A_2241 = vector.load %arg4[%get3A_2237, %get3A_2238, %get3A_2239, %get3A_2240] : memref<1x1x8x3072xf32, #tpu.memory_space<vmem>>, vector<1x1x8x2048xf32>
    %get3A_2242 = vector.shape_cast %get3A_2241 : vector<1x1x8x2048xf32> to vector<8x2048xf32>
    %get3A_2243 = arith.constant 0 : index
    %get3A_2244 = arith.constant 0 : index
    %get3A_2245 = arith.constant 896 : index
    %get3A_2246 = arith.constant 0 : index
    %get3A_2247 = vector.load %arg3[%get3A_2243, %get3A_2244, %get3A_2245, %get3A_2246] : memref<1x1x1024x2048xf32, #tpu.memory_space<vmem>>, vector<1x1x8x2048xf32>
    %get3A_2248 = vector.shape_cast %get3A_2247 : vector<1x1x8x2048xf32> to vector<8x2048xf32>
    %add3A_2249 = arith.addf %get3A_2248, %get3A_2242 : vector<8x2048xf32>
    %swap3A_2250 = arith.constant 0 : index
    %swap3A_2251 = arith.constant 0 : index
    %swap3A_2252 = arith.constant 896 : index
    %swap3A_2253 = arith.constant 0 : index
    %swap3A_2254 = vector.load %arg5[%swap3A_2250, %swap3A_2251, %swap3A_2252, %swap3A_2253] : memref<1x1x1024x2048xf32, #tpu.memory_space<vmem>>, vector<1x1x8x2048xf32>
    %swap3A_2255 = vector.shape_cast %swap3A_2254 : vector<1x1x8x2048xf32> to vector<8x2048xf32>
    %swap3A_2256 = vector.shape_cast %add3A_2249 : vector<8x2048xf32> to vector<1x1x8x2048xf32>
    tpu.vector_store %arg5[%swap3A_2250, %swap3A_2251, %swap3A_2252, %swap3A_2253], %swap3A_2256 {strides = array<i32>} : memref<1x1x1024x2048xf32, #tpu.memory_space<vmem>>, vector<1x1x8x2048xf32>,
    %get3A_2257 = arith.constant 0 : index
    %get3A_2258 = arith.constant 0 : index
    %get3A_2259 = arith.constant 0 : index
    %get3A_2260 = arith.constant 119 : index
    %get3A_2261 = vector.load %arg4[%get3A_2257, %get3A_2258, %get3A_2259, %get3A_2260] : memref<1x1x8x3072xf32, #tpu.memory_space<vmem>>, vector<1x1x8x2048xf32>
    %get3A_2262 = vector.shape_cast %get3A_2261 : vector<1x1x8x2048xf32> to vector<8x2048xf32>
    %get3A_2263 = arith.constant 0 : index
    %get3A_2264 = arith.constant 0 : index
    %get3A_2265 = arith.constant 904 : index
    %get3A_2266 = arith.constant 0 : index
    %get3A_2267 = vector.load %arg3[%get3A_2263, %get3A_2264, %get3A_2265, %get3A_2266] : memref<1x1x1024x2048xf32, #tpu.memory_space<vmem>>, vector<1x1x8x2048xf32>
    %get3A_2268 = vector.shape_cast %get3A_2267 : vector<1x1x8x2048xf32> to vector<8x2048xf32>
    %add3A_2269 = arith.addf %get3A_2268, %get3A_2262 : vector<8x2048xf32>
    %swap3A_2270 = arith.constant 0 : index
    %swap3A_2271 = arith.constant 0 : index
    %swap3A_2272 = arith.constant 904 : index
    %swap3A_2273 = arith.constant 0 : index
    %swap3A_2274 = vector.load %arg5[%swap3A_2270, %swap3A_2271, %swap3A_2272, %swap3A_2273] : memref<1x1x1024x2048xf32, #tpu.memory_space<vmem>>, vector<1x1x8x2048xf32>
    %swap3A_2275 = vector.shape_cast %swap3A_2274 : vector<1x1x8x2048xf32> to vector<8x2048xf32>
    %swap3A_2276 = vector.shape_cast %add3A_2269 : vector<8x2048xf32> to vector<1x1x8x2048xf32>
    tpu.vector_store %arg5[%swap3A_2270, %swap3A_2271, %swap3A_2272, %swap3A_2273], %swap3A_2276 {strides = array<i32>} : memref<1x1x1024x2048xf32, #tpu.memory_space<vmem>>, vector<1x1x8x2048xf32>,
    %get3A_2277 = arith.constant 0 : index
    %get3A_2278 = arith.constant 0 : index
    %get3A_2279 = arith.constant 0 : index
    %get3A_2280 = arith.constant 111 : index
    %get3A_2281 = vector.load %arg4[%get3A_2277, %get3A_2278, %get3A_2279, %get3A_2280] : memref<1x1x8x3072xf32, #tpu.memory_space<vmem>>, vector<1x1x8x2048xf32>
    %get3A_2282 = vector.shape_cast %get3A_2281 : vector<1x1x8x2048xf32> to vector<8x2048xf32>
    %get3A_2283 = arith.constant 0 : index
    %get3A_2284 = arith.constant 0 : index
    %get3A_2285 = arith.constant 912 : index
    %get3A_2286 = arith.constant 0 : index
    %get3A_2287 = vector.load %arg3[%get3A_2283, %get3A_2284, %get3A_2285, %get3A_2286] : memref<1x1x1024x2048xf32, #tpu.memory_space<vmem>>, vector<1x1x8x2048xf32>
    %get3A_2288 = vector.shape_cast %get3A_2287 : vector<1x1x8x2048xf32> to vector<8x2048xf32>
    %add3A_2289 = arith.addf %get3A_2288, %get3A_2282 : vector<8x2048xf32>
    %swap3A_2290 = arith.constant 0 : index
    %swap3A_2291 = arith.constant 0 : index
    %swap3A_2292 = arith.constant 912 : index
    %swap3A_2293 = arith.constant 0 : index
    %swap3A_2294 = vector.load %arg5[%swap3A_2290, %swap3A_2291, %swap3A_2292, %swap3A_2293] : memref<1x1x1024x2048xf32, #tpu.memory_space<vmem>>, vector<1x1x8x2048xf32>
    %swap3A_2295 = vector.shape_cast %swap3A_2294 : vector<1x1x8x2048xf32> to vector<8x2048xf32>
    %swap3A_2296 = vector.shape_cast %add3A_2289 : vector<8x2048xf32> to vector<1x1x8x2048xf32>
    tpu.vector_store %arg5[%swap3A_2290, %swap3A_2291, %swap3A_2292, %swap3A_2293], %swap3A_2296 {strides = array<i32>} : memref<1x1x1024x2048xf32, #tpu.memory_space<vmem>>, vector<1x1x8x2048xf32>,
    %get3A_2297 = arith.constant 0 : index
    %get3A_2298 = arith.constant 0 : index
    %get3A_2299 = arith.constant 0 : index
    %get3A_2300 = arith.constant 103 : index
    %get3A_2301 = vector.load %arg4[%get3A_2297, %get3A_2298, %get3A_2299, %get3A_2300] : memref<1x1x8x3072xf32, #tpu.memory_space<vmem>>, vector<1x1x8x2048xf32>
    %get3A_2302 = vector.shape_cast %get3A_2301 : vector<1x1x8x2048xf32> to vector<8x2048xf32>
    %get3A_2303 = arith.constant 0 : index
    %get3A_2304 = arith.constant 0 : index
    %get3A_2305 = arith.constant 920 : index
    %get3A_2306 = arith.constant 0 : index
    %get3A_2307 = vector.load %arg3[%get3A_2303, %get3A_2304, %get3A_2305, %get3A_2306] : memref<1x1x1024x2048xf32, #tpu.memory_space<vmem>>, vector<1x1x8x2048xf32>
    %get3A_2308 = vector.shape_cast %get3A_2307 : vector<1x1x8x2048xf32> to vector<8x2048xf32>
    %add3A_2309 = arith.addf %get3A_2308, %get3A_2302 : vector<8x2048xf32>
    %swap3A_2310 = arith.constant 0 : index
    %swap3A_2311 = arith.constant 0 : index
    %swap3A_2312 = arith.constant 920 : index
    %swap3A_2313 = arith.constant 0 : index
    %swap3A_2314 = vector.load %arg5[%swap3A_2310, %swap3A_2311, %swap3A_2312, %swap3A_2313] : memref<1x1x1024x2048xf32, #tpu.memory_space<vmem>>, vector<1x1x8x2048xf32>
    %swap3A_2315 = vector.shape_cast %swap3A_2314 : vector<1x1x8x2048xf32> to vector<8x2048xf32>
    %swap3A_2316 = vector.shape_cast %add3A_2309 : vector<8x2048xf32> to vector<1x1x8x2048xf32>
    tpu.vector_store %arg5[%swap3A_2310, %swap3A_2311, %swap3A_2312, %swap3A_2313], %swap3A_2316 {strides = array<i32>} : memref<1x1x1024x2048xf32, #tpu.memory_space<vmem>>, vector<1x1x8x2048xf32>,
    %get3A_2317 = arith.constant 0 : index
    %get3A_2318 = arith.constant 0 : index
    %get3A_2319 = arith.constant 0 : index
    %get3A_2320 = arith.constant 95 : index
    %get3A_2321 = vector.load %arg4[%get3A_2317, %get3A_2318, %get3A_2319, %get3A_2320] : memref<1x1x8x3072xf32, #tpu.memory_space<vmem>>, vector<1x1x8x2048xf32>
    %get3A_2322 = vector.shape_cast %get3A_2321 : vector<1x1x8x2048xf32> to vector<8x2048xf32>
    %get3A_2323 = arith.constant 0 : index
    %get3A_2324 = arith.constant 0 : index
    %get3A_2325 = arith.constant 928 : index
    %get3A_2326 = arith.constant 0 : index
    %get3A_2327 = vector.load %arg3[%get3A_2323, %get3A_2324, %get3A_2325, %get3A_2326] : memref<1x1x1024x2048xf32, #tpu.memory_space<vmem>>, vector<1x1x8x2048xf32>
    %get3A_2328 = vector.shape_cast %get3A_2327 : vector<1x1x8x2048xf32> to vector<8x2048xf32>
    %add3A_2329 = arith.addf %get3A_2328, %get3A_2322 : vector<8x2048xf32>
    %swap3A_2330 = arith.constant 0 : index
    %swap3A_2331 = arith.constant 0 : index
    %swap3A_2332 = arith.constant 928 : index
    %swap3A_2333 = arith.constant 0 : index
    %swap3A_2334 = vector.load %arg5[%swap3A_2330, %swap3A_2331, %swap3A_2332, %swap3A_2333] : memref<1x1x1024x2048xf32, #tpu.memory_space<vmem>>, vector<1x1x8x2048xf32>
    %swap3A_2335 = vector.shape_cast %swap3A_2334 : vector<1x1x8x2048xf32> to vector<8x2048xf32>
    %swap3A_2336 = vector.shape_cast %add3A_2329 : vector<8x2048xf32> to vector<1x1x8x2048xf32>
    tpu.vector_store %arg5[%swap3A_2330, %swap3A_2331, %swap3A_2332, %swap3A_2333], %swap3A_2336 {strides = array<i32>} : memref<1x1x1024x2048xf32, #tpu.memory_space<vmem>>, vector<1x1x8x2048xf32>,
    %get3A_2337 = arith.constant 0 : index
    %get3A_2338 = arith.constant 0 : index
    %get3A_2339 = arith.constant 0 : index
    %get3A_2340 = arith.constant 87 : index
    %get3A_2341 = vector.load %arg4[%get3A_2337, %get3A_2338, %get3A_2339, %get3A_2340] : memref<1x1x8x3072xf32, #tpu.memory_space<vmem>>, vector<1x1x8x2048xf32>
    %get3A_2342 = vector.shape_cast %get3A_2341 : vector<1x1x8x2048xf32> to vector<8x2048xf32>
    %get3A_2343 = arith.constant 0 : index
    %get3A_2344 = arith.constant 0 : index
    %get3A_2345 = arith.constant 936 : index
    %get3A_2346 = arith.constant 0 : index
    %get3A_2347 = vector.load %arg3[%get3A_2343, %get3A_2344, %get3A_2345, %get3A_2346] : memref<1x1x1024x2048xf32, #tpu.memory_space<vmem>>, vector<1x1x8x2048xf32>
    %get3A_2348 = vector.shape_cast %get3A_2347 : vector<1x1x8x2048xf32> to vector<8x2048xf32>
    %add3A_2349 = arith.addf %get3A_2348, %get3A_2342 : vector<8x2048xf32>
    %swap3A_2350 = arith.constant 0 : index
    %swap3A_2351 = arith.constant 0 : index
    %swap3A_2352 = arith.constant 936 : index
    %swap3A_2353 = arith.constant 0 : index
    %swap3A_2354 = vector.load %arg5[%swap3A_2350, %swap3A_2351, %swap3A_2352, %swap3A_2353] : memref<1x1x1024x2048xf32, #tpu.memory_space<vmem>>, vector<1x1x8x2048xf32>
    %swap3A_2355 = vector.shape_cast %swap3A_2354 : vector<1x1x8x2048xf32> to vector<8x2048xf32>
    %swap3A_2356 = vector.shape_cast %add3A_2349 : vector<8x2048xf32> to vector<1x1x8x2048xf32>
    tpu.vector_store %arg5[%swap3A_2350, %swap3A_2351, %swap3A_2352, %swap3A_2353], %swap3A_2356 {strides = array<i32>} : memref<1x1x1024x2048xf32, #tpu.memory_space<vmem>>, vector<1x1x8x2048xf32>,
    %get3A_2357 = arith.constant 0 : index
    %get3A_2358 = arith.constant 0 : index
    %get3A_2359 = arith.constant 0 : index
    %get3A_2360 = arith.constant 79 : index
    %get3A_2361 = vector.load %arg4[%get3A_2357, %get3A_2358, %get3A_2359, %get3A_2360] : memref<1x1x8x3072xf32, #tpu.memory_space<vmem>>, vector<1x1x8x2048xf32>
    %get3A_2362 = vector.shape_cast %get3A_2361 : vector<1x1x8x2048xf32> to vector<8x2048xf32>
    %get3A_2363 = arith.constant 0 : index
    %get3A_2364 = arith.constant 0 : index
    %get3A_2365 = arith.constant 944 : index
    %get3A_2366 = arith.constant 0 : index
    %get3A_2367 = vector.load %arg3[%get3A_2363, %get3A_2364, %get3A_2365, %get3A_2366] : memref<1x1x1024x2048xf32, #tpu.memory_space<vmem>>, vector<1x1x8x2048xf32>
    %get3A_2368 = vector.shape_cast %get3A_2367 : vector<1x1x8x2048xf32> to vector<8x2048xf32>
    %add3A_2369 = arith.addf %get3A_2368, %get3A_2362 : vector<8x2048xf32>
    %swap3A_2370 = arith.constant 0 : index
    %swap3A_2371 = arith.constant 0 : index
    %swap3A_2372 = arith.constant 944 : index
    %swap3A_2373 = arith.constant 0 : index
    %swap3A_2374 = vector.load %arg5[%swap3A_2370, %swap3A_2371, %swap3A_2372, %swap3A_2373] : memref<1x1x1024x2048xf32, #tpu.memory_space<vmem>>, vector<1x1x8x2048xf32>
    %swap3A_2375 = vector.shape_cast %swap3A_2374 : vector<1x1x8x2048xf32> to vector<8x2048xf32>
    %swap3A_2376 = vector.shape_cast %add3A_2369 : vector<8x2048xf32> to vector<1x1x8x2048xf32>
    tpu.vector_store %arg5[%swap3A_2370, %swap3A_2371, %swap3A_2372, %swap3A_2373], %swap3A_2376 {strides = array<i32>} : memref<1x1x1024x2048xf32, #tpu.memory_space<vmem>>, vector<1x1x8x2048xf32>,
    %get3A_2377 = arith.constant 0 : index
    %get3A_2378 = arith.constant 0 : index
    %get3A_2379 = arith.constant 0 : index
    %get3A_2380 = arith.constant 71 : index
    %get3A_2381 = vector.load %arg4[%get3A_2377, %get3A_2378, %get3A_2379, %get3A_2380] : memref<1x1x8x3072xf32, #tpu.memory_space<vmem>>, vector<1x1x8x2048xf32>
    %get3A_2382 = vector.shape_cast %get3A_2381 : vector<1x1x8x2048xf32> to vector<8x2048xf32>
    %get3A_2383 = arith.constant 0 : index
    %get3A_2384 = arith.constant 0 : index
    %get3A_2385 = arith.constant 952 : index
    %get3A_2386 = arith.constant 0 : index
    %get3A_2387 = vector.load %arg3[%get3A_2383, %get3A_2384, %get3A_2385, %get3A_2386] : memref<1x1x1024x2048xf32, #tpu.memory_space<vmem>>, vector<1x1x8x2048xf32>
    %get3A_2388 = vector.shape_cast %get3A_2387 : vector<1x1x8x2048xf32> to vector<8x2048xf32>
    %add3A_2389 = arith.addf %get3A_2388, %get3A_2382 : vector<8x2048xf32>
    %swap3A_2390 = arith.constant 0 : index
    %swap3A_2391 = arith.constant 0 : index
    %swap3A_2392 = arith.constant 952 : index
    %swap3A_2393 = arith.constant 0 : index
    %swap3A_2394 = vector.load %arg5[%swap3A_2390, %swap3A_2391, %swap3A_2392, %swap3A_2393] : memref<1x1x1024x2048xf32, #tpu.memory_space<vmem>>, vector<1x1x8x2048xf32>
    %swap3A_2395 = vector.shape_cast %swap3A_2394 : vector<1x1x8x2048xf32> to vector<8x2048xf32>
    %swap3A_2396 = vector.shape_cast %add3A_2389 : vector<8x2048xf32> to vector<1x1x8x2048xf32>
    tpu.vector_store %arg5[%swap3A_2390, %swap3A_2391, %swap3A_2392, %swap3A_2393], %swap3A_2396 {strides = array<i32>} : memref<1x1x1024x2048xf32, #tpu.memory_space<vmem>>, vector<1x1x8x2048xf32>,
    %get3A_2397 = arith.constant 0 : index
    %get3A_2398 = arith.constant 0 : index
    %get3A_2399 = arith.constant 0 : index
    %get3A_2400 = arith.constant 63 : index
    %get3A_2401 = vector.load %arg4[%get3A_2397, %get3A_2398, %get3A_2399, %get3A_2400] : memref<1x1x8x3072xf32, #tpu.memory_space<vmem>>, vector<1x1x8x2048xf32>
    %get3A_2402 = vector.shape_cast %get3A_2401 : vector<1x1x8x2048xf32> to vector<8x2048xf32>
    %get3A_2403 = arith.constant 0 : index
    %get3A_2404 = arith.constant 0 : index
    %get3A_2405 = arith.constant 960 : index
    %get3A_2406 = arith.constant 0 : index
    %get3A_2407 = vector.load %arg3[%get3A_2403, %get3A_2404, %get3A_2405, %get3A_2406] : memref<1x1x1024x2048xf32, #tpu.memory_space<vmem>>, vector<1x1x8x2048xf32>
    %get3A_2408 = vector.shape_cast %get3A_2407 : vector<1x1x8x2048xf32> to vector<8x2048xf32>
    %add3A_2409 = arith.addf %get3A_2408, %get3A_2402 : vector<8x2048xf32>
    %swap3A_2410 = arith.constant 0 : index
    %swap3A_2411 = arith.constant 0 : index
    %swap3A_2412 = arith.constant 960 : index
    %swap3A_2413 = arith.constant 0 : index
    %swap3A_2414 = vector.load %arg5[%swap3A_2410, %swap3A_2411, %swap3A_2412, %swap3A_2413] : memref<1x1x1024x2048xf32, #tpu.memory_space<vmem>>, vector<1x1x8x2048xf32>
    %swap3A_2415 = vector.shape_cast %swap3A_2414 : vector<1x1x8x2048xf32> to vector<8x2048xf32>
    %swap3A_2416 = vector.shape_cast %add3A_2409 : vector<8x2048xf32> to vector<1x1x8x2048xf32>
    tpu.vector_store %arg5[%swap3A_2410, %swap3A_2411, %swap3A_2412, %swap3A_2413], %swap3A_2416 {strides = array<i32>} : memref<1x1x1024x2048xf32, #tpu.memory_space<vmem>>, vector<1x1x8x2048xf32>,
    %get3A_2417 = arith.constant 0 : index
    %get3A_2418 = arith.constant 0 : index
    %get3A_2419 = arith.constant 0 : index
    %get3A_2420 = arith.constant 55 : index
    %get3A_2421 = vector.load %arg4[%get3A_2417, %get3A_2418, %get3A_2419, %get3A_2420] : memref<1x1x8x3072xf32, #tpu.memory_space<vmem>>, vector<1x1x8x2048xf32>
    %get3A_2422 = vector.shape_cast %get3A_2421 : vector<1x1x8x2048xf32> to vector<8x2048xf32>
    %get3A_2423 = arith.constant 0 : index
    %get3A_2424 = arith.constant 0 : index
    %get3A_2425 = arith.constant 968 : index
    %get3A_2426 = arith.constant 0 : index
    %get3A_2427 = vector.load %arg3[%get3A_2423, %get3A_2424, %get3A_2425, %get3A_2426] : memref<1x1x1024x2048xf32, #tpu.memory_space<vmem>>, vector<1x1x8x2048xf32>
    %get3A_2428 = vector.shape_cast %get3A_2427 : vector<1x1x8x2048xf32> to vector<8x2048xf32>
    %add3A_2429 = arith.addf %get3A_2428, %get3A_2422 : vector<8x2048xf32>
    %swap3A_2430 = arith.constant 0 : index
    %swap3A_2431 = arith.constant 0 : index
    %swap3A_2432 = arith.constant 968 : index
    %swap3A_2433 = arith.constant 0 : index
    %swap3A_2434 = vector.load %arg5[%swap3A_2430, %swap3A_2431, %swap3A_2432, %swap3A_2433] : memref<1x1x1024x2048xf32, #tpu.memory_space<vmem>>, vector<1x1x8x2048xf32>
    %swap3A_2435 = vector.shape_cast %swap3A_2434 : vector<1x1x8x2048xf32> to vector<8x2048xf32>
    %swap3A_2436 = vector.shape_cast %add3A_2429 : vector<8x2048xf32> to vector<1x1x8x2048xf32>
    tpu.vector_store %arg5[%swap3A_2430, %swap3A_2431, %swap3A_2432, %swap3A_2433], %swap3A_2436 {strides = array<i32>} : memref<1x1x1024x2048xf32, #tpu.memory_space<vmem>>, vector<1x1x8x2048xf32>,
    %get3A_2437 = arith.constant 0 : index
    %get3A_2438 = arith.constant 0 : index
    %get3A_2439 = arith.constant 0 : index
    %get3A_2440 = arith.constant 47 : index
    %get3A_2441 = vector.load %arg4[%get3A_2437, %get3A_2438, %get3A_2439, %get3A_2440] : memref<1x1x8x3072xf32, #tpu.memory_space<vmem>>, vector<1x1x8x2048xf32>
    %get3A_2442 = vector.shape_cast %get3A_2441 : vector<1x1x8x2048xf32> to vector<8x2048xf32>
    %get3A_2443 = arith.constant 0 : index
    %get3A_2444 = arith.constant 0 : index
    %get3A_2445 = arith.constant 976 : index
    %get3A_2446 = arith.constant 0 : index
    %get3A_2447 = vector.load %arg3[%get3A_2443, %get3A_2444, %get3A_2445, %get3A_2446] : memref<1x1x1024x2048xf32, #tpu.memory_space<vmem>>, vector<1x1x8x2048xf32>
    %get3A_2448 = vector.shape_cast %get3A_2447 : vector<1x1x8x2048xf32> to vector<8x2048xf32>
    %add3A_2449 = arith.addf %get3A_2448, %get3A_2442 : vector<8x2048xf32>
    %swap3A_2450 = arith.constant 0 : index
    %swap3A_2451 = arith.constant 0 : index
    %swap3A_2452 = arith.constant 976 : index
    %swap3A_2453 = arith.constant 0 : index
    %swap3A_2454 = vector.load %arg5[%swap3A_2450, %swap3A_2451, %swap3A_2452, %swap3A_2453] : memref<1x1x1024x2048xf32, #tpu.memory_space<vmem>>, vector<1x1x8x2048xf32>
    %swap3A_2455 = vector.shape_cast %swap3A_2454 : vector<1x1x8x2048xf32> to vector<8x2048xf32>
    %swap3A_2456 = vector.shape_cast %add3A_2449 : vector<8x2048xf32> to vector<1x1x8x2048xf32>
    tpu.vector_store %arg5[%swap3A_2450, %swap3A_2451, %swap3A_2452, %swap3A_2453], %swap3A_2456 {strides = array<i32>} : memref<1x1x1024x2048xf32, #tpu.memory_space<vmem>>, vector<1x1x8x2048xf32>,
    %get3A_2457 = arith.constant 0 : index
    %get3A_2458 = arith.constant 0 : index
    %get3A_2459 = arith.constant 0 : index
    %get3A_2460 = arith.constant 39 : index
    %get3A_2461 = vector.load %arg4[%get3A_2457, %get3A_2458, %get3A_2459, %get3A_2460] : memref<1x1x8x3072xf32, #tpu.memory_space<vmem>>, vector<1x1x8x2048xf32>
    %get3A_2462 = vector.shape_cast %get3A_2461 : vector<1x1x8x2048xf32> to vector<8x2048xf32>
    %get3A_2463 = arith.constant 0 : index
    %get3A_2464 = arith.constant 0 : index
    %get3A_2465 = arith.constant 984 : index
    %get3A_2466 = arith.constant 0 : index
    %get3A_2467 = vector.load %arg3[%get3A_2463, %get3A_2464, %get3A_2465, %get3A_2466] : memref<1x1x1024x2048xf32, #tpu.memory_space<vmem>>, vector<1x1x8x2048xf32>
    %get3A_2468 = vector.shape_cast %get3A_2467 : vector<1x1x8x2048xf32> to vector<8x2048xf32>
    %add3A_2469 = arith.addf %get3A_2468, %get3A_2462 : vector<8x2048xf32>
    %swap3A_2470 = arith.constant 0 : index
    %swap3A_2471 = arith.constant 0 : index
    %swap3A_2472 = arith.constant 984 : index
    %swap3A_2473 = arith.constant 0 : index
    %swap3A_2474 = vector.load %arg5[%swap3A_2470, %swap3A_2471, %swap3A_2472, %swap3A_2473] : memref<1x1x1024x2048xf32, #tpu.memory_space<vmem>>, vector<1x1x8x2048xf32>
    %swap3A_2475 = vector.shape_cast %swap3A_2474 : vector<1x1x8x2048xf32> to vector<8x2048xf32>
    %swap3A_2476 = vector.shape_cast %add3A_2469 : vector<8x2048xf32> to vector<1x1x8x2048xf32>
    tpu.vector_store %arg5[%swap3A_2470, %swap3A_2471, %swap3A_2472, %swap3A_2473], %swap3A_2476 {strides = array<i32>} : memref<1x1x1024x2048xf32, #tpu.memory_space<vmem>>, vector<1x1x8x2048xf32>,
    %get3A_2477 = arith.constant 0 : index
    %get3A_2478 = arith.constant 0 : index
    %get3A_2479 = arith.constant 0 : index
    %get3A_2480 = arith.constant 31 : index
    %get3A_2481 = vector.load %arg4[%get3A_2477, %get3A_2478, %get3A_2479, %get3A_2480] : memref<1x1x8x3072xf32, #tpu.memory_space<vmem>>, vector<1x1x8x2048xf32>
    %get3A_2482 = vector.shape_cast %get3A_2481 : vector<1x1x8x2048xf32> to vector<8x2048xf32>
    %get3A_2483 = arith.constant 0 : index
    %get3A_2484 = arith.constant 0 : index
    %get3A_2485 = arith.constant 992 : index
    %get3A_2486 = arith.constant 0 : index
    %get3A_2487 = vector.load %arg3[%get3A_2483, %get3A_2484, %get3A_2485, %get3A_2486] : memref<1x1x1024x2048xf32, #tpu.memory_space<vmem>>, vector<1x1x8x2048xf32>
    %get3A_2488 = vector.shape_cast %get3A_2487 : vector<1x1x8x2048xf32> to vector<8x2048xf32>
    %add3A_2489 = arith.addf %get3A_2488, %get3A_2482 : vector<8x2048xf32>
    %swap3A_2490 = arith.constant 0 : index
    %swap3A_2491 = arith.constant 0 : index
    %swap3A_2492 = arith.constant 992 : index
    %swap3A_2493 = arith.constant 0 : index
    %swap3A_2494 = vector.load %arg5[%swap3A_2490, %swap3A_2491, %swap3A_2492, %swap3A_2493] : memref<1x1x1024x2048xf32, #tpu.memory_space<vmem>>, vector<1x1x8x2048xf32>
    %swap3A_2495 = vector.shape_cast %swap3A_2494 : vector<1x1x8x2048xf32> to vector<8x2048xf32>
    %swap3A_2496 = vector.shape_cast %add3A_2489 : vector<8x2048xf32> to vector<1x1x8x2048xf32>
    tpu.vector_store %arg5[%swap3A_2490, %swap3A_2491, %swap3A_2492, %swap3A_2493], %swap3A_2496 {strides = array<i32>} : memref<1x1x1024x2048xf32, #tpu.memory_space<vmem>>, vector<1x1x8x2048xf32>,
    %get3A_2497 = arith.constant 0 : index
    %get3A_2498 = arith.constant 0 : index
    %get3A_2499 = arith.constant 0 : index
    %get3A_2500 = arith.constant 23 : index
    %get3A_2501 = vector.load %arg4[%get3A_2497, %get3A_2498, %get3A_2499, %get3A_2500] : memref<1x1x8x3072xf32, #tpu.memory_space<vmem>>, vector<1x1x8x2048xf32>
    %get3A_2502 = vector.shape_cast %get3A_2501 : vector<1x1x8x2048xf32> to vector<8x2048xf32>
    %get3A_2503 = arith.constant 0 : index
    %get3A_2504 = arith.constant 0 : index
    %get3A_2505 = arith.constant 1000 : index
    %get3A_2506 = arith.constant 0 : index
    %get3A_2507 = vector.load %arg3[%get3A_2503, %get3A_2504, %get3A_2505, %get3A_2506] : memref<1x1x1024x2048xf32, #tpu.memory_space<vmem>>, vector<1x1x8x2048xf32>
    %get3A_2508 = vector.shape_cast %get3A_2507 : vector<1x1x8x2048xf32> to vector<8x2048xf32>
    %add3A_2509 = arith.addf %get3A_2508, %get3A_2502 : vector<8x2048xf32>
    %swap3A_2510 = arith.constant 0 : index
    %swap3A_2511 = arith.constant 0 : index
    %swap3A_2512 = arith.constant 1000 : index
    %swap3A_2513 = arith.constant 0 : index
    %swap3A_2514 = vector.load %arg5[%swap3A_2510, %swap3A_2511, %swap3A_2512, %swap3A_2513] : memref<1x1x1024x2048xf32, #tpu.memory_space<vmem>>, vector<1x1x8x2048xf32>
    %swap3A_2515 = vector.shape_cast %swap3A_2514 : vector<1x1x8x2048xf32> to vector<8x2048xf32>
    %swap3A_2516 = vector.shape_cast %add3A_2509 : vector<8x2048xf32> to vector<1x1x8x2048xf32>
    tpu.vector_store %arg5[%swap3A_2510, %swap3A_2511, %swap3A_2512, %swap3A_2513], %swap3A_2516 {strides = array<i32>} : memref<1x1x1024x2048xf32, #tpu.memory_space<vmem>>, vector<1x1x8x2048xf32>,
    %get3A_2517 = arith.constant 0 : index
    %get3A_2518 = arith.constant 0 : index
    %get3A_2519 = arith.constant 0 : index
    %get3A_2520 = arith.constant 15 : index
    %get3A_2521 = vector.load %arg4[%get3A_2517, %get3A_2518, %get3A_2519, %get3A_2520] : memref<1x1x8x3072xf32, #tpu.memory_space<vmem>>, vector<1x1x8x2048xf32>
    %get3A_2522 = vector.shape_cast %get3A_2521 : vector<1x1x8x2048xf32> to vector<8x2048xf32>
    %get3A_2523 = arith.constant 0 : index
    %get3A_2524 = arith.constant 0 : index
    %get3A_2525 = arith.constant 1008 : index
    %get3A_2526 = arith.constant 0 : index
    %get3A_2527 = vector.load %arg3[%get3A_2523, %get3A_2524, %get3A_2525, %get3A_2526] : memref<1x1x1024x2048xf32, #tpu.memory_space<vmem>>, vector<1x1x8x2048xf32>
    %get3A_2528 = vector.shape_cast %get3A_2527 : vector<1x1x8x2048xf32> to vector<8x2048xf32>
    %add3A_2529 = arith.addf %get3A_2528, %get3A_2522 : vector<8x2048xf32>
    %swap3A_2530 = arith.constant 0 : index
    %swap3A_2531 = arith.constant 0 : index
    %swap3A_2532 = arith.constant 1008 : index
    %swap3A_2533 = arith.constant 0 : index
    %swap3A_2534 = vector.load %arg5[%swap3A_2530, %swap3A_2531, %swap3A_2532, %swap3A_2533] : memref<1x1x1024x2048xf32, #tpu.memory_space<vmem>>, vector<1x1x8x2048xf32>
    %swap3A_2535 = vector.shape_cast %swap3A_2534 : vector<1x1x8x2048xf32> to vector<8x2048xf32>
    %swap3A_2536 = vector.shape_cast %add3A_2529 : vector<8x2048xf32> to vector<1x1x8x2048xf32>
    tpu.vector_store %arg5[%swap3A_2530, %swap3A_2531, %swap3A_2532, %swap3A_2533], %swap3A_2536 {strides = array<i32>} : memref<1x1x1024x2048xf32, #tpu.memory_space<vmem>>, vector<1x1x8x2048xf32>,
    %get3A_2537 = arith.constant 0 : index
    %get3A_2538 = arith.constant 0 : index
    %get3A_2539 = arith.constant 0 : index
    %get3A_2540 = arith.constant 7 : index
    %get3A_2541 = vector.load %arg4[%get3A_2537, %get3A_2538, %get3A_2539, %get3A_2540] : memref<1x1x8x3072xf32, #tpu.memory_space<vmem>>, vector<1x1x8x2048xf32>
    %get3A_2542 = vector.shape_cast %get3A_2541 : vector<1x1x8x2048xf32> to vector<8x2048xf32>
    %get3A_2543 = arith.constant 0 : index
    %get3A_2544 = arith.constant 0 : index
    %get3A_2545 = arith.constant 1016 : index
    %get3A_2546 = arith.constant 0 : index
    %get3A_2547 = vector.load %arg3[%get3A_2543, %get3A_2544, %get3A_2545, %get3A_2546] : memref<1x1x1024x2048xf32, #tpu.memory_space<vmem>>, vector<1x1x8x2048xf32>
    %get3A_2548 = vector.shape_cast %get3A_2547 : vector<1x1x8x2048xf32> to vector<8x2048xf32>
    %add3A_2549 = arith.addf %get3A_2548, %get3A_2542 : vector<8x2048xf32>
    %swap3A_2550 = arith.constant 0 : index
    %swap3A_2551 = arith.constant 0 : index
    %swap3A_2552 = arith.constant 1016 : index
    %swap3A_2553 = arith.constant 0 : index
    %swap3A_2554 = vector.load %arg5[%swap3A_2550, %swap3A_2551, %swap3A_2552, %swap3A_2553] : memref<1x1x1024x2048xf32, #tpu.memory_space<vmem>>, vector<1x1x8x2048xf32>
    %swap3A_2555 = vector.shape_cast %swap3A_2554 : vector<1x1x8x2048xf32> to vector<8x2048xf32>
    %swap3A_2556 = vector.shape_cast %add3A_2549 : vector<8x2048xf32> to vector<1x1x8x2048xf32>
    tpu.vector_store %arg5[%swap3A_2550, %swap3A_2551, %swap3A_2552, %swap3A_2553], %swap3A_2556 {strides = array<i32>} : memref<1x1x1024x2048xf32, #tpu.memory_space<vmem>>, vector<1x1x8x2048xf32>,
    return
  }
  func.func @transform_0(%arg0: i32, %arg1: i32, %arg2: i32) -> (i32, i32, i32, i32) {
    %c0_i32 = arith.constant 0 : i32
    %c0_i32_0 = arith.constant 0 : i32
    return %arg0, %arg1, %arg2, %c0_i32 : i32, i32, i32, i32
  }
  func.func @transform_1(%arg0: i32, %arg1: i32, %arg2: i32) -> (i32, i32, i32, i32) {
    %c0_i32 = arith.constant 0 : i32
    %c0_i32_0 = arith.constant 0 : i32
    %c0_i32_1 = arith.constant 0 : i32
    return %arg2, %arg1, %c0_i32, %c0_i32_0 : i32, i32, i32, i32
  }
  func.func @transform_2(%arg0: i32, %arg1: i32, %arg2: i32) -> (i32, i32, i32, i32) {
    %c0_i32 = arith.constant 0 : i32
    %c0_i32_0 = arith.constant 0 : i32
    return %arg0, %arg1, %arg2, %c0_i32 : i32, i32, i32, i32
  }
}

</mosaic_0001>

<sc_bundles>
// kernel: kernel.4.cloned.1.call-start
scs
__scs_entry_jumppad:
0x0: {  	(pc) =	sbr.rel $0x88, $3  }
0x1: {  	(tag) =	ssettag $0x0;
	lr =	simm.s32 $0x1  }
0x2: {  	[smem:$0x3F9F] =	sst lr;
	_ =	strace $0xD0000000  }
0x3: {  	_ = 	snop  }
0x4: {  	_ = 	snop  }
0x5: {  	_ = 	snop  }
0x6: {  	_ = 	snop  }
0x7: {  	_ = 	snop  }
__scs_overlays_trampoline_lowered:
0x8: {  	[smem:$0x3FAE] =	sst s0  }
0x9: {  	[smem:$0x3FAF] =	sst s1  }
0xa: {  	[smem:$0x3FB0] =	sst s2  }
0xb: {  	[smem:$0x3FB1] =	sst s3  }
0xc: {  	[smem:$0x3FB2] =	sst s4  }
0xd: {  	[smem:$0x3FB3] =	sst s5  }
0xe: {  	[smem:$0x3FB4] =	sst s6  }
0xf: {  	[smem:$0x3FB5] =	sst s7  }
0x10: {  	[smem:$0x3FB6] =	sst s8  }
0x11: {  	[smem:$0x3FB7] =	sst s9;
	s0 =	simm.s32 @!p0 $0x0  }
0x12: {  	s1 =	sld [smem:$0x3F9D];
	s0 =	simm.s32 @p0 $0x1  }
0x13: {  	[smem:$0x3FB8] =	sst s0;
	s0 =	simm.s32 @!p1 $0x0  }
0x14: {  	s2 =	sld [smem:$0x3F9C];
	s0 =	simm.s32 @p1 $0x1  }
0x15: {  	[smem:$0x3FB9] =	sst s0;
	s0 =	simm.s32 @!p2 $0x0  }
0x16: {  	s3 =	sld [smem:$0x3FDB];
	s0 =	simm.s32 @p2 $0x1  }
0x17: {  	s4 =	simm.s32 $0x1BF5;
	[smem:$0x3FBB] =	sst s0  }
0x18: {  	s0 =	sld [smem:$0x3F9E];
	_ =	swait.ge [sflag:s4], $0x0  }
0x19: {  	s7 =	sld [smem:$0x3F9F]  }
0x1a: {  	s8 =	sadd.s32 $0xFFFFE003, lr  }
0x1b: {  	s9 =	sadd.s32 $0xFFFFFEF7, lr;
	s5 =	simm.s32 $0xFFFFFFFF;
	p2 =	slt.u32 s8, $0xFFFFF086  }
0x1c: {  	p1 =	slt.u32 s9, $0xF7A;
	s5 =	simm.s32 @!p2 $0x0  }
0x1d: {  	s5 =	simm.s32 @p1 $0x1;
	p0 =	seq.s32 s7, s2  }
0x1e: {  	s7 =	smul.u32 @!p0 $0xF7A, s2;
	p2 =	seq.s32 @!p0 s5, $0x0  }
0x1f: {  	s9 =	smul.u32 $0xF7A, s1;
	s8 =	simm.s32 @!p0 $0x1BF5;
	p2 =	por !p2, p0  }
0x20: {  	[sflag:s8] =	ssyncset.s32 @!p0 $0xFFFFF086;
	s6 =	sadd.s32 @!p0 s3, s7;
	s7 =	simm.s32 @!p0 $0x108  }
0x21: {  	s3 =	sadd.s32 s3, s9;
	s6 =	sadd.s32 @!p0 $0x88, s6;
	s7 =	simm.s32 @p2 $0x1082  }
0x22: {  	[simem:s7], [sflag:s8] =	dma.local @!p0 [hbm:s6], $0xF7A  }
0x23: {  	s9 =	sor.u32 $0xD0000000, s2;
	s6 =	simm.s32 $0x108;
	_ =	swait.ge @!p0 [sflag:s8], $0x0  }
0x24: {  	s3 =	sadd.s32 $0x88, s3;
	s6 =	simm.s32 @!p1 $0x1082;
	[sflag:s4] =	ssyncset.s32 $0xFFFFF086  }
0x25: {  	[simem:s6], [sflag:s4] =	dma.local [hbm:s3], $0xF7A  }
0x26: {  	[smem:$0x3F9F] =	sst s1;
	(tag) =	ssettag s2;
	_ =	strace s9  }
0x27: {  	s1 =	sld [smem:$0x3FAF]  }
0x28: {  	s2 =	sld [smem:$0x3FB0]  }
0x29: {  	s4 =	sld [smem:$0x3FB2]  }
0x2a: {  	p0 =	seq.s32 s5, $0x0;
	s5 =	sld [smem:$0x3FB3]  }
0x2b: {  	s6 =	sld [smem:$0x3FB4]  }
0x2c: {  	s7 =	sld [smem:$0x3FB5]  }
0x2d: {  	s3 =	simm.s32 $0x108;
	s8 =	sld [smem:$0x3FB6]  }
0x2e: {  	s3 =	simm.s32 @!p0 $0x1082;
	s9 =	sld [smem:$0x3FB7]  }
0x2f: {  	lr =	sadd.s32 s0, s3;
	s0 =	sld [smem:$0x3FAE]  }
0x30: {  	s3 =	sld [smem:$0x3FB1]  }
0x31: {  	[smem:$0x3FBA] =	sst s10  }
0x32: {  	s10 =	sld [smem:$0x3FB8];
	_ =	sdelay $0x3  }
0x33: {  	p0 =	seq.s32 s10, $0x1;
	s10 =	sld [smem:$0x3FBA];
	_ =	sdelay $0x3  }
0x34: {  	[smem:$0x3FBA] =	sst s10  }
0x35: {  	s10 =	sld [smem:$0x3FB9];
	_ =	sdelay $0x3  }
0x36: {  	p1 =	seq.s32 s10, $0x1;
	s10 =	sld [smem:$0x3FBA];
	_ =	sdelay $0x3  }
0x37: {  	[smem:$0x3FBA] =	sst s10  }
0x38: {  	s10 =	sld [smem:$0x3FBB]  }
0x39: {  	_ = 	snop;
	(pc) =	sbr.ind lr, $3  }
0x3a: {  	_ = 	snop  }
0x3b: {  	_ = 	snop  }
0x3c: {  	p2 =	seq.s32 s10, $0x1;
	s10 =	sld [smem:$0x3FBA]  }
0x3d: {  	_ =	shalt  }
0x3e: {  	_ =	shalt  }
0x3f: {  	_ =	shalt  }
0x40: {  	_ =	shalt  }
0x41: {  	_ =	shalt  }
0x42: {  	_ =	shalt  }
0x43: {  	_ =	shalt  }
0x44: {  	_ =	shalt  }
0x45: {  	_ =	shalt  }
0x46: {  	_ =	shalt  }
0x47: {  	_ =	shalt  }
0x48: {  	_ =	shalt  }
0x49: {  	_ =	shalt  }
0x4a: {  	_ =	shalt  }
0x4b: {  	_ =	shalt  }
0x4c: {  	_ =	shalt  }
0x4d: {  	_ =	shalt  }
0x4e: {  	_ =	shalt  }
0x4f: {  	_ =	shalt  }
0x50: {  	_ =	shalt  }
0x51: {  	_ =	shalt  }
0x52: {  	_ =	shalt  }
0x53: {  	_ =	shalt  }
0x54: {  	_ =	shalt  }
0x55: {  	_ =	shalt  }
0x56: {  	_ =	shalt  }
0x57: {  	_ =	shalt  }
0x58: {  	_ =	shalt  }
0x59: {  	_ =	shalt  }
0x5a: {  	_ =	shalt  }
0x5b: {  	_ =	shalt  }
0x5c: {  	_ =	shalt  }
0x5d: {  	_ =	shalt  }
0x5e: {  	_ =	shalt  }
0x5f: {  	_ =	shalt  }
0x60: {  	_ =	shalt  }
0x61: {  	_ =	shalt  }
0x62: {  	_ =	shalt  }
0x63: {  	_ =	shalt  }
0x64: {  	_ =	shalt  }
0x65: {  	_ =	shalt  }
0x66: {  	_ =	shalt  }
0x67: {  	_ =	shalt  }
0x68: {  	_ =	shalt  }
0x69: {  	_ =	shalt  }
0x6a: {  	_ =	shalt  }
0x6b: {  	_ =	shalt  }
0x6c: {  	_ =	shalt  }
0x6d: {  	_ =	shalt  }
0x6e: {  	_ =	shalt  }
0x6f: {  	_ =	shalt  }
0x70: {  	_ =	shalt  }
0x71: {  	_ =	shalt  }
0x72: {  	_ =	shalt  }
0x73: {  	_ =	shalt  }
0x74: {  	_ =	shalt  }
0x75: {  	_ =	shalt  }
0x76: {  	_ =	shalt  }
0x77: {  	_ =	shalt  }
0x78: {  	_ =	shalt  }
0x79: {  	_ =	shalt  }
0x7a: {  	_ =	shalt  }
0x7b: {  	_ =	shalt  }
0x7c: {  	_ =	shalt  }
0x7d: {  	_ =	shalt  }
0x7e: {  	_ =	shalt  }
0x7f: {  	_ =	shalt  }
0x80: {  	_ =	shalt  }
0x81: {  	_ =	shalt  }
0x82: {  	_ =	shalt  }
0x83: {  	_ =	shalt  }
0x84: {  	_ =	shalt  }
0x85: {  	_ =	shalt  }
0x86: {  	_ =	shalt  }
0x87: {  	_ =	shalt  }
.Lfunc_end0:
.L_simem_size_0:
called_computation_lowered:
.L_overlay_start_0:
0x88: {  	s2 =	sld [smem:$0x3FD9]  }
0x89: {  	s3 =	sld [smem:$0x3FFE];
	_ =	sdelay $0x1  }
0x8a: {  	s1 =	srdreg.scid  }
0x8b: {  	s0 =	sand.u32 $0x1, s1  }
0x8c: {  	s17 =	sshll.u32 s0, $0xA;
	s2 =	sadd.s32 s3, s2  }
0x8d: {  	s2 =	sadd.s32 s2, s17  }
0x8e: {  	[smem:$0x3FC6] =	sst s2  }
0x8f: {  	_ = 	snop  }
0x90: {  	s2 =	sld [smem:$0x3FD0];
	(tm) =	ssettm $0x1  }
0x91: {  	s18 =	sld [smem:$0x3FFB];
	_ =	sdelay $0x3  }
0x92: {  	_ =	strace s18  }
0x93: {  	s3 =	sld [smem:$0x3FFC];
	_ =	sdelay $0x3  }
0x94: {  	_ =	strace s3  }
0x95: {  	s3 =	sld [smem:$0x3FFD];
	_ =	sdelay $0x3  }
0x96: {  	_ =	strace s3  }
0x97: {  	_ =	strace $0x8FFFFFFF  }
0x98: {  	s19 =	sld [smem:$0x3FDB];
	_ =	sdelay $0x1  }
0x99: {  	s4 =	simm.s32 $_scs_section_size  }
0x9a: {  	s5 =	simm.s32 $_size__tile_overlayer_lowered;
	s6 =	simm.s32 $_tile_overlayer_lowered  }
0x9b: {  	s22 =	simm.s32 $0x1BFF;
	s21 =	sshll.u32 s6, $0x1;
	s3 =	sadd.s32 s4, s19  }
0x9c: {  	s7 =	simm.s32 $0x0;
	s20 =	sshll.u32 s5, $0x1;
	s5 =	sadd.s32 s21, s3  }
0x9d: {  	[timem:s7], [sflag:s22] =	dma.local [hbm:s5], s20  }
0x9e: {  	_ =	swait.ge [sflag:s22], s20  }
0x9f: {  	s4 =	ssub.s32 $0x0, s20;
	[sflag:s22] =	ssyncset.done $0x0  }
0xa0: {  	[sflag:s22] =	ssyncadd.s32 s4;
	_ =	sdelay $0x1  }
0xa1: {  	s23 =	simm.s32 $0x1B8B  }
0xa2: {  	_ =	swait.ge [sflag:s23], $0x1  }
0xa3: {  	[sflag:s23] =	ssyncset.done $0x0  }
0xa4: {  	s25 =	simm.s32 $0x1B8E;
	s24 =	sld [smem:$0x3FFE];
	[sflag:s23] =	ssyncadd.s32 $0xFFFFFFFF  }
0xa5: {  	s26 =	simm.s32 $execute0_lowered;
	[smem:$0x3FD2] =	sst s25  }
0xa6: {  	s5 =	sshll.u32 s26, $0x1;
	_ =	strace $0x80000046;
	[dreg:$0x1] =	wrdreg $0xFFFFFFFF  }
0xa7: {  	s28 =	simm.s32 $_size_execute0_lowered;
	s3 =	sadd.s32 s3, s5;
	[dreg:$0x0] =	wrdreg $0x0  }
0xa8: {  	s5 =	sshll.u32 s28, $0x1;
	[dreg:$0x2] =	wrdreg s3  }
0xa9: {  	[dreg:$0x3] =	wrdreg s5  }
0xaa: {  	[dreg:$0x4] =	wrdreg $0xC0  }
0xab: {  	_ =	task [dreg:s7], $0x5FFFF  }
0xac: {  	[dreg:$0x1] =	wrdreg $0xFFFFFFFF  }
0xad: {  	[dreg:$0x0] =	wrdreg $0x60  }
0xae: {  	[dreg:$0x2] =	wrdreg s24  }
0xaf: {  	[dreg:$0x3] =	wrdreg s2  }
0xb0: {  	[dreg:$0x4] =	wrdreg $0x9  }
0xb1: {  	_ =	task.clear_ibuf [dreg:s7], $0x5FFFF;
	_ =	strace $0x90000046  }
0xb2: {  	s29 =	simm.s32 $0x9;
	_ =	strace $0x80000048  }
0xb3: {  	_ =	swait.ge [sflag:s29], $0x1  }
0xb4: {  	[sflag:s29] =	ssyncadd.s32 $0xFFFFFFFF  }
0xb5: {  	_ =	strace $0x90000048  }
0xb6: {  	_ =	sfence  }
0xb7: {  	s30 =	sld [smem:$0x0];
	_ =	sdelay $0x2  }
0xb8: {  	s31 =	sshll.u32 s1, $0xD;
	s1 =	sshrl.u32 s1, $0x2  }
0xb9: {  	s3 =	sand.u32 $0x4000, s31;
	s1 =	sadd.s32 s1, s30  }
0xba: {  	s0 =	sor.u32 s3, s0;
	s1 =	sshll.u32 s1, $0x11  }
0xbb: {  	s0 =	sor.u32 s1, s0  }
0xbc: {  	s0 =	sadd.s32 $0x8F2B, s0  }
0xbd: {  	[sflag:s0] =	ssyncadd.remote.s32 $0x1  }
0xbe: {  	_ =	sfence.sel $0xFFFF  }
0xbf: {  	[dreg:$0x0] =	wrdreg $0xFFFFFFFF;
	(pc) =	sbr.abs _section_cstart, $3  }
0xc0: {  	[dreg:$0x1] =	wrdreg $0xFFFFFFFF  }
0xc1: {  	_ =	task.clear_ibuf [dreg:s7], $0x2FFFF;
	_ =	strace $0x9FFFFFFF  }
0xc2: {  	(tm) =	ssettm $0x7FFFFFFF  }
0xc3: {  	_ =	shalt  }
tec
execute0_lowered:
.L_overlay_start_1:
0x0: {  	(tag) =	ssettag $0x1  }
0x1: {  	s1 =	srdreg.scid;
	s3 =	rddreg [dreg:$0x0]  }
0x2: {  	s0 =	stileid.u32;
	s14 =	rddreg [dreg:$0x1]  }
0x3: {  	s2 =	simm.s32 $0x0;
	s4 =	simm.s32 $0x1;
	s5 =	sand.u32 $0x1, s1  }
0x4: {  	s18 =	simm.s32 $0x100;
	s19 =	simm.s32 $0x0;
	s1 =	sor.u32 s5, s0  }
0x5: {  	[smem:$0x7FF] =	sst s2;
	p1 =	seq.s32 s5, $0x1;
	p0 =	seq.s32 s1, $0x0  }
0x6: {  	s3 =	sadd.s32 $0x600, s3;
	s6 =	sshrl.u32 s0, $0x3;
	p0 =	por !p0, !p1  }
0x7: {  	s11 =	sand.u32 $0x7, s0;
	s7 =	ssub.s32 $0x2, s5;
	p0 =	por !p0, !p0  }
0x8: {  	s9 =	smul.u32 $0x30000, s6;
	s12 =	sshll.u32 s5, $0x2;
	s4 =	simm.s32 @!p0 $0x0  }
0x9: {  	s6 =	sshll.u32 s6, $0xA;
	s13 =	smul.u32 $0x6000, s11;
	s4 =	ssub.s32 s0, s4  }
0xa: {  	s25 =	sshll.u32 s5, $0x9;
	s1 =	rddreg [dreg:$0x2];
	s8 =	sand.u32 $0x7, s4  }
0xb: {  	s23 =	sshrl.u32 s7, $0x1;
	s16 =	sor.u32 s12, s6;
	s10 =	smul.u32 $0x6000, s8  }
0xc: {  	_ =	strace $0x80000047;
	s15 =	ssub.s32 s7, s23;
	s5 =	sadd.s32 $0x3FF, s16  }
0xd: {  	s15 =	smax.u32 s15, $0x1;
	s4 =	simm.s32 $0x1;
	s24 =	sadd.s32 s9, s10  }
0xe: {  	s6 =	sshll.u32 s8, $0x5;
	s9 =	sadd.s32 s13, s9;
	s10 =	sor.u32 s25, s24  }
0xf: {  	s8 =	sadd.s32 $0x400, s16;
	s26 =	sor.u32 s9, s25;
	s28 =	sshrl.u32 s10, $0x3  }
0x10: {  	s9 =	sor.u32 $0x80, s26;
	s30 =	sor.u32 $0x100, s26;
	s17 =	sor.u32 $0x180, s26  }
0x11: {  	s7 =	sadd.s32 s14, s28;
	s29 =	sshrl.u32 s9, $0x3;
	s9 =	sshll.u32 s11, $0x5  }
0x12: {  	s11 =	sadd.s32 $0x401, s16;
	s13 =	sshrl.u32 s30, $0x3;
	s31 =	sshrl.u32 s17, $0x3  }
0x13: {  	v0 =	vlaneseq.u32;
	s17 =	simm.s32 $0x400;
	s10 =	sadd.s32 s14, s29;
	s12 =	sadd.s32 s14, s13  }
0x14: {  	v1 =	vimm.s32 $0x0;
	v2 =	vimm.s32 $0x8;
	v0 =	vmul.u32 $0xFFFFFFFF, v0;
	s13 =	sadd.s32 $0x402, s16;
	s14 =	sadd.s32 s14, s31;
	s16 =	simm.s32 $0x80  }
.LBB2_1:
0x15: {  	[tilespmem:s2], [sflag:$0x1] =	stream.linear.gather [hbm4b:s3+s2], $0x100, $0x38;
	[tilespmem:$0xD00] =	vst v63  }
0x16: {  	_ =	swait.ge [sflag:s4], $0x100  }
0x17: {  	[sflag:s4] =	ssyncset.done $0x0  }
0x18: {  	[sflag:s4] =	ssyncadd.s32 $0xFFFFFF00  }
0x19: {  	v3 =	vld [tilespmem:$0x0]  }
0x1a: {  	v4 =	vld [tilespmem:$0x10]  }
0x1b: {  	v5 =	vld [tilespmem:$0x20]  }
0x1c: {  	v6 =	vld [tilespmem:$0x30]  }
0x1d: {  	v7 =	vld [tilespmem:$0x40]  }
0x1e: {  	v8 =	vld [tilespmem:$0x50]  }
0x1f: {  	v9 =	vld [tilespmem:$0x60];
	v3 =	vmul.f32 $1.250000000e-01, v3  }
0x20: {  	v10 =	vld [tilespmem:$0x70];
	v4 =	vmul.f32 $1.250000000e-01, v4  }
0x21: {  	[tilespmem:$0x0] =	vst v3;
	v3 =	vmul.f32 $1.250000000e-01, v5;
	v5 =	vld [tilespmem:$0x80]  }
0x22: {  	[tilespmem:$0x10] =	vst v4;
	v4 =	vmul.f32 $1.250000000e-01, v6;
	v6 =	vld [tilespmem:$0x90]  }
0x23: {  	[tilespmem:$0x20] =	vst v3;
	v3 =	vmul.f32 $1.250000000e-01, v7;
	v7 =	vld [tilespmem:$0xA0]  }
0x24: {  	[tilespmem:$0x30] =	vst v4;
	v4 =	vmul.f32 $1.250000000e-01, v8;
	v8 =	vld [tilespmem:$0xB0]  }
0x25: {  	[tilespmem:$0x40] =	vst v3;
	v3 =	vmul.f32 $1.250000000e-01, v9;
	v9 =	vld [tilespmem:$0xC0]  }
0x26: {  	[tilespmem:$0x50] =	vst v4;
	v4 =	vmul.f32 $1.250000000e-01, v10;
	v10 =	vld [tilespmem:$0xD0]  }
0x27: {  	[tilespmem:$0x60] =	vst v3;
	v3 =	vmul.f32 $1.250000000e-01, v5;
	v5 =	vld [tilespmem:$0xE0]  }
0x28: {  	[tilespmem:$0x70] =	vst v4;
	v4 =	vmul.f32 $1.250000000e-01, v6  }
0x29: {  	s20 =	ssub.s32 s5, s2;
	v6 =	vld [tilespmem:$0xF0];
	[tilespmem:$0x80] =	vst v3;
	v3 =	vmul.f32 $1.250000000e-01, v7  }
0x2a: {  	[tilespmem:$0x90] =	vst v4;
	v4 =	vmul.f32 $1.250000000e-01, v8;
	v7 =	vadd.s32 s20, v0  }
0x2b: {  	v8 =	vsub.s32 $0x0, v7;
	[tilespmem:$0xA0] =	vst v3;
	v3 =	vmul.f32 $1.250000000e-01, v9  }
0x2c: {  	[tilespmem:$0xB0] =	vst v4;
	v4 =	vmul.f32 $1.250000000e-01, v10;
	v8 =	vmin.u32 v7, v8;
	v5 =	vmul.f32 $1.250000000e-01, v5  }
0x2d: {  	vm0 =	vgt.s32 v8, $0xB;
	vm1 =	vgt.s32 v8, $0xF;
	vm4 =	vgt.s32 v8, $0x16;
	[tilespmem:$0xC0] =	vst v3  }
0x2e: {  	v3 =	vmul.f32 $1.250000000e-01, v6;
	[tilespmem:$0xD0] =	vst v4;
	v4 =	vsel vm0, $0x9, v2;
	v6 =	vsel vm1, $0x1, v1  }
0x2f: {  	vm5 =	vgt.s32 v8, $0x1F;
	[tilespmem:$0xE0] =	vst v5;
	v4 =	vadd.s32 v6, v4;
	v5 =	vsel vm4, $0x1, v1  }
0x30: {  	vm6 =	vgt.s32 v8, $0x2D;
	v4 =	vadd.s32 v5, v4;
	v5 =	vsel vm5, $0x1, v1  }
0x31: {  	s30 =	simm.s32 $0x10;
	vm7 =	vgt.s32 v8, $0x3F;
	v6 =	vsel vm6, $0x1, v1;
	[tilespmem:$0xF0] =	vst v3;
	v5 =	vadd.s32 v5, v4  }
0x32: {  	s20 =	ssub.s32 s5, s30;
	vm8 =	vgt.s32 v8, $0x5A;
	v9 =	vsel vm7, $0x1, v1;
	v3 =	vld [tilespmem:s6+$0x0];
	v6 =	vadd.s32 v6, v5  }
0x33: {  	v4 =	vld [tilespmem:s6+$0x10];
	v5 =	vadd.s32 s20, v0;
	v6 =	vadd.s32 v9, v6;
	v9 =	vsel vm8, $0x1, v1  }
0x34: {  	vm9 =	vlt.s32 v8, $0x8;
	v10 =	vsub.s32 $0x0, v5;
	v9 =	vadd.s32 v9, v6  }
0x35: {  	vm10 =	vgt.s32 v1, v7;
	v6 =	vmin.u32 v5, v10;
	v7 =	vsel vm9, v8, v9  }
0x36: {  	vm11 =	vgt.s32 v6, $0xB;
	vm2 =	vgt.s32 v6, $0x1F;
	vm3 =	vgt.s32 v6, $0xF  }
0x37: {  	vm12 =	vgt.s32 v6, $0x16;
	v7 =	vand.u32 $0xF, v7;
	v9 =	vsel vm11, $0x9, v2  }
0x38: {  	v10 =	vsel vm3, $0x1, v1;
	v8 =	vperm.xlane v3, v7;
	v7 =	vperm.xlane v4, v7  }
0x39: {  	vm13 =	vgt.s32 v6, $0x2D;
	v9 =	vadd.s32 v10, v9;
	v10 =	vsel vm12, $0x1, v1  }
0x3a: {  	v7 =	vsel vm10, v7, v8;
	v8 =	vadd.s32 v10, v9;
	v9 =	vsel vm2, $0x1, v1  }
0x3b: {  	s31 =	simm.s32 $0x20;
	vm14 =	vgt.s32 v6, $0x3F;
	v8 =	vadd.s32 v9, v8;
	v9 =	vsel vm13, $0x1, v1  }
0x3c: {  	s20 =	ssub.s32 s5, s31;
	vm15 =	vgt.s32 v6, $0x5A;
	v8 =	vadd.s32 v9, v8;
	v9 =	vsel vm14, $0x1, v1  }
0x3d: {  	s21 =	simm.s32 $0x30;
	[tilespmem:s18+$0x0] =	vst v7;
	v7 =	vadd.s32 s20, v0;
	s20 =	simm.s32 $0x100;
	v8 =	vadd.s32 v9, v8;
	v9 =	vsel vm15, $0x1, v1  }
.LBB2_2:
0x3e: {  	p0 =	sne.s32 s21, $0xBF0;
	v10 =	vsub.s32 $0x0, v7;
	v8 =	vadd.s32 v9, v8;
	vm0 =	vlt.s32 v6, $0x8  }
0x3f: {  	vm1 =	vgt.s32 v1, v5;
	v5 =	vmovc v7;
	v8 =	vsel vm0, v6, v8;
	v6 =	vmin.u32 v7, v10  }
0x40: {  	vm0 =	vgt.s32 v6, $0xB;
	vm2 =	vgt.s32 v6, $0x1F;
	v7 =	vand.u32 $0xF, v8  }
0x41: {  	vm3 =	vgt.s32 v6, $0xF;
	v8 =	vperm.xlane v3, v7;
	v7 =	vperm.xlane v4, v7  }
0x42: {  	v9 =	vsel vm0, $0x9, v2;
	v10 =	vsel vm3, $0x1, v1;
	vm0 =	vgt.s32 v6, $0x16  }
.Ltmp0:
0x43: {  	s20 =	sadd.s32 $0x10, s20;
	v9 =	vadd.s32 v10, v9;
	v10 =	vsel vm0, $0x1, v1;
	v7 =	vsel vm1, v7, v8;
	(pc) =	sbr.rel @p0 .LBB2_2-.Ltmp0, $4  }
0x44: {  	vm0 =	vgt.s32 v6, $0x2D;
	v8 =	vadd.s32 v10, v9;
	v9 =	vsel vm2, $0x1, v1;
	[tilespmem:s20+$0x0] =	vst v7  }
0x45: {  	v7 =	vadd.s32 v9, v8;
	v8 =	vsel vm0, $0x1, v1;
	vm0 =	vgt.s32 v6, $0x3F  }
0x46: {  	s22 =	ssub.s32 s5, s21;
	v8 =	vadd.s32 v8, v7;
	v9 =	vsel vm0, $0x1, v1;
	vm0 =	vgt.s32 v6, $0x5A  }
0x47: {  	s21 =	sadd.s32 $0x10, s21;
	v7 =	vadd.s32 s22, v0;
	v8 =	vadd.s32 v9, v8;
	v9 =	vsel vm0, $0x1, v1  }
0x48: {  	v10 =	vsub.s32 $0x0, v7  }
0x49: {  	v10 =	vmin.u32 v7, v10  }
0x4a: {  	v8 =	vadd.s32 v9, v8;
	vm0 =	vgt.s32 v10, $0xB;
	vm1 =	vgt.s32 v10, $0xF  }
0x4b: {  	vm5 =	vgt.s32 v10, $0x16;
	v9 =	vsel vm0, $0x9, v2;
	v11 =	vsel vm1, $0x1, v1  }
0x4c: {  	vm6 =	vgt.s32 v10, $0x1F;
	v9 =	vadd.s32 v11, v9;
	v11 =	vsel vm5, $0x1, v1  }
0x4d: {  	vm7 =	vgt.s32 v10, $0x2D;
	v9 =	vadd.s32 v11, v9;
	v11 =	vsel vm6, $0x1, v1  }
0x4e: {  	vm8 =	vgt.s32 v10, $0x3F;
	v9 =	vadd.s32 v11, v9;
	v11 =	vsel vm7, $0x1, v1  }
0x4f: {  	vm9 =	vgt.s32 v10, $0x5A;
	v9 =	vadd.s32 v11, v9;
	v11 =	vsel vm8, $0x1, v1  }
0x50: {  	vm10 =	vlt.s32 v6, $0x8;
	v9 =	vadd.s32 v11, v9;
	v11 =	vsel vm9, $0x1, v1  }
0x51: {  	v6 =	vsel vm10, v6, v8;
	vm11 =	vlt.s32 v10, $0x8;
	v8 =	vadd.s32 v11, v9  }
0x52: {  	v6 =	vand.u32 $0xF, v6;
	v8 =	vsel vm11, v10, v8  }
0x53: {  	s21 =	simm.s32 $0x0;
	v9 =	vperm.xlane v3, v6;
	v6 =	vperm.xlane v4, v6;
	v8 =	vand.u32 $0xF, v8  }
0x54: {  	s21 =	ssub.s32 s8, s21;
	v3 =	vperm.xlane v3, v8;
	v4 =	vperm.xlane v4, v8  }
0x55: {  	vm12 =	vgt.s32 v1, v5;
	vm13 =	vgt.s32 v1, v7;
	v7 =	vadd.s32 s21, v0  }
0x56: {  	s20 =	sadd.s32 $0x10, s20;
	v5 =	vsel vm12, v6, v9;
	v3 =	vsel vm13, v4, v3;
	v4 =	vsub.s32 $0x0, v7  }
0x57: {  	[tilespmem:s20+$0x0] =	vst v5;
	s20 =	sadd.s32 $0x10, s20;
	v8 =	vmin.u32 v7, v4  }
0x58: {  	[tilespmem:s20+$0x0] =	vst v3;
	s20 =	simm.s32 $0x100;
	vm14 =	vgt.s32 v8, $0xB;
	vm15 =	vgt.s32 v8, $0xF  }
0x59: {  	[hbm4b:s7+s16] =	stream.strided.scatter [tilespmem:s20], [sflag:$0x1], $0xC00, s17, s16, $0x38;
	vm4 =	vgt.s32 v8, $0x16;
	v3 =	vsel vm14, $0x9, v2;
	v4 =	vsel vm15, $0x1, v1;
	[tilespmem:$0xD00] =	vst v63  }
0x5a: {  	vm5 =	vgt.s32 v8, $0x1F;
	_ =	swait.ge [sflag:s4], $0xC00;
	v3 =	vadd.s32 v4, v3;
	v4 =	vsel vm4, $0x1, v1  }
0x5b: {  	vm6 =	vgt.s32 v8, $0x2D;
	v5 =	vsel vm5, $0x1, v1;
	[sflag:s4] =	ssyncset.done $0x0;
	v4 =	vadd.s32 v4, v3  }
0x5c: {  	s30 =	simm.s32 $0x10;
	vm7 =	vgt.s32 v8, $0x3F;
	v6 =	vsel vm6, $0x1, v1;
	[sflag:s4] =	ssyncadd.s32 $0xFFFFF400;
	v5 =	vadd.s32 v5, v4  }
0x5d: {  	s21 =	ssub.s32 s8, s30;
	vm8 =	vgt.s32 v8, $0x5A;
	v9 =	vsel vm7, $0x1, v1;
	v3 =	vld [tilespmem:s9+$0x0];
	v6 =	vadd.s32 v6, v5  }
0x5e: {  	v4 =	vld [tilespmem:s9+$0x10];
	v5 =	vadd.s32 s21, v0;
	v6 =	vadd.s32 v9, v6;
	v9 =	vsel vm8, $0x1, v1  }
0x5f: {  	vm9 =	vlt.s32 v8, $0x8;
	v10 =	vsub.s32 $0x0, v5;
	v9 =	vadd.s32 v9, v6  }
0x60: {  	vm10 =	vgt.s32 v1, v7;
	v6 =	vmin.u32 v5, v10;
	v7 =	vsel vm9, v8, v9  }
0x61: {  	vm11 =	vgt.s32 v6, $0xB;
	vm2 =	vgt.s32 v6, $0x1F;
	vm3 =	vgt.s32 v6, $0xF  }
0x62: {  	vm12 =	vgt.s32 v6, $0x16;
	v7 =	vand.u32 $0xF, v7;
	v9 =	vsel vm11, $0x9, v2  }
0x63: {  	v10 =	vsel vm3, $0x1, v1;
	v8 =	vperm.xlane v3, v7;
	v7 =	vperm.xlane v4, v7  }
0x64: {  	vm13 =	vgt.s32 v6, $0x2D;
	v9 =	vadd.s32 v10, v9;
	v10 =	vsel vm12, $0x1, v1  }
0x65: {  	v7 =	vsel vm10, v7, v8;
	v8 =	vadd.s32 v10, v9;
	v9 =	vsel vm2, $0x1, v1  }
0x66: {  	s31 =	simm.s32 $0x20;
	vm14 =	vgt.s32 v6, $0x3F;
	v8 =	vadd.s32 v9, v8;
	v9 =	vsel vm13, $0x1, v1  }
0x67: {  	s21 =	ssub.s32 s8, s31;
	vm15 =	vgt.s32 v6, $0x5A;
	v8 =	vadd.s32 v9, v8;
	v9 =	vsel vm14, $0x1, v1  }
0x68: {  	[tilespmem:s20+$0x0] =	vst v7;
	v7 =	vadd.s32 s21, v0;
	s21 =	simm.s32 $0x30;
	v8 =	vadd.s32 v9, v8;
	v9 =	vsel vm15, $0x1, v1  }
.LBB2_4:
0x69: {  	p0 =	sne.s32 s21, $0xBF0;
	v10 =	vsub.s32 $0x0, v7;
	v8 =	vadd.s32 v9, v8;
	vm0 =	vlt.s32 v6, $0x8  }
0x6a: {  	vm1 =	vgt.s32 v1, v5;
	v5 =	vmovc v7;
	v8 =	vsel vm0, v6, v8;
	v6 =	vmin.u32 v7, v10  }
0x6b: {  	vm0 =	vgt.s32 v6, $0xB;
	vm2 =	vgt.s32 v6, $0x1F;
	v7 =	vand.u32 $0xF, v8  }
0x6c: {  	vm3 =	vgt.s32 v6, $0xF;
	v8 =	vperm.xlane v3, v7;
	v7 =	vperm.xlane v4, v7  }
0x6d: {  	v9 =	vsel vm0, $0x9, v2;
	v10 =	vsel vm3, $0x1, v1;
	vm0 =	vgt.s32 v6, $0x16  }
.Ltmp1:
0x6e: {  	s20 =	sadd.s32 $0x10, s20;
	v9 =	vadd.s32 v10, v9;
	v10 =	vsel vm0, $0x1, v1;
	v7 =	vsel vm1, v7, v8;
	(pc) =	sbr.rel @p0 .LBB2_4-.Ltmp1, $4  }
0x6f: {  	vm0 =	vgt.s32 v6, $0x2D;
	v8 =	vadd.s32 v10, v9;
	v9 =	vsel vm2, $0x1, v1;
	[tilespmem:s20+$0x0] =	vst v7  }
0x70: {  	v7 =	vadd.s32 v9, v8;
	v8 =	vsel vm0, $0x1, v1;
	vm0 =	vgt.s32 v6, $0x3F  }
0x71: {  	s22 =	ssub.s32 s8, s21;
	v8 =	vadd.s32 v8, v7;
	v9 =	vsel vm0, $0x1, v1;
	vm0 =	vgt.s32 v6, $0x5A  }
0x72: {  	s21 =	sadd.s32 $0x10, s21;
	v7 =	vadd.s32 s22, v0;
	v8 =	vadd.s32 v9, v8;
	v9 =	vsel vm0, $0x1, v1  }
0x73: {  	v10 =	vsub.s32 $0x0, v7  }
0x74: {  	v10 =	vmin.u32 v7, v10  }
0x75: {  	v8 =	vadd.s32 v9, v8;
	vm0 =	vgt.s32 v10, $0xB;
	vm1 =	vgt.s32 v10, $0xF  }
0x76: {  	vm5 =	vgt.s32 v10, $0x16;
	v9 =	vsel vm0, $0x9, v2;
	v11 =	vsel vm1, $0x1, v1  }
0x77: {  	vm6 =	vgt.s32 v10, $0x1F;
	v9 =	vadd.s32 v11, v9;
	v11 =	vsel vm5, $0x1, v1  }
0x78: {  	vm7 =	vgt.s32 v10, $0x2D;
	v9 =	vadd.s32 v11, v9;
	v11 =	vsel vm6, $0x1, v1  }
0x79: {  	vm8 =	vgt.s32 v10, $0x3F;
	v9 =	vadd.s32 v11, v9;
	v11 =	vsel vm7, $0x1, v1  }
0x7a: {  	vm9 =	vgt.s32 v10, $0x5A;
	v9 =	vadd.s32 v11, v9;
	v11 =	vsel vm8, $0x1, v1  }
0x7b: {  	vm10 =	vlt.s32 v6, $0x8;
	v9 =	vadd.s32 v11, v9;
	v11 =	vsel vm9, $0x1, v1  }
0x7c: {  	v6 =	vsel vm10, v6, v8;
	vm11 =	vlt.s32 v10, $0x8;
	v8 =	vadd.s32 v11, v9  }
0x7d: {  	v6 =	vand.u32 $0xF, v6;
	v8 =	vsel vm11, v10, v8  }
0x7e: {  	s21 =	simm.s32 $0x0;
	v9 =	vperm.xlane v3, v6;
	v6 =	vperm.xlane v4, v6;
	v8 =	vand.u32 $0xF, v8  }
0x7f: {  	s21 =	ssub.s32 s11, s21;
	v3 =	vperm.xlane v3, v8;
	v4 =	vperm.xlane v4, v8  }
0x80: {  	vm12 =	vgt.s32 v1, v5;
	vm13 =	vgt.s32 v1, v7;
	v7 =	vadd.s32 s21, v0  }
0x81: {  	s20 =	sadd.s32 $0x10, s20;
	v5 =	vsel vm12, v6, v9;
	v3 =	vsel vm13, v4, v3;
	v4 =	vsub.s32 $0x0, v7  }
0x82: {  	[tilespmem:s20+$0x0] =	vst v5;
	s20 =	sadd.s32 $0x10, s20;
	v8 =	vmin.u32 v7, v4  }
0x83: {  	[tilespmem:s20+$0x0] =	vst v3;
	s20 =	simm.s32 $0x100;
	vm14 =	vgt.s32 v8, $0xB;
	vm15 =	vgt.s32 v8, $0xF  }
0x84: {  	[hbm4b:s10+s16] =	stream.strided.scatter [tilespmem:s20], [sflag:$0x1], $0xC00, s17, s16, $0x38;
	vm4 =	vgt.s32 v8, $0x16;
	v3 =	vsel vm14, $0x9, v2;
	v4 =	vsel vm15, $0x1, v1;
	[tilespmem:$0xD00] =	vst v63  }
0x85: {  	vm5 =	vgt.s32 v8, $0x1F;
	_ =	swait.ge [sflag:s4], $0xC00;
	v3 =	vadd.s32 v4, v3;
	v4 =	vsel vm4, $0x1, v1  }
0x86: {  	vm6 =	vgt.s32 v8, $0x2D;
	v5 =	vsel vm5, $0x1, v1;
	[sflag:s4] =	ssyncset.done $0x0;
	v4 =	vadd.s32 v4, v3  }
0x87: {  	s30 =	simm.s32 $0x10;
	vm7 =	vgt.s32 v8, $0x3F;
	v6 =	vsel vm6, $0x1, v1;
	[sflag:s4] =	ssyncadd.s32 $0xFFFFF400;
	v5 =	vadd.s32 v5, v4  }
0x88: {  	s21 =	ssub.s32 s11, s30;
	vm8 =	vgt.s32 v8, $0x5A;
	v9 =	vsel vm7, $0x1, v1;
	v3 =	vld [tilespmem:s9+$0x0];
	v6 =	vadd.s32 v6, v5  }
0x89: {  	v4 =	vld [tilespmem:s9+$0x10];
	v5 =	vadd.s32 s21, v0;
	v6 =	vadd.s32 v9, v6;
	v9 =	vsel vm8, $0x1, v1  }
0x8a: {  	vm9 =	vlt.s32 v8, $0x8;
	v10 =	vsub.s32 $0x0, v5;
	v9 =	vadd.s32 v9, v6  }
0x8b: {  	vm10 =	vgt.s32 v1, v7;
	v6 =	vmin.u32 v5, v10;
	v7 =	vsel vm9, v8, v9  }
0x8c: {  	vm11 =	vgt.s32 v6, $0xB;
	vm2 =	vgt.s32 v6, $0x1F;
	vm3 =	vgt.s32 v6, $0xF  }
0x8d: {  	vm12 =	vgt.s32 v6, $0x16;
	v7 =	vand.u32 $0xF, v7;
	v9 =	vsel vm11, $0x9, v2  }
0x8e: {  	v10 =	vsel vm3, $0x1, v1;
	v8 =	vperm.xlane v3, v7;
	v7 =	vperm.xlane v4, v7  }
0x8f: {  	vm13 =	vgt.s32 v6, $0x2D;
	v9 =	vadd.s32 v10, v9;
	v10 =	vsel vm12, $0x1, v1  }
0x90: {  	v7 =	vsel vm10, v7, v8;
	v8 =	vadd.s32 v10, v9;
	v9 =	vsel vm2, $0x1, v1  }
0x91: {  	s31 =	simm.s32 $0x20;
	vm14 =	vgt.s32 v6, $0x3F;
	v8 =	vadd.s32 v9, v8;
	v9 =	vsel vm13, $0x1, v1  }
0x92: {  	s21 =	ssub.s32 s11, s31;
	vm15 =	vgt.s32 v6, $0x5A;
	v8 =	vadd.s32 v9, v8;
	v9 =	vsel vm14, $0x1, v1  }
0x93: {  	[tilespmem:s20+$0x0] =	vst v7;
	v7 =	vadd.s32 s21, v0;
	s21 =	simm.s32 $0x30;
	v8 =	vadd.s32 v9, v8;
	v9 =	vsel vm15, $0x1, v1  }
.LBB2_6:
0x94: {  	p0 =	sne.s32 s21, $0xBF0;
	v10 =	vsub.s32 $0x0, v7;
	v8 =	vadd.s32 v9, v8;
	vm0 =	vlt.s32 v6, $0x8  }
0x95: {  	vm1 =	vgt.s32 v1, v5;
	v5 =	vmovc v7;
	v8 =	vsel vm0, v6, v8;
	v6 =	vmin.u32 v7, v10  }
0x96: {  	vm0 =	vgt.s32 v6, $0xB;
	vm2 =	vgt.s32 v6, $0x1F;
	v7 =	vand.u32 $0xF, v8  }
0x97: {  	vm3 =	vgt.s32 v6, $0xF;
	v8 =	vperm.xlane v3, v7;
	v7 =	vperm.xlane v4, v7  }
0x98: {  	v9 =	vsel vm0, $0x9, v2;
	v10 =	vsel vm3, $0x1, v1;
	vm0 =	vgt.s32 v6, $0x16  }
.Ltmp2:
0x99: {  	s20 =	sadd.s32 $0x10, s20;
	v9 =	vadd.s32 v10, v9;
	v10 =	vsel vm0, $0x1, v1;
	v7 =	vsel vm1, v7, v8;
	(pc) =	sbr.rel @p0 .LBB2_6-.Ltmp2, $4  }
0x9a: {  	vm0 =	vgt.s32 v6, $0x2D;
	v8 =	vadd.s32 v10, v9;
	v9 =	vsel vm2, $0x1, v1;
	[tilespmem:s20+$0x0] =	vst v7  }
0x9b: {  	v7 =	vadd.s32 v9, v8;
	v8 =	vsel vm0, $0x1, v1;
	vm0 =	vgt.s32 v6, $0x3F  }
0x9c: {  	s22 =	ssub.s32 s11, s21;
	v8 =	vadd.s32 v8, v7;
	v9 =	vsel vm0, $0x1, v1;
	vm0 =	vgt.s32 v6, $0x5A  }
0x9d: {  	s21 =	sadd.s32 $0x10, s21;
	v7 =	vadd.s32 s22, v0;
	v8 =	vadd.s32 v9, v8;
	v9 =	vsel vm0, $0x1, v1  }
0x9e: {  	v10 =	vsub.s32 $0x0, v7  }
0x9f: {  	v10 =	vmin.u32 v7, v10  }
0xa0: {  	v8 =	vadd.s32 v9, v8;
	vm0 =	vgt.s32 v10, $0xB;
	vm1 =	vgt.s32 v10, $0xF  }
0xa1: {  	vm5 =	vgt.s32 v10, $0x16;
	v9 =	vsel vm0, $0x9, v2;
	v11 =	vsel vm1, $0x1, v1  }
0xa2: {  	vm6 =	vgt.s32 v10, $0x1F;
	v9 =	vadd.s32 v11, v9;
	v11 =	vsel vm5, $0x1, v1  }
0xa3: {  	vm7 =	vgt.s32 v10, $0x2D;
	v9 =	vadd.s32 v11, v9;
	v11 =	vsel vm6, $0x1, v1  }
0xa4: {  	vm8 =	vgt.s32 v10, $0x3F;
	v9 =	vadd.s32 v11, v9;
	v11 =	vsel vm7, $0x1, v1  }
0xa5: {  	vm9 =	vgt.s32 v10, $0x5A;
	v9 =	vadd.s32 v11, v9;
	v11 =	vsel vm8, $0x1, v1  }
0xa6: {  	vm10 =	vlt.s32 v6, $0x8;
	v9 =	vadd.s32 v11, v9;
	v11 =	vsel vm9, $0x1, v1  }
0xa7: {  	v6 =	vsel vm10, v6, v8;
	vm11 =	vlt.s32 v10, $0x8;
	v8 =	vadd.s32 v11, v9  }
0xa8: {  	v6 =	vand.u32 $0xF, v6;
	v8 =	vsel vm11, v10, v8  }
0xa9: {  	s21 =	simm.s32 $0x0;
	v9 =	vperm.xlane v3, v6;
	v6 =	vperm.xlane v4, v6;
	v8 =	vand.u32 $0xF, v8  }
0xaa: {  	s21 =	ssub.s32 s13, s21;
	v3 =	vperm.xlane v3, v8;
	v4 =	vperm.xlane v4, v8  }
0xab: {  	vm12 =	vgt.s32 v1, v5;
	vm13 =	vgt.s32 v1, v7;
	v7 =	vadd.s32 s21, v0  }
0xac: {  	s20 =	sadd.s32 $0x10, s20;
	v5 =	vsel vm12, v6, v9;
	v3 =	vsel vm13, v4, v3;
	v4 =	vsub.s32 $0x0, v7  }
0xad: {  	[tilespmem:s20+$0x0] =	vst v5;
	s20 =	sadd.s32 $0x10, s20;
	v8 =	vmin.u32 v7, v4  }
0xae: {  	[tilespmem:s20+$0x0] =	vst v3;
	s20 =	simm.s32 $0x100;
	vm14 =	vgt.s32 v8, $0xB;
	vm15 =	vgt.s32 v8, $0xF  }
0xaf: {  	[hbm4b:s12+s16] =	stream.strided.scatter [tilespmem:s20], [sflag:$0x1], $0xC00, s17, s16, $0x38;
	vm4 =	vgt.s32 v8, $0x16;
	v3 =	vsel vm14, $0x9, v2;
	v4 =	vsel vm15, $0x1, v1;
	[tilespmem:$0xD00] =	vst v63  }
0xb0: {  	vm5 =	vgt.s32 v8, $0x1F;
	_ =	swait.ge [sflag:s4], $0xC00;
	v3 =	vadd.s32 v4, v3;
	v4 =	vsel vm4, $0x1, v1  }
0xb1: {  	vm6 =	vgt.s32 v8, $0x2D;
	v5 =	vsel vm5, $0x1, v1;
	[sflag:s4] =	ssyncset.done $0x0;
	v4 =	vadd.s32 v4, v3  }
0xb2: {  	s30 =	simm.s32 $0x10;
	vm7 =	vgt.s32 v8, $0x3F;
	v6 =	vsel vm6, $0x1, v1;
	[sflag:s4] =	ssyncadd.s32 $0xFFFFF400;
	v5 =	vadd.s32 v5, v4  }
0xb3: {  	s21 =	ssub.s32 s13, s30;
	vm8 =	vgt.s32 v8, $0x5A;
	v9 =	vsel vm7, $0x1, v1;
	v3 =	vld [tilespmem:s9+$0x0];
	v6 =	vadd.s32 v6, v5  }
0xb4: {  	v4 =	vld [tilespmem:s9+$0x10];
	v5 =	vadd.s32 s21, v0;
	v6 =	vadd.s32 v9, v6;
	v9 =	vsel vm8, $0x1, v1  }
0xb5: {  	vm9 =	vlt.s32 v8, $0x8;
	v10 =	vsub.s32 $0x0, v5;
	v9 =	vadd.s32 v9, v6  }
0xb6: {  	vm10 =	vgt.s32 v1, v7;
	v6 =	vmin.u32 v5, v10;
	v7 =	vsel vm9, v8, v9  }
0xb7: {  	vm11 =	vgt.s32 v6, $0xB;
	vm2 =	vgt.s32 v6, $0x1F;
	vm3 =	vgt.s32 v6, $0xF  }
0xb8: {  	vm12 =	vgt.s32 v6, $0x16;
	v7 =	vand.u32 $0xF, v7;
	v9 =	vsel vm11, $0x9, v2  }
0xb9: {  	v10 =	vsel vm3, $0x1, v1;
	v8 =	vperm.xlane v3, v7;
	v7 =	vperm.xlane v4, v7  }
0xba: {  	vm13 =	vgt.s32 v6, $0x2D;
	v9 =	vadd.s32 v10, v9;
	v10 =	vsel vm12, $0x1, v1  }
0xbb: {  	v7 =	vsel vm10, v7, v8;
	v8 =	vadd.s32 v10, v9;
	v9 =	vsel vm2, $0x1, v1  }
0xbc: {  	s31 =	simm.s32 $0x20;
	vm14 =	vgt.s32 v6, $0x3F;
	v8 =	vadd.s32 v9, v8;
	v9 =	vsel vm13, $0x1, v1  }
0xbd: {  	s21 =	ssub.s32 s13, s31;
	vm15 =	vgt.s32 v6, $0x5A;
	v8 =	vadd.s32 v9, v8;
	v9 =	vsel vm14, $0x1, v1  }
0xbe: {  	[tilespmem:s20+$0x0] =	vst v7;
	v7 =	vadd.s32 s21, v0;
	s21 =	simm.s32 $0x30;
	v8 =	vadd.s32 v9, v8;
	v9 =	vsel vm15, $0x1, v1  }
.LBB2_8:
0xbf: {  	p0 =	sne.s32 s21, $0xBF0;
	v10 =	vsub.s32 $0x0, v7;
	v8 =	vadd.s32 v9, v8;
	vm0 =	vlt.s32 v6, $0x8  }
0xc0: {  	vm1 =	vgt.s32 v1, v5;
	v5 =	vmovc v7;
	v8 =	vsel vm0, v6, v8;
	v6 =	vmin.u32 v7, v10  }
0xc1: {  	vm0 =	vgt.s32 v6, $0xB;
	vm2 =	vgt.s32 v6, $0x1F;
	v7 =	vand.u32 $0xF, v8  }
0xc2: {  	vm3 =	vgt.s32 v6, $0xF;
	v8 =	vperm.xlane v3, v7;
	v7 =	vperm.xlane v4, v7  }
0xc3: {  	v9 =	vsel vm0, $0x9, v2;
	v10 =	vsel vm3, $0x1, v1;
	vm0 =	vgt.s32 v6, $0x16  }
.Ltmp3:
0xc4: {  	s20 =	sadd.s32 $0x10, s20;
	v9 =	vadd.s32 v10, v9;
	v10 =	vsel vm0, $0x1, v1;
	v7 =	vsel vm1, v7, v8;
	(pc) =	sbr.rel @p0 .LBB2_8-.Ltmp3, $4  }
0xc5: {  	vm0 =	vgt.s32 v6, $0x2D;
	v8 =	vadd.s32 v10, v9;
	v9 =	vsel vm2, $0x1, v1;
	[tilespmem:s20+$0x0] =	vst v7  }
0xc6: {  	v7 =	vadd.s32 v9, v8;
	v8 =	vsel vm0, $0x1, v1;
	vm0 =	vgt.s32 v6, $0x3F  }
0xc7: {  	s22 =	ssub.s32 s13, s21;
	v8 =	vadd.s32 v8, v7;
	v9 =	vsel vm0, $0x1, v1;
	vm0 =	vgt.s32 v6, $0x5A  }
0xc8: {  	s21 =	sadd.s32 $0x10, s21;
	v7 =	vadd.s32 s22, v0;
	v8 =	vadd.s32 v9, v8;
	v9 =	vsel vm0, $0x1, v1  }
0xc9: {  	v10 =	vsub.s32 $0x0, v7  }
0xca: {  	v10 =	vmin.u32 v7, v10  }
0xcb: {  	v8 =	vadd.s32 v9, v8;
	vm0 =	vgt.s32 v10, $0xB;
	vm1 =	vgt.s32 v10, $0xF  }
0xcc: {  	vm7 =	vgt.s32 v10, $0x16;
	v55 =	vsel vm0, $0x9, v2;
	v11 =	vsel vm1, $0x1, v1  }
0xcd: {  	vm8 =	vgt.s32 v10, $0x1F;
	v56 =	vsel vm7, $0x1, v1;
	v9 =	vadd.s32 v11, v55  }
0xce: {  	vm9 =	vgt.s32 v10, $0x2D;
	v57 =	vsel vm8, $0x1, v1;
	v9 =	vadd.s32 v56, v9  }
0xcf: {  	vm10 =	vgt.s32 v10, $0x3F;
	v58 =	vsel vm9, $0x1, v1;
	v9 =	vadd.s32 v57, v9  }
0xd0: {  	vm11 =	vgt.s32 v10, $0x5A;
	v59 =	vsel vm10, $0x1, v1;
	v9 =	vadd.s32 v58, v9  }
0xd1: {  	vm12 =	vlt.s32 v6, $0x8;
	v60 =	vsel vm11, $0x1, v1;
	v9 =	vadd.s32 v59, v9  }
0xd2: {  	v6 =	vsel vm12, v6, v8;
	vm13 =	vlt.s32 v10, $0x8;
	v61 =	vadd.s32 v60, v9  }
0xd3: {  	v6 =	vand.u32 $0xF, v6;
	v8 =	vsel vm13, v10, v61  }
0xd4: {  	v62 =	vperm.xlane v3, v6;
	v6 =	vperm.xlane v4, v6;
	v8 =	vand.u32 $0xF, v8  }
0xd5: {  	vm14 =	vgt.s32 v1, v5;
	v3 =	vperm.xlane v3, v8;
	v63 =	vperm.xlane v4, v8  }
0xd6: {  	s20 =	sadd.s32 $0x10, s20;
	vm15 =	vgt.s32 v1, v7;
	s19 =	sadd.s32 $0x1, s19;
	v5 =	vsel vm14, v6, v62  }
0xd7: {  	p0 =	sne.s32 s19, s15;
	[tilespmem:s20+$0x0] =	vst v5;
	s20 =	sadd.s32 $0x10, s20;
	v3 =	vsel vm15, v63, v3  }
.Ltmp4:
0xd8: {  	[tilespmem:s20+$0x0] =	vst v3;
	(pc) =	sbr.rel @p0 .LBB2_1-.Ltmp4, $4  }
0xd9: {  	[hbm4b:s14+s16] =	stream.strided.scatter [tilespmem:s18], [sflag:$0x1], $0xC00, s17, s16, $0x38;
	[tilespmem:$0xD00] =	vst v63  }
0xda: {  	_ =	swait.ge [sflag:s4], $0xC00  }
0xdb: {  	[sflag:s4] =	ssyncset.done $0x0  }
0xdc: {  	[sflag:s4] =	ssyncadd.s32 $0xFFFFF400  }
0xdd: {  	_ =	sfence.sel $0x180000  }
0xde: {  	[bflag:$0x0] =	sbarrier.arrive $0xFFFF  }
0xdf: {  	p0 =	sne.s32 s0, $0x0;
	_ =	strace $0x90000047  }
0xe0: {  	s0 =	sadd.s32 @!p0 $0x100000, s1;
	[bflag:$0x2] =	sbarrier.arrive $0xFFFF  }
0xe1: {  	[sflag:s0] =	ssyncadd.tile.s32 @!p0 $0x1;
	_ =	shalt  }
.Lfunc_end2:
_tile_overlayer_lowered:
.L_overlay_start_2:
0xe2: {  	(tag) =	ssettag $0x2  }
0xe3: {  	s0 =	rddreg [dreg:$0x0];
	s2 =	stileid.u32  }
0xe4: {  	s1 =	rddreg [dreg:$0x1];
	p0 =	sne.s32 s2, $0x0  }
0xe5: {  	s3 =	rddreg [dreg:$0x2];
	[bflag:$0x3] =	sbarrier.arrive $0xFFFF;
	s2 =	simm.s32 @!p0 $0x1C01  }
0xe6: {  	[timem:s3], [sflag:s2] =	dma.local @!p0 [hbm:s0], s1  }
0xe7: {  	s0 =	simm.s32 @!p0 $0x1  }
0xe8: {  	_ =	swait.ge @!p0 [sflag:s0], s1  }
0xe9: {  	s1 =	ssub.s32 @!p0 $0x0, s1;
	[sflag:s0] =	ssyncset.done @!p0 $0x0  }
0xea: {  	[sflag:s0] =	ssyncadd.s32 @!p0 s1  }
0xeb: {  	[bflag:$0x3] =	sbarrier.arrive $0xFFFF  }
0xec: {  	_ =	shalt  }

</sc_bundles>
